<compile_context>
chip_gen: v7x
topology: tpu7x:2x2x1
jax: 0.10.2.dev20260603
libtpu: 0.0.44.dev20260713+nightly
codegen_flags: <defaults>
</compile_context>

<pallas_src>
import functools

import numpy as np
import jax
import jax.numpy as jnp
from jax import lax
from jax.experimental import pallas as pl
from jax.experimental.pallas import tpu as pltpu
from jax.experimental.pallas import tpu_sc as plsc

GS = 128
N = GS * GS
R = 15
K = 2 * R + 1
KP = 32
NB = 1089
NSHIFT = K * K
NPAD = NB - NSHIFT
T = 10.0
L = 16
DT_LEN = K * KP
PADW = GS + 2 * R

_dt = np.full((K, KP), 1.0e4, np.float32)
for _si in range(K):
    for _sj in range(K):
        _dt[_si, _sj] = np.sqrt((_si - R) ** 2 + (_sj - R) ** 2) / R
_DIST_T = _dt.reshape(-1)
_D_SPECIAL = np.array([0.0, np.sqrt(2.0) * (GS // 2) / R] + [1.0e4] * (L - 2),
                      np.float32)


def _wterm(d, p_rk, p_b, p_w, p_r):
    z = (d / p_r - p_rk) / p_w
    return p_b * jnp.exp(-(z * z) / 2.0)


def _sc_body(pk_hbm, wn_hbm, pk_v, wt_v, *, nb_rules, nterms):
    wid = lax.axis_index("s") * 2 + lax.axis_index("c")

    @pl.when(wid == 0)
    def _():
        pltpu.sync_copy(pk_hbm, pk_v)

        spec = pk_v[pl.ds(DT_LEN, L)]
        nhdr = ((4 * nb_rules + L - 1) // L) * L
        hchunks = [pk_v[pl.ds(DT_LEN + L + c * L, L)] for c in range(nhdr // L)]
        tbase = DT_LEN + L + nhdr
        ntrm = ((3 * nb_rules * nterms + L - 1) // L) * L
        tchunks = [pk_v[pl.ds(tbase + c * L, L)] for c in range(ntrm // L)]

        def term_params(kr, lt):
            base = (kr * nterms + lt) * 3
            return (tchunks[base // L][base % L],
                    tchunks[(base + 1) // L][(base + 1) % L],
                    tchunks[(base + 2) // L][(base + 2) % L])

        for kr in range(nb_rules):
            p_r = hchunks[(kr * 4) // L][(kr * 4) % L]
            sig_spec = 1.0 / (1.0 + jnp.exp((spec - 1.0) * 10.0))
            wspec = jnp.zeros((L,), jnp.float32)
            for lt in range(nterms):
                p_rk, p_b, p_w = term_params(kr, lt)
                wspec = wspec + _wterm(spec, p_rk, p_b, p_w, p_r)
            wspec = sig_spec * wspec
            wsum_vec = jnp.zeros((L,), jnp.float32)
            wvs = []
            for c in range(DT_LEN // L):
                dvec = pk_v[pl.ds(c * L, L)]
                sig = 1.0 / (1.0 + jnp.exp((dvec - 1.0) * 10.0))
                core = jnp.zeros((L,), jnp.float32)
                for lt in range(nterms):
                    p_rk, p_b, p_w = term_params(kr, lt)
                    core = core + _wterm(dvec, p_rk, p_b, p_w, p_r)
                wv = sig * core
                wvs.append(wv)
                wsum_vec = wsum_vec + wv
            w0 = wspec[0]
            wpad = wspec[1]
            wsum = w0 + NPAD * wpad
            for l in range(L):
                wsum = wsum + wsum_vec[l]
            inv_v = 1.0 / (jnp.full((L,), wsum) * float(NB + 1))
            for c in range(DT_LEN // L):
                wt_v[pl.ds(kr * DT_LEN + c * L, L)] = wvs[c] * inv_v
            inv0 = inv_v[0]
            lanes = lax.iota(jnp.int32, L)
            sl_vec = jnp.where(lanes == 0, inv0 * w0,
                               jnp.where(lanes == 1,
                                         inv0 * (float(NPAD) * wpad), 0.0))
            wt_v[pl.ds(nb_rules * DT_LEN + kr * L, L)] = sl_vec
        pltpu.sync_copy(wt_v, wn_hbm)


def _run_sc(pk, nb_rules, nterms):
    mesh = plsc.VectorSubcoreMesh(core_axis_name="c", subcore_axis_name="s",
                                  num_cores=1, num_subcores=1)
    body = functools.partial(_sc_body, nb_rules=nb_rules, nterms=nterms)
    f = pl.kernel(
        body,
        out_type=jax.ShapeDtypeStruct((nb_rules * (DT_LEN + L),), jnp.float32),
        mesh=mesh,
        compiler_params=pltpu.CompilerParams(needs_layout_passes=False),
        scratch_types=[
            pltpu.VMEM((pk.shape[0],), jnp.float32),
            pltpu.VMEM((nb_rules * (DT_LEN + L),), jnp.float32),
        ],
    )
    return f(pk)


def _tc_body(x_ref, wn_ref, sl_ref, h_ref, m_ref, s_ref, out_ref, *, nb_rules):
    xg = x_ref[...]

    xv = jnp.concatenate([xg[GS - R:, :], xg, xg[:R, :]], axis=0)
    xp = jnp.concatenate([xv[:, GS - R:], xv, xv[:, :R]], axis=1)

    G = jnp.concatenate([xp[si:si + GS, :] for si in range(K)], axis=1)

    t2 = jax.lax.broadcasted_iota(jnp.int32, (K, PADW * GS), 0)
    u2 = jax.lax.broadcasted_iota(jnp.int32, (K, PADW * GS), 1)
    masks = ((u2 >> 7) - (u2 & (GS - 1)) == t2).astype(jnp.float32)

    delta = jnp.zeros_like(xg)
    for kr in range(nb_rules):
        kwn = wn_ref[kr * K:(kr + 1) * K, :K]
        w0n = sl_ref[kr:kr + 1, 0:1]
        padn = sl_ref[kr:kr + 1, 1:2]

        B = jnp.dot(kwn, masks, preferred_element_type=jnp.float32)
        B = B.reshape(K * PADW, GS)

        conv = jnp.dot(G, B, preferred_element_type=jnp.float32)
        pot = conv + w0n * xg + padn * xg[0:1, 0:1]

        mk = m_ref[kr:kr + 1, 0:1]
        sk = s_ref[kr:kr + 1, 0:1]
        field = jnp.exp(-(pot - mk) ** 2 / (2.0 * sk * sk) - 0.001) * 2.0 - 1.0
        delta = delta + h_ref[kr:kr + 1, 0:1] * field

    out_ref[...] = jnp.clip(xg + delta * (1.0 / T), 0.0, 1.0)


def _run_tc(xg, wn2d, sl2d, h, m, s):
    nb_rules = h.shape[0]
    body = functools.partial(_tc_body, nb_rules=nb_rules)
    return pl.pallas_call(
        body,
        out_shape=jax.ShapeDtypeStruct((GS, GS), jnp.float32),
    )(xg, wn2d, sl2d, h.reshape(-1, 1), m.reshape(-1, 1), s.reshape(-1, 1))


def _pad16(a):
    pad = (-a.shape[0]) % 16
    return jnp.pad(a, (0, pad)) if pad else a


@functools.partial(jax.jit, static_argnums=(3, 4))
def _run(xg, pk, hms, nb_rules, nterms):
    h, m, s = hms
    wnsl = _run_sc(pk, nb_rules, nterms)
    wn2d = wnsl[:nb_rules * DT_LEN].reshape(nb_rules * K, KP)
    sl2d = wnsl[nb_rules * DT_LEN:].reshape(nb_rules, L)
    return _run_tc(xg, wn2d, sl2d, h, m, s)


def kernel(pos, x, r, rk, b, w, h, m, s):
    nb_rules = r.shape[0]
    nterms = rk.shape[1]
    hdr = _pad16(jnp.stack([r, h, m, s], axis=1).reshape(-1))
    trm = _pad16(jnp.stack([rk, jnp.broadcast_to(b, rk.shape),
                            jnp.broadcast_to(w, rk.shape)], axis=2).reshape(-1))
    pk = jnp.concatenate([jnp.asarray(_DIST_T), jnp.asarray(_D_SPECIAL),
                          hdr, trm])
    out = _run(x.reshape(GS, GS), pk, (h, m, s), nb_rules, nterms)
    return (pos, out.reshape(N, 1))

# --- scband reference (transcript-rebuilt; emitter-appended) ---
"""Pipeline reference for scband-lenia-step-conv-25898652795134 (READ-ONLY COPY).

The authoritative reference and input builder live on the scoring server;
editing this copy changes nothing except your own understanding.
"""

import jax, jax.numpy as jnp
import numpy as np

GS = 128
N = GS * GS
R = 15
NB = 1089
NSHIFT = 31 * 31
T = 10.0
C0 = 0
C1 = 0


def setup_inputs(seed: int = 0) -> dict:
    key = jax.random.key(seed)
    ii, jj = jnp.meshgrid(jnp.arange(GS, dtype=jnp.float32), jnp.arange(GS, dtype=jnp.float32), indexing='ij')
    pos = jnp.stack([ii.reshape(-1), jj.reshape(-1)], axis=1)
    x = jax.random.uniform(key, (N, 1), dtype=jnp.float32)
    r = jnp.array([1.0], dtype=jnp.float32)
    rk = jnp.array([[0.5]], dtype=jnp.float32)
    b = jnp.array([[1.0]], dtype=jnp.float32)
    w = jnp.array([[0.15]], dtype=jnp.float32)
    h = jnp.array([1.0], dtype=jnp.float32)
    m = jnp.array([0.15], dtype=jnp.float32)
    s = jnp.array([0.017], dtype=jnp.float32)
    return {"pos": pos, "x": x, "r": r, "rk": rk, "b": b, "w": w, "h": h, "m": m, "s": s}


def _kernel_core(xn, r_, w_, b_):
    return (b_ * jnp.exp(-((xn[..., None] - r_) / w_) ** 2 / 2)).sum(-1)


def _field(n, m_, s_):
    return jnp.exp(-(n - m_) ** 2 / (2 * s_ ** 2) - 0.001) * 2 - 1


def _edges():
    flat = jnp.arange(N)
    i = flat // GS
    j = flat % GS
    sh = jnp.arange(-R, R + 1)
    si, sj = jnp.meshgrid(sh, sh, indexing='ij')
    si = si.reshape(-1)
    sj = sj.reshape(-1)
    src = ((i[:, None] + si[None, :]) % GS) * GS + ((j[:, None] + sj[None, :]) % GS)
    # original torch code allocates NB slots per node but only fills (2R+1)^2 of them;
    # the remaining slots stay zero (pointing at node 0) -- reproduce faithfully
    src = jnp.concatenate([src, jnp.zeros((N, NB - NSHIFT), dtype=src.dtype)], axis=1)
    e0 = src.reshape(-1)
    e1 = jnp.repeat(flat, NB)
    return e0, e1


def reference(pos, x, r, rk, b, w, h, m, s):
    e0, e1 = _edges()
    x_ext = jnp.concatenate([x[:, None, :], x[e0].reshape(N, NB, x.shape[1])], axis=1)
    dpos = jnp.concatenate([jnp.zeros((N, 1, 2), dtype=pos.dtype), (pos[e0] - pos[e1]).reshape(N, NB, 2)], axis=1)
    center = GS * GS // 2 + GS // 2
    dist = jnp.sqrt(jnp.sum(dpos[center] ** 2, axis=-1))
    dist = jnp.tile(dist[None, :], (N, 1)) / R
    delta_x = jnp.zeros_like(x)
    nb_rules = r.shape[0]
    for k in range(nb_rules):
        weight = jax.nn.sigmoid(-(dist - 1) * 10) * _kernel_core(dist / r[k], rk[k], w[k], b[k])
        wsum = weight.sum(1, keepdims=True)
        wnorm = weight / wsum
        potential = jnp.mean(wnorm * x_ext[:, :, C0], axis=1)
        field = _field(potential, m[k], s[k])
        delta_x = delta_x.at[:, C1].add(h[k] * field)
    new_x = jnp.clip(x + 1.0 / T * delta_x, 0.0, 1.0)
    return (pos, new_x)

if __name__ == "__main__":
    import jax
    _d = setup_inputs()
    print(jax.jit(kernel)(*tuple(_d.values())))

</pallas_src>

<mosaic_0001>
#map = affine_map<(d0, d1) -> (0)>
module attributes {stable_mosaic.version = 14 : i64} {
  func.func @_sc_body(%arg0: i32, %arg1: i32, %arg2: memref<1040xf32, #tpu.memory_space<hbm>>, %arg3: memref<1008xf32, #tpu.memory_space<hbm>>, %arg4: memref<1040xf32, #tpu.memory_space<vmem>>, %arg5: memref<1008xf32, #tpu.memory_space<vmem>>) attributes {dimension_semantics = [#tpu.dimension_semantics<core_parallel>, #tpu.dimension_semantics<subcore_parallel>], iteration_bounds = array<i64: 1, 1>, scalar_prefetch = 0 : i64, scratch_operands = 2 : i64, tpu.core_type = #tpu.core_type<sc_vector_subcore>, window_params = [{transform_indices = #map}, {transform_indices = #map}]} {
    %mul3A = arith.constant 2 : i32
    %mul3A_0 = arith.muli %arg1, %mul3A : i32
    %add3A = arith.addi %mul3A_0, %arg0 : i32
    %eq3A = arith.constant 0 : i32
    %eq3A_1 = arith.cmpi eq, %add3A, %eq3A : i32
    %convert_element_type3A = arith.extui %eq3A_1 : i1 to i32
    %cond3A = arith.constant 0 : i32
    %cond3A_2 = arith.cmpi ne, %convert_element_type3A, %cond3A : i32
    scf.if %cond3A_2 {
      "tpu.region"() ({
        %run_scoped3A = tpu.sem_alloc : memref<!tpu.dma_semaphore, #tpu.memory_space<semaphore_mem>>
        tpu.enqueue_dma source(%arg2 : memref<1040xf32, #tpu.memory_space<hbm>>) target(%arg4 : memref<1040xf32, #tpu.memory_space<vmem>>) target_semaphore(%run_scoped3A : memref<!tpu.dma_semaphore, #tpu.memory_space<semaphore_mem>>)
        tpu.wait_dma2 semaphore(%run_scoped3A : memref<!tpu.dma_semaphore, #tpu.memory_space<semaphore_mem>>) src(%arg2 : memref<1040xf32, #tpu.memory_space<hbm>>) dst(%arg4 : memref<1040xf32, #tpu.memory_space<vmem>>)
        tpu.yield
      }) : () -> ()
      %get3A = arith.constant 992 : index
      %get3A_3 = tpu.vector_load %arg4[%get3A] {strides = array<i32>} : memref<1040xf32, #tpu.memory_space<vmem>>, vector<16xf32>,
      %get3A_4 = arith.constant 1008 : index
      %get3A_5 = tpu.vector_load %arg4[%get3A_4] {strides = array<i32>} : memref<1040xf32, #tpu.memory_space<vmem>>, vector<16xf32>,
      %get3A_6 = arith.constant 1024 : index
      %get3A_7 = tpu.vector_load %arg4[%get3A_6] {strides = array<i32>} : memref<1040xf32, #tpu.memory_space<vmem>>, vector<16xf32>,
      %slice3A = vector.extract_strided_slice %get3A_5 {offsets = [0], sizes = [1], strides = [1]} : vector<16xf32> to vector<1xf32>
      %squeeze3A = vector.extract %slice3A[0] : f32 from vector<1xf32>
      %sub3A = arith.constant 1.000000e+00 : f32
      %sub3A_8 = vector.broadcast %sub3A : f32 to vector<16xf32>
      %sub3A_9 = arith.subf %get3A_3, %sub3A_8 : vector<16xf32>
      %mul3A_10 = arith.constant 1.000000e+01 : f32
      %mul3A_11 = vector.broadcast %mul3A_10 : f32 to vector<16xf32>
      %mul3A_12 = arith.mulf %sub3A_9, %mul3A_11 : vector<16xf32>
      %exp3A = math.exp %mul3A_12 : vector<16xf32>
      %add3A_13 = arith.constant 1.000000e+00 : f32
      %add3A_14 = vector.broadcast %add3A_13 : f32 to vector<16xf32>
      %add3A_15 = arith.addf %add3A_14, %exp3A : vector<16xf32>
      %div3A = arith.constant 1.000000e+00 : f32
      %div3A_16 = vector.broadcast %div3A : f32 to vector<16xf32>
      %div3A_17 = arith.divf %div3A_16, %add3A_15 : vector<16xf32>
      %broadcast_in_dim3A = arith.constant 0.000000e+00 : f32
      %broadcast_in_dim3A_18 = vector.broadcast %broadcast_in_dim3A : f32 to vector<16xf32>
      %slice3A_19 = vector.extract_strided_slice %get3A_7 {offsets = [0], sizes = [1], strides = [1]} : vector<16xf32> to vector<1xf32>
      %squeeze3A_20 = vector.extract %slice3A_19[0] : f32 from vector<1xf32>
      %slice3A_21 = vector.extract_strided_slice %get3A_7 {offsets = [1], sizes = [1], strides = [1]} : vector<16xf32> to vector<1xf32>
      %squeeze3A_22 = vector.extract %slice3A_21[0] : f32 from vector<1xf32>
      %slice3A_23 = vector.extract_strided_slice %get3A_7 {offsets = [2], sizes = [1], strides = [1]} : vector<16xf32> to vector<1xf32>
      %squeeze3A_24 = vector.extract %slice3A_23[0] : f32 from vector<1xf32>
      %div3A_25 = vector.broadcast %squeeze3A : f32 to vector<16xf32>
      %div3A_26 = arith.divf %get3A_3, %div3A_25 : vector<16xf32>
      %sub3A_27 = vector.broadcast %squeeze3A_20 : f32 to vector<16xf32>
      %sub3A_28 = arith.subf %div3A_26, %sub3A_27 : vector<16xf32>
      %div3A_29 = vector.broadcast %squeeze3A_24 : f32 to vector<16xf32>
      %div3A_30 = arith.divf %sub3A_28, %div3A_29 : vector<16xf32>
      %mul3A_31 = arith.mulf %div3A_30, %div3A_30 : vector<16xf32>
      %neg3A = arith.constant 0.000000e+00 : f32
      %neg3A_32 = vector.broadcast %neg3A : f32 to vector<16xf32>
      %neg3A_33 = arith.subf %neg3A_32, %mul3A_31 : vector<16xf32>
      %div3A_34 = arith.constant 2.000000e+00 : f32
      %div3A_35 = vector.broadcast %div3A_34 : f32 to vector<16xf32>
      %div3A_36 = arith.divf %neg3A_33, %div3A_35 : vector<16xf32>
      %exp3A_37 = math.exp %div3A_36 : vector<16xf32>
      %mul3A_38 = vector.broadcast %squeeze3A_22 : f32 to vector<16xf32>
      %mul3A_39 = arith.mulf %mul3A_38, %exp3A_37 : vector<16xf32>
      %add3A_40 = arith.addf %broadcast_in_dim3A_18, %mul3A_39 : vector<16xf32>
      %mul3A_41 = arith.mulf %div3A_17, %add3A_40 : vector<16xf32>
      %broadcast_in_dim3A_42 = arith.constant 0.000000e+00 : f32
      %broadcast_in_dim3A_43 = vector.broadcast %broadcast_in_dim3A_42 : f32 to vector<16xf32>
      %get3A_44 = arith.constant 0 : index
      %get3A_45 = tpu.vector_load %arg4[%get3A_44] {strides = array<i32>} : memref<1040xf32, #tpu.memory_space<vmem>>, vector<16xf32>,
      %sub3A_46 = arith.constant 1.000000e+00 : f32
      %sub3A_47 = vector.broadcast %sub3A_46 : f32 to vector<16xf32>
      %sub3A_48 = arith.subf %get3A_45, %sub3A_47 : vector<16xf32>
      %mul3A_49 = arith.constant 1.000000e+01 : f32
      %mul3A_50 = vector.broadcast %mul3A_49 : f32 to vector<16xf32>
      %mul3A_51 = arith.mulf %sub3A_48, %mul3A_50 : vector<16xf32>
      %exp3A_52 = math.exp %mul3A_51 : vector<16xf32>
      %add3A_53 = arith.constant 1.000000e+00 : f32
      %add3A_54 = vector.broadcast %add3A_53 : f32 to vector<16xf32>
      %add3A_55 = arith.addf %add3A_54, %exp3A_52 : vector<16xf32>
      %div3A_56 = arith.constant 1.000000e+00 : f32
      %div3A_57 = vector.broadcast %div3A_56 : f32 to vector<16xf32>
      %div3A_58 = arith.divf %div3A_57, %add3A_55 : vector<16xf32>
      %broadcast_in_dim3A_59 = arith.constant 0.000000e+00 : f32
      %broadcast_in_dim3A_60 = vector.broadcast %broadcast_in_dim3A_59 : f32 to vector<16xf32>
      %slice3A_61 = vector.extract_strided_slice %get3A_7 {offsets = [0], sizes = [1], strides = [1]} : vector<16xf32> to vector<1xf32>
      %squeeze3A_62 = vector.extract %slice3A_61[0] : f32 from vector<1xf32>
      %slice3A_63 = vector.extract_strided_slice %get3A_7 {offsets = [1], sizes = [1], strides = [1]} : vector<16xf32> to vector<1xf32>
      %squeeze3A_64 = vector.extract %slice3A_63[0] : f32 from vector<1xf32>
      %slice3A_65 = vector.extract_strided_slice %get3A_7 {offsets = [2], sizes = [1], strides = [1]} : vector<16xf32> to vector<1xf32>
      %squeeze3A_66 = vector.extract %slice3A_65[0] : f32 from vector<1xf32>
      %div3A_67 = vector.broadcast %squeeze3A : f32 to vector<16xf32>
      %div3A_68 = arith.divf %get3A_45, %div3A_67 : vector<16xf32>
      %sub3A_69 = vector.broadcast %squeeze3A_62 : f32 to vector<16xf32>
      %sub3A_70 = arith.subf %div3A_68, %sub3A_69 : vector<16xf32>
      %div3A_71 = vector.broadcast %squeeze3A_66 : f32 to vector<16xf32>
      %div3A_72 = arith.divf %sub3A_70, %div3A_71 : vector<16xf32>
      %mul3A_73 = arith.mulf %div3A_72, %div3A_72 : vector<16xf32>
      %neg3A_74 = arith.constant 0.000000e+00 : f32
      %neg3A_75 = vector.broadcast %neg3A_74 : f32 to vector<16xf32>
      %neg3A_76 = arith.subf %neg3A_75, %mul3A_73 : vector<16xf32>
      %div3A_77 = arith.constant 2.000000e+00 : f32
      %div3A_78 = vector.broadcast %div3A_77 : f32 to vector<16xf32>
      %div3A_79 = arith.divf %neg3A_76, %div3A_78 : vector<16xf32>
      %exp3A_80 = math.exp %div3A_79 : vector<16xf32>
      %mul3A_81 = vector.broadcast %squeeze3A_64 : f32 to vector<16xf32>
      %mul3A_82 = arith.mulf %mul3A_81, %exp3A_80 : vector<16xf32>
      %add3A_83 = arith.addf %broadcast_in_dim3A_60, %mul3A_82 : vector<16xf32>
      %mul3A_84 = arith.mulf %div3A_58, %add3A_83 : vector<16xf32>
      %add3A_85 = arith.addf %broadcast_in_dim3A_43, %mul3A_84 : vector<16xf32>
      %get3A_86 = arith.constant 16 : index
      %get3A_87 = tpu.vector_load %arg4[%get3A_86] {strides = array<i32>} : memref<1040xf32, #tpu.memory_space<vmem>>, vector<16xf32>,
      %sub3A_88 = arith.constant 1.000000e+00 : f32
      %sub3A_89 = vector.broadcast %sub3A_88 : f32 to vector<16xf32>
      %sub3A_90 = arith.subf %get3A_87, %sub3A_89 : vector<16xf32>
      %mul3A_91 = arith.constant 1.000000e+01 : f32
      %mul3A_92 = vector.broadcast %mul3A_91 : f32 to vector<16xf32>
      %mul3A_93 = arith.mulf %sub3A_90, %mul3A_92 : vector<16xf32>
      %exp3A_94 = math.exp %mul3A_93 : vector<16xf32>
      %add3A_95 = arith.constant 1.000000e+00 : f32
      %add3A_96 = vector.broadcast %add3A_95 : f32 to vector<16xf32>
      %add3A_97 = arith.addf %add3A_96, %exp3A_94 : vector<16xf32>
      %div3A_98 = arith.constant 1.000000e+00 : f32
      %div3A_99 = vector.broadcast %div3A_98 : f32 to vector<16xf32>
      %div3A_100 = arith.divf %div3A_99, %add3A_97 : vector<16xf32>
      %broadcast_in_dim3A_101 = arith.constant 0.000000e+00 : f32
      %broadcast_in_dim3A_102 = vector.broadcast %broadcast_in_dim3A_101 : f32 to vector<16xf32>
      %slice3A_103 = vector.extract_strided_slice %get3A_7 {offsets = [0], sizes = [1], strides = [1]} : vector<16xf32> to vector<1xf32>
      %squeeze3A_104 = vector.extract %slice3A_103[0] : f32 from vector<1xf32>
      %slice3A_105 = vector.extract_strided_slice %get3A_7 {offsets = [1], sizes = [1], strides = [1]} : vector<16xf32> to vector<1xf32>
      %squeeze3A_106 = vector.extract %slice3A_105[0] : f32 from vector<1xf32>
      %slice3A_107 = vector.extract_strided_slice %get3A_7 {offsets = [2], sizes = [1], strides = [1]} : vector<16xf32> to vector<1xf32>
      %squeeze3A_108 = vector.extract %slice3A_107[0] : f32 from vector<1xf32>
      %div3A_109 = vector.broadcast %squeeze3A : f32 to vector<16xf32>
      %div3A_110 = arith.divf %get3A_87, %div3A_109 : vector<16xf32>
      %sub3A_111 = vector.broadcast %squeeze3A_104 : f32 to vector<16xf32>
      %sub3A_112 = arith.subf %div3A_110, %sub3A_111 : vector<16xf32>
      %div3A_113 = vector.broadcast %squeeze3A_108 : f32 to vector<16xf32>
      %div3A_114 = arith.divf %sub3A_112, %div3A_113 : vector<16xf32>
      %mul3A_115 = arith.mulf %div3A_114, %div3A_114 : vector<16xf32>
      %neg3A_116 = arith.constant 0.000000e+00 : f32
      %neg3A_117 = vector.broadcast %neg3A_116 : f32 to vector<16xf32>
      %neg3A_118 = arith.subf %neg3A_117, %mul3A_115 : vector<16xf32>
      %div3A_119 = arith.constant 2.000000e+00 : f32
      %div3A_120 = vector.broadcast %div3A_119 : f32 to vector<16xf32>
      %div3A_121 = arith.divf %neg3A_118, %div3A_120 : vector<16xf32>
      %exp3A_122 = math.exp %div3A_121 : vector<16xf32>
      %mul3A_123 = vector.broadcast %squeeze3A_106 : f32 to vector<16xf32>
      %mul3A_124 = arith.mulf %mul3A_123, %exp3A_122 : vector<16xf32>
      %add3A_125 = arith.addf %broadcast_in_dim3A_102, %mul3A_124 : vector<16xf32>
      %mul3A_126 = arith.mulf %div3A_100, %add3A_125 : vector<16xf32>
      %add3A_127 = arith.addf %add3A_85, %mul3A_126 : vector<16xf32>
      %get3A_128 = arith.constant 32 : index
      %get3A_129 = tpu.vector_load %arg4[%get3A_128] {strides = array<i32>} : memref<1040xf32, #tpu.memory_space<vmem>>, vector<16xf32>,
      %sub3A_130 = arith.constant 1.000000e+00 : f32
      %sub3A_131 = vector.broadcast %sub3A_130 : f32 to vector<16xf32>
      %sub3A_132 = arith.subf %get3A_129, %sub3A_131 : vector<16xf32>
      %mul3A_133 = arith.constant 1.000000e+01 : f32
      %mul3A_134 = vector.broadcast %mul3A_133 : f32 to vector<16xf32>
      %mul3A_135 = arith.mulf %sub3A_132, %mul3A_134 : vector<16xf32>
      %exp3A_136 = math.exp %mul3A_135 : vector<16xf32>
      %add3A_137 = arith.constant 1.000000e+00 : f32
      %add3A_138 = vector.broadcast %add3A_137 : f32 to vector<16xf32>
      %add3A_139 = arith.addf %add3A_138, %exp3A_136 : vector<16xf32>
      %div3A_140 = arith.constant 1.000000e+00 : f32
      %div3A_141 = vector.broadcast %div3A_140 : f32 to vector<16xf32>
      %div3A_142 = arith.divf %div3A_141, %add3A_139 : vector<16xf32>
      %broadcast_in_dim3A_143 = arith.constant 0.000000e+00 : f32
      %broadcast_in_dim3A_144 = vector.broadcast %broadcast_in_dim3A_143 : f32 to vector<16xf32>
      %slice3A_145 = vector.extract_strided_slice %get3A_7 {offsets = [0], sizes = [1], strides = [1]} : vector<16xf32> to vector<1xf32>
      %squeeze3A_146 = vector.extract %slice3A_145[0] : f32 from vector<1xf32>
      %slice3A_147 = vector.extract_strided_slice %get3A_7 {offsets = [1], sizes = [1], strides = [1]} : vector<16xf32> to vector<1xf32>
      %squeeze3A_148 = vector.extract %slice3A_147[0] : f32 from vector<1xf32>
      %slice3A_149 = vector.extract_strided_slice %get3A_7 {offsets = [2], sizes = [1], strides = [1]} : vector<16xf32> to vector<1xf32>
      %squeeze3A_150 = vector.extract %slice3A_149[0] : f32 from vector<1xf32>
      %div3A_151 = vector.broadcast %squeeze3A : f32 to vector<16xf32>
      %div3A_152 = arith.divf %get3A_129, %div3A_151 : vector<16xf32>
      %sub3A_153 = vector.broadcast %squeeze3A_146 : f32 to vector<16xf32>
      %sub3A_154 = arith.subf %div3A_152, %sub3A_153 : vector<16xf32>
      %div3A_155 = vector.broadcast %squeeze3A_150 : f32 to vector<16xf32>
      %div3A_156 = arith.divf %sub3A_154, %div3A_155 : vector<16xf32>
      %mul3A_157 = arith.mulf %div3A_156, %div3A_156 : vector<16xf32>
      %neg3A_158 = arith.constant 0.000000e+00 : f32
      %neg3A_159 = vector.broadcast %neg3A_158 : f32 to vector<16xf32>
      %neg3A_160 = arith.subf %neg3A_159, %mul3A_157 : vector<16xf32>
      %div3A_161 = arith.constant 2.000000e+00 : f32
      %div3A_162 = vector.broadcast %div3A_161 : f32 to vector<16xf32>
      %div3A_163 = arith.divf %neg3A_160, %div3A_162 : vector<16xf32>
      %exp3A_164 = math.exp %div3A_163 : vector<16xf32>
      %mul3A_165 = vector.broadcast %squeeze3A_148 : f32 to vector<16xf32>
      %mul3A_166 = arith.mulf %mul3A_165, %exp3A_164 : vector<16xf32>
      %add3A_167 = arith.addf %broadcast_in_dim3A_144, %mul3A_166 : vector<16xf32>
      %mul3A_168 = arith.mulf %div3A_142, %add3A_167 : vector<16xf32>
      %add3A_169 = arith.addf %add3A_127, %mul3A_168 : vector<16xf32>
      %get3A_170 = arith.constant 48 : index
      %get3A_171 = tpu.vector_load %arg4[%get3A_170] {strides = array<i32>} : memref<1040xf32, #tpu.memory_space<vmem>>, vector<16xf32>,
      %sub3A_172 = arith.constant 1.000000e+00 : f32
      %sub3A_173 = vector.broadcast %sub3A_172 : f32 to vector<16xf32>
      %sub3A_174 = arith.subf %get3A_171, %sub3A_173 : vector<16xf32>
      %mul3A_175 = arith.constant 1.000000e+01 : f32
      %mul3A_176 = vector.broadcast %mul3A_175 : f32 to vector<16xf32>
      %mul3A_177 = arith.mulf %sub3A_174, %mul3A_176 : vector<16xf32>
      %exp3A_178 = math.exp %mul3A_177 : vector<16xf32>
      %add3A_179 = arith.constant 1.000000e+00 : f32
      %add3A_180 = vector.broadcast %add3A_179 : f32 to vector<16xf32>
      %add3A_181 = arith.addf %add3A_180, %exp3A_178 : vector<16xf32>
      %div3A_182 = arith.constant 1.000000e+00 : f32
      %div3A_183 = vector.broadcast %div3A_182 : f32 to vector<16xf32>
      %div3A_184 = arith.divf %div3A_183, %add3A_181 : vector<16xf32>
      %broadcast_in_dim3A_185 = arith.constant 0.000000e+00 : f32
      %broadcast_in_dim3A_186 = vector.broadcast %broadcast_in_dim3A_185 : f32 to vector<16xf32>
      %slice3A_187 = vector.extract_strided_slice %get3A_7 {offsets = [0], sizes = [1], strides = [1]} : vector<16xf32> to vector<1xf32>
      %squeeze3A_188 = vector.extract %slice3A_187[0] : f32 from vector<1xf32>
      %slice3A_189 = vector.extract_strided_slice %get3A_7 {offsets = [1], sizes = [1], strides = [1]} : vector<16xf32> to vector<1xf32>
      %squeeze3A_190 = vector.extract %slice3A_189[0] : f32 from vector<1xf32>
      %slice3A_191 = vector.extract_strided_slice %get3A_7 {offsets = [2], sizes = [1], strides = [1]} : vector<16xf32> to vector<1xf32>
      %squeeze3A_192 = vector.extract %slice3A_191[0] : f32 from vector<1xf32>
      %div3A_193 = vector.broadcast %squeeze3A : f32 to vector<16xf32>
      %div3A_194 = arith.divf %get3A_171, %div3A_193 : vector<16xf32>
      %sub3A_195 = vector.broadcast %squeeze3A_188 : f32 to vector<16xf32>
      %sub3A_196 = arith.subf %div3A_194, %sub3A_195 : vector<16xf32>
      %div3A_197 = vector.broadcast %squeeze3A_192 : f32 to vector<16xf32>
      %div3A_198 = arith.divf %sub3A_196, %div3A_197 : vector<16xf32>
      %mul3A_199 = arith.mulf %div3A_198, %div3A_198 : vector<16xf32>
      %neg3A_200 = arith.constant 0.000000e+00 : f32
      %neg3A_201 = vector.broadcast %neg3A_200 : f32 to vector<16xf32>
      %neg3A_202 = arith.subf %neg3A_201, %mul3A_199 : vector<16xf32>
      %div3A_203 = arith.constant 2.000000e+00 : f32
      %div3A_204 = vector.broadcast %div3A_203 : f32 to vector<16xf32>
      %div3A_205 = arith.divf %neg3A_202, %div3A_204 : vector<16xf32>
      %exp3A_206 = math.exp %div3A_205 : vector<16xf32>
      %mul3A_207 = vector.broadcast %squeeze3A_190 : f32 to vector<16xf32>
      %mul3A_208 = arith.mulf %mul3A_207, %exp3A_206 : vector<16xf32>
      %add3A_209 = arith.addf %broadcast_in_dim3A_186, %mul3A_208 : vector<16xf32>
      %mul3A_210 = arith.mulf %div3A_184, %add3A_209 : vector<16xf32>
      %add3A_211 = arith.addf %add3A_169, %mul3A_210 : vector<16xf32>
      %get3A_212 = arith.constant 64 : index
      %get3A_213 = tpu.vector_load %arg4[%get3A_212] {strides = array<i32>} : memref<1040xf32, #tpu.memory_space<vmem>>, vector<16xf32>,
      %sub3A_214 = arith.constant 1.000000e+00 : f32
      %sub3A_215 = vector.broadcast %sub3A_214 : f32 to vector<16xf32>
      %sub3A_216 = arith.subf %get3A_213, %sub3A_215 : vector<16xf32>
      %mul3A_217 = arith.constant 1.000000e+01 : f32
      %mul3A_218 = vector.broadcast %mul3A_217 : f32 to vector<16xf32>
      %mul3A_219 = arith.mulf %sub3A_216, %mul3A_218 : vector<16xf32>
      %exp3A_220 = math.exp %mul3A_219 : vector<16xf32>
      %add3A_221 = arith.constant 1.000000e+00 : f32
      %add3A_222 = vector.broadcast %add3A_221 : f32 to vector<16xf32>
      %add3A_223 = arith.addf %add3A_222, %exp3A_220 : vector<16xf32>
      %div3A_224 = arith.constant 1.000000e+00 : f32
      %div3A_225 = vector.broadcast %div3A_224 : f32 to vector<16xf32>
      %div3A_226 = arith.divf %div3A_225, %add3A_223 : vector<16xf32>
      %broadcast_in_dim3A_227 = arith.constant 0.000000e+00 : f32
      %broadcast_in_dim3A_228 = vector.broadcast %broadcast_in_dim3A_227 : f32 to vector<16xf32>
      %slice3A_229 = vector.extract_strided_slice %get3A_7 {offsets = [0], sizes = [1], strides = [1]} : vector<16xf32> to vector<1xf32>
      %squeeze3A_230 = vector.extract %slice3A_229[0] : f32 from vector<1xf32>
      %slice3A_231 = vector.extract_strided_slice %get3A_7 {offsets = [1], sizes = [1], strides = [1]} : vector<16xf32> to vector<1xf32>
      %squeeze3A_232 = vector.extract %slice3A_231[0] : f32 from vector<1xf32>
      %slice3A_233 = vector.extract_strided_slice %get3A_7 {offsets = [2], sizes = [1], strides = [1]} : vector<16xf32> to vector<1xf32>
      %squeeze3A_234 = vector.extract %slice3A_233[0] : f32 from vector<1xf32>
      %div3A_235 = vector.broadcast %squeeze3A : f32 to vector<16xf32>
      %div3A_236 = arith.divf %get3A_213, %div3A_235 : vector<16xf32>
      %sub3A_237 = vector.broadcast %squeeze3A_230 : f32 to vector<16xf32>
      %sub3A_238 = arith.subf %div3A_236, %sub3A_237 : vector<16xf32>
      %div3A_239 = vector.broadcast %squeeze3A_234 : f32 to vector<16xf32>
      %div3A_240 = arith.divf %sub3A_238, %div3A_239 : vector<16xf32>
      %mul3A_241 = arith.mulf %div3A_240, %div3A_240 : vector<16xf32>
      %neg3A_242 = arith.constant 0.000000e+00 : f32
      %neg3A_243 = vector.broadcast %neg3A_242 : f32 to vector<16xf32>
      %neg3A_244 = arith.subf %neg3A_243, %mul3A_241 : vector<16xf32>
      %div3A_245 = arith.constant 2.000000e+00 : f32
      %div3A_246 = vector.broadcast %div3A_245 : f32 to vector<16xf32>
      %div3A_247 = arith.divf %neg3A_244, %div3A_246 : vector<16xf32>
      %exp3A_248 = math.exp %div3A_247 : vector<16xf32>
      %mul3A_249 = vector.broadcast %squeeze3A_232 : f32 to vector<16xf32>
      %mul3A_250 = arith.mulf %mul3A_249, %exp3A_248 : vector<16xf32>
      %add3A_251 = arith.addf %broadcast_in_dim3A_228, %mul3A_250 : vector<16xf32>
      %mul3A_252 = arith.mulf %div3A_226, %add3A_251 : vector<16xf32>
      %add3A_253 = arith.addf %add3A_211, %mul3A_252 : vector<16xf32>
      %get3A_254 = arith.constant 80 : index
      %get3A_255 = tpu.vector_load %arg4[%get3A_254] {strides = array<i32>} : memref<1040xf32, #tpu.memory_space<vmem>>, vector<16xf32>,
      %sub3A_256 = arith.constant 1.000000e+00 : f32
      %sub3A_257 = vector.broadcast %sub3A_256 : f32 to vector<16xf32>
      %sub3A_258 = arith.subf %get3A_255, %sub3A_257 : vector<16xf32>
      %mul3A_259 = arith.constant 1.000000e+01 : f32
      %mul3A_260 = vector.broadcast %mul3A_259 : f32 to vector<16xf32>
      %mul3A_261 = arith.mulf %sub3A_258, %mul3A_260 : vector<16xf32>
      %exp3A_262 = math.exp %mul3A_261 : vector<16xf32>
      %add3A_263 = arith.constant 1.000000e+00 : f32
      %add3A_264 = vector.broadcast %add3A_263 : f32 to vector<16xf32>
      %add3A_265 = arith.addf %add3A_264, %exp3A_262 : vector<16xf32>
      %div3A_266 = arith.constant 1.000000e+00 : f32
      %div3A_267 = vector.broadcast %div3A_266 : f32 to vector<16xf32>
      %div3A_268 = arith.divf %div3A_267, %add3A_265 : vector<16xf32>
      %broadcast_in_dim3A_269 = arith.constant 0.000000e+00 : f32
      %broadcast_in_dim3A_270 = vector.broadcast %broadcast_in_dim3A_269 : f32 to vector<16xf32>
      %slice3A_271 = vector.extract_strided_slice %get3A_7 {offsets = [0], sizes = [1], strides = [1]} : vector<16xf32> to vector<1xf32>
      %squeeze3A_272 = vector.extract %slice3A_271[0] : f32 from vector<1xf32>
      %slice3A_273 = vector.extract_strided_slice %get3A_7 {offsets = [1], sizes = [1], strides = [1]} : vector<16xf32> to vector<1xf32>
      %squeeze3A_274 = vector.extract %slice3A_273[0] : f32 from vector<1xf32>
      %slice3A_275 = vector.extract_strided_slice %get3A_7 {offsets = [2], sizes = [1], strides = [1]} : vector<16xf32> to vector<1xf32>
      %squeeze3A_276 = vector.extract %slice3A_275[0] : f32 from vector<1xf32>
      %div3A_277 = vector.broadcast %squeeze3A : f32 to vector<16xf32>
      %div3A_278 = arith.divf %get3A_255, %div3A_277 : vector<16xf32>
      %sub3A_279 = vector.broadcast %squeeze3A_272 : f32 to vector<16xf32>
      %sub3A_280 = arith.subf %div3A_278, %sub3A_279 : vector<16xf32>
      %div3A_281 = vector.broadcast %squeeze3A_276 : f32 to vector<16xf32>
      %div3A_282 = arith.divf %sub3A_280, %div3A_281 : vector<16xf32>
      %mul3A_283 = arith.mulf %div3A_282, %div3A_282 : vector<16xf32>
      %neg3A_284 = arith.constant 0.000000e+00 : f32
      %neg3A_285 = vector.broadcast %neg3A_284 : f32 to vector<16xf32>
      %neg3A_286 = arith.subf %neg3A_285, %mul3A_283 : vector<16xf32>
      %div3A_287 = arith.constant 2.000000e+00 : f32
      %div3A_288 = vector.broadcast %div3A_287 : f32 to vector<16xf32>
      %div3A_289 = arith.divf %neg3A_286, %div3A_288 : vector<16xf32>
      %exp3A_290 = math.exp %div3A_289 : vector<16xf32>
      %mul3A_291 = vector.broadcast %squeeze3A_274 : f32 to vector<16xf32>
      %mul3A_292 = arith.mulf %mul3A_291, %exp3A_290 : vector<16xf32>
      %add3A_293 = arith.addf %broadcast_in_dim3A_270, %mul3A_292 : vector<16xf32>
      %mul3A_294 = arith.mulf %div3A_268, %add3A_293 : vector<16xf32>
      %add3A_295 = arith.addf %add3A_253, %mul3A_294 : vector<16xf32>
      %get3A_296 = arith.constant 96 : index
      %get3A_297 = tpu.vector_load %arg4[%get3A_296] {strides = array<i32>} : memref<1040xf32, #tpu.memory_space<vmem>>, vector<16xf32>,
      %sub3A_298 = arith.constant 1.000000e+00 : f32
      %sub3A_299 = vector.broadcast %sub3A_298 : f32 to vector<16xf32>
      %sub3A_300 = arith.subf %get3A_297, %sub3A_299 : vector<16xf32>
      %mul3A_301 = arith.constant 1.000000e+01 : f32
      %mul3A_302 = vector.broadcast %mul3A_301 : f32 to vector<16xf32>
      %mul3A_303 = arith.mulf %sub3A_300, %mul3A_302 : vector<16xf32>
      %exp3A_304 = math.exp %mul3A_303 : vector<16xf32>
      %add3A_305 = arith.constant 1.000000e+00 : f32
      %add3A_306 = vector.broadcast %add3A_305 : f32 to vector<16xf32>
      %add3A_307 = arith.addf %add3A_306, %exp3A_304 : vector<16xf32>
      %div3A_308 = arith.constant 1.000000e+00 : f32
      %div3A_309 = vector.broadcast %div3A_308 : f32 to vector<16xf32>
      %div3A_310 = arith.divf %div3A_309, %add3A_307 : vector<16xf32>
      %broadcast_in_dim3A_311 = arith.constant 0.000000e+00 : f32
      %broadcast_in_dim3A_312 = vector.broadcast %broadcast_in_dim3A_311 : f32 to vector<16xf32>
      %slice3A_313 = vector.extract_strided_slice %get3A_7 {offsets = [0], sizes = [1], strides = [1]} : vector<16xf32> to vector<1xf32>
      %squeeze3A_314 = vector.extract %slice3A_313[0] : f32 from vector<1xf32>
      %slice3A_315 = vector.extract_strided_slice %get3A_7 {offsets = [1], sizes = [1], strides = [1]} : vector<16xf32> to vector<1xf32>
      %squeeze3A_316 = vector.extract %slice3A_315[0] : f32 from vector<1xf32>
      %slice3A_317 = vector.extract_strided_slice %get3A_7 {offsets = [2], sizes = [1], strides = [1]} : vector<16xf32> to vector<1xf32>
      %squeeze3A_318 = vector.extract %slice3A_317[0] : f32 from vector<1xf32>
      %div3A_319 = vector.broadcast %squeeze3A : f32 to vector<16xf32>
      %div3A_320 = arith.divf %get3A_297, %div3A_319 : vector<16xf32>
      %sub3A_321 = vector.broadcast %squeeze3A_314 : f32 to vector<16xf32>
      %sub3A_322 = arith.subf %div3A_320, %sub3A_321 : vector<16xf32>
      %div3A_323 = vector.broadcast %squeeze3A_318 : f32 to vector<16xf32>
      %div3A_324 = arith.divf %sub3A_322, %div3A_323 : vector<16xf32>
      %mul3A_325 = arith.mulf %div3A_324, %div3A_324 : vector<16xf32>
      %neg3A_326 = arith.constant 0.000000e+00 : f32
      %neg3A_327 = vector.broadcast %neg3A_326 : f32 to vector<16xf32>
      %neg3A_328 = arith.subf %neg3A_327, %mul3A_325 : vector<16xf32>
      %div3A_329 = arith.constant 2.000000e+00 : f32
      %div3A_330 = vector.broadcast %div3A_329 : f32 to vector<16xf32>
      %div3A_331 = arith.divf %neg3A_328, %div3A_330 : vector<16xf32>
      %exp3A_332 = math.exp %div3A_331 : vector<16xf32>
      %mul3A_333 = vector.broadcast %squeeze3A_316 : f32 to vector<16xf32>
      %mul3A_334 = arith.mulf %mul3A_333, %exp3A_332 : vector<16xf32>
      %add3A_335 = arith.addf %broadcast_in_dim3A_312, %mul3A_334 : vector<16xf32>
      %mul3A_336 = arith.mulf %div3A_310, %add3A_335 : vector<16xf32>
      %add3A_337 = arith.addf %add3A_295, %mul3A_336 : vector<16xf32>
      %get3A_338 = arith.constant 112 : index
      %get3A_339 = tpu.vector_load %arg4[%get3A_338] {strides = array<i32>} : memref<1040xf32, #tpu.memory_space<vmem>>, vector<16xf32>,
      %sub3A_340 = arith.constant 1.000000e+00 : f32
      %sub3A_341 = vector.broadcast %sub3A_340 : f32 to vector<16xf32>
      %sub3A_342 = arith.subf %get3A_339, %sub3A_341 : vector<16xf32>
      %mul3A_343 = arith.constant 1.000000e+01 : f32
      %mul3A_344 = vector.broadcast %mul3A_343 : f32 to vector<16xf32>
      %mul3A_345 = arith.mulf %sub3A_342, %mul3A_344 : vector<16xf32>
      %exp3A_346 = math.exp %mul3A_345 : vector<16xf32>
      %add3A_347 = arith.constant 1.000000e+00 : f32
      %add3A_348 = vector.broadcast %add3A_347 : f32 to vector<16xf32>
      %add3A_349 = arith.addf %add3A_348, %exp3A_346 : vector<16xf32>
      %div3A_350 = arith.constant 1.000000e+00 : f32
      %div3A_351 = vector.broadcast %div3A_350 : f32 to vector<16xf32>
      %div3A_352 = arith.divf %div3A_351, %add3A_349 : vector<16xf32>
      %broadcast_in_dim3A_353 = arith.constant 0.000000e+00 : f32
      %broadcast_in_dim3A_354 = vector.broadcast %broadcast_in_dim3A_353 : f32 to vector<16xf32>
      %slice3A_355 = vector.extract_strided_slice %get3A_7 {offsets = [0], sizes = [1], strides = [1]} : vector<16xf32> to vector<1xf32>
      %squeeze3A_356 = vector.extract %slice3A_355[0] : f32 from vector<1xf32>
      %slice3A_357 = vector.extract_strided_slice %get3A_7 {offsets = [1], sizes = [1], strides = [1]} : vector<16xf32> to vector<1xf32>
      %squeeze3A_358 = vector.extract %slice3A_357[0] : f32 from vector<1xf32>
      %slice3A_359 = vector.extract_strided_slice %get3A_7 {offsets = [2], sizes = [1], strides = [1]} : vector<16xf32> to vector<1xf32>
      %squeeze3A_360 = vector.extract %slice3A_359[0] : f32 from vector<1xf32>
      %div3A_361 = vector.broadcast %squeeze3A : f32 to vector<16xf32>
      %div3A_362 = arith.divf %get3A_339, %div3A_361 : vector<16xf32>
      %sub3A_363 = vector.broadcast %squeeze3A_356 : f32 to vector<16xf32>
      %sub3A_364 = arith.subf %div3A_362, %sub3A_363 : vector<16xf32>
      %div3A_365 = vector.broadcast %squeeze3A_360 : f32 to vector<16xf32>
      %div3A_366 = arith.divf %sub3A_364, %div3A_365 : vector<16xf32>
      %mul3A_367 = arith.mulf %div3A_366, %div3A_366 : vector<16xf32>
      %neg3A_368 = arith.constant 0.000000e+00 : f32
      %neg3A_369 = vector.broadcast %neg3A_368 : f32 to vector<16xf32>
      %neg3A_370 = arith.subf %neg3A_369, %mul3A_367 : vector<16xf32>
      %div3A_371 = arith.constant 2.000000e+00 : f32
      %div3A_372 = vector.broadcast %div3A_371 : f32 to vector<16xf32>
      %div3A_373 = arith.divf %neg3A_370, %div3A_372 : vector<16xf32>
      %exp3A_374 = math.exp %div3A_373 : vector<16xf32>
      %mul3A_375 = vector.broadcast %squeeze3A_358 : f32 to vector<16xf32>
      %mul3A_376 = arith.mulf %mul3A_375, %exp3A_374 : vector<16xf32>
      %add3A_377 = arith.addf %broadcast_in_dim3A_354, %mul3A_376 : vector<16xf32>
      %mul3A_378 = arith.mulf %div3A_352, %add3A_377 : vector<16xf32>
      %add3A_379 = arith.addf %add3A_337, %mul3A_378 : vector<16xf32>
      %get3A_380 = arith.constant 128 : index
      %get3A_381 = tpu.vector_load %arg4[%get3A_380] {strides = array<i32>} : memref<1040xf32, #tpu.memory_space<vmem>>, vector<16xf32>,
      %sub3A_382 = arith.constant 1.000000e+00 : f32
      %sub3A_383 = vector.broadcast %sub3A_382 : f32 to vector<16xf32>
      %sub3A_384 = arith.subf %get3A_381, %sub3A_383 : vector<16xf32>
      %mul3A_385 = arith.constant 1.000000e+01 : f32
      %mul3A_386 = vector.broadcast %mul3A_385 : f32 to vector<16xf32>
      %mul3A_387 = arith.mulf %sub3A_384, %mul3A_386 : vector<16xf32>
      %exp3A_388 = math.exp %mul3A_387 : vector<16xf32>
      %add3A_389 = arith.constant 1.000000e+00 : f32
      %add3A_390 = vector.broadcast %add3A_389 : f32 to vector<16xf32>
      %add3A_391 = arith.addf %add3A_390, %exp3A_388 : vector<16xf32>
      %div3A_392 = arith.constant 1.000000e+00 : f32
      %div3A_393 = vector.broadcast %div3A_392 : f32 to vector<16xf32>
      %div3A_394 = arith.divf %div3A_393, %add3A_391 : vector<16xf32>
      %broadcast_in_dim3A_395 = arith.constant 0.000000e+00 : f32
      %broadcast_in_dim3A_396 = vector.broadcast %broadcast_in_dim3A_395 : f32 to vector<16xf32>
      %slice3A_397 = vector.extract_strided_slice %get3A_7 {offsets = [0], sizes = [1], strides = [1]} : vector<16xf32> to vector<1xf32>
      %squeeze3A_398 = vector.extract %slice3A_397[0] : f32 from vector<1xf32>
      %slice3A_399 = vector.extract_strided_slice %get3A_7 {offsets = [1], sizes = [1], strides = [1]} : vector<16xf32> to vector<1xf32>
      %squeeze3A_400 = vector.extract %slice3A_399[0] : f32 from vector<1xf32>
      %slice3A_401 = vector.extract_strided_slice %get3A_7 {offsets = [2], sizes = [1], strides = [1]} : vector<16xf32> to vector<1xf32>
      %squeeze3A_402 = vector.extract %slice3A_401[0] : f32 from vector<1xf32>
      %div3A_403 = vector.broadcast %squeeze3A : f32 to vector<16xf32>
      %div3A_404 = arith.divf %get3A_381, %div3A_403 : vector<16xf32>
      %sub3A_405 = vector.broadcast %squeeze3A_398 : f32 to vector<16xf32>
      %sub3A_406 = arith.subf %div3A_404, %sub3A_405 : vector<16xf32>
      %div3A_407 = vector.broadcast %squeeze3A_402 : f32 to vector<16xf32>
      %div3A_408 = arith.divf %sub3A_406, %div3A_407 : vector<16xf32>
      %mul3A_409 = arith.mulf %div3A_408, %div3A_408 : vector<16xf32>
      %neg3A_410 = arith.constant 0.000000e+00 : f32
      %neg3A_411 = vector.broadcast %neg3A_410 : f32 to vector<16xf32>
      %neg3A_412 = arith.subf %neg3A_411, %mul3A_409 : vector<16xf32>
      %div3A_413 = arith.constant 2.000000e+00 : f32
      %div3A_414 = vector.broadcast %div3A_413 : f32 to vector<16xf32>
      %div3A_415 = arith.divf %neg3A_412, %div3A_414 : vector<16xf32>
      %exp3A_416 = math.exp %div3A_415 : vector<16xf32>
      %mul3A_417 = vector.broadcast %squeeze3A_400 : f32 to vector<16xf32>
      %mul3A_418 = arith.mulf %mul3A_417, %exp3A_416 : vector<16xf32>
      %add3A_419 = arith.addf %broadcast_in_dim3A_396, %mul3A_418 : vector<16xf32>
      %mul3A_420 = arith.mulf %div3A_394, %add3A_419 : vector<16xf32>
      %add3A_421 = arith.addf %add3A_379, %mul3A_420 : vector<16xf32>
      %get3A_422 = arith.constant 144 : index
      %get3A_423 = tpu.vector_load %arg4[%get3A_422] {strides = array<i32>} : memref<1040xf32, #tpu.memory_space<vmem>>, vector<16xf32>,
      %sub3A_424 = arith.constant 1.000000e+00 : f32
      %sub3A_425 = vector.broadcast %sub3A_424 : f32 to vector<16xf32>
      %sub3A_426 = arith.subf %get3A_423, %sub3A_425 : vector<16xf32>
      %mul3A_427 = arith.constant 1.000000e+01 : f32
      %mul3A_428 = vector.broadcast %mul3A_427 : f32 to vector<16xf32>
      %mul3A_429 = arith.mulf %sub3A_426, %mul3A_428 : vector<16xf32>
      %exp3A_430 = math.exp %mul3A_429 : vector<16xf32>
      %add3A_431 = arith.constant 1.000000e+00 : f32
      %add3A_432 = vector.broadcast %add3A_431 : f32 to vector<16xf32>
      %add3A_433 = arith.addf %add3A_432, %exp3A_430 : vector<16xf32>
      %div3A_434 = arith.constant 1.000000e+00 : f32
      %div3A_435 = vector.broadcast %div3A_434 : f32 to vector<16xf32>
      %div3A_436 = arith.divf %div3A_435, %add3A_433 : vector<16xf32>
      %broadcast_in_dim3A_437 = arith.constant 0.000000e+00 : f32
      %broadcast_in_dim3A_438 = vector.broadcast %broadcast_in_dim3A_437 : f32 to vector<16xf32>
      %slice3A_439 = vector.extract_strided_slice %get3A_7 {offsets = [0], sizes = [1], strides = [1]} : vector<16xf32> to vector<1xf32>
      %squeeze3A_440 = vector.extract %slice3A_439[0] : f32 from vector<1xf32>
      %slice3A_441 = vector.extract_strided_slice %get3A_7 {offsets = [1], sizes = [1], strides = [1]} : vector<16xf32> to vector<1xf32>
      %squeeze3A_442 = vector.extract %slice3A_441[0] : f32 from vector<1xf32>
      %slice3A_443 = vector.extract_strided_slice %get3A_7 {offsets = [2], sizes = [1], strides = [1]} : vector<16xf32> to vector<1xf32>
      %squeeze3A_444 = vector.extract %slice3A_443[0] : f32 from vector<1xf32>
      %div3A_445 = vector.broadcast %squeeze3A : f32 to vector<16xf32>
      %div3A_446 = arith.divf %get3A_423, %div3A_445 : vector<16xf32>
      %sub3A_447 = vector.broadcast %squeeze3A_440 : f32 to vector<16xf32>
      %sub3A_448 = arith.subf %div3A_446, %sub3A_447 : vector<16xf32>
      %div3A_449 = vector.broadcast %squeeze3A_444 : f32 to vector<16xf32>
      %div3A_450 = arith.divf %sub3A_448, %div3A_449 : vector<16xf32>
      %mul3A_451 = arith.mulf %div3A_450, %div3A_450 : vector<16xf32>
      %neg3A_452 = arith.constant 0.000000e+00 : f32
      %neg3A_453 = vector.broadcast %neg3A_452 : f32 to vector<16xf32>
      %neg3A_454 = arith.subf %neg3A_453, %mul3A_451 : vector<16xf32>
      %div3A_455 = arith.constant 2.000000e+00 : f32
      %div3A_456 = vector.broadcast %div3A_455 : f32 to vector<16xf32>
      %div3A_457 = arith.divf %neg3A_454, %div3A_456 : vector<16xf32>
      %exp3A_458 = math.exp %div3A_457 : vector<16xf32>
      %mul3A_459 = vector.broadcast %squeeze3A_442 : f32 to vector<16xf32>
      %mul3A_460 = arith.mulf %mul3A_459, %exp3A_458 : vector<16xf32>
      %add3A_461 = arith.addf %broadcast_in_dim3A_438, %mul3A_460 : vector<16xf32>
      %mul3A_462 = arith.mulf %div3A_436, %add3A_461 : vector<16xf32>
      %add3A_463 = arith.addf %add3A_421, %mul3A_462 : vector<16xf32>
      %get3A_464 = arith.constant 160 : index
      %get3A_465 = tpu.vector_load %arg4[%get3A_464] {strides = array<i32>} : memref<1040xf32, #tpu.memory_space<vmem>>, vector<16xf32>,
      %sub3A_466 = arith.constant 1.000000e+00 : f32
      %sub3A_467 = vector.broadcast %sub3A_466 : f32 to vector<16xf32>
      %sub3A_468 = arith.subf %get3A_465, %sub3A_467 : vector<16xf32>
      %mul3A_469 = arith.constant 1.000000e+01 : f32
      %mul3A_470 = vector.broadcast %mul3A_469 : f32 to vector<16xf32>
      %mul3A_471 = arith.mulf %sub3A_468, %mul3A_470 : vector<16xf32>
      %exp3A_472 = math.exp %mul3A_471 : vector<16xf32>
      %add3A_473 = arith.constant 1.000000e+00 : f32
      %add3A_474 = vector.broadcast %add3A_473 : f32 to vector<16xf32>
      %add3A_475 = arith.addf %add3A_474, %exp3A_472 : vector<16xf32>
      %div3A_476 = arith.constant 1.000000e+00 : f32
      %div3A_477 = vector.broadcast %div3A_476 : f32 to vector<16xf32>
      %div3A_478 = arith.divf %div3A_477, %add3A_475 : vector<16xf32>
      %broadcast_in_dim3A_479 = arith.constant 0.000000e+00 : f32
      %broadcast_in_dim3A_480 = vector.broadcast %broadcast_in_dim3A_479 : f32 to vector<16xf32>
      %slice3A_481 = vector.extract_strided_slice %get3A_7 {offsets = [0], sizes = [1], strides = [1]} : vector<16xf32> to vector<1xf32>
      %squeeze3A_482 = vector.extract %slice3A_481[0] : f32 from vector<1xf32>
      %slice3A_483 = vector.extract_strided_slice %get3A_7 {offsets = [1], sizes = [1], strides = [1]} : vector<16xf32> to vector<1xf32>
      %squeeze3A_484 = vector.extract %slice3A_483[0] : f32 from vector<1xf32>
      %slice3A_485 = vector.extract_strided_slice %get3A_7 {offsets = [2], sizes = [1], strides = [1]} : vector<16xf32> to vector<1xf32>
      %squeeze3A_486 = vector.extract %slice3A_485[0] : f32 from vector<1xf32>
      %div3A_487 = vector.broadcast %squeeze3A : f32 to vector<16xf32>
      %div3A_488 = arith.divf %get3A_465, %div3A_487 : vector<16xf32>
      %sub3A_489 = vector.broadcast %squeeze3A_482 : f32 to vector<16xf32>
      %sub3A_490 = arith.subf %div3A_488, %sub3A_489 : vector<16xf32>
      %div3A_491 = vector.broadcast %squeeze3A_486 : f32 to vector<16xf32>
      %div3A_492 = arith.divf %sub3A_490, %div3A_491 : vector<16xf32>
      %mul3A_493 = arith.mulf %div3A_492, %div3A_492 : vector<16xf32>
      %neg3A_494 = arith.constant 0.000000e+00 : f32
      %neg3A_495 = vector.broadcast %neg3A_494 : f32 to vector<16xf32>
      %neg3A_496 = arith.subf %neg3A_495, %mul3A_493 : vector<16xf32>
      %div3A_497 = arith.constant 2.000000e+00 : f32
      %div3A_498 = vector.broadcast %div3A_497 : f32 to vector<16xf32>
      %div3A_499 = arith.divf %neg3A_496, %div3A_498 : vector<16xf32>
      %exp3A_500 = math.exp %div3A_499 : vector<16xf32>
      %mul3A_501 = vector.broadcast %squeeze3A_484 : f32 to vector<16xf32>
      %mul3A_502 = arith.mulf %mul3A_501, %exp3A_500 : vector<16xf32>
      %add3A_503 = arith.addf %broadcast_in_dim3A_480, %mul3A_502 : vector<16xf32>
      %mul3A_504 = arith.mulf %div3A_478, %add3A_503 : vector<16xf32>
      %add3A_505 = arith.addf %add3A_463, %mul3A_504 : vector<16xf32>
      %get3A_506 = arith.constant 176 : index
      %get3A_507 = tpu.vector_load %arg4[%get3A_506] {strides = array<i32>} : memref<1040xf32, #tpu.memory_space<vmem>>, vector<16xf32>,
      %sub3A_508 = arith.constant 1.000000e+00 : f32
      %sub3A_509 = vector.broadcast %sub3A_508 : f32 to vector<16xf32>
      %sub3A_510 = arith.subf %get3A_507, %sub3A_509 : vector<16xf32>
      %mul3A_511 = arith.constant 1.000000e+01 : f32
      %mul3A_512 = vector.broadcast %mul3A_511 : f32 to vector<16xf32>
      %mul3A_513 = arith.mulf %sub3A_510, %mul3A_512 : vector<16xf32>
      %exp3A_514 = math.exp %mul3A_513 : vector<16xf32>
      %add3A_515 = arith.constant 1.000000e+00 : f32
      %add3A_516 = vector.broadcast %add3A_515 : f32 to vector<16xf32>
      %add3A_517 = arith.addf %add3A_516, %exp3A_514 : vector<16xf32>
      %div3A_518 = arith.constant 1.000000e+00 : f32
      %div3A_519 = vector.broadcast %div3A_518 : f32 to vector<16xf32>
      %div3A_520 = arith.divf %div3A_519, %add3A_517 : vector<16xf32>
      %broadcast_in_dim3A_521 = arith.constant 0.000000e+00 : f32
      %broadcast_in_dim3A_522 = vector.broadcast %broadcast_in_dim3A_521 : f32 to vector<16xf32>
      %slice3A_523 = vector.extract_strided_slice %get3A_7 {offsets = [0], sizes = [1], strides = [1]} : vector<16xf32> to vector<1xf32>
      %squeeze3A_524 = vector.extract %slice3A_523[0] : f32 from vector<1xf32>
      %slice3A_525 = vector.extract_strided_slice %get3A_7 {offsets = [1], sizes = [1], strides = [1]} : vector<16xf32> to vector<1xf32>
      %squeeze3A_526 = vector.extract %slice3A_525[0] : f32 from vector<1xf32>
      %slice3A_527 = vector.extract_strided_slice %get3A_7 {offsets = [2], sizes = [1], strides = [1]} : vector<16xf32> to vector<1xf32>
      %squeeze3A_528 = vector.extract %slice3A_527[0] : f32 from vector<1xf32>
      %div3A_529 = vector.broadcast %squeeze3A : f32 to vector<16xf32>
      %div3A_530 = arith.divf %get3A_507, %div3A_529 : vector<16xf32>
      %sub3A_531 = vector.broadcast %squeeze3A_524 : f32 to vector<16xf32>
      %sub3A_532 = arith.subf %div3A_530, %sub3A_531 : vector<16xf32>
      %div3A_533 = vector.broadcast %squeeze3A_528 : f32 to vector<16xf32>
      %div3A_534 = arith.divf %sub3A_532, %div3A_533 : vector<16xf32>
      %mul3A_535 = arith.mulf %div3A_534, %div3A_534 : vector<16xf32>
      %neg3A_536 = arith.constant 0.000000e+00 : f32
      %neg3A_537 = vector.broadcast %neg3A_536 : f32 to vector<16xf32>
      %neg3A_538 = arith.subf %neg3A_537, %mul3A_535 : vector<16xf32>
      %div3A_539 = arith.constant 2.000000e+00 : f32
      %div3A_540 = vector.broadcast %div3A_539 : f32 to vector<16xf32>
      %div3A_541 = arith.divf %neg3A_538, %div3A_540 : vector<16xf32>
      %exp3A_542 = math.exp %div3A_541 : vector<16xf32>
      %mul3A_543 = vector.broadcast %squeeze3A_526 : f32 to vector<16xf32>
      %mul3A_544 = arith.mulf %mul3A_543, %exp3A_542 : vector<16xf32>
      %add3A_545 = arith.addf %broadcast_in_dim3A_522, %mul3A_544 : vector<16xf32>
      %mul3A_546 = arith.mulf %div3A_520, %add3A_545 : vector<16xf32>
      %add3A_547 = arith.addf %add3A_505, %mul3A_546 : vector<16xf32>
      %get3A_548 = arith.constant 192 : index
      %get3A_549 = tpu.vector_load %arg4[%get3A_548] {strides = array<i32>} : memref<1040xf32, #tpu.memory_space<vmem>>, vector<16xf32>,
      %sub3A_550 = arith.constant 1.000000e+00 : f32
      %sub3A_551 = vector.broadcast %sub3A_550 : f32 to vector<16xf32>
      %sub3A_552 = arith.subf %get3A_549, %sub3A_551 : vector<16xf32>
      %mul3A_553 = arith.constant 1.000000e+01 : f32
      %mul3A_554 = vector.broadcast %mul3A_553 : f32 to vector<16xf32>
      %mul3A_555 = arith.mulf %sub3A_552, %mul3A_554 : vector<16xf32>
      %exp3A_556 = math.exp %mul3A_555 : vector<16xf32>
      %add3A_557 = arith.constant 1.000000e+00 : f32
      %add3A_558 = vector.broadcast %add3A_557 : f32 to vector<16xf32>
      %add3A_559 = arith.addf %add3A_558, %exp3A_556 : vector<16xf32>
      %div3A_560 = arith.constant 1.000000e+00 : f32
      %div3A_561 = vector.broadcast %div3A_560 : f32 to vector<16xf32>
      %div3A_562 = arith.divf %div3A_561, %add3A_559 : vector<16xf32>
      %broadcast_in_dim3A_563 = arith.constant 0.000000e+00 : f32
      %broadcast_in_dim3A_564 = vector.broadcast %broadcast_in_dim3A_563 : f32 to vector<16xf32>
      %slice3A_565 = vector.extract_strided_slice %get3A_7 {offsets = [0], sizes = [1], strides = [1]} : vector<16xf32> to vector<1xf32>
      %squeeze3A_566 = vector.extract %slice3A_565[0] : f32 from vector<1xf32>
      %slice3A_567 = vector.extract_strided_slice %get3A_7 {offsets = [1], sizes = [1], strides = [1]} : vector<16xf32> to vector<1xf32>
      %squeeze3A_568 = vector.extract %slice3A_567[0] : f32 from vector<1xf32>
      %slice3A_569 = vector.extract_strided_slice %get3A_7 {offsets = [2], sizes = [1], strides = [1]} : vector<16xf32> to vector<1xf32>
      %squeeze3A_570 = vector.extract %slice3A_569[0] : f32 from vector<1xf32>
      %div3A_571 = vector.broadcast %squeeze3A : f32 to vector<16xf32>
      %div3A_572 = arith.divf %get3A_549, %div3A_571 : vector<16xf32>
      %sub3A_573 = vector.broadcast %squeeze3A_566 : f32 to vector<16xf32>
      %sub3A_574 = arith.subf %div3A_572, %sub3A_573 : vector<16xf32>
      %div3A_575 = vector.broadcast %squeeze3A_570 : f32 to vector<16xf32>
      %div3A_576 = arith.divf %sub3A_574, %div3A_575 : vector<16xf32>
      %mul3A_577 = arith.mulf %div3A_576, %div3A_576 : vector<16xf32>
      %neg3A_578 = arith.constant 0.000000e+00 : f32
      %neg3A_579 = vector.broadcast %neg3A_578 : f32 to vector<16xf32>
      %neg3A_580 = arith.subf %neg3A_579, %mul3A_577 : vector<16xf32>
      %div3A_581 = arith.constant 2.000000e+00 : f32
      %div3A_582 = vector.broadcast %div3A_581 : f32 to vector<16xf32>
      %div3A_583 = arith.divf %neg3A_580, %div3A_582 : vector<16xf32>
      %exp3A_584 = math.exp %div3A_583 : vector<16xf32>
      %mul3A_585 = vector.broadcast %squeeze3A_568 : f32 to vector<16xf32>
      %mul3A_586 = arith.mulf %mul3A_585, %exp3A_584 : vector<16xf32>
      %add3A_587 = arith.addf %broadcast_in_dim3A_564, %mul3A_586 : vector<16xf32>
      %mul3A_588 = arith.mulf %div3A_562, %add3A_587 : vector<16xf32>
      %add3A_589 = arith.addf %add3A_547, %mul3A_588 : vector<16xf32>
      %get3A_590 = arith.constant 208 : index
      %get3A_591 = tpu.vector_load %arg4[%get3A_590] {strides = array<i32>} : memref<1040xf32, #tpu.memory_space<vmem>>, vector<16xf32>,
      %sub3A_592 = arith.constant 1.000000e+00 : f32
      %sub3A_593 = vector.broadcast %sub3A_592 : f32 to vector<16xf32>
      %sub3A_594 = arith.subf %get3A_591, %sub3A_593 : vector<16xf32>
      %mul3A_595 = arith.constant 1.000000e+01 : f32
      %mul3A_596 = vector.broadcast %mul3A_595 : f32 to vector<16xf32>
      %mul3A_597 = arith.mulf %sub3A_594, %mul3A_596 : vector<16xf32>
      %exp3A_598 = math.exp %mul3A_597 : vector<16xf32>
      %add3A_599 = arith.constant 1.000000e+00 : f32
      %add3A_600 = vector.broadcast %add3A_599 : f32 to vector<16xf32>
      %add3A_601 = arith.addf %add3A_600, %exp3A_598 : vector<16xf32>
      %div3A_602 = arith.constant 1.000000e+00 : f32
      %div3A_603 = vector.broadcast %div3A_602 : f32 to vector<16xf32>
      %div3A_604 = arith.divf %div3A_603, %add3A_601 : vector<16xf32>
      %broadcast_in_dim3A_605 = arith.constant 0.000000e+00 : f32
      %broadcast_in_dim3A_606 = vector.broadcast %broadcast_in_dim3A_605 : f32 to vector<16xf32>
      %slice3A_607 = vector.extract_strided_slice %get3A_7 {offsets = [0], sizes = [1], strides = [1]} : vector<16xf32> to vector<1xf32>
      %squeeze3A_608 = vector.extract %slice3A_607[0] : f32 from vector<1xf32>
      %slice3A_609 = vector.extract_strided_slice %get3A_7 {offsets = [1], sizes = [1], strides = [1]} : vector<16xf32> to vector<1xf32>
      %squeeze3A_610 = vector.extract %slice3A_609[0] : f32 from vector<1xf32>
      %slice3A_611 = vector.extract_strided_slice %get3A_7 {offsets = [2], sizes = [1], strides = [1]} : vector<16xf32> to vector<1xf32>
      %squeeze3A_612 = vector.extract %slice3A_611[0] : f32 from vector<1xf32>
      %div3A_613 = vector.broadcast %squeeze3A : f32 to vector<16xf32>
      %div3A_614 = arith.divf %get3A_591, %div3A_613 : vector<16xf32>
      %sub3A_615 = vector.broadcast %squeeze3A_608 : f32 to vector<16xf32>
      %sub3A_616 = arith.subf %div3A_614, %sub3A_615 : vector<16xf32>
      %div3A_617 = vector.broadcast %squeeze3A_612 : f32 to vector<16xf32>
      %div3A_618 = arith.divf %sub3A_616, %div3A_617 : vector<16xf32>
      %mul3A_619 = arith.mulf %div3A_618, %div3A_618 : vector<16xf32>
      %neg3A_620 = arith.constant 0.000000e+00 : f32
      %neg3A_621 = vector.broadcast %neg3A_620 : f32 to vector<16xf32>
      %neg3A_622 = arith.subf %neg3A_621, %mul3A_619 : vector<16xf32>
      %div3A_623 = arith.constant 2.000000e+00 : f32
      %div3A_624 = vector.broadcast %div3A_623 : f32 to vector<16xf32>
      %div3A_625 = arith.divf %neg3A_622, %div3A_624 : vector<16xf32>
      %exp3A_626 = math.exp %div3A_625 : vector<16xf32>
      %mul3A_627 = vector.broadcast %squeeze3A_610 : f32 to vector<16xf32>
      %mul3A_628 = arith.mulf %mul3A_627, %exp3A_626 : vector<16xf32>
      %add3A_629 = arith.addf %broadcast_in_dim3A_606, %mul3A_628 : vector<16xf32>
      %mul3A_630 = arith.mulf %div3A_604, %add3A_629 : vector<16xf32>
      %add3A_631 = arith.addf %add3A_589, %mul3A_630 : vector<16xf32>
      %get3A_632 = arith.constant 224 : index
      %get3A_633 = tpu.vector_load %arg4[%get3A_632] {strides = array<i32>} : memref<1040xf32, #tpu.memory_space<vmem>>, vector<16xf32>,
      %sub3A_634 = arith.constant 1.000000e+00 : f32
      %sub3A_635 = vector.broadcast %sub3A_634 : f32 to vector<16xf32>
      %sub3A_636 = arith.subf %get3A_633, %sub3A_635 : vector<16xf32>
      %mul3A_637 = arith.constant 1.000000e+01 : f32
      %mul3A_638 = vector.broadcast %mul3A_637 : f32 to vector<16xf32>
      %mul3A_639 = arith.mulf %sub3A_636, %mul3A_638 : vector<16xf32>
      %exp3A_640 = math.exp %mul3A_639 : vector<16xf32>
      %add3A_641 = arith.constant 1.000000e+00 : f32
      %add3A_642 = vector.broadcast %add3A_641 : f32 to vector<16xf32>
      %add3A_643 = arith.addf %add3A_642, %exp3A_640 : vector<16xf32>
      %div3A_644 = arith.constant 1.000000e+00 : f32
      %div3A_645 = vector.broadcast %div3A_644 : f32 to vector<16xf32>
      %div3A_646 = arith.divf %div3A_645, %add3A_643 : vector<16xf32>
      %broadcast_in_dim3A_647 = arith.constant 0.000000e+00 : f32
      %broadcast_in_dim3A_648 = vector.broadcast %broadcast_in_dim3A_647 : f32 to vector<16xf32>
      %slice3A_649 = vector.extract_strided_slice %get3A_7 {offsets = [0], sizes = [1], strides = [1]} : vector<16xf32> to vector<1xf32>
      %squeeze3A_650 = vector.extract %slice3A_649[0] : f32 from vector<1xf32>
      %slice3A_651 = vector.extract_strided_slice %get3A_7 {offsets = [1], sizes = [1], strides = [1]} : vector<16xf32> to vector<1xf32>
      %squeeze3A_652 = vector.extract %slice3A_651[0] : f32 from vector<1xf32>
      %slice3A_653 = vector.extract_strided_slice %get3A_7 {offsets = [2], sizes = [1], strides = [1]} : vector<16xf32> to vector<1xf32>
      %squeeze3A_654 = vector.extract %slice3A_653[0] : f32 from vector<1xf32>
      %div3A_655 = vector.broadcast %squeeze3A : f32 to vector<16xf32>
      %div3A_656 = arith.divf %get3A_633, %div3A_655 : vector<16xf32>
      %sub3A_657 = vector.broadcast %squeeze3A_650 : f32 to vector<16xf32>
      %sub3A_658 = arith.subf %div3A_656, %sub3A_657 : vector<16xf32>
      %div3A_659 = vector.broadcast %squeeze3A_654 : f32 to vector<16xf32>
      %div3A_660 = arith.divf %sub3A_658, %div3A_659 : vector<16xf32>
      %mul3A_661 = arith.mulf %div3A_660, %div3A_660 : vector<16xf32>
      %neg3A_662 = arith.constant 0.000000e+00 : f32
      %neg3A_663 = vector.broadcast %neg3A_662 : f32 to vector<16xf32>
      %neg3A_664 = arith.subf %neg3A_663, %mul3A_661 : vector<16xf32>
      %div3A_665 = arith.constant 2.000000e+00 : f32
      %div3A_666 = vector.broadcast %div3A_665 : f32 to vector<16xf32>
      %div3A_667 = arith.divf %neg3A_664, %div3A_666 : vector<16xf32>
      %exp3A_668 = math.exp %div3A_667 : vector<16xf32>
      %mul3A_669 = vector.broadcast %squeeze3A_652 : f32 to vector<16xf32>
      %mul3A_670 = arith.mulf %mul3A_669, %exp3A_668 : vector<16xf32>
      %add3A_671 = arith.addf %broadcast_in_dim3A_648, %mul3A_670 : vector<16xf32>
      %mul3A_672 = arith.mulf %div3A_646, %add3A_671 : vector<16xf32>
      %add3A_673 = arith.addf %add3A_631, %mul3A_672 : vector<16xf32>
      %get3A_674 = arith.constant 240 : index
      %get3A_675 = tpu.vector_load %arg4[%get3A_674] {strides = array<i32>} : memref<1040xf32, #tpu.memory_space<vmem>>, vector<16xf32>,
      %sub3A_676 = arith.constant 1.000000e+00 : f32
      %sub3A_677 = vector.broadcast %sub3A_676 : f32 to vector<16xf32>
      %sub3A_678 = arith.subf %get3A_675, %sub3A_677 : vector<16xf32>
      %mul3A_679 = arith.constant 1.000000e+01 : f32
      %mul3A_680 = vector.broadcast %mul3A_679 : f32 to vector<16xf32>
      %mul3A_681 = arith.mulf %sub3A_678, %mul3A_680 : vector<16xf32>
      %exp3A_682 = math.exp %mul3A_681 : vector<16xf32>
      %add3A_683 = arith.constant 1.000000e+00 : f32
      %add3A_684 = vector.broadcast %add3A_683 : f32 to vector<16xf32>
      %add3A_685 = arith.addf %add3A_684, %exp3A_682 : vector<16xf32>
      %div3A_686 = arith.constant 1.000000e+00 : f32
      %div3A_687 = vector.broadcast %div3A_686 : f32 to vector<16xf32>
      %div3A_688 = arith.divf %div3A_687, %add3A_685 : vector<16xf32>
      %broadcast_in_dim3A_689 = arith.constant 0.000000e+00 : f32
      %broadcast_in_dim3A_690 = vector.broadcast %broadcast_in_dim3A_689 : f32 to vector<16xf32>
      %slice3A_691 = vector.extract_strided_slice %get3A_7 {offsets = [0], sizes = [1], strides = [1]} : vector<16xf32> to vector<1xf32>
      %squeeze3A_692 = vector.extract %slice3A_691[0] : f32 from vector<1xf32>
      %slice3A_693 = vector.extract_strided_slice %get3A_7 {offsets = [1], sizes = [1], strides = [1]} : vector<16xf32> to vector<1xf32>
      %squeeze3A_694 = vector.extract %slice3A_693[0] : f32 from vector<1xf32>
      %slice3A_695 = vector.extract_strided_slice %get3A_7 {offsets = [2], sizes = [1], strides = [1]} : vector<16xf32> to vector<1xf32>
      %squeeze3A_696 = vector.extract %slice3A_695[0] : f32 from vector<1xf32>
      %div3A_697 = vector.broadcast %squeeze3A : f32 to vector<16xf32>
      %div3A_698 = arith.divf %get3A_675, %div3A_697 : vector<16xf32>
      %sub3A_699 = vector.broadcast %squeeze3A_692 : f32 to vector<16xf32>
      %sub3A_700 = arith.subf %div3A_698, %sub3A_699 : vector<16xf32>
      %div3A_701 = vector.broadcast %squeeze3A_696 : f32 to vector<16xf32>
      %div3A_702 = arith.divf %sub3A_700, %div3A_701 : vector<16xf32>
      %mul3A_703 = arith.mulf %div3A_702, %div3A_702 : vector<16xf32>
      %neg3A_704 = arith.constant 0.000000e+00 : f32
      %neg3A_705 = vector.broadcast %neg3A_704 : f32 to vector<16xf32>
      %neg3A_706 = arith.subf %neg3A_705, %mul3A_703 : vector<16xf32>
      %div3A_707 = arith.constant 2.000000e+00 : f32
      %div3A_708 = vector.broadcast %div3A_707 : f32 to vector<16xf32>
      %div3A_709 = arith.divf %neg3A_706, %div3A_708 : vector<16xf32>
      %exp3A_710 = math.exp %div3A_709 : vector<16xf32>
      %mul3A_711 = vector.broadcast %squeeze3A_694 : f32 to vector<16xf32>
      %mul3A_712 = arith.mulf %mul3A_711, %exp3A_710 : vector<16xf32>
      %add3A_713 = arith.addf %broadcast_in_dim3A_690, %mul3A_712 : vector<16xf32>
      %mul3A_714 = arith.mulf %div3A_688, %add3A_713 : vector<16xf32>
      %add3A_715 = arith.addf %add3A_673, %mul3A_714 : vector<16xf32>
      %get3A_716 = arith.constant 256 : index
      %get3A_717 = tpu.vector_load %arg4[%get3A_716] {strides = array<i32>} : memref<1040xf32, #tpu.memory_space<vmem>>, vector<16xf32>,
      %sub3A_718 = arith.constant 1.000000e+00 : f32
      %sub3A_719 = vector.broadcast %sub3A_718 : f32 to vector<16xf32>
      %sub3A_720 = arith.subf %get3A_717, %sub3A_719 : vector<16xf32>
      %mul3A_721 = arith.constant 1.000000e+01 : f32
      %mul3A_722 = vector.broadcast %mul3A_721 : f32 to vector<16xf32>
      %mul3A_723 = arith.mulf %sub3A_720, %mul3A_722 : vector<16xf32>
      %exp3A_724 = math.exp %mul3A_723 : vector<16xf32>
      %add3A_725 = arith.constant 1.000000e+00 : f32
      %add3A_726 = vector.broadcast %add3A_725 : f32 to vector<16xf32>
      %add3A_727 = arith.addf %add3A_726, %exp3A_724 : vector<16xf32>
      %div3A_728 = arith.constant 1.000000e+00 : f32
      %div3A_729 = vector.broadcast %div3A_728 : f32 to vector<16xf32>
      %div3A_730 = arith.divf %div3A_729, %add3A_727 : vector<16xf32>
      %broadcast_in_dim3A_731 = arith.constant 0.000000e+00 : f32
      %broadcast_in_dim3A_732 = vector.broadcast %broadcast_in_dim3A_731 : f32 to vector<16xf32>
      %slice3A_733 = vector.extract_strided_slice %get3A_7 {offsets = [0], sizes = [1], strides = [1]} : vector<16xf32> to vector<1xf32>
      %squeeze3A_734 = vector.extract %slice3A_733[0] : f32 from vector<1xf32>
      %slice3A_735 = vector.extract_strided_slice %get3A_7 {offsets = [1], sizes = [1], strides = [1]} : vector<16xf32> to vector<1xf32>
      %squeeze3A_736 = vector.extract %slice3A_735[0] : f32 from vector<1xf32>
      %slice3A_737 = vector.extract_strided_slice %get3A_7 {offsets = [2], sizes = [1], strides = [1]} : vector<16xf32> to vector<1xf32>
      %squeeze3A_738 = vector.extract %slice3A_737[0] : f32 from vector<1xf32>
      %div3A_739 = vector.broadcast %squeeze3A : f32 to vector<16xf32>
      %div3A_740 = arith.divf %get3A_717, %div3A_739 : vector<16xf32>
      %sub3A_741 = vector.broadcast %squeeze3A_734 : f32 to vector<16xf32>
      %sub3A_742 = arith.subf %div3A_740, %sub3A_741 : vector<16xf32>
      %div3A_743 = vector.broadcast %squeeze3A_738 : f32 to vector<16xf32>
      %div3A_744 = arith.divf %sub3A_742, %div3A_743 : vector<16xf32>
      %mul3A_745 = arith.mulf %div3A_744, %div3A_744 : vector<16xf32>
      %neg3A_746 = arith.constant 0.000000e+00 : f32
      %neg3A_747 = vector.broadcast %neg3A_746 : f32 to vector<16xf32>
      %neg3A_748 = arith.subf %neg3A_747, %mul3A_745 : vector<16xf32>
      %div3A_749 = arith.constant 2.000000e+00 : f32
      %div3A_750 = vector.broadcast %div3A_749 : f32 to vector<16xf32>
      %div3A_751 = arith.divf %neg3A_748, %div3A_750 : vector<16xf32>
      %exp3A_752 = math.exp %div3A_751 : vector<16xf32>
      %mul3A_753 = vector.broadcast %squeeze3A_736 : f32 to vector<16xf32>
      %mul3A_754 = arith.mulf %mul3A_753, %exp3A_752 : vector<16xf32>
      %add3A_755 = arith.addf %broadcast_in_dim3A_732, %mul3A_754 : vector<16xf32>
      %mul3A_756 = arith.mulf %div3A_730, %add3A_755 : vector<16xf32>
      %add3A_757 = arith.addf %add3A_715, %mul3A_756 : vector<16xf32>
      %get3A_758 = arith.constant 272 : index
      %get3A_759 = tpu.vector_load %arg4[%get3A_758] {strides = array<i32>} : memref<1040xf32, #tpu.memory_space<vmem>>, vector<16xf32>,
      %sub3A_760 = arith.constant 1.000000e+00 : f32
      %sub3A_761 = vector.broadcast %sub3A_760 : f32 to vector<16xf32>
      %sub3A_762 = arith.subf %get3A_759, %sub3A_761 : vector<16xf32>
      %mul3A_763 = arith.constant 1.000000e+01 : f32
      %mul3A_764 = vector.broadcast %mul3A_763 : f32 to vector<16xf32>
      %mul3A_765 = arith.mulf %sub3A_762, %mul3A_764 : vector<16xf32>
      %exp3A_766 = math.exp %mul3A_765 : vector<16xf32>
      %add3A_767 = arith.constant 1.000000e+00 : f32
      %add3A_768 = vector.broadcast %add3A_767 : f32 to vector<16xf32>
      %add3A_769 = arith.addf %add3A_768, %exp3A_766 : vector<16xf32>
      %div3A_770 = arith.constant 1.000000e+00 : f32
      %div3A_771 = vector.broadcast %div3A_770 : f32 to vector<16xf32>
      %div3A_772 = arith.divf %div3A_771, %add3A_769 : vector<16xf32>
      %broadcast_in_dim3A_773 = arith.constant 0.000000e+00 : f32
      %broadcast_in_dim3A_774 = vector.broadcast %broadcast_in_dim3A_773 : f32 to vector<16xf32>
      %slice3A_775 = vector.extract_strided_slice %get3A_7 {offsets = [0], sizes = [1], strides = [1]} : vector<16xf32> to vector<1xf32>
      %squeeze3A_776 = vector.extract %slice3A_775[0] : f32 from vector<1xf32>
      %slice3A_777 = vector.extract_strided_slice %get3A_7 {offsets = [1], sizes = [1], strides = [1]} : vector<16xf32> to vector<1xf32>
      %squeeze3A_778 = vector.extract %slice3A_777[0] : f32 from vector<1xf32>
      %slice3A_779 = vector.extract_strided_slice %get3A_7 {offsets = [2], sizes = [1], strides = [1]} : vector<16xf32> to vector<1xf32>
      %squeeze3A_780 = vector.extract %slice3A_779[0] : f32 from vector<1xf32>
      %div3A_781 = vector.broadcast %squeeze3A : f32 to vector<16xf32>
      %div3A_782 = arith.divf %get3A_759, %div3A_781 : vector<16xf32>
      %sub3A_783 = vector.broadcast %squeeze3A_776 : f32 to vector<16xf32>
      %sub3A_784 = arith.subf %div3A_782, %sub3A_783 : vector<16xf32>
      %div3A_785 = vector.broadcast %squeeze3A_780 : f32 to vector<16xf32>
      %div3A_786 = arith.divf %sub3A_784, %div3A_785 : vector<16xf32>
      %mul3A_787 = arith.mulf %div3A_786, %div3A_786 : vector<16xf32>
      %neg3A_788 = arith.constant 0.000000e+00 : f32
      %neg3A_789 = vector.broadcast %neg3A_788 : f32 to vector<16xf32>
      %neg3A_790 = arith.subf %neg3A_789, %mul3A_787 : vector<16xf32>
      %div3A_791 = arith.constant 2.000000e+00 : f32
      %div3A_792 = vector.broadcast %div3A_791 : f32 to vector<16xf32>
      %div3A_793 = arith.divf %neg3A_790, %div3A_792 : vector<16xf32>
      %exp3A_794 = math.exp %div3A_793 : vector<16xf32>
      %mul3A_795 = vector.broadcast %squeeze3A_778 : f32 to vector<16xf32>
      %mul3A_796 = arith.mulf %mul3A_795, %exp3A_794 : vector<16xf32>
      %add3A_797 = arith.addf %broadcast_in_dim3A_774, %mul3A_796 : vector<16xf32>
      %mul3A_798 = arith.mulf %div3A_772, %add3A_797 : vector<16xf32>
      %add3A_799 = arith.addf %add3A_757, %mul3A_798 : vector<16xf32>
      %get3A_800 = arith.constant 288 : index
      %get3A_801 = tpu.vector_load %arg4[%get3A_800] {strides = array<i32>} : memref<1040xf32, #tpu.memory_space<vmem>>, vector<16xf32>,
      %sub3A_802 = arith.constant 1.000000e+00 : f32
      %sub3A_803 = vector.broadcast %sub3A_802 : f32 to vector<16xf32>
      %sub3A_804 = arith.subf %get3A_801, %sub3A_803 : vector<16xf32>
      %mul3A_805 = arith.constant 1.000000e+01 : f32
      %mul3A_806 = vector.broadcast %mul3A_805 : f32 to vector<16xf32>
      %mul3A_807 = arith.mulf %sub3A_804, %mul3A_806 : vector<16xf32>
      %exp3A_808 = math.exp %mul3A_807 : vector<16xf32>
      %add3A_809 = arith.constant 1.000000e+00 : f32
      %add3A_810 = vector.broadcast %add3A_809 : f32 to vector<16xf32>
      %add3A_811 = arith.addf %add3A_810, %exp3A_808 : vector<16xf32>
      %div3A_812 = arith.constant 1.000000e+00 : f32
      %div3A_813 = vector.broadcast %div3A_812 : f32 to vector<16xf32>
      %div3A_814 = arith.divf %div3A_813, %add3A_811 : vector<16xf32>
      %broadcast_in_dim3A_815 = arith.constant 0.000000e+00 : f32
      %broadcast_in_dim3A_816 = vector.broadcast %broadcast_in_dim3A_815 : f32 to vector<16xf32>
      %slice3A_817 = vector.extract_strided_slice %get3A_7 {offsets = [0], sizes = [1], strides = [1]} : vector<16xf32> to vector<1xf32>
      %squeeze3A_818 = vector.extract %slice3A_817[0] : f32 from vector<1xf32>
      %slice3A_819 = vector.extract_strided_slice %get3A_7 {offsets = [1], sizes = [1], strides = [1]} : vector<16xf32> to vector<1xf32>
      %squeeze3A_820 = vector.extract %slice3A_819[0] : f32 from vector<1xf32>
      %slice3A_821 = vector.extract_strided_slice %get3A_7 {offsets = [2], sizes = [1], strides = [1]} : vector<16xf32> to vector<1xf32>
      %squeeze3A_822 = vector.extract %slice3A_821[0] : f32 from vector<1xf32>
      %div3A_823 = vector.broadcast %squeeze3A : f32 to vector<16xf32>
      %div3A_824 = arith.divf %get3A_801, %div3A_823 : vector<16xf32>
      %sub3A_825 = vector.broadcast %squeeze3A_818 : f32 to vector<16xf32>
      %sub3A_826 = arith.subf %div3A_824, %sub3A_825 : vector<16xf32>
      %div3A_827 = vector.broadcast %squeeze3A_822 : f32 to vector<16xf32>
      %div3A_828 = arith.divf %sub3A_826, %div3A_827 : vector<16xf32>
      %mul3A_829 = arith.mulf %div3A_828, %div3A_828 : vector<16xf32>
      %neg3A_830 = arith.constant 0.000000e+00 : f32
      %neg3A_831 = vector.broadcast %neg3A_830 : f32 to vector<16xf32>
      %neg3A_832 = arith.subf %neg3A_831, %mul3A_829 : vector<16xf32>
      %div3A_833 = arith.constant 2.000000e+00 : f32
      %div3A_834 = vector.broadcast %div3A_833 : f32 to vector<16xf32>
      %div3A_835 = arith.divf %neg3A_832, %div3A_834 : vector<16xf32>
      %exp3A_836 = math.exp %div3A_835 : vector<16xf32>
      %mul3A_837 = vector.broadcast %squeeze3A_820 : f32 to vector<16xf32>
      %mul3A_838 = arith.mulf %mul3A_837, %exp3A_836 : vector<16xf32>
      %add3A_839 = arith.addf %broadcast_in_dim3A_816, %mul3A_838 : vector<16xf32>
      %mul3A_840 = arith.mulf %div3A_814, %add3A_839 : vector<16xf32>
      %add3A_841 = arith.addf %add3A_799, %mul3A_840 : vector<16xf32>
      %get3A_842 = arith.constant 304 : index
      %get3A_843 = tpu.vector_load %arg4[%get3A_842] {strides = array<i32>} : memref<1040xf32, #tpu.memory_space<vmem>>, vector<16xf32>,
      %sub3A_844 = arith.constant 1.000000e+00 : f32
      %sub3A_845 = vector.broadcast %sub3A_844 : f32 to vector<16xf32>
      %sub3A_846 = arith.subf %get3A_843, %sub3A_845 : vector<16xf32>
      %mul3A_847 = arith.constant 1.000000e+01 : f32
      %mul3A_848 = vector.broadcast %mul3A_847 : f32 to vector<16xf32>
      %mul3A_849 = arith.mulf %sub3A_846, %mul3A_848 : vector<16xf32>
      %exp3A_850 = math.exp %mul3A_849 : vector<16xf32>
      %add3A_851 = arith.constant 1.000000e+00 : f32
      %add3A_852 = vector.broadcast %add3A_851 : f32 to vector<16xf32>
      %add3A_853 = arith.addf %add3A_852, %exp3A_850 : vector<16xf32>
      %div3A_854 = arith.constant 1.000000e+00 : f32
      %div3A_855 = vector.broadcast %div3A_854 : f32 to vector<16xf32>
      %div3A_856 = arith.divf %div3A_855, %add3A_853 : vector<16xf32>
      %broadcast_in_dim3A_857 = arith.constant 0.000000e+00 : f32
      %broadcast_in_dim3A_858 = vector.broadcast %broadcast_in_dim3A_857 : f32 to vector<16xf32>
      %slice3A_859 = vector.extract_strided_slice %get3A_7 {offsets = [0], sizes = [1], strides = [1]} : vector<16xf32> to vector<1xf32>
      %squeeze3A_860 = vector.extract %slice3A_859[0] : f32 from vector<1xf32>
      %slice3A_861 = vector.extract_strided_slice %get3A_7 {offsets = [1], sizes = [1], strides = [1]} : vector<16xf32> to vector<1xf32>
      %squeeze3A_862 = vector.extract %slice3A_861[0] : f32 from vector<1xf32>
      %slice3A_863 = vector.extract_strided_slice %get3A_7 {offsets = [2], sizes = [1], strides = [1]} : vector<16xf32> to vector<1xf32>
      %squeeze3A_864 = vector.extract %slice3A_863[0] : f32 from vector<1xf32>
      %div3A_865 = vector.broadcast %squeeze3A : f32 to vector<16xf32>
      %div3A_866 = arith.divf %get3A_843, %div3A_865 : vector<16xf32>
      %sub3A_867 = vector.broadcast %squeeze3A_860 : f32 to vector<16xf32>
      %sub3A_868 = arith.subf %div3A_866, %sub3A_867 : vector<16xf32>
      %div3A_869 = vector.broadcast %squeeze3A_864 : f32 to vector<16xf32>
      %div3A_870 = arith.divf %sub3A_868, %div3A_869 : vector<16xf32>
      %mul3A_871 = arith.mulf %div3A_870, %div3A_870 : vector<16xf32>
      %neg3A_872 = arith.constant 0.000000e+00 : f32
      %neg3A_873 = vector.broadcast %neg3A_872 : f32 to vector<16xf32>
      %neg3A_874 = arith.subf %neg3A_873, %mul3A_871 : vector<16xf32>
      %div3A_875 = arith.constant 2.000000e+00 : f32
      %div3A_876 = vector.broadcast %div3A_875 : f32 to vector<16xf32>
      %div3A_877 = arith.divf %neg3A_874, %div3A_876 : vector<16xf32>
      %exp3A_878 = math.exp %div3A_877 : vector<16xf32>
      %mul3A_879 = vector.broadcast %squeeze3A_862 : f32 to vector<16xf32>
      %mul3A_880 = arith.mulf %mul3A_879, %exp3A_878 : vector<16xf32>
      %add3A_881 = arith.addf %broadcast_in_dim3A_858, %mul3A_880 : vector<16xf32>
      %mul3A_882 = arith.mulf %div3A_856, %add3A_881 : vector<16xf32>
      %add3A_883 = arith.addf %add3A_841, %mul3A_882 : vector<16xf32>
      %get3A_884 = arith.constant 320 : index
      %get3A_885 = tpu.vector_load %arg4[%get3A_884] {strides = array<i32>} : memref<1040xf32, #tpu.memory_space<vmem>>, vector<16xf32>,
      %sub3A_886 = arith.constant 1.000000e+00 : f32
      %sub3A_887 = vector.broadcast %sub3A_886 : f32 to vector<16xf32>
      %sub3A_888 = arith.subf %get3A_885, %sub3A_887 : vector<16xf32>
      %mul3A_889 = arith.constant 1.000000e+01 : f32
      %mul3A_890 = vector.broadcast %mul3A_889 : f32 to vector<16xf32>
      %mul3A_891 = arith.mulf %sub3A_888, %mul3A_890 : vector<16xf32>
      %exp3A_892 = math.exp %mul3A_891 : vector<16xf32>
      %add3A_893 = arith.constant 1.000000e+00 : f32
      %add3A_894 = vector.broadcast %add3A_893 : f32 to vector<16xf32>
      %add3A_895 = arith.addf %add3A_894, %exp3A_892 : vector<16xf32>
      %div3A_896 = arith.constant 1.000000e+00 : f32
      %div3A_897 = vector.broadcast %div3A_896 : f32 to vector<16xf32>
      %div3A_898 = arith.divf %div3A_897, %add3A_895 : vector<16xf32>
      %broadcast_in_dim3A_899 = arith.constant 0.000000e+00 : f32
      %broadcast_in_dim3A_900 = vector.broadcast %broadcast_in_dim3A_899 : f32 to vector<16xf32>
      %slice3A_901 = vector.extract_strided_slice %get3A_7 {offsets = [0], sizes = [1], strides = [1]} : vector<16xf32> to vector<1xf32>
      %squeeze3A_902 = vector.extract %slice3A_901[0] : f32 from vector<1xf32>
      %slice3A_903 = vector.extract_strided_slice %get3A_7 {offsets = [1], sizes = [1], strides = [1]} : vector<16xf32> to vector<1xf32>
      %squeeze3A_904 = vector.extract %slice3A_903[0] : f32 from vector<1xf32>
      %slice3A_905 = vector.extract_strided_slice %get3A_7 {offsets = [2], sizes = [1], strides = [1]} : vector<16xf32> to vector<1xf32>
      %squeeze3A_906 = vector.extract %slice3A_905[0] : f32 from vector<1xf32>
      %div3A_907 = vector.broadcast %squeeze3A : f32 to vector<16xf32>
      %div3A_908 = arith.divf %get3A_885, %div3A_907 : vector<16xf32>
      %sub3A_909 = vector.broadcast %squeeze3A_902 : f32 to vector<16xf32>
      %sub3A_910 = arith.subf %div3A_908, %sub3A_909 : vector<16xf32>
      %div3A_911 = vector.broadcast %squeeze3A_906 : f32 to vector<16xf32>
      %div3A_912 = arith.divf %sub3A_910, %div3A_911 : vector<16xf32>
      %mul3A_913 = arith.mulf %div3A_912, %div3A_912 : vector<16xf32>
      %neg3A_914 = arith.constant 0.000000e+00 : f32
      %neg3A_915 = vector.broadcast %neg3A_914 : f32 to vector<16xf32>
      %neg3A_916 = arith.subf %neg3A_915, %mul3A_913 : vector<16xf32>
      %div3A_917 = arith.constant 2.000000e+00 : f32
      %div3A_918 = vector.broadcast %div3A_917 : f32 to vector<16xf32>
      %div3A_919 = arith.divf %neg3A_916, %div3A_918 : vector<16xf32>
      %exp3A_920 = math.exp %div3A_919 : vector<16xf32>
      %mul3A_921 = vector.broadcast %squeeze3A_904 : f32 to vector<16xf32>
      %mul3A_922 = arith.mulf %mul3A_921, %exp3A_920 : vector<16xf32>
      %add3A_923 = arith.addf %broadcast_in_dim3A_900, %mul3A_922 : vector<16xf32>
      %mul3A_924 = arith.mulf %div3A_898, %add3A_923 : vector<16xf32>
      %add3A_925 = arith.addf %add3A_883, %mul3A_924 : vector<16xf32>
      %get3A_926 = arith.constant 336 : index
      %get3A_927 = tpu.vector_load %arg4[%get3A_926] {strides = array<i32>} : memref<1040xf32, #tpu.memory_space<vmem>>, vector<16xf32>,
      %sub3A_928 = arith.constant 1.000000e+00 : f32
      %sub3A_929 = vector.broadcast %sub3A_928 : f32 to vector<16xf32>
      %sub3A_930 = arith.subf %get3A_927, %sub3A_929 : vector<16xf32>
      %mul3A_931 = arith.constant 1.000000e+01 : f32
      %mul3A_932 = vector.broadcast %mul3A_931 : f32 to vector<16xf32>
      %mul3A_933 = arith.mulf %sub3A_930, %mul3A_932 : vector<16xf32>
      %exp3A_934 = math.exp %mul3A_933 : vector<16xf32>
      %add3A_935 = arith.constant 1.000000e+00 : f32
      %add3A_936 = vector.broadcast %add3A_935 : f32 to vector<16xf32>
      %add3A_937 = arith.addf %add3A_936, %exp3A_934 : vector<16xf32>
      %div3A_938 = arith.constant 1.000000e+00 : f32
      %div3A_939 = vector.broadcast %div3A_938 : f32 to vector<16xf32>
      %div3A_940 = arith.divf %div3A_939, %add3A_937 : vector<16xf32>
      %broadcast_in_dim3A_941 = arith.constant 0.000000e+00 : f32
      %broadcast_in_dim3A_942 = vector.broadcast %broadcast_in_dim3A_941 : f32 to vector<16xf32>
      %slice3A_943 = vector.extract_strided_slice %get3A_7 {offsets = [0], sizes = [1], strides = [1]} : vector<16xf32> to vector<1xf32>
      %squeeze3A_944 = vector.extract %slice3A_943[0] : f32 from vector<1xf32>
      %slice3A_945 = vector.extract_strided_slice %get3A_7 {offsets = [1], sizes = [1], strides = [1]} : vector<16xf32> to vector<1xf32>
      %squeeze3A_946 = vector.extract %slice3A_945[0] : f32 from vector<1xf32>
      %slice3A_947 = vector.extract_strided_slice %get3A_7 {offsets = [2], sizes = [1], strides = [1]} : vector<16xf32> to vector<1xf32>
      %squeeze3A_948 = vector.extract %slice3A_947[0] : f32 from vector<1xf32>
      %div3A_949 = vector.broadcast %squeeze3A : f32 to vector<16xf32>
      %div3A_950 = arith.divf %get3A_927, %div3A_949 : vector<16xf32>
      %sub3A_951 = vector.broadcast %squeeze3A_944 : f32 to vector<16xf32>
      %sub3A_952 = arith.subf %div3A_950, %sub3A_951 : vector<16xf32>
      %div3A_953 = vector.broadcast %squeeze3A_948 : f32 to vector<16xf32>
      %div3A_954 = arith.divf %sub3A_952, %div3A_953 : vector<16xf32>
      %mul3A_955 = arith.mulf %div3A_954, %div3A_954 : vector<16xf32>
      %neg3A_956 = arith.constant 0.000000e+00 : f32
      %neg3A_957 = vector.broadcast %neg3A_956 : f32 to vector<16xf32>
      %neg3A_958 = arith.subf %neg3A_957, %mul3A_955 : vector<16xf32>
      %div3A_959 = arith.constant 2.000000e+00 : f32
      %div3A_960 = vector.broadcast %div3A_959 : f32 to vector<16xf32>
      %div3A_961 = arith.divf %neg3A_958, %div3A_960 : vector<16xf32>
      %exp3A_962 = math.exp %div3A_961 : vector<16xf32>
      %mul3A_963 = vector.broadcast %squeeze3A_946 : f32 to vector<16xf32>
      %mul3A_964 = arith.mulf %mul3A_963, %exp3A_962 : vector<16xf32>
      %add3A_965 = arith.addf %broadcast_in_dim3A_942, %mul3A_964 : vector<16xf32>
      %mul3A_966 = arith.mulf %div3A_940, %add3A_965 : vector<16xf32>
      %add3A_967 = arith.addf %add3A_925, %mul3A_966 : vector<16xf32>
      %get3A_968 = arith.constant 352 : index
      %get3A_969 = tpu.vector_load %arg4[%get3A_968] {strides = array<i32>} : memref<1040xf32, #tpu.memory_space<vmem>>, vector<16xf32>,
      %sub3A_970 = arith.constant 1.000000e+00 : f32
      %sub3A_971 = vector.broadcast %sub3A_970 : f32 to vector<16xf32>
      %sub3A_972 = arith.subf %get3A_969, %sub3A_971 : vector<16xf32>
      %mul3A_973 = arith.constant 1.000000e+01 : f32
      %mul3A_974 = vector.broadcast %mul3A_973 : f32 to vector<16xf32>
      %mul3A_975 = arith.mulf %sub3A_972, %mul3A_974 : vector<16xf32>
      %exp3A_976 = math.exp %mul3A_975 : vector<16xf32>
      %add3A_977 = arith.constant 1.000000e+00 : f32
      %add3A_978 = vector.broadcast %add3A_977 : f32 to vector<16xf32>
      %add3A_979 = arith.addf %add3A_978, %exp3A_976 : vector<16xf32>
      %div3A_980 = arith.constant 1.000000e+00 : f32
      %div3A_981 = vector.broadcast %div3A_980 : f32 to vector<16xf32>
      %div3A_982 = arith.divf %div3A_981, %add3A_979 : vector<16xf32>
      %broadcast_in_dim3A_983 = arith.constant 0.000000e+00 : f32
      %broadcast_in_dim3A_984 = vector.broadcast %broadcast_in_dim3A_983 : f32 to vector<16xf32>
      %slice3A_985 = vector.extract_strided_slice %get3A_7 {offsets = [0], sizes = [1], strides = [1]} : vector<16xf32> to vector<1xf32>
      %squeeze3A_986 = vector.extract %slice3A_985[0] : f32 from vector<1xf32>
      %slice3A_987 = vector.extract_strided_slice %get3A_7 {offsets = [1], sizes = [1], strides = [1]} : vector<16xf32> to vector<1xf32>
      %squeeze3A_988 = vector.extract %slice3A_987[0] : f32 from vector<1xf32>
      %slice3A_989 = vector.extract_strided_slice %get3A_7 {offsets = [2], sizes = [1], strides = [1]} : vector<16xf32> to vector<1xf32>
      %squeeze3A_990 = vector.extract %slice3A_989[0] : f32 from vector<1xf32>
      %div3A_991 = vector.broadcast %squeeze3A : f32 to vector<16xf32>
      %div3A_992 = arith.divf %get3A_969, %div3A_991 : vector<16xf32>
      %sub3A_993 = vector.broadcast %squeeze3A_986 : f32 to vector<16xf32>
      %sub3A_994 = arith.subf %div3A_992, %sub3A_993 : vector<16xf32>
      %div3A_995 = vector.broadcast %squeeze3A_990 : f32 to vector<16xf32>
      %div3A_996 = arith.divf %sub3A_994, %div3A_995 : vector<16xf32>
      %mul3A_997 = arith.mulf %div3A_996, %div3A_996 : vector<16xf32>
      %neg3A_998 = arith.constant 0.000000e+00 : f32
      %neg3A_999 = vector.broadcast %neg3A_998 : f32 to vector<16xf32>
      %neg3A_1000 = arith.subf %neg3A_999, %mul3A_997 : vector<16xf32>
      %div3A_1001 = arith.constant 2.000000e+00 : f32
      %div3A_1002 = vector.broadcast %div3A_1001 : f32 to vector<16xf32>
      %div3A_1003 = arith.divf %neg3A_1000, %div3A_1002 : vector<16xf32>
      %exp3A_1004 = math.exp %div3A_1003 : vector<16xf32>
      %mul3A_1005 = vector.broadcast %squeeze3A_988 : f32 to vector<16xf32>
      %mul3A_1006 = arith.mulf %mul3A_1005, %exp3A_1004 : vector<16xf32>
      %add3A_1007 = arith.addf %broadcast_in_dim3A_984, %mul3A_1006 : vector<16xf32>
      %mul3A_1008 = arith.mulf %div3A_982, %add3A_1007 : vector<16xf32>
      %add3A_1009 = arith.addf %add3A_967, %mul3A_1008 : vector<16xf32>
      %get3A_1010 = arith.constant 368 : index
      %get3A_1011 = tpu.vector_load %arg4[%get3A_1010] {strides = array<i32>} : memref<1040xf32, #tpu.memory_space<vmem>>, vector<16xf32>,
      %sub3A_1012 = arith.constant 1.000000e+00 : f32
      %sub3A_1013 = vector.broadcast %sub3A_1012 : f32 to vector<16xf32>
      %sub3A_1014 = arith.subf %get3A_1011, %sub3A_1013 : vector<16xf32>
      %mul3A_1015 = arith.constant 1.000000e+01 : f32
      %mul3A_1016 = vector.broadcast %mul3A_1015 : f32 to vector<16xf32>
      %mul3A_1017 = arith.mulf %sub3A_1014, %mul3A_1016 : vector<16xf32>
      %exp3A_1018 = math.exp %mul3A_1017 : vector<16xf32>
      %add3A_1019 = arith.constant 1.000000e+00 : f32
      %add3A_1020 = vector.broadcast %add3A_1019 : f32 to vector<16xf32>
      %add3A_1021 = arith.addf %add3A_1020, %exp3A_1018 : vector<16xf32>
      %div3A_1022 = arith.constant 1.000000e+00 : f32
      %div3A_1023 = vector.broadcast %div3A_1022 : f32 to vector<16xf32>
      %div3A_1024 = arith.divf %div3A_1023, %add3A_1021 : vector<16xf32>
      %broadcast_in_dim3A_1025 = arith.constant 0.000000e+00 : f32
      %broadcast_in_dim3A_1026 = vector.broadcast %broadcast_in_dim3A_1025 : f32 to vector<16xf32>
      %slice3A_1027 = vector.extract_strided_slice %get3A_7 {offsets = [0], sizes = [1], strides = [1]} : vector<16xf32> to vector<1xf32>
      %squeeze3A_1028 = vector.extract %slice3A_1027[0] : f32 from vector<1xf32>
      %slice3A_1029 = vector.extract_strided_slice %get3A_7 {offsets = [1], sizes = [1], strides = [1]} : vector<16xf32> to vector<1xf32>
      %squeeze3A_1030 = vector.extract %slice3A_1029[0] : f32 from vector<1xf32>
      %slice3A_1031 = vector.extract_strided_slice %get3A_7 {offsets = [2], sizes = [1], strides = [1]} : vector<16xf32> to vector<1xf32>
      %squeeze3A_1032 = vector.extract %slice3A_1031[0] : f32 from vector<1xf32>
      %div3A_1033 = vector.broadcast %squeeze3A : f32 to vector<16xf32>
      %div3A_1034 = arith.divf %get3A_1011, %div3A_1033 : vector<16xf32>
      %sub3A_1035 = vector.broadcast %squeeze3A_1028 : f32 to vector<16xf32>
      %sub3A_1036 = arith.subf %div3A_1034, %sub3A_1035 : vector<16xf32>
      %div3A_1037 = vector.broadcast %squeeze3A_1032 : f32 to vector<16xf32>
      %div3A_1038 = arith.divf %sub3A_1036, %div3A_1037 : vector<16xf32>
      %mul3A_1039 = arith.mulf %div3A_1038, %div3A_1038 : vector<16xf32>
      %neg3A_1040 = arith.constant 0.000000e+00 : f32
      %neg3A_1041 = vector.broadcast %neg3A_1040 : f32 to vector<16xf32>
      %neg3A_1042 = arith.subf %neg3A_1041, %mul3A_1039 : vector<16xf32>
      %div3A_1043 = arith.constant 2.000000e+00 : f32
      %div3A_1044 = vector.broadcast %div3A_1043 : f32 to vector<16xf32>
      %div3A_1045 = arith.divf %neg3A_1042, %div3A_1044 : vector<16xf32>
      %exp3A_1046 = math.exp %div3A_1045 : vector<16xf32>
      %mul3A_1047 = vector.broadcast %squeeze3A_1030 : f32 to vector<16xf32>
      %mul3A_1048 = arith.mulf %mul3A_1047, %exp3A_1046 : vector<16xf32>
      %add3A_1049 = arith.addf %broadcast_in_dim3A_1026, %mul3A_1048 : vector<16xf32>
      %mul3A_1050 = arith.mulf %div3A_1024, %add3A_1049 : vector<16xf32>
      %add3A_1051 = arith.addf %add3A_1009, %mul3A_1050 : vector<16xf32>
      %get3A_1052 = arith.constant 384 : index
      %get3A_1053 = tpu.vector_load %arg4[%get3A_1052] {strides = array<i32>} : memref<1040xf32, #tpu.memory_space<vmem>>, vector<16xf32>,
      %sub3A_1054 = arith.constant 1.000000e+00 : f32
      %sub3A_1055 = vector.broadcast %sub3A_1054 : f32 to vector<16xf32>
      %sub3A_1056 = arith.subf %get3A_1053, %sub3A_1055 : vector<16xf32>
      %mul3A_1057 = arith.constant 1.000000e+01 : f32
      %mul3A_1058 = vector.broadcast %mul3A_1057 : f32 to vector<16xf32>
      %mul3A_1059 = arith.mulf %sub3A_1056, %mul3A_1058 : vector<16xf32>
      %exp3A_1060 = math.exp %mul3A_1059 : vector<16xf32>
      %add3A_1061 = arith.constant 1.000000e+00 : f32
      %add3A_1062 = vector.broadcast %add3A_1061 : f32 to vector<16xf32>
      %add3A_1063 = arith.addf %add3A_1062, %exp3A_1060 : vector<16xf32>
      %div3A_1064 = arith.constant 1.000000e+00 : f32
      %div3A_1065 = vector.broadcast %div3A_1064 : f32 to vector<16xf32>
      %div3A_1066 = arith.divf %div3A_1065, %add3A_1063 : vector<16xf32>
      %broadcast_in_dim3A_1067 = arith.constant 0.000000e+00 : f32
      %broadcast_in_dim3A_1068 = vector.broadcast %broadcast_in_dim3A_1067 : f32 to vector<16xf32>
      %slice3A_1069 = vector.extract_strided_slice %get3A_7 {offsets = [0], sizes = [1], strides = [1]} : vector<16xf32> to vector<1xf32>
      %squeeze3A_1070 = vector.extract %slice3A_1069[0] : f32 from vector<1xf32>
      %slice3A_1071 = vector.extract_strided_slice %get3A_7 {offsets = [1], sizes = [1], strides = [1]} : vector<16xf32> to vector<1xf32>
      %squeeze3A_1072 = vector.extract %slice3A_1071[0] : f32 from vector<1xf32>
      %slice3A_1073 = vector.extract_strided_slice %get3A_7 {offsets = [2], sizes = [1], strides = [1]} : vector<16xf32> to vector<1xf32>
      %squeeze3A_1074 = vector.extract %slice3A_1073[0] : f32 from vector<1xf32>
      %div3A_1075 = vector.broadcast %squeeze3A : f32 to vector<16xf32>
      %div3A_1076 = arith.divf %get3A_1053, %div3A_1075 : vector<16xf32>
      %sub3A_1077 = vector.broadcast %squeeze3A_1070 : f32 to vector<16xf32>
      %sub3A_1078 = arith.subf %div3A_1076, %sub3A_1077 : vector<16xf32>
      %div3A_1079 = vector.broadcast %squeeze3A_1074 : f32 to vector<16xf32>
      %div3A_1080 = arith.divf %sub3A_1078, %div3A_1079 : vector<16xf32>
      %mul3A_1081 = arith.mulf %div3A_1080, %div3A_1080 : vector<16xf32>
      %neg3A_1082 = arith.constant 0.000000e+00 : f32
      %neg3A_1083 = vector.broadcast %neg3A_1082 : f32 to vector<16xf32>
      %neg3A_1084 = arith.subf %neg3A_1083, %mul3A_1081 : vector<16xf32>
      %div3A_1085 = arith.constant 2.000000e+00 : f32
      %div3A_1086 = vector.broadcast %div3A_1085 : f32 to vector<16xf32>
      %div3A_1087 = arith.divf %neg3A_1084, %div3A_1086 : vector<16xf32>
      %exp3A_1088 = math.exp %div3A_1087 : vector<16xf32>
      %mul3A_1089 = vector.broadcast %squeeze3A_1072 : f32 to vector<16xf32>
      %mul3A_1090 = arith.mulf %mul3A_1089, %exp3A_1088 : vector<16xf32>
      %add3A_1091 = arith.addf %broadcast_in_dim3A_1068, %mul3A_1090 : vector<16xf32>
      %mul3A_1092 = arith.mulf %div3A_1066, %add3A_1091 : vector<16xf32>
      %add3A_1093 = arith.addf %add3A_1051, %mul3A_1092 : vector<16xf32>
      %get3A_1094 = arith.constant 400 : index
      %get3A_1095 = tpu.vector_load %arg4[%get3A_1094] {strides = array<i32>} : memref<1040xf32, #tpu.memory_space<vmem>>, vector<16xf32>,
      %sub3A_1096 = arith.constant 1.000000e+00 : f32
      %sub3A_1097 = vector.broadcast %sub3A_1096 : f32 to vector<16xf32>
      %sub3A_1098 = arith.subf %get3A_1095, %sub3A_1097 : vector<16xf32>
      %mul3A_1099 = arith.constant 1.000000e+01 : f32
      %mul3A_1100 = vector.broadcast %mul3A_1099 : f32 to vector<16xf32>
      %mul3A_1101 = arith.mulf %sub3A_1098, %mul3A_1100 : vector<16xf32>
      %exp3A_1102 = math.exp %mul3A_1101 : vector<16xf32>
      %add3A_1103 = arith.constant 1.000000e+00 : f32
      %add3A_1104 = vector.broadcast %add3A_1103 : f32 to vector<16xf32>
      %add3A_1105 = arith.addf %add3A_1104, %exp3A_1102 : vector<16xf32>
      %div3A_1106 = arith.constant 1.000000e+00 : f32
      %div3A_1107 = vector.broadcast %div3A_1106 : f32 to vector<16xf32>
      %div3A_1108 = arith.divf %div3A_1107, %add3A_1105 : vector<16xf32>
      %broadcast_in_dim3A_1109 = arith.constant 0.000000e+00 : f32
      %broadcast_in_dim3A_1110 = vector.broadcast %broadcast_in_dim3A_1109 : f32 to vector<16xf32>
      %slice3A_1111 = vector.extract_strided_slice %get3A_7 {offsets = [0], sizes = [1], strides = [1]} : vector<16xf32> to vector<1xf32>
      %squeeze3A_1112 = vector.extract %slice3A_1111[0] : f32 from vector<1xf32>
      %slice3A_1113 = vector.extract_strided_slice %get3A_7 {offsets = [1], sizes = [1], strides = [1]} : vector<16xf32> to vector<1xf32>
      %squeeze3A_1114 = vector.extract %slice3A_1113[0] : f32 from vector<1xf32>
      %slice3A_1115 = vector.extract_strided_slice %get3A_7 {offsets = [2], sizes = [1], strides = [1]} : vector<16xf32> to vector<1xf32>
      %squeeze3A_1116 = vector.extract %slice3A_1115[0] : f32 from vector<1xf32>
      %div3A_1117 = vector.broadcast %squeeze3A : f32 to vector<16xf32>
      %div3A_1118 = arith.divf %get3A_1095, %div3A_1117 : vector<16xf32>
      %sub3A_1119 = vector.broadcast %squeeze3A_1112 : f32 to vector<16xf32>
      %sub3A_1120 = arith.subf %div3A_1118, %sub3A_1119 : vector<16xf32>
      %div3A_1121 = vector.broadcast %squeeze3A_1116 : f32 to vector<16xf32>
      %div3A_1122 = arith.divf %sub3A_1120, %div3A_1121 : vector<16xf32>
      %mul3A_1123 = arith.mulf %div3A_1122, %div3A_1122 : vector<16xf32>
      %neg3A_1124 = arith.constant 0.000000e+00 : f32
      %neg3A_1125 = vector.broadcast %neg3A_1124 : f32 to vector<16xf32>
      %neg3A_1126 = arith.subf %neg3A_1125, %mul3A_1123 : vector<16xf32>
      %div3A_1127 = arith.constant 2.000000e+00 : f32
      %div3A_1128 = vector.broadcast %div3A_1127 : f32 to vector<16xf32>
      %div3A_1129 = arith.divf %neg3A_1126, %div3A_1128 : vector<16xf32>
      %exp3A_1130 = math.exp %div3A_1129 : vector<16xf32>
      %mul3A_1131 = vector.broadcast %squeeze3A_1114 : f32 to vector<16xf32>
      %mul3A_1132 = arith.mulf %mul3A_1131, %exp3A_1130 : vector<16xf32>
      %add3A_1133 = arith.addf %broadcast_in_dim3A_1110, %mul3A_1132 : vector<16xf32>
      %mul3A_1134 = arith.mulf %div3A_1108, %add3A_1133 : vector<16xf32>
      %add3A_1135 = arith.addf %add3A_1093, %mul3A_1134 : vector<16xf32>
      %get3A_1136 = arith.constant 416 : index
      %get3A_1137 = tpu.vector_load %arg4[%get3A_1136] {strides = array<i32>} : memref<1040xf32, #tpu.memory_space<vmem>>, vector<16xf32>,
      %sub3A_1138 = arith.constant 1.000000e+00 : f32
      %sub3A_1139 = vector.broadcast %sub3A_1138 : f32 to vector<16xf32>
      %sub3A_1140 = arith.subf %get3A_1137, %sub3A_1139 : vector<16xf32>
      %mul3A_1141 = arith.constant 1.000000e+01 : f32
      %mul3A_1142 = vector.broadcast %mul3A_1141 : f32 to vector<16xf32>
      %mul3A_1143 = arith.mulf %sub3A_1140, %mul3A_1142 : vector<16xf32>
      %exp3A_1144 = math.exp %mul3A_1143 : vector<16xf32>
      %add3A_1145 = arith.constant 1.000000e+00 : f32
      %add3A_1146 = vector.broadcast %add3A_1145 : f32 to vector<16xf32>
      %add3A_1147 = arith.addf %add3A_1146, %exp3A_1144 : vector<16xf32>
      %div3A_1148 = arith.constant 1.000000e+00 : f32
      %div3A_1149 = vector.broadcast %div3A_1148 : f32 to vector<16xf32>
      %div3A_1150 = arith.divf %div3A_1149, %add3A_1147 : vector<16xf32>
      %broadcast_in_dim3A_1151 = arith.constant 0.000000e+00 : f32
      %broadcast_in_dim3A_1152 = vector.broadcast %broadcast_in_dim3A_1151 : f32 to vector<16xf32>
      %slice3A_1153 = vector.extract_strided_slice %get3A_7 {offsets = [0], sizes = [1], strides = [1]} : vector<16xf32> to vector<1xf32>
      %squeeze3A_1154 = vector.extract %slice3A_1153[0] : f32 from vector<1xf32>
      %slice3A_1155 = vector.extract_strided_slice %get3A_7 {offsets = [1], sizes = [1], strides = [1]} : vector<16xf32> to vector<1xf32>
      %squeeze3A_1156 = vector.extract %slice3A_1155[0] : f32 from vector<1xf32>
      %slice3A_1157 = vector.extract_strided_slice %get3A_7 {offsets = [2], sizes = [1], strides = [1]} : vector<16xf32> to vector<1xf32>
      %squeeze3A_1158 = vector.extract %slice3A_1157[0] : f32 from vector<1xf32>
      %div3A_1159 = vector.broadcast %squeeze3A : f32 to vector<16xf32>
      %div3A_1160 = arith.divf %get3A_1137, %div3A_1159 : vector<16xf32>
      %sub3A_1161 = vector.broadcast %squeeze3A_1154 : f32 to vector<16xf32>
      %sub3A_1162 = arith.subf %div3A_1160, %sub3A_1161 : vector<16xf32>
      %div3A_1163 = vector.broadcast %squeeze3A_1158 : f32 to vector<16xf32>
      %div3A_1164 = arith.divf %sub3A_1162, %div3A_1163 : vector<16xf32>
      %mul3A_1165 = arith.mulf %div3A_1164, %div3A_1164 : vector<16xf32>
      %neg3A_1166 = arith.constant 0.000000e+00 : f32
      %neg3A_1167 = vector.broadcast %neg3A_1166 : f32 to vector<16xf32>
      %neg3A_1168 = arith.subf %neg3A_1167, %mul3A_1165 : vector<16xf32>
      %div3A_1169 = arith.constant 2.000000e+00 : f32
      %div3A_1170 = vector.broadcast %div3A_1169 : f32 to vector<16xf32>
      %div3A_1171 = arith.divf %neg3A_1168, %div3A_1170 : vector<16xf32>
      %exp3A_1172 = math.exp %div3A_1171 : vector<16xf32>
      %mul3A_1173 = vector.broadcast %squeeze3A_1156 : f32 to vector<16xf32>
      %mul3A_1174 = arith.mulf %mul3A_1173, %exp3A_1172 : vector<16xf32>
      %add3A_1175 = arith.addf %broadcast_in_dim3A_1152, %mul3A_1174 : vector<16xf32>
      %mul3A_1176 = arith.mulf %div3A_1150, %add3A_1175 : vector<16xf32>
      %add3A_1177 = arith.addf %add3A_1135, %mul3A_1176 : vector<16xf32>
      %get3A_1178 = arith.constant 432 : index
      %get3A_1179 = tpu.vector_load %arg4[%get3A_1178] {strides = array<i32>} : memref<1040xf32, #tpu.memory_space<vmem>>, vector<16xf32>,
      %sub3A_1180 = arith.constant 1.000000e+00 : f32
      %sub3A_1181 = vector.broadcast %sub3A_1180 : f32 to vector<16xf32>
      %sub3A_1182 = arith.subf %get3A_1179, %sub3A_1181 : vector<16xf32>
      %mul3A_1183 = arith.constant 1.000000e+01 : f32
      %mul3A_1184 = vector.broadcast %mul3A_1183 : f32 to vector<16xf32>
      %mul3A_1185 = arith.mulf %sub3A_1182, %mul3A_1184 : vector<16xf32>
      %exp3A_1186 = math.exp %mul3A_1185 : vector<16xf32>
      %add3A_1187 = arith.constant 1.000000e+00 : f32
      %add3A_1188 = vector.broadcast %add3A_1187 : f32 to vector<16xf32>
      %add3A_1189 = arith.addf %add3A_1188, %exp3A_1186 : vector<16xf32>
      %div3A_1190 = arith.constant 1.000000e+00 : f32
      %div3A_1191 = vector.broadcast %div3A_1190 : f32 to vector<16xf32>
      %div3A_1192 = arith.divf %div3A_1191, %add3A_1189 : vector<16xf32>
      %broadcast_in_dim3A_1193 = arith.constant 0.000000e+00 : f32
      %broadcast_in_dim3A_1194 = vector.broadcast %broadcast_in_dim3A_1193 : f32 to vector<16xf32>
      %slice3A_1195 = vector.extract_strided_slice %get3A_7 {offsets = [0], sizes = [1], strides = [1]} : vector<16xf32> to vector<1xf32>
      %squeeze3A_1196 = vector.extract %slice3A_1195[0] : f32 from vector<1xf32>
      %slice3A_1197 = vector.extract_strided_slice %get3A_7 {offsets = [1], sizes = [1], strides = [1]} : vector<16xf32> to vector<1xf32>
      %squeeze3A_1198 = vector.extract %slice3A_1197[0] : f32 from vector<1xf32>
      %slice3A_1199 = vector.extract_strided_slice %get3A_7 {offsets = [2], sizes = [1], strides = [1]} : vector<16xf32> to vector<1xf32>
      %squeeze3A_1200 = vector.extract %slice3A_1199[0] : f32 from vector<1xf32>
      %div3A_1201 = vector.broadcast %squeeze3A : f32 to vector<16xf32>
      %div3A_1202 = arith.divf %get3A_1179, %div3A_1201 : vector<16xf32>
      %sub3A_1203 = vector.broadcast %squeeze3A_1196 : f32 to vector<16xf32>
      %sub3A_1204 = arith.subf %div3A_1202, %sub3A_1203 : vector<16xf32>
      %div3A_1205 = vector.broadcast %squeeze3A_1200 : f32 to vector<16xf32>
      %div3A_1206 = arith.divf %sub3A_1204, %div3A_1205 : vector<16xf32>
      %mul3A_1207 = arith.mulf %div3A_1206, %div3A_1206 : vector<16xf32>
      %neg3A_1208 = arith.constant 0.000000e+00 : f32
      %neg3A_1209 = vector.broadcast %neg3A_1208 : f32 to vector<16xf32>
      %neg3A_1210 = arith.subf %neg3A_1209, %mul3A_1207 : vector<16xf32>
      %div3A_1211 = arith.constant 2.000000e+00 : f32
      %div3A_1212 = vector.broadcast %div3A_1211 : f32 to vector<16xf32>
      %div3A_1213 = arith.divf %neg3A_1210, %div3A_1212 : vector<16xf32>
      %exp3A_1214 = math.exp %div3A_1213 : vector<16xf32>
      %mul3A_1215 = vector.broadcast %squeeze3A_1198 : f32 to vector<16xf32>
      %mul3A_1216 = arith.mulf %mul3A_1215, %exp3A_1214 : vector<16xf32>
      %add3A_1217 = arith.addf %broadcast_in_dim3A_1194, %mul3A_1216 : vector<16xf32>
      %mul3A_1218 = arith.mulf %div3A_1192, %add3A_1217 : vector<16xf32>
      %add3A_1219 = arith.addf %add3A_1177, %mul3A_1218 : vector<16xf32>
      %get3A_1220 = arith.constant 448 : index
      %get3A_1221 = tpu.vector_load %arg4[%get3A_1220] {strides = array<i32>} : memref<1040xf32, #tpu.memory_space<vmem>>, vector<16xf32>,
      %sub3A_1222 = arith.constant 1.000000e+00 : f32
      %sub3A_1223 = vector.broadcast %sub3A_1222 : f32 to vector<16xf32>
      %sub3A_1224 = arith.subf %get3A_1221, %sub3A_1223 : vector<16xf32>
      %mul3A_1225 = arith.constant 1.000000e+01 : f32
      %mul3A_1226 = vector.broadcast %mul3A_1225 : f32 to vector<16xf32>
      %mul3A_1227 = arith.mulf %sub3A_1224, %mul3A_1226 : vector<16xf32>
      %exp3A_1228 = math.exp %mul3A_1227 : vector<16xf32>
      %add3A_1229 = arith.constant 1.000000e+00 : f32
      %add3A_1230 = vector.broadcast %add3A_1229 : f32 to vector<16xf32>
      %add3A_1231 = arith.addf %add3A_1230, %exp3A_1228 : vector<16xf32>
      %div3A_1232 = arith.constant 1.000000e+00 : f32
      %div3A_1233 = vector.broadcast %div3A_1232 : f32 to vector<16xf32>
      %div3A_1234 = arith.divf %div3A_1233, %add3A_1231 : vector<16xf32>
      %broadcast_in_dim3A_1235 = arith.constant 0.000000e+00 : f32
      %broadcast_in_dim3A_1236 = vector.broadcast %broadcast_in_dim3A_1235 : f32 to vector<16xf32>
      %slice3A_1237 = vector.extract_strided_slice %get3A_7 {offsets = [0], sizes = [1], strides = [1]} : vector<16xf32> to vector<1xf32>
      %squeeze3A_1238 = vector.extract %slice3A_1237[0] : f32 from vector<1xf32>
      %slice3A_1239 = vector.extract_strided_slice %get3A_7 {offsets = [1], sizes = [1], strides = [1]} : vector<16xf32> to vector<1xf32>
      %squeeze3A_1240 = vector.extract %slice3A_1239[0] : f32 from vector<1xf32>
      %slice3A_1241 = vector.extract_strided_slice %get3A_7 {offsets = [2], sizes = [1], strides = [1]} : vector<16xf32> to vector<1xf32>
      %squeeze3A_1242 = vector.extract %slice3A_1241[0] : f32 from vector<1xf32>
      %div3A_1243 = vector.broadcast %squeeze3A : f32 to vector<16xf32>
      %div3A_1244 = arith.divf %get3A_1221, %div3A_1243 : vector<16xf32>
      %sub3A_1245 = vector.broadcast %squeeze3A_1238 : f32 to vector<16xf32>
      %sub3A_1246 = arith.subf %div3A_1244, %sub3A_1245 : vector<16xf32>
      %div3A_1247 = vector.broadcast %squeeze3A_1242 : f32 to vector<16xf32>
      %div3A_1248 = arith.divf %sub3A_1246, %div3A_1247 : vector<16xf32>
      %mul3A_1249 = arith.mulf %div3A_1248, %div3A_1248 : vector<16xf32>
      %neg3A_1250 = arith.constant 0.000000e+00 : f32
      %neg3A_1251 = vector.broadcast %neg3A_1250 : f32 to vector<16xf32>
      %neg3A_1252 = arith.subf %neg3A_1251, %mul3A_1249 : vector<16xf32>
      %div3A_1253 = arith.constant 2.000000e+00 : f32
      %div3A_1254 = vector.broadcast %div3A_1253 : f32 to vector<16xf32>
      %div3A_1255 = arith.divf %neg3A_1252, %div3A_1254 : vector<16xf32>
      %exp3A_1256 = math.exp %div3A_1255 : vector<16xf32>
      %mul3A_1257 = vector.broadcast %squeeze3A_1240 : f32 to vector<16xf32>
      %mul3A_1258 = arith.mulf %mul3A_1257, %exp3A_1256 : vector<16xf32>
      %add3A_1259 = arith.addf %broadcast_in_dim3A_1236, %mul3A_1258 : vector<16xf32>
      %mul3A_1260 = arith.mulf %div3A_1234, %add3A_1259 : vector<16xf32>
      %add3A_1261 = arith.addf %add3A_1219, %mul3A_1260 : vector<16xf32>
      %get3A_1262 = arith.constant 464 : index
      %get3A_1263 = tpu.vector_load %arg4[%get3A_1262] {strides = array<i32>} : memref<1040xf32, #tpu.memory_space<vmem>>, vector<16xf32>,
      %sub3A_1264 = arith.constant 1.000000e+00 : f32
      %sub3A_1265 = vector.broadcast %sub3A_1264 : f32 to vector<16xf32>
      %sub3A_1266 = arith.subf %get3A_1263, %sub3A_1265 : vector<16xf32>
      %mul3A_1267 = arith.constant 1.000000e+01 : f32
      %mul3A_1268 = vector.broadcast %mul3A_1267 : f32 to vector<16xf32>
      %mul3A_1269 = arith.mulf %sub3A_1266, %mul3A_1268 : vector<16xf32>
      %exp3A_1270 = math.exp %mul3A_1269 : vector<16xf32>
      %add3A_1271 = arith.constant 1.000000e+00 : f32
      %add3A_1272 = vector.broadcast %add3A_1271 : f32 to vector<16xf32>
      %add3A_1273 = arith.addf %add3A_1272, %exp3A_1270 : vector<16xf32>
      %div3A_1274 = arith.constant 1.000000e+00 : f32
      %div3A_1275 = vector.broadcast %div3A_1274 : f32 to vector<16xf32>
      %div3A_1276 = arith.divf %div3A_1275, %add3A_1273 : vector<16xf32>
      %broadcast_in_dim3A_1277 = arith.constant 0.000000e+00 : f32
      %broadcast_in_dim3A_1278 = vector.broadcast %broadcast_in_dim3A_1277 : f32 to vector<16xf32>
      %slice3A_1279 = vector.extract_strided_slice %get3A_7 {offsets = [0], sizes = [1], strides = [1]} : vector<16xf32> to vector<1xf32>
      %squeeze3A_1280 = vector.extract %slice3A_1279[0] : f32 from vector<1xf32>
      %slice3A_1281 = vector.extract_strided_slice %get3A_7 {offsets = [1], sizes = [1], strides = [1]} : vector<16xf32> to vector<1xf32>
      %squeeze3A_1282 = vector.extract %slice3A_1281[0] : f32 from vector<1xf32>
      %slice3A_1283 = vector.extract_strided_slice %get3A_7 {offsets = [2], sizes = [1], strides = [1]} : vector<16xf32> to vector<1xf32>
      %squeeze3A_1284 = vector.extract %slice3A_1283[0] : f32 from vector<1xf32>
      %div3A_1285 = vector.broadcast %squeeze3A : f32 to vector<16xf32>
      %div3A_1286 = arith.divf %get3A_1263, %div3A_1285 : vector<16xf32>
      %sub3A_1287 = vector.broadcast %squeeze3A_1280 : f32 to vector<16xf32>
      %sub3A_1288 = arith.subf %div3A_1286, %sub3A_1287 : vector<16xf32>
      %div3A_1289 = vector.broadcast %squeeze3A_1284 : f32 to vector<16xf32>
      %div3A_1290 = arith.divf %sub3A_1288, %div3A_1289 : vector<16xf32>
      %mul3A_1291 = arith.mulf %div3A_1290, %div3A_1290 : vector<16xf32>
      %neg3A_1292 = arith.constant 0.000000e+00 : f32
      %neg3A_1293 = vector.broadcast %neg3A_1292 : f32 to vector<16xf32>
      %neg3A_1294 = arith.subf %neg3A_1293, %mul3A_1291 : vector<16xf32>
      %div3A_1295 = arith.constant 2.000000e+00 : f32
      %div3A_1296 = vector.broadcast %div3A_1295 : f32 to vector<16xf32>
      %div3A_1297 = arith.divf %neg3A_1294, %div3A_1296 : vector<16xf32>
      %exp3A_1298 = math.exp %div3A_1297 : vector<16xf32>
      %mul3A_1299 = vector.broadcast %squeeze3A_1282 : f32 to vector<16xf32>
      %mul3A_1300 = arith.mulf %mul3A_1299, %exp3A_1298 : vector<16xf32>
      %add3A_1301 = arith.addf %broadcast_in_dim3A_1278, %mul3A_1300 : vector<16xf32>
      %mul3A_1302 = arith.mulf %div3A_1276, %add3A_1301 : vector<16xf32>
      %add3A_1303 = arith.addf %add3A_1261, %mul3A_1302 : vector<16xf32>
      %get3A_1304 = arith.constant 480 : index
      %get3A_1305 = tpu.vector_load %arg4[%get3A_1304] {strides = array<i32>} : memref<1040xf32, #tpu.memory_space<vmem>>, vector<16xf32>,
      %sub3A_1306 = arith.constant 1.000000e+00 : f32
      %sub3A_1307 = vector.broadcast %sub3A_1306 : f32 to vector<16xf32>
      %sub3A_1308 = arith.subf %get3A_1305, %sub3A_1307 : vector<16xf32>
      %mul3A_1309 = arith.constant 1.000000e+01 : f32
      %mul3A_1310 = vector.broadcast %mul3A_1309 : f32 to vector<16xf32>
      %mul3A_1311 = arith.mulf %sub3A_1308, %mul3A_1310 : vector<16xf32>
      %exp3A_1312 = math.exp %mul3A_1311 : vector<16xf32>
      %add3A_1313 = arith.constant 1.000000e+00 : f32
      %add3A_1314 = vector.broadcast %add3A_1313 : f32 to vector<16xf32>
      %add3A_1315 = arith.addf %add3A_1314, %exp3A_1312 : vector<16xf32>
      %div3A_1316 = arith.constant 1.000000e+00 : f32
      %div3A_1317 = vector.broadcast %div3A_1316 : f32 to vector<16xf32>
      %div3A_1318 = arith.divf %div3A_1317, %add3A_1315 : vector<16xf32>
      %broadcast_in_dim3A_1319 = arith.constant 0.000000e+00 : f32
      %broadcast_in_dim3A_1320 = vector.broadcast %broadcast_in_dim3A_1319 : f32 to vector<16xf32>
      %slice3A_1321 = vector.extract_strided_slice %get3A_7 {offsets = [0], sizes = [1], strides = [1]} : vector<16xf32> to vector<1xf32>
      %squeeze3A_1322 = vector.extract %slice3A_1321[0] : f32 from vector<1xf32>
      %slice3A_1323 = vector.extract_strided_slice %get3A_7 {offsets = [1], sizes = [1], strides = [1]} : vector<16xf32> to vector<1xf32>
      %squeeze3A_1324 = vector.extract %slice3A_1323[0] : f32 from vector<1xf32>
      %slice3A_1325 = vector.extract_strided_slice %get3A_7 {offsets = [2], sizes = [1], strides = [1]} : vector<16xf32> to vector<1xf32>
      %squeeze3A_1326 = vector.extract %slice3A_1325[0] : f32 from vector<1xf32>
      %div3A_1327 = vector.broadcast %squeeze3A : f32 to vector<16xf32>
      %div3A_1328 = arith.divf %get3A_1305, %div3A_1327 : vector<16xf32>
      %sub3A_1329 = vector.broadcast %squeeze3A_1322 : f32 to vector<16xf32>
      %sub3A_1330 = arith.subf %div3A_1328, %sub3A_1329 : vector<16xf32>
      %div3A_1331 = vector.broadcast %squeeze3A_1326 : f32 to vector<16xf32>
      %div3A_1332 = arith.divf %sub3A_1330, %div3A_1331 : vector<16xf32>
      %mul3A_1333 = arith.mulf %div3A_1332, %div3A_1332 : vector<16xf32>
      %neg3A_1334 = arith.constant 0.000000e+00 : f32
      %neg3A_1335 = vector.broadcast %neg3A_1334 : f32 to vector<16xf32>
      %neg3A_1336 = arith.subf %neg3A_1335, %mul3A_1333 : vector<16xf32>
      %div3A_1337 = arith.constant 2.000000e+00 : f32
      %div3A_1338 = vector.broadcast %div3A_1337 : f32 to vector<16xf32>
      %div3A_1339 = arith.divf %neg3A_1336, %div3A_1338 : vector<16xf32>
      %exp3A_1340 = math.exp %div3A_1339 : vector<16xf32>
      %mul3A_1341 = vector.broadcast %squeeze3A_1324 : f32 to vector<16xf32>
      %mul3A_1342 = arith.mulf %mul3A_1341, %exp3A_1340 : vector<16xf32>
      %add3A_1343 = arith.addf %broadcast_in_dim3A_1320, %mul3A_1342 : vector<16xf32>
      %mul3A_1344 = arith.mulf %div3A_1318, %add3A_1343 : vector<16xf32>
      %add3A_1345 = arith.addf %add3A_1303, %mul3A_1344 : vector<16xf32>
      %get3A_1346 = arith.constant 496 : index
      %get3A_1347 = tpu.vector_load %arg4[%get3A_1346] {strides = array<i32>} : memref<1040xf32, #tpu.memory_space<vmem>>, vector<16xf32>,
      %sub3A_1348 = arith.constant 1.000000e+00 : f32
      %sub3A_1349 = vector.broadcast %sub3A_1348 : f32 to vector<16xf32>
      %sub3A_1350 = arith.subf %get3A_1347, %sub3A_1349 : vector<16xf32>
      %mul3A_1351 = arith.constant 1.000000e+01 : f32
      %mul3A_1352 = vector.broadcast %mul3A_1351 : f32 to vector<16xf32>
      %mul3A_1353 = arith.mulf %sub3A_1350, %mul3A_1352 : vector<16xf32>
      %exp3A_1354 = math.exp %mul3A_1353 : vector<16xf32>
      %add3A_1355 = arith.constant 1.000000e+00 : f32
      %add3A_1356 = vector.broadcast %add3A_1355 : f32 to vector<16xf32>
      %add3A_1357 = arith.addf %add3A_1356, %exp3A_1354 : vector<16xf32>
      %div3A_1358 = arith.constant 1.000000e+00 : f32
      %div3A_1359 = vector.broadcast %div3A_1358 : f32 to vector<16xf32>
      %div3A_1360 = arith.divf %div3A_1359, %add3A_1357 : vector<16xf32>
      %broadcast_in_dim3A_1361 = arith.constant 0.000000e+00 : f32
      %broadcast_in_dim3A_1362 = vector.broadcast %broadcast_in_dim3A_1361 : f32 to vector<16xf32>
      %slice3A_1363 = vector.extract_strided_slice %get3A_7 {offsets = [0], sizes = [1], strides = [1]} : vector<16xf32> to vector<1xf32>
      %squeeze3A_1364 = vector.extract %slice3A_1363[0] : f32 from vector<1xf32>
      %slice3A_1365 = vector.extract_strided_slice %get3A_7 {offsets = [1], sizes = [1], strides = [1]} : vector<16xf32> to vector<1xf32>
      %squeeze3A_1366 = vector.extract %slice3A_1365[0] : f32 from vector<1xf32>
      %slice3A_1367 = vector.extract_strided_slice %get3A_7 {offsets = [2], sizes = [1], strides = [1]} : vector<16xf32> to vector<1xf32>
      %squeeze3A_1368 = vector.extract %slice3A_1367[0] : f32 from vector<1xf32>
      %div3A_1369 = vector.broadcast %squeeze3A : f32 to vector<16xf32>
      %div3A_1370 = arith.divf %get3A_1347, %div3A_1369 : vector<16xf32>
      %sub3A_1371 = vector.broadcast %squeeze3A_1364 : f32 to vector<16xf32>
      %sub3A_1372 = arith.subf %div3A_1370, %sub3A_1371 : vector<16xf32>
      %div3A_1373 = vector.broadcast %squeeze3A_1368 : f32 to vector<16xf32>
      %div3A_1374 = arith.divf %sub3A_1372, %div3A_1373 : vector<16xf32>
      %mul3A_1375 = arith.mulf %div3A_1374, %div3A_1374 : vector<16xf32>
      %neg3A_1376 = arith.constant 0.000000e+00 : f32
      %neg3A_1377 = vector.broadcast %neg3A_1376 : f32 to vector<16xf32>
      %neg3A_1378 = arith.subf %neg3A_1377, %mul3A_1375 : vector<16xf32>
      %div3A_1379 = arith.constant 2.000000e+00 : f32
      %div3A_1380 = vector.broadcast %div3A_1379 : f32 to vector<16xf32>
      %div3A_1381 = arith.divf %neg3A_1378, %div3A_1380 : vector<16xf32>
      %exp3A_1382 = math.exp %div3A_1381 : vector<16xf32>
      %mul3A_1383 = vector.broadcast %squeeze3A_1366 : f32 to vector<16xf32>
      %mul3A_1384 = arith.mulf %mul3A_1383, %exp3A_1382 : vector<16xf32>
      %add3A_1385 = arith.addf %broadcast_in_dim3A_1362, %mul3A_1384 : vector<16xf32>
      %mul3A_1386 = arith.mulf %div3A_1360, %add3A_1385 : vector<16xf32>
      %add3A_1387 = arith.addf %add3A_1345, %mul3A_1386 : vector<16xf32>
      %get3A_1388 = arith.constant 512 : index
      %get3A_1389 = tpu.vector_load %arg4[%get3A_1388] {strides = array<i32>} : memref<1040xf32, #tpu.memory_space<vmem>>, vector<16xf32>,
      %sub3A_1390 = arith.constant 1.000000e+00 : f32
      %sub3A_1391 = vector.broadcast %sub3A_1390 : f32 to vector<16xf32>
      %sub3A_1392 = arith.subf %get3A_1389, %sub3A_1391 : vector<16xf32>
      %mul3A_1393 = arith.constant 1.000000e+01 : f32
      %mul3A_1394 = vector.broadcast %mul3A_1393 : f32 to vector<16xf32>
      %mul3A_1395 = arith.mulf %sub3A_1392, %mul3A_1394 : vector<16xf32>
      %exp3A_1396 = math.exp %mul3A_1395 : vector<16xf32>
      %add3A_1397 = arith.constant 1.000000e+00 : f32
      %add3A_1398 = vector.broadcast %add3A_1397 : f32 to vector<16xf32>
      %add3A_1399 = arith.addf %add3A_1398, %exp3A_1396 : vector<16xf32>
      %div3A_1400 = arith.constant 1.000000e+00 : f32
      %div3A_1401 = vector.broadcast %div3A_1400 : f32 to vector<16xf32>
      %div3A_1402 = arith.divf %div3A_1401, %add3A_1399 : vector<16xf32>
      %broadcast_in_dim3A_1403 = arith.constant 0.000000e+00 : f32
      %broadcast_in_dim3A_1404 = vector.broadcast %broadcast_in_dim3A_1403 : f32 to vector<16xf32>
      %slice3A_1405 = vector.extract_strided_slice %get3A_7 {offsets = [0], sizes = [1], strides = [1]} : vector<16xf32> to vector<1xf32>
      %squeeze3A_1406 = vector.extract %slice3A_1405[0] : f32 from vector<1xf32>
      %slice3A_1407 = vector.extract_strided_slice %get3A_7 {offsets = [1], sizes = [1], strides = [1]} : vector<16xf32> to vector<1xf32>
      %squeeze3A_1408 = vector.extract %slice3A_1407[0] : f32 from vector<1xf32>
      %slice3A_1409 = vector.extract_strided_slice %get3A_7 {offsets = [2], sizes = [1], strides = [1]} : vector<16xf32> to vector<1xf32>
      %squeeze3A_1410 = vector.extract %slice3A_1409[0] : f32 from vector<1xf32>
      %div3A_1411 = vector.broadcast %squeeze3A : f32 to vector<16xf32>
      %div3A_1412 = arith.divf %get3A_1389, %div3A_1411 : vector<16xf32>
      %sub3A_1413 = vector.broadcast %squeeze3A_1406 : f32 to vector<16xf32>
      %sub3A_1414 = arith.subf %div3A_1412, %sub3A_1413 : vector<16xf32>
      %div3A_1415 = vector.broadcast %squeeze3A_1410 : f32 to vector<16xf32>
      %div3A_1416 = arith.divf %sub3A_1414, %div3A_1415 : vector<16xf32>
      %mul3A_1417 = arith.mulf %div3A_1416, %div3A_1416 : vector<16xf32>
      %neg3A_1418 = arith.constant 0.000000e+00 : f32
      %neg3A_1419 = vector.broadcast %neg3A_1418 : f32 to vector<16xf32>
      %neg3A_1420 = arith.subf %neg3A_1419, %mul3A_1417 : vector<16xf32>
      %div3A_1421 = arith.constant 2.000000e+00 : f32
      %div3A_1422 = vector.broadcast %div3A_1421 : f32 to vector<16xf32>
      %div3A_1423 = arith.divf %neg3A_1420, %div3A_1422 : vector<16xf32>
      %exp3A_1424 = math.exp %div3A_1423 : vector<16xf32>
      %mul3A_1425 = vector.broadcast %squeeze3A_1408 : f32 to vector<16xf32>
      %mul3A_1426 = arith.mulf %mul3A_1425, %exp3A_1424 : vector<16xf32>
      %add3A_1427 = arith.addf %broadcast_in_dim3A_1404, %mul3A_1426 : vector<16xf32>
      %mul3A_1428 = arith.mulf %div3A_1402, %add3A_1427 : vector<16xf32>
      %add3A_1429 = arith.addf %add3A_1387, %mul3A_1428 : vector<16xf32>
      %get3A_1430 = arith.constant 528 : index
      %get3A_1431 = tpu.vector_load %arg4[%get3A_1430] {strides = array<i32>} : memref<1040xf32, #tpu.memory_space<vmem>>, vector<16xf32>,
      %sub3A_1432 = arith.constant 1.000000e+00 : f32
      %sub3A_1433 = vector.broadcast %sub3A_1432 : f32 to vector<16xf32>
      %sub3A_1434 = arith.subf %get3A_1431, %sub3A_1433 : vector<16xf32>
      %mul3A_1435 = arith.constant 1.000000e+01 : f32
      %mul3A_1436 = vector.broadcast %mul3A_1435 : f32 to vector<16xf32>
      %mul3A_1437 = arith.mulf %sub3A_1434, %mul3A_1436 : vector<16xf32>
      %exp3A_1438 = math.exp %mul3A_1437 : vector<16xf32>
      %add3A_1439 = arith.constant 1.000000e+00 : f32
      %add3A_1440 = vector.broadcast %add3A_1439 : f32 to vector<16xf32>
      %add3A_1441 = arith.addf %add3A_1440, %exp3A_1438 : vector<16xf32>
      %div3A_1442 = arith.constant 1.000000e+00 : f32
      %div3A_1443 = vector.broadcast %div3A_1442 : f32 to vector<16xf32>
      %div3A_1444 = arith.divf %div3A_1443, %add3A_1441 : vector<16xf32>
      %broadcast_in_dim3A_1445 = arith.constant 0.000000e+00 : f32
      %broadcast_in_dim3A_1446 = vector.broadcast %broadcast_in_dim3A_1445 : f32 to vector<16xf32>
      %slice3A_1447 = vector.extract_strided_slice %get3A_7 {offsets = [0], sizes = [1], strides = [1]} : vector<16xf32> to vector<1xf32>
      %squeeze3A_1448 = vector.extract %slice3A_1447[0] : f32 from vector<1xf32>
      %slice3A_1449 = vector.extract_strided_slice %get3A_7 {offsets = [1], sizes = [1], strides = [1]} : vector<16xf32> to vector<1xf32>
      %squeeze3A_1450 = vector.extract %slice3A_1449[0] : f32 from vector<1xf32>
      %slice3A_1451 = vector.extract_strided_slice %get3A_7 {offsets = [2], sizes = [1], strides = [1]} : vector<16xf32> to vector<1xf32>
      %squeeze3A_1452 = vector.extract %slice3A_1451[0] : f32 from vector<1xf32>
      %div3A_1453 = vector.broadcast %squeeze3A : f32 to vector<16xf32>
      %div3A_1454 = arith.divf %get3A_1431, %div3A_1453 : vector<16xf32>
      %sub3A_1455 = vector.broadcast %squeeze3A_1448 : f32 to vector<16xf32>
      %sub3A_1456 = arith.subf %div3A_1454, %sub3A_1455 : vector<16xf32>
      %div3A_1457 = vector.broadcast %squeeze3A_1452 : f32 to vector<16xf32>
      %div3A_1458 = arith.divf %sub3A_1456, %div3A_1457 : vector<16xf32>
      %mul3A_1459 = arith.mulf %div3A_1458, %div3A_1458 : vector<16xf32>
      %neg3A_1460 = arith.constant 0.000000e+00 : f32
      %neg3A_1461 = vector.broadcast %neg3A_1460 : f32 to vector<16xf32>
      %neg3A_1462 = arith.subf %neg3A_1461, %mul3A_1459 : vector<16xf32>
      %div3A_1463 = arith.constant 2.000000e+00 : f32
      %div3A_1464 = vector.broadcast %div3A_1463 : f32 to vector<16xf32>
      %div3A_1465 = arith.divf %neg3A_1462, %div3A_1464 : vector<16xf32>
      %exp3A_1466 = math.exp %div3A_1465 : vector<16xf32>
      %mul3A_1467 = vector.broadcast %squeeze3A_1450 : f32 to vector<16xf32>
      %mul3A_1468 = arith.mulf %mul3A_1467, %exp3A_1466 : vector<16xf32>
      %add3A_1469 = arith.addf %broadcast_in_dim3A_1446, %mul3A_1468 : vector<16xf32>
      %mul3A_1470 = arith.mulf %div3A_1444, %add3A_1469 : vector<16xf32>
      %add3A_1471 = arith.addf %add3A_1429, %mul3A_1470 : vector<16xf32>
      %get3A_1472 = arith.constant 544 : index
      %get3A_1473 = tpu.vector_load %arg4[%get3A_1472] {strides = array<i32>} : memref<1040xf32, #tpu.memory_space<vmem>>, vector<16xf32>,
      %sub3A_1474 = arith.constant 1.000000e+00 : f32
      %sub3A_1475 = vector.broadcast %sub3A_1474 : f32 to vector<16xf32>
      %sub3A_1476 = arith.subf %get3A_1473, %sub3A_1475 : vector<16xf32>
      %mul3A_1477 = arith.constant 1.000000e+01 : f32
      %mul3A_1478 = vector.broadcast %mul3A_1477 : f32 to vector<16xf32>
      %mul3A_1479 = arith.mulf %sub3A_1476, %mul3A_1478 : vector<16xf32>
      %exp3A_1480 = math.exp %mul3A_1479 : vector<16xf32>
      %add3A_1481 = arith.constant 1.000000e+00 : f32
      %add3A_1482 = vector.broadcast %add3A_1481 : f32 to vector<16xf32>
      %add3A_1483 = arith.addf %add3A_1482, %exp3A_1480 : vector<16xf32>
      %div3A_1484 = arith.constant 1.000000e+00 : f32
      %div3A_1485 = vector.broadcast %div3A_1484 : f32 to vector<16xf32>
      %div3A_1486 = arith.divf %div3A_1485, %add3A_1483 : vector<16xf32>
      %broadcast_in_dim3A_1487 = arith.constant 0.000000e+00 : f32
      %broadcast_in_dim3A_1488 = vector.broadcast %broadcast_in_dim3A_1487 : f32 to vector<16xf32>
      %slice3A_1489 = vector.extract_strided_slice %get3A_7 {offsets = [0], sizes = [1], strides = [1]} : vector<16xf32> to vector<1xf32>
      %squeeze3A_1490 = vector.extract %slice3A_1489[0] : f32 from vector<1xf32>
      %slice3A_1491 = vector.extract_strided_slice %get3A_7 {offsets = [1], sizes = [1], strides = [1]} : vector<16xf32> to vector<1xf32>
      %squeeze3A_1492 = vector.extract %slice3A_1491[0] : f32 from vector<1xf32>
      %slice3A_1493 = vector.extract_strided_slice %get3A_7 {offsets = [2], sizes = [1], strides = [1]} : vector<16xf32> to vector<1xf32>
      %squeeze3A_1494 = vector.extract %slice3A_1493[0] : f32 from vector<1xf32>
      %div3A_1495 = vector.broadcast %squeeze3A : f32 to vector<16xf32>
      %div3A_1496 = arith.divf %get3A_1473, %div3A_1495 : vector<16xf32>
      %sub3A_1497 = vector.broadcast %squeeze3A_1490 : f32 to vector<16xf32>
      %sub3A_1498 = arith.subf %div3A_1496, %sub3A_1497 : vector<16xf32>
      %div3A_1499 = vector.broadcast %squeeze3A_1494 : f32 to vector<16xf32>
      %div3A_1500 = arith.divf %sub3A_1498, %div3A_1499 : vector<16xf32>
      %mul3A_1501 = arith.mulf %div3A_1500, %div3A_1500 : vector<16xf32>
      %neg3A_1502 = arith.constant 0.000000e+00 : f32
      %neg3A_1503 = vector.broadcast %neg3A_1502 : f32 to vector<16xf32>
      %neg3A_1504 = arith.subf %neg3A_1503, %mul3A_1501 : vector<16xf32>
      %div3A_1505 = arith.constant 2.000000e+00 : f32
      %div3A_1506 = vector.broadcast %div3A_1505 : f32 to vector<16xf32>
      %div3A_1507 = arith.divf %neg3A_1504, %div3A_1506 : vector<16xf32>
      %exp3A_1508 = math.exp %div3A_1507 : vector<16xf32>
      %mul3A_1509 = vector.broadcast %squeeze3A_1492 : f32 to vector<16xf32>
      %mul3A_1510 = arith.mulf %mul3A_1509, %exp3A_1508 : vector<16xf32>
      %add3A_1511 = arith.addf %broadcast_in_dim3A_1488, %mul3A_1510 : vector<16xf32>
      %mul3A_1512 = arith.mulf %div3A_1486, %add3A_1511 : vector<16xf32>
      %add3A_1513 = arith.addf %add3A_1471, %mul3A_1512 : vector<16xf32>
      %get3A_1514 = arith.constant 560 : index
      %get3A_1515 = tpu.vector_load %arg4[%get3A_1514] {strides = array<i32>} : memref<1040xf32, #tpu.memory_space<vmem>>, vector<16xf32>,
      %sub3A_1516 = arith.constant 1.000000e+00 : f32
      %sub3A_1517 = vector.broadcast %sub3A_1516 : f32 to vector<16xf32>
      %sub3A_1518 = arith.subf %get3A_1515, %sub3A_1517 : vector<16xf32>
      %mul3A_1519 = arith.constant 1.000000e+01 : f32
      %mul3A_1520 = vector.broadcast %mul3A_1519 : f32 to vector<16xf32>
      %mul3A_1521 = arith.mulf %sub3A_1518, %mul3A_1520 : vector<16xf32>
      %exp3A_1522 = math.exp %mul3A_1521 : vector<16xf32>
      %add3A_1523 = arith.constant 1.000000e+00 : f32
      %add3A_1524 = vector.broadcast %add3A_1523 : f32 to vector<16xf32>
      %add3A_1525 = arith.addf %add3A_1524, %exp3A_1522 : vector<16xf32>
      %div3A_1526 = arith.constant 1.000000e+00 : f32
      %div3A_1527 = vector.broadcast %div3A_1526 : f32 to vector<16xf32>
      %div3A_1528 = arith.divf %div3A_1527, %add3A_1525 : vector<16xf32>
      %broadcast_in_dim3A_1529 = arith.constant 0.000000e+00 : f32
      %broadcast_in_dim3A_1530 = vector.broadcast %broadcast_in_dim3A_1529 : f32 to vector<16xf32>
      %slice3A_1531 = vector.extract_strided_slice %get3A_7 {offsets = [0], sizes = [1], strides = [1]} : vector<16xf32> to vector<1xf32>
      %squeeze3A_1532 = vector.extract %slice3A_1531[0] : f32 from vector<1xf32>
      %slice3A_1533 = vector.extract_strided_slice %get3A_7 {offsets = [1], sizes = [1], strides = [1]} : vector<16xf32> to vector<1xf32>
      %squeeze3A_1534 = vector.extract %slice3A_1533[0] : f32 from vector<1xf32>
      %slice3A_1535 = vector.extract_strided_slice %get3A_7 {offsets = [2], sizes = [1], strides = [1]} : vector<16xf32> to vector<1xf32>
      %squeeze3A_1536 = vector.extract %slice3A_1535[0] : f32 from vector<1xf32>
      %div3A_1537 = vector.broadcast %squeeze3A : f32 to vector<16xf32>
      %div3A_1538 = arith.divf %get3A_1515, %div3A_1537 : vector<16xf32>
      %sub3A_1539 = vector.broadcast %squeeze3A_1532 : f32 to vector<16xf32>
      %sub3A_1540 = arith.subf %div3A_1538, %sub3A_1539 : vector<16xf32>
      %div3A_1541 = vector.broadcast %squeeze3A_1536 : f32 to vector<16xf32>
      %div3A_1542 = arith.divf %sub3A_1540, %div3A_1541 : vector<16xf32>
      %mul3A_1543 = arith.mulf %div3A_1542, %div3A_1542 : vector<16xf32>
      %neg3A_1544 = arith.constant 0.000000e+00 : f32
      %neg3A_1545 = vector.broadcast %neg3A_1544 : f32 to vector<16xf32>
      %neg3A_1546 = arith.subf %neg3A_1545, %mul3A_1543 : vector<16xf32>
      %div3A_1547 = arith.constant 2.000000e+00 : f32
      %div3A_1548 = vector.broadcast %div3A_1547 : f32 to vector<16xf32>
      %div3A_1549 = arith.divf %neg3A_1546, %div3A_1548 : vector<16xf32>
      %exp3A_1550 = math.exp %div3A_1549 : vector<16xf32>
      %mul3A_1551 = vector.broadcast %squeeze3A_1534 : f32 to vector<16xf32>
      %mul3A_1552 = arith.mulf %mul3A_1551, %exp3A_1550 : vector<16xf32>
      %add3A_1553 = arith.addf %broadcast_in_dim3A_1530, %mul3A_1552 : vector<16xf32>
      %mul3A_1554 = arith.mulf %div3A_1528, %add3A_1553 : vector<16xf32>
      %add3A_1555 = arith.addf %add3A_1513, %mul3A_1554 : vector<16xf32>
      %get3A_1556 = arith.constant 576 : index
      %get3A_1557 = tpu.vector_load %arg4[%get3A_1556] {strides = array<i32>} : memref<1040xf32, #tpu.memory_space<vmem>>, vector<16xf32>,
      %sub3A_1558 = arith.constant 1.000000e+00 : f32
      %sub3A_1559 = vector.broadcast %sub3A_1558 : f32 to vector<16xf32>
      %sub3A_1560 = arith.subf %get3A_1557, %sub3A_1559 : vector<16xf32>
      %mul3A_1561 = arith.constant 1.000000e+01 : f32
      %mul3A_1562 = vector.broadcast %mul3A_1561 : f32 to vector<16xf32>
      %mul3A_1563 = arith.mulf %sub3A_1560, %mul3A_1562 : vector<16xf32>
      %exp3A_1564 = math.exp %mul3A_1563 : vector<16xf32>
      %add3A_1565 = arith.constant 1.000000e+00 : f32
      %add3A_1566 = vector.broadcast %add3A_1565 : f32 to vector<16xf32>
      %add3A_1567 = arith.addf %add3A_1566, %exp3A_1564 : vector<16xf32>
      %div3A_1568 = arith.constant 1.000000e+00 : f32
      %div3A_1569 = vector.broadcast %div3A_1568 : f32 to vector<16xf32>
      %div3A_1570 = arith.divf %div3A_1569, %add3A_1567 : vector<16xf32>
      %broadcast_in_dim3A_1571 = arith.constant 0.000000e+00 : f32
      %broadcast_in_dim3A_1572 = vector.broadcast %broadcast_in_dim3A_1571 : f32 to vector<16xf32>
      %slice3A_1573 = vector.extract_strided_slice %get3A_7 {offsets = [0], sizes = [1], strides = [1]} : vector<16xf32> to vector<1xf32>
      %squeeze3A_1574 = vector.extract %slice3A_1573[0] : f32 from vector<1xf32>
      %slice3A_1575 = vector.extract_strided_slice %get3A_7 {offsets = [1], sizes = [1], strides = [1]} : vector<16xf32> to vector<1xf32>
      %squeeze3A_1576 = vector.extract %slice3A_1575[0] : f32 from vector<1xf32>
      %slice3A_1577 = vector.extract_strided_slice %get3A_7 {offsets = [2], sizes = [1], strides = [1]} : vector<16xf32> to vector<1xf32>
      %squeeze3A_1578 = vector.extract %slice3A_1577[0] : f32 from vector<1xf32>
      %div3A_1579 = vector.broadcast %squeeze3A : f32 to vector<16xf32>
      %div3A_1580 = arith.divf %get3A_1557, %div3A_1579 : vector<16xf32>
      %sub3A_1581 = vector.broadcast %squeeze3A_1574 : f32 to vector<16xf32>
      %sub3A_1582 = arith.subf %div3A_1580, %sub3A_1581 : vector<16xf32>
      %div3A_1583 = vector.broadcast %squeeze3A_1578 : f32 to vector<16xf32>
      %div3A_1584 = arith.divf %sub3A_1582, %div3A_1583 : vector<16xf32>
      %mul3A_1585 = arith.mulf %div3A_1584, %div3A_1584 : vector<16xf32>
      %neg3A_1586 = arith.constant 0.000000e+00 : f32
      %neg3A_1587 = vector.broadcast %neg3A_1586 : f32 to vector<16xf32>
      %neg3A_1588 = arith.subf %neg3A_1587, %mul3A_1585 : vector<16xf32>
      %div3A_1589 = arith.constant 2.000000e+00 : f32
      %div3A_1590 = vector.broadcast %div3A_1589 : f32 to vector<16xf32>
      %div3A_1591 = arith.divf %neg3A_1588, %div3A_1590 : vector<16xf32>
      %exp3A_1592 = math.exp %div3A_1591 : vector<16xf32>
      %mul3A_1593 = vector.broadcast %squeeze3A_1576 : f32 to vector<16xf32>
      %mul3A_1594 = arith.mulf %mul3A_1593, %exp3A_1592 : vector<16xf32>
      %add3A_1595 = arith.addf %broadcast_in_dim3A_1572, %mul3A_1594 : vector<16xf32>
      %mul3A_1596 = arith.mulf %div3A_1570, %add3A_1595 : vector<16xf32>
      %add3A_1597 = arith.addf %add3A_1555, %mul3A_1596 : vector<16xf32>
      %get3A_1598 = arith.constant 592 : index
      %get3A_1599 = tpu.vector_load %arg4[%get3A_1598] {strides = array<i32>} : memref<1040xf32, #tpu.memory_space<vmem>>, vector<16xf32>,
      %sub3A_1600 = arith.constant 1.000000e+00 : f32
      %sub3A_1601 = vector.broadcast %sub3A_1600 : f32 to vector<16xf32>
      %sub3A_1602 = arith.subf %get3A_1599, %sub3A_1601 : vector<16xf32>
      %mul3A_1603 = arith.constant 1.000000e+01 : f32
      %mul3A_1604 = vector.broadcast %mul3A_1603 : f32 to vector<16xf32>
      %mul3A_1605 = arith.mulf %sub3A_1602, %mul3A_1604 : vector<16xf32>
      %exp3A_1606 = math.exp %mul3A_1605 : vector<16xf32>
      %add3A_1607 = arith.constant 1.000000e+00 : f32
      %add3A_1608 = vector.broadcast %add3A_1607 : f32 to vector<16xf32>
      %add3A_1609 = arith.addf %add3A_1608, %exp3A_1606 : vector<16xf32>
      %div3A_1610 = arith.constant 1.000000e+00 : f32
      %div3A_1611 = vector.broadcast %div3A_1610 : f32 to vector<16xf32>
      %div3A_1612 = arith.divf %div3A_1611, %add3A_1609 : vector<16xf32>
      %broadcast_in_dim3A_1613 = arith.constant 0.000000e+00 : f32
      %broadcast_in_dim3A_1614 = vector.broadcast %broadcast_in_dim3A_1613 : f32 to vector<16xf32>
      %slice3A_1615 = vector.extract_strided_slice %get3A_7 {offsets = [0], sizes = [1], strides = [1]} : vector<16xf32> to vector<1xf32>
      %squeeze3A_1616 = vector.extract %slice3A_1615[0] : f32 from vector<1xf32>
      %slice3A_1617 = vector.extract_strided_slice %get3A_7 {offsets = [1], sizes = [1], strides = [1]} : vector<16xf32> to vector<1xf32>
      %squeeze3A_1618 = vector.extract %slice3A_1617[0] : f32 from vector<1xf32>
      %slice3A_1619 = vector.extract_strided_slice %get3A_7 {offsets = [2], sizes = [1], strides = [1]} : vector<16xf32> to vector<1xf32>
      %squeeze3A_1620 = vector.extract %slice3A_1619[0] : f32 from vector<1xf32>
      %div3A_1621 = vector.broadcast %squeeze3A : f32 to vector<16xf32>
      %div3A_1622 = arith.divf %get3A_1599, %div3A_1621 : vector<16xf32>
      %sub3A_1623 = vector.broadcast %squeeze3A_1616 : f32 to vector<16xf32>
      %sub3A_1624 = arith.subf %div3A_1622, %sub3A_1623 : vector<16xf32>
      %div3A_1625 = vector.broadcast %squeeze3A_1620 : f32 to vector<16xf32>
      %div3A_1626 = arith.divf %sub3A_1624, %div3A_1625 : vector<16xf32>
      %mul3A_1627 = arith.mulf %div3A_1626, %div3A_1626 : vector<16xf32>
      %neg3A_1628 = arith.constant 0.000000e+00 : f32
      %neg3A_1629 = vector.broadcast %neg3A_1628 : f32 to vector<16xf32>
      %neg3A_1630 = arith.subf %neg3A_1629, %mul3A_1627 : vector<16xf32>
      %div3A_1631 = arith.constant 2.000000e+00 : f32
      %div3A_1632 = vector.broadcast %div3A_1631 : f32 to vector<16xf32>
      %div3A_1633 = arith.divf %neg3A_1630, %div3A_1632 : vector<16xf32>
      %exp3A_1634 = math.exp %div3A_1633 : vector<16xf32>
      %mul3A_1635 = vector.broadcast %squeeze3A_1618 : f32 to vector<16xf32>
      %mul3A_1636 = arith.mulf %mul3A_1635, %exp3A_1634 : vector<16xf32>
      %add3A_1637 = arith.addf %broadcast_in_dim3A_1614, %mul3A_1636 : vector<16xf32>
      %mul3A_1638 = arith.mulf %div3A_1612, %add3A_1637 : vector<16xf32>
      %add3A_1639 = arith.addf %add3A_1597, %mul3A_1638 : vector<16xf32>
      %get3A_1640 = arith.constant 608 : index
      %get3A_1641 = tpu.vector_load %arg4[%get3A_1640] {strides = array<i32>} : memref<1040xf32, #tpu.memory_space<vmem>>, vector<16xf32>,
      %sub3A_1642 = arith.constant 1.000000e+00 : f32
      %sub3A_1643 = vector.broadcast %sub3A_1642 : f32 to vector<16xf32>
      %sub3A_1644 = arith.subf %get3A_1641, %sub3A_1643 : vector<16xf32>
      %mul3A_1645 = arith.constant 1.000000e+01 : f32
      %mul3A_1646 = vector.broadcast %mul3A_1645 : f32 to vector<16xf32>
      %mul3A_1647 = arith.mulf %sub3A_1644, %mul3A_1646 : vector<16xf32>
      %exp3A_1648 = math.exp %mul3A_1647 : vector<16xf32>
      %add3A_1649 = arith.constant 1.000000e+00 : f32
      %add3A_1650 = vector.broadcast %add3A_1649 : f32 to vector<16xf32>
      %add3A_1651 = arith.addf %add3A_1650, %exp3A_1648 : vector<16xf32>
      %div3A_1652 = arith.constant 1.000000e+00 : f32
      %div3A_1653 = vector.broadcast %div3A_1652 : f32 to vector<16xf32>
      %div3A_1654 = arith.divf %div3A_1653, %add3A_1651 : vector<16xf32>
      %broadcast_in_dim3A_1655 = arith.constant 0.000000e+00 : f32
      %broadcast_in_dim3A_1656 = vector.broadcast %broadcast_in_dim3A_1655 : f32 to vector<16xf32>
      %slice3A_1657 = vector.extract_strided_slice %get3A_7 {offsets = [0], sizes = [1], strides = [1]} : vector<16xf32> to vector<1xf32>
      %squeeze3A_1658 = vector.extract %slice3A_1657[0] : f32 from vector<1xf32>
      %slice3A_1659 = vector.extract_strided_slice %get3A_7 {offsets = [1], sizes = [1], strides = [1]} : vector<16xf32> to vector<1xf32>
      %squeeze3A_1660 = vector.extract %slice3A_1659[0] : f32 from vector<1xf32>
      %slice3A_1661 = vector.extract_strided_slice %get3A_7 {offsets = [2], sizes = [1], strides = [1]} : vector<16xf32> to vector<1xf32>
      %squeeze3A_1662 = vector.extract %slice3A_1661[0] : f32 from vector<1xf32>
      %div3A_1663 = vector.broadcast %squeeze3A : f32 to vector<16xf32>
      %div3A_1664 = arith.divf %get3A_1641, %div3A_1663 : vector<16xf32>
      %sub3A_1665 = vector.broadcast %squeeze3A_1658 : f32 to vector<16xf32>
      %sub3A_1666 = arith.subf %div3A_1664, %sub3A_1665 : vector<16xf32>
      %div3A_1667 = vector.broadcast %squeeze3A_1662 : f32 to vector<16xf32>
      %div3A_1668 = arith.divf %sub3A_1666, %div3A_1667 : vector<16xf32>
      %mul3A_1669 = arith.mulf %div3A_1668, %div3A_1668 : vector<16xf32>
      %neg3A_1670 = arith.constant 0.000000e+00 : f32
      %neg3A_1671 = vector.broadcast %neg3A_1670 : f32 to vector<16xf32>
      %neg3A_1672 = arith.subf %neg3A_1671, %mul3A_1669 : vector<16xf32>
      %div3A_1673 = arith.constant 2.000000e+00 : f32
      %div3A_1674 = vector.broadcast %div3A_1673 : f32 to vector<16xf32>
      %div3A_1675 = arith.divf %neg3A_1672, %div3A_1674 : vector<16xf32>
      %exp3A_1676 = math.exp %div3A_1675 : vector<16xf32>
      %mul3A_1677 = vector.broadcast %squeeze3A_1660 : f32 to vector<16xf32>
      %mul3A_1678 = arith.mulf %mul3A_1677, %exp3A_1676 : vector<16xf32>
      %add3A_1679 = arith.addf %broadcast_in_dim3A_1656, %mul3A_1678 : vector<16xf32>
      %mul3A_1680 = arith.mulf %div3A_1654, %add3A_1679 : vector<16xf32>
      %add3A_1681 = arith.addf %add3A_1639, %mul3A_1680 : vector<16xf32>
      %get3A_1682 = arith.constant 624 : index
      %get3A_1683 = tpu.vector_load %arg4[%get3A_1682] {strides = array<i32>} : memref<1040xf32, #tpu.memory_space<vmem>>, vector<16xf32>,
      %sub3A_1684 = arith.constant 1.000000e+00 : f32
      %sub3A_1685 = vector.broadcast %sub3A_1684 : f32 to vector<16xf32>
      %sub3A_1686 = arith.subf %get3A_1683, %sub3A_1685 : vector<16xf32>
      %mul3A_1687 = arith.constant 1.000000e+01 : f32
      %mul3A_1688 = vector.broadcast %mul3A_1687 : f32 to vector<16xf32>
      %mul3A_1689 = arith.mulf %sub3A_1686, %mul3A_1688 : vector<16xf32>
      %exp3A_1690 = math.exp %mul3A_1689 : vector<16xf32>
      %add3A_1691 = arith.constant 1.000000e+00 : f32
      %add3A_1692 = vector.broadcast %add3A_1691 : f32 to vector<16xf32>
      %add3A_1693 = arith.addf %add3A_1692, %exp3A_1690 : vector<16xf32>
      %div3A_1694 = arith.constant 1.000000e+00 : f32
      %div3A_1695 = vector.broadcast %div3A_1694 : f32 to vector<16xf32>
      %div3A_1696 = arith.divf %div3A_1695, %add3A_1693 : vector<16xf32>
      %broadcast_in_dim3A_1697 = arith.constant 0.000000e+00 : f32
      %broadcast_in_dim3A_1698 = vector.broadcast %broadcast_in_dim3A_1697 : f32 to vector<16xf32>
      %slice3A_1699 = vector.extract_strided_slice %get3A_7 {offsets = [0], sizes = [1], strides = [1]} : vector<16xf32> to vector<1xf32>
      %squeeze3A_1700 = vector.extract %slice3A_1699[0] : f32 from vector<1xf32>
      %slice3A_1701 = vector.extract_strided_slice %get3A_7 {offsets = [1], sizes = [1], strides = [1]} : vector<16xf32> to vector<1xf32>
      %squeeze3A_1702 = vector.extract %slice3A_1701[0] : f32 from vector<1xf32>
      %slice3A_1703 = vector.extract_strided_slice %get3A_7 {offsets = [2], sizes = [1], strides = [1]} : vector<16xf32> to vector<1xf32>
      %squeeze3A_1704 = vector.extract %slice3A_1703[0] : f32 from vector<1xf32>
      %div3A_1705 = vector.broadcast %squeeze3A : f32 to vector<16xf32>
      %div3A_1706 = arith.divf %get3A_1683, %div3A_1705 : vector<16xf32>
      %sub3A_1707 = vector.broadcast %squeeze3A_1700 : f32 to vector<16xf32>
      %sub3A_1708 = arith.subf %div3A_1706, %sub3A_1707 : vector<16xf32>
      %div3A_1709 = vector.broadcast %squeeze3A_1704 : f32 to vector<16xf32>
      %div3A_1710 = arith.divf %sub3A_1708, %div3A_1709 : vector<16xf32>
      %mul3A_1711 = arith.mulf %div3A_1710, %div3A_1710 : vector<16xf32>
      %neg3A_1712 = arith.constant 0.000000e+00 : f32
      %neg3A_1713 = vector.broadcast %neg3A_1712 : f32 to vector<16xf32>
      %neg3A_1714 = arith.subf %neg3A_1713, %mul3A_1711 : vector<16xf32>
      %div3A_1715 = arith.constant 2.000000e+00 : f32
      %div3A_1716 = vector.broadcast %div3A_1715 : f32 to vector<16xf32>
      %div3A_1717 = arith.divf %neg3A_1714, %div3A_1716 : vector<16xf32>
      %exp3A_1718 = math.exp %div3A_1717 : vector<16xf32>
      %mul3A_1719 = vector.broadcast %squeeze3A_1702 : f32 to vector<16xf32>
      %mul3A_1720 = arith.mulf %mul3A_1719, %exp3A_1718 : vector<16xf32>
      %add3A_1721 = arith.addf %broadcast_in_dim3A_1698, %mul3A_1720 : vector<16xf32>
      %mul3A_1722 = arith.mulf %div3A_1696, %add3A_1721 : vector<16xf32>
      %add3A_1723 = arith.addf %add3A_1681, %mul3A_1722 : vector<16xf32>
      %get3A_1724 = arith.constant 640 : index
      %get3A_1725 = tpu.vector_load %arg4[%get3A_1724] {strides = array<i32>} : memref<1040xf32, #tpu.memory_space<vmem>>, vector<16xf32>,
      %sub3A_1726 = arith.constant 1.000000e+00 : f32
      %sub3A_1727 = vector.broadcast %sub3A_1726 : f32 to vector<16xf32>
      %sub3A_1728 = arith.subf %get3A_1725, %sub3A_1727 : vector<16xf32>
      %mul3A_1729 = arith.constant 1.000000e+01 : f32
      %mul3A_1730 = vector.broadcast %mul3A_1729 : f32 to vector<16xf32>
      %mul3A_1731 = arith.mulf %sub3A_1728, %mul3A_1730 : vector<16xf32>
      %exp3A_1732 = math.exp %mul3A_1731 : vector<16xf32>
      %add3A_1733 = arith.constant 1.000000e+00 : f32
      %add3A_1734 = vector.broadcast %add3A_1733 : f32 to vector<16xf32>
      %add3A_1735 = arith.addf %add3A_1734, %exp3A_1732 : vector<16xf32>
      %div3A_1736 = arith.constant 1.000000e+00 : f32
      %div3A_1737 = vector.broadcast %div3A_1736 : f32 to vector<16xf32>
      %div3A_1738 = arith.divf %div3A_1737, %add3A_1735 : vector<16xf32>
      %broadcast_in_dim3A_1739 = arith.constant 0.000000e+00 : f32
      %broadcast_in_dim3A_1740 = vector.broadcast %broadcast_in_dim3A_1739 : f32 to vector<16xf32>
      %slice3A_1741 = vector.extract_strided_slice %get3A_7 {offsets = [0], sizes = [1], strides = [1]} : vector<16xf32> to vector<1xf32>
      %squeeze3A_1742 = vector.extract %slice3A_1741[0] : f32 from vector<1xf32>
      %slice3A_1743 = vector.extract_strided_slice %get3A_7 {offsets = [1], sizes = [1], strides = [1]} : vector<16xf32> to vector<1xf32>
      %squeeze3A_1744 = vector.extract %slice3A_1743[0] : f32 from vector<1xf32>
      %slice3A_1745 = vector.extract_strided_slice %get3A_7 {offsets = [2], sizes = [1], strides = [1]} : vector<16xf32> to vector<1xf32>
      %squeeze3A_1746 = vector.extract %slice3A_1745[0] : f32 from vector<1xf32>
      %div3A_1747 = vector.broadcast %squeeze3A : f32 to vector<16xf32>
      %div3A_1748 = arith.divf %get3A_1725, %div3A_1747 : vector<16xf32>
      %sub3A_1749 = vector.broadcast %squeeze3A_1742 : f32 to vector<16xf32>
      %sub3A_1750 = arith.subf %div3A_1748, %sub3A_1749 : vector<16xf32>
      %div3A_1751 = vector.broadcast %squeeze3A_1746 : f32 to vector<16xf32>
      %div3A_1752 = arith.divf %sub3A_1750, %div3A_1751 : vector<16xf32>
      %mul3A_1753 = arith.mulf %div3A_1752, %div3A_1752 : vector<16xf32>
      %neg3A_1754 = arith.constant 0.000000e+00 : f32
      %neg3A_1755 = vector.broadcast %neg3A_1754 : f32 to vector<16xf32>
      %neg3A_1756 = arith.subf %neg3A_1755, %mul3A_1753 : vector<16xf32>
      %div3A_1757 = arith.constant 2.000000e+00 : f32
      %div3A_1758 = vector.broadcast %div3A_1757 : f32 to vector<16xf32>
      %div3A_1759 = arith.divf %neg3A_1756, %div3A_1758 : vector<16xf32>
      %exp3A_1760 = math.exp %div3A_1759 : vector<16xf32>
      %mul3A_1761 = vector.broadcast %squeeze3A_1744 : f32 to vector<16xf32>
      %mul3A_1762 = arith.mulf %mul3A_1761, %exp3A_1760 : vector<16xf32>
      %add3A_1763 = arith.addf %broadcast_in_dim3A_1740, %mul3A_1762 : vector<16xf32>
      %mul3A_1764 = arith.mulf %div3A_1738, %add3A_1763 : vector<16xf32>
      %add3A_1765 = arith.addf %add3A_1723, %mul3A_1764 : vector<16xf32>
      %get3A_1766 = arith.constant 656 : index
      %get3A_1767 = tpu.vector_load %arg4[%get3A_1766] {strides = array<i32>} : memref<1040xf32, #tpu.memory_space<vmem>>, vector<16xf32>,
      %sub3A_1768 = arith.constant 1.000000e+00 : f32
      %sub3A_1769 = vector.broadcast %sub3A_1768 : f32 to vector<16xf32>
      %sub3A_1770 = arith.subf %get3A_1767, %sub3A_1769 : vector<16xf32>
      %mul3A_1771 = arith.constant 1.000000e+01 : f32
      %mul3A_1772 = vector.broadcast %mul3A_1771 : f32 to vector<16xf32>
      %mul3A_1773 = arith.mulf %sub3A_1770, %mul3A_1772 : vector<16xf32>
      %exp3A_1774 = math.exp %mul3A_1773 : vector<16xf32>
      %add3A_1775 = arith.constant 1.000000e+00 : f32
      %add3A_1776 = vector.broadcast %add3A_1775 : f32 to vector<16xf32>
      %add3A_1777 = arith.addf %add3A_1776, %exp3A_1774 : vector<16xf32>
      %div3A_1778 = arith.constant 1.000000e+00 : f32
      %div3A_1779 = vector.broadcast %div3A_1778 : f32 to vector<16xf32>
      %div3A_1780 = arith.divf %div3A_1779, %add3A_1777 : vector<16xf32>
      %broadcast_in_dim3A_1781 = arith.constant 0.000000e+00 : f32
      %broadcast_in_dim3A_1782 = vector.broadcast %broadcast_in_dim3A_1781 : f32 to vector<16xf32>
      %slice3A_1783 = vector.extract_strided_slice %get3A_7 {offsets = [0], sizes = [1], strides = [1]} : vector<16xf32> to vector<1xf32>
      %squeeze3A_1784 = vector.extract %slice3A_1783[0] : f32 from vector<1xf32>
      %slice3A_1785 = vector.extract_strided_slice %get3A_7 {offsets = [1], sizes = [1], strides = [1]} : vector<16xf32> to vector<1xf32>
      %squeeze3A_1786 = vector.extract %slice3A_1785[0] : f32 from vector<1xf32>
      %slice3A_1787 = vector.extract_strided_slice %get3A_7 {offsets = [2], sizes = [1], strides = [1]} : vector<16xf32> to vector<1xf32>
      %squeeze3A_1788 = vector.extract %slice3A_1787[0] : f32 from vector<1xf32>
      %div3A_1789 = vector.broadcast %squeeze3A : f32 to vector<16xf32>
      %div3A_1790 = arith.divf %get3A_1767, %div3A_1789 : vector<16xf32>
      %sub3A_1791 = vector.broadcast %squeeze3A_1784 : f32 to vector<16xf32>
      %sub3A_1792 = arith.subf %div3A_1790, %sub3A_1791 : vector<16xf32>
      %div3A_1793 = vector.broadcast %squeeze3A_1788 : f32 to vector<16xf32>
      %div3A_1794 = arith.divf %sub3A_1792, %div3A_1793 : vector<16xf32>
      %mul3A_1795 = arith.mulf %div3A_1794, %div3A_1794 : vector<16xf32>
      %neg3A_1796 = arith.constant 0.000000e+00 : f32
      %neg3A_1797 = vector.broadcast %neg3A_1796 : f32 to vector<16xf32>
      %neg3A_1798 = arith.subf %neg3A_1797, %mul3A_1795 : vector<16xf32>
      %div3A_1799 = arith.constant 2.000000e+00 : f32
      %div3A_1800 = vector.broadcast %div3A_1799 : f32 to vector<16xf32>
      %div3A_1801 = arith.divf %neg3A_1798, %div3A_1800 : vector<16xf32>
      %exp3A_1802 = math.exp %div3A_1801 : vector<16xf32>
      %mul3A_1803 = vector.broadcast %squeeze3A_1786 : f32 to vector<16xf32>
      %mul3A_1804 = arith.mulf %mul3A_1803, %exp3A_1802 : vector<16xf32>
      %add3A_1805 = arith.addf %broadcast_in_dim3A_1782, %mul3A_1804 : vector<16xf32>
      %mul3A_1806 = arith.mulf %div3A_1780, %add3A_1805 : vector<16xf32>
      %add3A_1807 = arith.addf %add3A_1765, %mul3A_1806 : vector<16xf32>
      %get3A_1808 = arith.constant 672 : index
      %get3A_1809 = tpu.vector_load %arg4[%get3A_1808] {strides = array<i32>} : memref<1040xf32, #tpu.memory_space<vmem>>, vector<16xf32>,
      %sub3A_1810 = arith.constant 1.000000e+00 : f32
      %sub3A_1811 = vector.broadcast %sub3A_1810 : f32 to vector<16xf32>
      %sub3A_1812 = arith.subf %get3A_1809, %sub3A_1811 : vector<16xf32>
      %mul3A_1813 = arith.constant 1.000000e+01 : f32
      %mul3A_1814 = vector.broadcast %mul3A_1813 : f32 to vector<16xf32>
      %mul3A_1815 = arith.mulf %sub3A_1812, %mul3A_1814 : vector<16xf32>
      %exp3A_1816 = math.exp %mul3A_1815 : vector<16xf32>
      %add3A_1817 = arith.constant 1.000000e+00 : f32
      %add3A_1818 = vector.broadcast %add3A_1817 : f32 to vector<16xf32>
      %add3A_1819 = arith.addf %add3A_1818, %exp3A_1816 : vector<16xf32>
      %div3A_1820 = arith.constant 1.000000e+00 : f32
      %div3A_1821 = vector.broadcast %div3A_1820 : f32 to vector<16xf32>
      %div3A_1822 = arith.divf %div3A_1821, %add3A_1819 : vector<16xf32>
      %broadcast_in_dim3A_1823 = arith.constant 0.000000e+00 : f32
      %broadcast_in_dim3A_1824 = vector.broadcast %broadcast_in_dim3A_1823 : f32 to vector<16xf32>
      %slice3A_1825 = vector.extract_strided_slice %get3A_7 {offsets = [0], sizes = [1], strides = [1]} : vector<16xf32> to vector<1xf32>
      %squeeze3A_1826 = vector.extract %slice3A_1825[0] : f32 from vector<1xf32>
      %slice3A_1827 = vector.extract_strided_slice %get3A_7 {offsets = [1], sizes = [1], strides = [1]} : vector<16xf32> to vector<1xf32>
      %squeeze3A_1828 = vector.extract %slice3A_1827[0] : f32 from vector<1xf32>
      %slice3A_1829 = vector.extract_strided_slice %get3A_7 {offsets = [2], sizes = [1], strides = [1]} : vector<16xf32> to vector<1xf32>
      %squeeze3A_1830 = vector.extract %slice3A_1829[0] : f32 from vector<1xf32>
      %div3A_1831 = vector.broadcast %squeeze3A : f32 to vector<16xf32>
      %div3A_1832 = arith.divf %get3A_1809, %div3A_1831 : vector<16xf32>
      %sub3A_1833 = vector.broadcast %squeeze3A_1826 : f32 to vector<16xf32>
      %sub3A_1834 = arith.subf %div3A_1832, %sub3A_1833 : vector<16xf32>
      %div3A_1835 = vector.broadcast %squeeze3A_1830 : f32 to vector<16xf32>
      %div3A_1836 = arith.divf %sub3A_1834, %div3A_1835 : vector<16xf32>
      %mul3A_1837 = arith.mulf %div3A_1836, %div3A_1836 : vector<16xf32>
      %neg3A_1838 = arith.constant 0.000000e+00 : f32
      %neg3A_1839 = vector.broadcast %neg3A_1838 : f32 to vector<16xf32>
      %neg3A_1840 = arith.subf %neg3A_1839, %mul3A_1837 : vector<16xf32>
      %div3A_1841 = arith.constant 2.000000e+00 : f32
      %div3A_1842 = vector.broadcast %div3A_1841 : f32 to vector<16xf32>
      %div3A_1843 = arith.divf %neg3A_1840, %div3A_1842 : vector<16xf32>
      %exp3A_1844 = math.exp %div3A_1843 : vector<16xf32>
      %mul3A_1845 = vector.broadcast %squeeze3A_1828 : f32 to vector<16xf32>
      %mul3A_1846 = arith.mulf %mul3A_1845, %exp3A_1844 : vector<16xf32>
      %add3A_1847 = arith.addf %broadcast_in_dim3A_1824, %mul3A_1846 : vector<16xf32>
      %mul3A_1848 = arith.mulf %div3A_1822, %add3A_1847 : vector<16xf32>
      %add3A_1849 = arith.addf %add3A_1807, %mul3A_1848 : vector<16xf32>
      %get3A_1850 = arith.constant 688 : index
      %get3A_1851 = tpu.vector_load %arg4[%get3A_1850] {strides = array<i32>} : memref<1040xf32, #tpu.memory_space<vmem>>, vector<16xf32>,
      %sub3A_1852 = arith.constant 1.000000e+00 : f32
      %sub3A_1853 = vector.broadcast %sub3A_1852 : f32 to vector<16xf32>
      %sub3A_1854 = arith.subf %get3A_1851, %sub3A_1853 : vector<16xf32>
      %mul3A_1855 = arith.constant 1.000000e+01 : f32
      %mul3A_1856 = vector.broadcast %mul3A_1855 : f32 to vector<16xf32>
      %mul3A_1857 = arith.mulf %sub3A_1854, %mul3A_1856 : vector<16xf32>
      %exp3A_1858 = math.exp %mul3A_1857 : vector<16xf32>
      %add3A_1859 = arith.constant 1.000000e+00 : f32
      %add3A_1860 = vector.broadcast %add3A_1859 : f32 to vector<16xf32>
      %add3A_1861 = arith.addf %add3A_1860, %exp3A_1858 : vector<16xf32>
      %div3A_1862 = arith.constant 1.000000e+00 : f32
      %div3A_1863 = vector.broadcast %div3A_1862 : f32 to vector<16xf32>
      %div3A_1864 = arith.divf %div3A_1863, %add3A_1861 : vector<16xf32>
      %broadcast_in_dim3A_1865 = arith.constant 0.000000e+00 : f32
      %broadcast_in_dim3A_1866 = vector.broadcast %broadcast_in_dim3A_1865 : f32 to vector<16xf32>
      %slice3A_1867 = vector.extract_strided_slice %get3A_7 {offsets = [0], sizes = [1], strides = [1]} : vector<16xf32> to vector<1xf32>
      %squeeze3A_1868 = vector.extract %slice3A_1867[0] : f32 from vector<1xf32>
      %slice3A_1869 = vector.extract_strided_slice %get3A_7 {offsets = [1], sizes = [1], strides = [1]} : vector<16xf32> to vector<1xf32>
      %squeeze3A_1870 = vector.extract %slice3A_1869[0] : f32 from vector<1xf32>
      %slice3A_1871 = vector.extract_strided_slice %get3A_7 {offsets = [2], sizes = [1], strides = [1]} : vector<16xf32> to vector<1xf32>
      %squeeze3A_1872 = vector.extract %slice3A_1871[0] : f32 from vector<1xf32>
      %div3A_1873 = vector.broadcast %squeeze3A : f32 to vector<16xf32>
      %div3A_1874 = arith.divf %get3A_1851, %div3A_1873 : vector<16xf32>
      %sub3A_1875 = vector.broadcast %squeeze3A_1868 : f32 to vector<16xf32>
      %sub3A_1876 = arith.subf %div3A_1874, %sub3A_1875 : vector<16xf32>
      %div3A_1877 = vector.broadcast %squeeze3A_1872 : f32 to vector<16xf32>
      %div3A_1878 = arith.divf %sub3A_1876, %div3A_1877 : vector<16xf32>
      %mul3A_1879 = arith.mulf %div3A_1878, %div3A_1878 : vector<16xf32>
      %neg3A_1880 = arith.constant 0.000000e+00 : f32
      %neg3A_1881 = vector.broadcast %neg3A_1880 : f32 to vector<16xf32>
      %neg3A_1882 = arith.subf %neg3A_1881, %mul3A_1879 : vector<16xf32>
      %div3A_1883 = arith.constant 2.000000e+00 : f32
      %div3A_1884 = vector.broadcast %div3A_1883 : f32 to vector<16xf32>
      %div3A_1885 = arith.divf %neg3A_1882, %div3A_1884 : vector<16xf32>
      %exp3A_1886 = math.exp %div3A_1885 : vector<16xf32>
      %mul3A_1887 = vector.broadcast %squeeze3A_1870 : f32 to vector<16xf32>
      %mul3A_1888 = arith.mulf %mul3A_1887, %exp3A_1886 : vector<16xf32>
      %add3A_1889 = arith.addf %broadcast_in_dim3A_1866, %mul3A_1888 : vector<16xf32>
      %mul3A_1890 = arith.mulf %div3A_1864, %add3A_1889 : vector<16xf32>
      %add3A_1891 = arith.addf %add3A_1849, %mul3A_1890 : vector<16xf32>
      %get3A_1892 = arith.constant 704 : index
      %get3A_1893 = tpu.vector_load %arg4[%get3A_1892] {strides = array<i32>} : memref<1040xf32, #tpu.memory_space<vmem>>, vector<16xf32>,
      %sub3A_1894 = arith.constant 1.000000e+00 : f32
      %sub3A_1895 = vector.broadcast %sub3A_1894 : f32 to vector<16xf32>
      %sub3A_1896 = arith.subf %get3A_1893, %sub3A_1895 : vector<16xf32>
      %mul3A_1897 = arith.constant 1.000000e+01 : f32
      %mul3A_1898 = vector.broadcast %mul3A_1897 : f32 to vector<16xf32>
      %mul3A_1899 = arith.mulf %sub3A_1896, %mul3A_1898 : vector<16xf32>
      %exp3A_1900 = math.exp %mul3A_1899 : vector<16xf32>
      %add3A_1901 = arith.constant 1.000000e+00 : f32
      %add3A_1902 = vector.broadcast %add3A_1901 : f32 to vector<16xf32>
      %add3A_1903 = arith.addf %add3A_1902, %exp3A_1900 : vector<16xf32>
      %div3A_1904 = arith.constant 1.000000e+00 : f32
      %div3A_1905 = vector.broadcast %div3A_1904 : f32 to vector<16xf32>
      %div3A_1906 = arith.divf %div3A_1905, %add3A_1903 : vector<16xf32>
      %broadcast_in_dim3A_1907 = arith.constant 0.000000e+00 : f32
      %broadcast_in_dim3A_1908 = vector.broadcast %broadcast_in_dim3A_1907 : f32 to vector<16xf32>
      %slice3A_1909 = vector.extract_strided_slice %get3A_7 {offsets = [0], sizes = [1], strides = [1]} : vector<16xf32> to vector<1xf32>
      %squeeze3A_1910 = vector.extract %slice3A_1909[0] : f32 from vector<1xf32>
      %slice3A_1911 = vector.extract_strided_slice %get3A_7 {offsets = [1], sizes = [1], strides = [1]} : vector<16xf32> to vector<1xf32>
      %squeeze3A_1912 = vector.extract %slice3A_1911[0] : f32 from vector<1xf32>
      %slice3A_1913 = vector.extract_strided_slice %get3A_7 {offsets = [2], sizes = [1], strides = [1]} : vector<16xf32> to vector<1xf32>
      %squeeze3A_1914 = vector.extract %slice3A_1913[0] : f32 from vector<1xf32>
      %div3A_1915 = vector.broadcast %squeeze3A : f32 to vector<16xf32>
      %div3A_1916 = arith.divf %get3A_1893, %div3A_1915 : vector<16xf32>
      %sub3A_1917 = vector.broadcast %squeeze3A_1910 : f32 to vector<16xf32>
      %sub3A_1918 = arith.subf %div3A_1916, %sub3A_1917 : vector<16xf32>
      %div3A_1919 = vector.broadcast %squeeze3A_1914 : f32 to vector<16xf32>
      %div3A_1920 = arith.divf %sub3A_1918, %div3A_1919 : vector<16xf32>
      %mul3A_1921 = arith.mulf %div3A_1920, %div3A_1920 : vector<16xf32>
      %neg3A_1922 = arith.constant 0.000000e+00 : f32
      %neg3A_1923 = vector.broadcast %neg3A_1922 : f32 to vector<16xf32>
      %neg3A_1924 = arith.subf %neg3A_1923, %mul3A_1921 : vector<16xf32>
      %div3A_1925 = arith.constant 2.000000e+00 : f32
      %div3A_1926 = vector.broadcast %div3A_1925 : f32 to vector<16xf32>
      %div3A_1927 = arith.divf %neg3A_1924, %div3A_1926 : vector<16xf32>
      %exp3A_1928 = math.exp %div3A_1927 : vector<16xf32>
      %mul3A_1929 = vector.broadcast %squeeze3A_1912 : f32 to vector<16xf32>
      %mul3A_1930 = arith.mulf %mul3A_1929, %exp3A_1928 : vector<16xf32>
      %add3A_1931 = arith.addf %broadcast_in_dim3A_1908, %mul3A_1930 : vector<16xf32>
      %mul3A_1932 = arith.mulf %div3A_1906, %add3A_1931 : vector<16xf32>
      %add3A_1933 = arith.addf %add3A_1891, %mul3A_1932 : vector<16xf32>
      %get3A_1934 = arith.constant 720 : index
      %get3A_1935 = tpu.vector_load %arg4[%get3A_1934] {strides = array<i32>} : memref<1040xf32, #tpu.memory_space<vmem>>, vector<16xf32>,
      %sub3A_1936 = arith.constant 1.000000e+00 : f32
      %sub3A_1937 = vector.broadcast %sub3A_1936 : f32 to vector<16xf32>
      %sub3A_1938 = arith.subf %get3A_1935, %sub3A_1937 : vector<16xf32>
      %mul3A_1939 = arith.constant 1.000000e+01 : f32
      %mul3A_1940 = vector.broadcast %mul3A_1939 : f32 to vector<16xf32>
      %mul3A_1941 = arith.mulf %sub3A_1938, %mul3A_1940 : vector<16xf32>
      %exp3A_1942 = math.exp %mul3A_1941 : vector<16xf32>
      %add3A_1943 = arith.constant 1.000000e+00 : f32
      %add3A_1944 = vector.broadcast %add3A_1943 : f32 to vector<16xf32>
      %add3A_1945 = arith.addf %add3A_1944, %exp3A_1942 : vector<16xf32>
      %div3A_1946 = arith.constant 1.000000e+00 : f32
      %div3A_1947 = vector.broadcast %div3A_1946 : f32 to vector<16xf32>
      %div3A_1948 = arith.divf %div3A_1947, %add3A_1945 : vector<16xf32>
      %broadcast_in_dim3A_1949 = arith.constant 0.000000e+00 : f32
      %broadcast_in_dim3A_1950 = vector.broadcast %broadcast_in_dim3A_1949 : f32 to vector<16xf32>
      %slice3A_1951 = vector.extract_strided_slice %get3A_7 {offsets = [0], sizes = [1], strides = [1]} : vector<16xf32> to vector<1xf32>
      %squeeze3A_1952 = vector.extract %slice3A_1951[0] : f32 from vector<1xf32>
      %slice3A_1953 = vector.extract_strided_slice %get3A_7 {offsets = [1], sizes = [1], strides = [1]} : vector<16xf32> to vector<1xf32>
      %squeeze3A_1954 = vector.extract %slice3A_1953[0] : f32 from vector<1xf32>
      %slice3A_1955 = vector.extract_strided_slice %get3A_7 {offsets = [2], sizes = [1], strides = [1]} : vector<16xf32> to vector<1xf32>
      %squeeze3A_1956 = vector.extract %slice3A_1955[0] : f32 from vector<1xf32>
      %div3A_1957 = vector.broadcast %squeeze3A : f32 to vector<16xf32>
      %div3A_1958 = arith.divf %get3A_1935, %div3A_1957 : vector<16xf32>
      %sub3A_1959 = vector.broadcast %squeeze3A_1952 : f32 to vector<16xf32>
      %sub3A_1960 = arith.subf %div3A_1958, %sub3A_1959 : vector<16xf32>
      %div3A_1961 = vector.broadcast %squeeze3A_1956 : f32 to vector<16xf32>
      %div3A_1962 = arith.divf %sub3A_1960, %div3A_1961 : vector<16xf32>
      %mul3A_1963 = arith.mulf %div3A_1962, %div3A_1962 : vector<16xf32>
      %neg3A_1964 = arith.constant 0.000000e+00 : f32
      %neg3A_1965 = vector.broadcast %neg3A_1964 : f32 to vector<16xf32>
      %neg3A_1966 = arith.subf %neg3A_1965, %mul3A_1963 : vector<16xf32>
      %div3A_1967 = arith.constant 2.000000e+00 : f32
      %div3A_1968 = vector.broadcast %div3A_1967 : f32 to vector<16xf32>
      %div3A_1969 = arith.divf %neg3A_1966, %div3A_1968 : vector<16xf32>
      %exp3A_1970 = math.exp %div3A_1969 : vector<16xf32>
      %mul3A_1971 = vector.broadcast %squeeze3A_1954 : f32 to vector<16xf32>
      %mul3A_1972 = arith.mulf %mul3A_1971, %exp3A_1970 : vector<16xf32>
      %add3A_1973 = arith.addf %broadcast_in_dim3A_1950, %mul3A_1972 : vector<16xf32>
      %mul3A_1974 = arith.mulf %div3A_1948, %add3A_1973 : vector<16xf32>
      %add3A_1975 = arith.addf %add3A_1933, %mul3A_1974 : vector<16xf32>
      %get3A_1976 = arith.constant 736 : index
      %get3A_1977 = tpu.vector_load %arg4[%get3A_1976] {strides = array<i32>} : memref<1040xf32, #tpu.memory_space<vmem>>, vector<16xf32>,
      %sub3A_1978 = arith.constant 1.000000e+00 : f32
      %sub3A_1979 = vector.broadcast %sub3A_1978 : f32 to vector<16xf32>
      %sub3A_1980 = arith.subf %get3A_1977, %sub3A_1979 : vector<16xf32>
      %mul3A_1981 = arith.constant 1.000000e+01 : f32
      %mul3A_1982 = vector.broadcast %mul3A_1981 : f32 to vector<16xf32>
      %mul3A_1983 = arith.mulf %sub3A_1980, %mul3A_1982 : vector<16xf32>
      %exp3A_1984 = math.exp %mul3A_1983 : vector<16xf32>
      %add3A_1985 = arith.constant 1.000000e+00 : f32
      %add3A_1986 = vector.broadcast %add3A_1985 : f32 to vector<16xf32>
      %add3A_1987 = arith.addf %add3A_1986, %exp3A_1984 : vector<16xf32>
      %div3A_1988 = arith.constant 1.000000e+00 : f32
      %div3A_1989 = vector.broadcast %div3A_1988 : f32 to vector<16xf32>
      %div3A_1990 = arith.divf %div3A_1989, %add3A_1987 : vector<16xf32>
      %broadcast_in_dim3A_1991 = arith.constant 0.000000e+00 : f32
      %broadcast_in_dim3A_1992 = vector.broadcast %broadcast_in_dim3A_1991 : f32 to vector<16xf32>
      %slice3A_1993 = vector.extract_strided_slice %get3A_7 {offsets = [0], sizes = [1], strides = [1]} : vector<16xf32> to vector<1xf32>
      %squeeze3A_1994 = vector.extract %slice3A_1993[0] : f32 from vector<1xf32>
      %slice3A_1995 = vector.extract_strided_slice %get3A_7 {offsets = [1], sizes = [1], strides = [1]} : vector<16xf32> to vector<1xf32>
      %squeeze3A_1996 = vector.extract %slice3A_1995[0] : f32 from vector<1xf32>
      %slice3A_1997 = vector.extract_strided_slice %get3A_7 {offsets = [2], sizes = [1], strides = [1]} : vector<16xf32> to vector<1xf32>
      %squeeze3A_1998 = vector.extract %slice3A_1997[0] : f32 from vector<1xf32>
      %div3A_1999 = vector.broadcast %squeeze3A : f32 to vector<16xf32>
      %div3A_2000 = arith.divf %get3A_1977, %div3A_1999 : vector<16xf32>
      %sub3A_2001 = vector.broadcast %squeeze3A_1994 : f32 to vector<16xf32>
      %sub3A_2002 = arith.subf %div3A_2000, %sub3A_2001 : vector<16xf32>
      %div3A_2003 = vector.broadcast %squeeze3A_1998 : f32 to vector<16xf32>
      %div3A_2004 = arith.divf %sub3A_2002, %div3A_2003 : vector<16xf32>
      %mul3A_2005 = arith.mulf %div3A_2004, %div3A_2004 : vector<16xf32>
      %neg3A_2006 = arith.constant 0.000000e+00 : f32
      %neg3A_2007 = vector.broadcast %neg3A_2006 : f32 to vector<16xf32>
      %neg3A_2008 = arith.subf %neg3A_2007, %mul3A_2005 : vector<16xf32>
      %div3A_2009 = arith.constant 2.000000e+00 : f32
      %div3A_2010 = vector.broadcast %div3A_2009 : f32 to vector<16xf32>
      %div3A_2011 = arith.divf %neg3A_2008, %div3A_2010 : vector<16xf32>
      %exp3A_2012 = math.exp %div3A_2011 : vector<16xf32>
      %mul3A_2013 = vector.broadcast %squeeze3A_1996 : f32 to vector<16xf32>
      %mul3A_2014 = arith.mulf %mul3A_2013, %exp3A_2012 : vector<16xf32>
      %add3A_2015 = arith.addf %broadcast_in_dim3A_1992, %mul3A_2014 : vector<16xf32>
      %mul3A_2016 = arith.mulf %div3A_1990, %add3A_2015 : vector<16xf32>
      %add3A_2017 = arith.addf %add3A_1975, %mul3A_2016 : vector<16xf32>
      %get3A_2018 = arith.constant 752 : index
      %get3A_2019 = tpu.vector_load %arg4[%get3A_2018] {strides = array<i32>} : memref<1040xf32, #tpu.memory_space<vmem>>, vector<16xf32>,
      %sub3A_2020 = arith.constant 1.000000e+00 : f32
      %sub3A_2021 = vector.broadcast %sub3A_2020 : f32 to vector<16xf32>
      %sub3A_2022 = arith.subf %get3A_2019, %sub3A_2021 : vector<16xf32>
      %mul3A_2023 = arith.constant 1.000000e+01 : f32
      %mul3A_2024 = vector.broadcast %mul3A_2023 : f32 to vector<16xf32>
      %mul3A_2025 = arith.mulf %sub3A_2022, %mul3A_2024 : vector<16xf32>
      %exp3A_2026 = math.exp %mul3A_2025 : vector<16xf32>
      %add3A_2027 = arith.constant 1.000000e+00 : f32
      %add3A_2028 = vector.broadcast %add3A_2027 : f32 to vector<16xf32>
      %add3A_2029 = arith.addf %add3A_2028, %exp3A_2026 : vector<16xf32>
      %div3A_2030 = arith.constant 1.000000e+00 : f32
      %div3A_2031 = vector.broadcast %div3A_2030 : f32 to vector<16xf32>
      %div3A_2032 = arith.divf %div3A_2031, %add3A_2029 : vector<16xf32>
      %broadcast_in_dim3A_2033 = arith.constant 0.000000e+00 : f32
      %broadcast_in_dim3A_2034 = vector.broadcast %broadcast_in_dim3A_2033 : f32 to vector<16xf32>
      %slice3A_2035 = vector.extract_strided_slice %get3A_7 {offsets = [0], sizes = [1], strides = [1]} : vector<16xf32> to vector<1xf32>
      %squeeze3A_2036 = vector.extract %slice3A_2035[0] : f32 from vector<1xf32>
      %slice3A_2037 = vector.extract_strided_slice %get3A_7 {offsets = [1], sizes = [1], strides = [1]} : vector<16xf32> to vector<1xf32>
      %squeeze3A_2038 = vector.extract %slice3A_2037[0] : f32 from vector<1xf32>
      %slice3A_2039 = vector.extract_strided_slice %get3A_7 {offsets = [2], sizes = [1], strides = [1]} : vector<16xf32> to vector<1xf32>
      %squeeze3A_2040 = vector.extract %slice3A_2039[0] : f32 from vector<1xf32>
      %div3A_2041 = vector.broadcast %squeeze3A : f32 to vector<16xf32>
      %div3A_2042 = arith.divf %get3A_2019, %div3A_2041 : vector<16xf32>
      %sub3A_2043 = vector.broadcast %squeeze3A_2036 : f32 to vector<16xf32>
      %sub3A_2044 = arith.subf %div3A_2042, %sub3A_2043 : vector<16xf32>
      %div3A_2045 = vector.broadcast %squeeze3A_2040 : f32 to vector<16xf32>
      %div3A_2046 = arith.divf %sub3A_2044, %div3A_2045 : vector<16xf32>
      %mul3A_2047 = arith.mulf %div3A_2046, %div3A_2046 : vector<16xf32>
      %neg3A_2048 = arith.constant 0.000000e+00 : f32
      %neg3A_2049 = vector.broadcast %neg3A_2048 : f32 to vector<16xf32>
      %neg3A_2050 = arith.subf %neg3A_2049, %mul3A_2047 : vector<16xf32>
      %div3A_2051 = arith.constant 2.000000e+00 : f32
      %div3A_2052 = vector.broadcast %div3A_2051 : f32 to vector<16xf32>
      %div3A_2053 = arith.divf %neg3A_2050, %div3A_2052 : vector<16xf32>
      %exp3A_2054 = math.exp %div3A_2053 : vector<16xf32>
      %mul3A_2055 = vector.broadcast %squeeze3A_2038 : f32 to vector<16xf32>
      %mul3A_2056 = arith.mulf %mul3A_2055, %exp3A_2054 : vector<16xf32>
      %add3A_2057 = arith.addf %broadcast_in_dim3A_2034, %mul3A_2056 : vector<16xf32>
      %mul3A_2058 = arith.mulf %div3A_2032, %add3A_2057 : vector<16xf32>
      %add3A_2059 = arith.addf %add3A_2017, %mul3A_2058 : vector<16xf32>
      %get3A_2060 = arith.constant 768 : index
      %get3A_2061 = tpu.vector_load %arg4[%get3A_2060] {strides = array<i32>} : memref<1040xf32, #tpu.memory_space<vmem>>, vector<16xf32>,
      %sub3A_2062 = arith.constant 1.000000e+00 : f32
      %sub3A_2063 = vector.broadcast %sub3A_2062 : f32 to vector<16xf32>
      %sub3A_2064 = arith.subf %get3A_2061, %sub3A_2063 : vector<16xf32>
      %mul3A_2065 = arith.constant 1.000000e+01 : f32
      %mul3A_2066 = vector.broadcast %mul3A_2065 : f32 to vector<16xf32>
      %mul3A_2067 = arith.mulf %sub3A_2064, %mul3A_2066 : vector<16xf32>
      %exp3A_2068 = math.exp %mul3A_2067 : vector<16xf32>
      %add3A_2069 = arith.constant 1.000000e+00 : f32
      %add3A_2070 = vector.broadcast %add3A_2069 : f32 to vector<16xf32>
      %add3A_2071 = arith.addf %add3A_2070, %exp3A_2068 : vector<16xf32>
      %div3A_2072 = arith.constant 1.000000e+00 : f32
      %div3A_2073 = vector.broadcast %div3A_2072 : f32 to vector<16xf32>
      %div3A_2074 = arith.divf %div3A_2073, %add3A_2071 : vector<16xf32>
      %broadcast_in_dim3A_2075 = arith.constant 0.000000e+00 : f32
      %broadcast_in_dim3A_2076 = vector.broadcast %broadcast_in_dim3A_2075 : f32 to vector<16xf32>
      %slice3A_2077 = vector.extract_strided_slice %get3A_7 {offsets = [0], sizes = [1], strides = [1]} : vector<16xf32> to vector<1xf32>
      %squeeze3A_2078 = vector.extract %slice3A_2077[0] : f32 from vector<1xf32>
      %slice3A_2079 = vector.extract_strided_slice %get3A_7 {offsets = [1], sizes = [1], strides = [1]} : vector<16xf32> to vector<1xf32>
      %squeeze3A_2080 = vector.extract %slice3A_2079[0] : f32 from vector<1xf32>
      %slice3A_2081 = vector.extract_strided_slice %get3A_7 {offsets = [2], sizes = [1], strides = [1]} : vector<16xf32> to vector<1xf32>
      %squeeze3A_2082 = vector.extract %slice3A_2081[0] : f32 from vector<1xf32>
      %div3A_2083 = vector.broadcast %squeeze3A : f32 to vector<16xf32>
      %div3A_2084 = arith.divf %get3A_2061, %div3A_2083 : vector<16xf32>
      %sub3A_2085 = vector.broadcast %squeeze3A_2078 : f32 to vector<16xf32>
      %sub3A_2086 = arith.subf %div3A_2084, %sub3A_2085 : vector<16xf32>
      %div3A_2087 = vector.broadcast %squeeze3A_2082 : f32 to vector<16xf32>
      %div3A_2088 = arith.divf %sub3A_2086, %div3A_2087 : vector<16xf32>
      %mul3A_2089 = arith.mulf %div3A_2088, %div3A_2088 : vector<16xf32>
      %neg3A_2090 = arith.constant 0.000000e+00 : f32
      %neg3A_2091 = vector.broadcast %neg3A_2090 : f32 to vector<16xf32>
      %neg3A_2092 = arith.subf %neg3A_2091, %mul3A_2089 : vector<16xf32>
      %div3A_2093 = arith.constant 2.000000e+00 : f32
      %div3A_2094 = vector.broadcast %div3A_2093 : f32 to vector<16xf32>
      %div3A_2095 = arith.divf %neg3A_2092, %div3A_2094 : vector<16xf32>
      %exp3A_2096 = math.exp %div3A_2095 : vector<16xf32>
      %mul3A_2097 = vector.broadcast %squeeze3A_2080 : f32 to vector<16xf32>
      %mul3A_2098 = arith.mulf %mul3A_2097, %exp3A_2096 : vector<16xf32>
      %add3A_2099 = arith.addf %broadcast_in_dim3A_2076, %mul3A_2098 : vector<16xf32>
      %mul3A_2100 = arith.mulf %div3A_2074, %add3A_2099 : vector<16xf32>
      %add3A_2101 = arith.addf %add3A_2059, %mul3A_2100 : vector<16xf32>
      %get3A_2102 = arith.constant 784 : index
      %get3A_2103 = tpu.vector_load %arg4[%get3A_2102] {strides = array<i32>} : memref<1040xf32, #tpu.memory_space<vmem>>, vector<16xf32>,
      %sub3A_2104 = arith.constant 1.000000e+00 : f32
      %sub3A_2105 = vector.broadcast %sub3A_2104 : f32 to vector<16xf32>
      %sub3A_2106 = arith.subf %get3A_2103, %sub3A_2105 : vector<16xf32>
      %mul3A_2107 = arith.constant 1.000000e+01 : f32
      %mul3A_2108 = vector.broadcast %mul3A_2107 : f32 to vector<16xf32>
      %mul3A_2109 = arith.mulf %sub3A_2106, %mul3A_2108 : vector<16xf32>
      %exp3A_2110 = math.exp %mul3A_2109 : vector<16xf32>
      %add3A_2111 = arith.constant 1.000000e+00 : f32
      %add3A_2112 = vector.broadcast %add3A_2111 : f32 to vector<16xf32>
      %add3A_2113 = arith.addf %add3A_2112, %exp3A_2110 : vector<16xf32>
      %div3A_2114 = arith.constant 1.000000e+00 : f32
      %div3A_2115 = vector.broadcast %div3A_2114 : f32 to vector<16xf32>
      %div3A_2116 = arith.divf %div3A_2115, %add3A_2113 : vector<16xf32>
      %broadcast_in_dim3A_2117 = arith.constant 0.000000e+00 : f32
      %broadcast_in_dim3A_2118 = vector.broadcast %broadcast_in_dim3A_2117 : f32 to vector<16xf32>
      %slice3A_2119 = vector.extract_strided_slice %get3A_7 {offsets = [0], sizes = [1], strides = [1]} : vector<16xf32> to vector<1xf32>
      %squeeze3A_2120 = vector.extract %slice3A_2119[0] : f32 from vector<1xf32>
      %slice3A_2121 = vector.extract_strided_slice %get3A_7 {offsets = [1], sizes = [1], strides = [1]} : vector<16xf32> to vector<1xf32>
      %squeeze3A_2122 = vector.extract %slice3A_2121[0] : f32 from vector<1xf32>
      %slice3A_2123 = vector.extract_strided_slice %get3A_7 {offsets = [2], sizes = [1], strides = [1]} : vector<16xf32> to vector<1xf32>
      %squeeze3A_2124 = vector.extract %slice3A_2123[0] : f32 from vector<1xf32>
      %div3A_2125 = vector.broadcast %squeeze3A : f32 to vector<16xf32>
      %div3A_2126 = arith.divf %get3A_2103, %div3A_2125 : vector<16xf32>
      %sub3A_2127 = vector.broadcast %squeeze3A_2120 : f32 to vector<16xf32>
      %sub3A_2128 = arith.subf %div3A_2126, %sub3A_2127 : vector<16xf32>
      %div3A_2129 = vector.broadcast %squeeze3A_2124 : f32 to vector<16xf32>
      %div3A_2130 = arith.divf %sub3A_2128, %div3A_2129 : vector<16xf32>
      %mul3A_2131 = arith.mulf %div3A_2130, %div3A_2130 : vector<16xf32>
      %neg3A_2132 = arith.constant 0.000000e+00 : f32
      %neg3A_2133 = vector.broadcast %neg3A_2132 : f32 to vector<16xf32>
      %neg3A_2134 = arith.subf %neg3A_2133, %mul3A_2131 : vector<16xf32>
      %div3A_2135 = arith.constant 2.000000e+00 : f32
      %div3A_2136 = vector.broadcast %div3A_2135 : f32 to vector<16xf32>
      %div3A_2137 = arith.divf %neg3A_2134, %div3A_2136 : vector<16xf32>
      %exp3A_2138 = math.exp %div3A_2137 : vector<16xf32>
      %mul3A_2139 = vector.broadcast %squeeze3A_2122 : f32 to vector<16xf32>
      %mul3A_2140 = arith.mulf %mul3A_2139, %exp3A_2138 : vector<16xf32>
      %add3A_2141 = arith.addf %broadcast_in_dim3A_2118, %mul3A_2140 : vector<16xf32>
      %mul3A_2142 = arith.mulf %div3A_2116, %add3A_2141 : vector<16xf32>
      %add3A_2143 = arith.addf %add3A_2101, %mul3A_2142 : vector<16xf32>
      %get3A_2144 = arith.constant 800 : index
      %get3A_2145 = tpu.vector_load %arg4[%get3A_2144] {strides = array<i32>} : memref<1040xf32, #tpu.memory_space<vmem>>, vector<16xf32>,
      %sub3A_2146 = arith.constant 1.000000e+00 : f32
      %sub3A_2147 = vector.broadcast %sub3A_2146 : f32 to vector<16xf32>
      %sub3A_2148 = arith.subf %get3A_2145, %sub3A_2147 : vector<16xf32>
      %mul3A_2149 = arith.constant 1.000000e+01 : f32
      %mul3A_2150 = vector.broadcast %mul3A_2149 : f32 to vector<16xf32>
      %mul3A_2151 = arith.mulf %sub3A_2148, %mul3A_2150 : vector<16xf32>
      %exp3A_2152 = math.exp %mul3A_2151 : vector<16xf32>
      %add3A_2153 = arith.constant 1.000000e+00 : f32
      %add3A_2154 = vector.broadcast %add3A_2153 : f32 to vector<16xf32>
      %add3A_2155 = arith.addf %add3A_2154, %exp3A_2152 : vector<16xf32>
      %div3A_2156 = arith.constant 1.000000e+00 : f32
      %div3A_2157 = vector.broadcast %div3A_2156 : f32 to vector<16xf32>
      %div3A_2158 = arith.divf %div3A_2157, %add3A_2155 : vector<16xf32>
      %broadcast_in_dim3A_2159 = arith.constant 0.000000e+00 : f32
      %broadcast_in_dim3A_2160 = vector.broadcast %broadcast_in_dim3A_2159 : f32 to vector<16xf32>
      %slice3A_2161 = vector.extract_strided_slice %get3A_7 {offsets = [0], sizes = [1], strides = [1]} : vector<16xf32> to vector<1xf32>
      %squeeze3A_2162 = vector.extract %slice3A_2161[0] : f32 from vector<1xf32>
      %slice3A_2163 = vector.extract_strided_slice %get3A_7 {offsets = [1], sizes = [1], strides = [1]} : vector<16xf32> to vector<1xf32>
      %squeeze3A_2164 = vector.extract %slice3A_2163[0] : f32 from vector<1xf32>
      %slice3A_2165 = vector.extract_strided_slice %get3A_7 {offsets = [2], sizes = [1], strides = [1]} : vector<16xf32> to vector<1xf32>
      %squeeze3A_2166 = vector.extract %slice3A_2165[0] : f32 from vector<1xf32>
      %div3A_2167 = vector.broadcast %squeeze3A : f32 to vector<16xf32>
      %div3A_2168 = arith.divf %get3A_2145, %div3A_2167 : vector<16xf32>
      %sub3A_2169 = vector.broadcast %squeeze3A_2162 : f32 to vector<16xf32>
      %sub3A_2170 = arith.subf %div3A_2168, %sub3A_2169 : vector<16xf32>
      %div3A_2171 = vector.broadcast %squeeze3A_2166 : f32 to vector<16xf32>
      %div3A_2172 = arith.divf %sub3A_2170, %div3A_2171 : vector<16xf32>
      %mul3A_2173 = arith.mulf %div3A_2172, %div3A_2172 : vector<16xf32>
      %neg3A_2174 = arith.constant 0.000000e+00 : f32
      %neg3A_2175 = vector.broadcast %neg3A_2174 : f32 to vector<16xf32>
      %neg3A_2176 = arith.subf %neg3A_2175, %mul3A_2173 : vector<16xf32>
      %div3A_2177 = arith.constant 2.000000e+00 : f32
      %div3A_2178 = vector.broadcast %div3A_2177 : f32 to vector<16xf32>
      %div3A_2179 = arith.divf %neg3A_2176, %div3A_2178 : vector<16xf32>
      %exp3A_2180 = math.exp %div3A_2179 : vector<16xf32>
      %mul3A_2181 = vector.broadcast %squeeze3A_2164 : f32 to vector<16xf32>
      %mul3A_2182 = arith.mulf %mul3A_2181, %exp3A_2180 : vector<16xf32>
      %add3A_2183 = arith.addf %broadcast_in_dim3A_2160, %mul3A_2182 : vector<16xf32>
      %mul3A_2184 = arith.mulf %div3A_2158, %add3A_2183 : vector<16xf32>
      %add3A_2185 = arith.addf %add3A_2143, %mul3A_2184 : vector<16xf32>
      %get3A_2186 = arith.constant 816 : index
      %get3A_2187 = tpu.vector_load %arg4[%get3A_2186] {strides = array<i32>} : memref<1040xf32, #tpu.memory_space<vmem>>, vector<16xf32>,
      %sub3A_2188 = arith.constant 1.000000e+00 : f32
      %sub3A_2189 = vector.broadcast %sub3A_2188 : f32 to vector<16xf32>
      %sub3A_2190 = arith.subf %get3A_2187, %sub3A_2189 : vector<16xf32>
      %mul3A_2191 = arith.constant 1.000000e+01 : f32
      %mul3A_2192 = vector.broadcast %mul3A_2191 : f32 to vector<16xf32>
      %mul3A_2193 = arith.mulf %sub3A_2190, %mul3A_2192 : vector<16xf32>
      %exp3A_2194 = math.exp %mul3A_2193 : vector<16xf32>
      %add3A_2195 = arith.constant 1.000000e+00 : f32
      %add3A_2196 = vector.broadcast %add3A_2195 : f32 to vector<16xf32>
      %add3A_2197 = arith.addf %add3A_2196, %exp3A_2194 : vector<16xf32>
      %div3A_2198 = arith.constant 1.000000e+00 : f32
      %div3A_2199 = vector.broadcast %div3A_2198 : f32 to vector<16xf32>
      %div3A_2200 = arith.divf %div3A_2199, %add3A_2197 : vector<16xf32>
      %broadcast_in_dim3A_2201 = arith.constant 0.000000e+00 : f32
      %broadcast_in_dim3A_2202 = vector.broadcast %broadcast_in_dim3A_2201 : f32 to vector<16xf32>
      %slice3A_2203 = vector.extract_strided_slice %get3A_7 {offsets = [0], sizes = [1], strides = [1]} : vector<16xf32> to vector<1xf32>
      %squeeze3A_2204 = vector.extract %slice3A_2203[0] : f32 from vector<1xf32>
      %slice3A_2205 = vector.extract_strided_slice %get3A_7 {offsets = [1], sizes = [1], strides = [1]} : vector<16xf32> to vector<1xf32>
      %squeeze3A_2206 = vector.extract %slice3A_2205[0] : f32 from vector<1xf32>
      %slice3A_2207 = vector.extract_strided_slice %get3A_7 {offsets = [2], sizes = [1], strides = [1]} : vector<16xf32> to vector<1xf32>
      %squeeze3A_2208 = vector.extract %slice3A_2207[0] : f32 from vector<1xf32>
      %div3A_2209 = vector.broadcast %squeeze3A : f32 to vector<16xf32>
      %div3A_2210 = arith.divf %get3A_2187, %div3A_2209 : vector<16xf32>
      %sub3A_2211 = vector.broadcast %squeeze3A_2204 : f32 to vector<16xf32>
      %sub3A_2212 = arith.subf %div3A_2210, %sub3A_2211 : vector<16xf32>
      %div3A_2213 = vector.broadcast %squeeze3A_2208 : f32 to vector<16xf32>
      %div3A_2214 = arith.divf %sub3A_2212, %div3A_2213 : vector<16xf32>
      %mul3A_2215 = arith.mulf %div3A_2214, %div3A_2214 : vector<16xf32>
      %neg3A_2216 = arith.constant 0.000000e+00 : f32
      %neg3A_2217 = vector.broadcast %neg3A_2216 : f32 to vector<16xf32>
      %neg3A_2218 = arith.subf %neg3A_2217, %mul3A_2215 : vector<16xf32>
      %div3A_2219 = arith.constant 2.000000e+00 : f32
      %div3A_2220 = vector.broadcast %div3A_2219 : f32 to vector<16xf32>
      %div3A_2221 = arith.divf %neg3A_2218, %div3A_2220 : vector<16xf32>
      %exp3A_2222 = math.exp %div3A_2221 : vector<16xf32>
      %mul3A_2223 = vector.broadcast %squeeze3A_2206 : f32 to vector<16xf32>
      %mul3A_2224 = arith.mulf %mul3A_2223, %exp3A_2222 : vector<16xf32>
      %add3A_2225 = arith.addf %broadcast_in_dim3A_2202, %mul3A_2224 : vector<16xf32>
      %mul3A_2226 = arith.mulf %div3A_2200, %add3A_2225 : vector<16xf32>
      %add3A_2227 = arith.addf %add3A_2185, %mul3A_2226 : vector<16xf32>
      %get3A_2228 = arith.constant 832 : index
      %get3A_2229 = tpu.vector_load %arg4[%get3A_2228] {strides = array<i32>} : memref<1040xf32, #tpu.memory_space<vmem>>, vector<16xf32>,
      %sub3A_2230 = arith.constant 1.000000e+00 : f32
      %sub3A_2231 = vector.broadcast %sub3A_2230 : f32 to vector<16xf32>
      %sub3A_2232 = arith.subf %get3A_2229, %sub3A_2231 : vector<16xf32>
      %mul3A_2233 = arith.constant 1.000000e+01 : f32
      %mul3A_2234 = vector.broadcast %mul3A_2233 : f32 to vector<16xf32>
      %mul3A_2235 = arith.mulf %sub3A_2232, %mul3A_2234 : vector<16xf32>
      %exp3A_2236 = math.exp %mul3A_2235 : vector<16xf32>
      %add3A_2237 = arith.constant 1.000000e+00 : f32
      %add3A_2238 = vector.broadcast %add3A_2237 : f32 to vector<16xf32>
      %add3A_2239 = arith.addf %add3A_2238, %exp3A_2236 : vector<16xf32>
      %div3A_2240 = arith.constant 1.000000e+00 : f32
      %div3A_2241 = vector.broadcast %div3A_2240 : f32 to vector<16xf32>
      %div3A_2242 = arith.divf %div3A_2241, %add3A_2239 : vector<16xf32>
      %broadcast_in_dim3A_2243 = arith.constant 0.000000e+00 : f32
      %broadcast_in_dim3A_2244 = vector.broadcast %broadcast_in_dim3A_2243 : f32 to vector<16xf32>
      %slice3A_2245 = vector.extract_strided_slice %get3A_7 {offsets = [0], sizes = [1], strides = [1]} : vector<16xf32> to vector<1xf32>
      %squeeze3A_2246 = vector.extract %slice3A_2245[0] : f32 from vector<1xf32>
      %slice3A_2247 = vector.extract_strided_slice %get3A_7 {offsets = [1], sizes = [1], strides = [1]} : vector<16xf32> to vector<1xf32>
      %squeeze3A_2248 = vector.extract %slice3A_2247[0] : f32 from vector<1xf32>
      %slice3A_2249 = vector.extract_strided_slice %get3A_7 {offsets = [2], sizes = [1], strides = [1]} : vector<16xf32> to vector<1xf32>
      %squeeze3A_2250 = vector.extract %slice3A_2249[0] : f32 from vector<1xf32>
      %div3A_2251 = vector.broadcast %squeeze3A : f32 to vector<16xf32>
      %div3A_2252 = arith.divf %get3A_2229, %div3A_2251 : vector<16xf32>
      %sub3A_2253 = vector.broadcast %squeeze3A_2246 : f32 to vector<16xf32>
      %sub3A_2254 = arith.subf %div3A_2252, %sub3A_2253 : vector<16xf32>
      %div3A_2255 = vector.broadcast %squeeze3A_2250 : f32 to vector<16xf32>
      %div3A_2256 = arith.divf %sub3A_2254, %div3A_2255 : vector<16xf32>
      %mul3A_2257 = arith.mulf %div3A_2256, %div3A_2256 : vector<16xf32>
      %neg3A_2258 = arith.constant 0.000000e+00 : f32
      %neg3A_2259 = vector.broadcast %neg3A_2258 : f32 to vector<16xf32>
      %neg3A_2260 = arith.subf %neg3A_2259, %mul3A_2257 : vector<16xf32>
      %div3A_2261 = arith.constant 2.000000e+00 : f32
      %div3A_2262 = vector.broadcast %div3A_2261 : f32 to vector<16xf32>
      %div3A_2263 = arith.divf %neg3A_2260, %div3A_2262 : vector<16xf32>
      %exp3A_2264 = math.exp %div3A_2263 : vector<16xf32>
      %mul3A_2265 = vector.broadcast %squeeze3A_2248 : f32 to vector<16xf32>
      %mul3A_2266 = arith.mulf %mul3A_2265, %exp3A_2264 : vector<16xf32>
      %add3A_2267 = arith.addf %broadcast_in_dim3A_2244, %mul3A_2266 : vector<16xf32>
      %mul3A_2268 = arith.mulf %div3A_2242, %add3A_2267 : vector<16xf32>
      %add3A_2269 = arith.addf %add3A_2227, %mul3A_2268 : vector<16xf32>
      %get3A_2270 = arith.constant 848 : index
      %get3A_2271 = tpu.vector_load %arg4[%get3A_2270] {strides = array<i32>} : memref<1040xf32, #tpu.memory_space<vmem>>, vector<16xf32>,
      %sub3A_2272 = arith.constant 1.000000e+00 : f32
      %sub3A_2273 = vector.broadcast %sub3A_2272 : f32 to vector<16xf32>
      %sub3A_2274 = arith.subf %get3A_2271, %sub3A_2273 : vector<16xf32>
      %mul3A_2275 = arith.constant 1.000000e+01 : f32
      %mul3A_2276 = vector.broadcast %mul3A_2275 : f32 to vector<16xf32>
      %mul3A_2277 = arith.mulf %sub3A_2274, %mul3A_2276 : vector<16xf32>
      %exp3A_2278 = math.exp %mul3A_2277 : vector<16xf32>
      %add3A_2279 = arith.constant 1.000000e+00 : f32
      %add3A_2280 = vector.broadcast %add3A_2279 : f32 to vector<16xf32>
      %add3A_2281 = arith.addf %add3A_2280, %exp3A_2278 : vector<16xf32>
      %div3A_2282 = arith.constant 1.000000e+00 : f32
      %div3A_2283 = vector.broadcast %div3A_2282 : f32 to vector<16xf32>
      %div3A_2284 = arith.divf %div3A_2283, %add3A_2281 : vector<16xf32>
      %broadcast_in_dim3A_2285 = arith.constant 0.000000e+00 : f32
      %broadcast_in_dim3A_2286 = vector.broadcast %broadcast_in_dim3A_2285 : f32 to vector<16xf32>
      %slice3A_2287 = vector.extract_strided_slice %get3A_7 {offsets = [0], sizes = [1], strides = [1]} : vector<16xf32> to vector<1xf32>
      %squeeze3A_2288 = vector.extract %slice3A_2287[0] : f32 from vector<1xf32>
      %slice3A_2289 = vector.extract_strided_slice %get3A_7 {offsets = [1], sizes = [1], strides = [1]} : vector<16xf32> to vector<1xf32>
      %squeeze3A_2290 = vector.extract %slice3A_2289[0] : f32 from vector<1xf32>
      %slice3A_2291 = vector.extract_strided_slice %get3A_7 {offsets = [2], sizes = [1], strides = [1]} : vector<16xf32> to vector<1xf32>
      %squeeze3A_2292 = vector.extract %slice3A_2291[0] : f32 from vector<1xf32>
      %div3A_2293 = vector.broadcast %squeeze3A : f32 to vector<16xf32>
      %div3A_2294 = arith.divf %get3A_2271, %div3A_2293 : vector<16xf32>
      %sub3A_2295 = vector.broadcast %squeeze3A_2288 : f32 to vector<16xf32>
      %sub3A_2296 = arith.subf %div3A_2294, %sub3A_2295 : vector<16xf32>
      %div3A_2297 = vector.broadcast %squeeze3A_2292 : f32 to vector<16xf32>
      %div3A_2298 = arith.divf %sub3A_2296, %div3A_2297 : vector<16xf32>
      %mul3A_2299 = arith.mulf %div3A_2298, %div3A_2298 : vector<16xf32>
      %neg3A_2300 = arith.constant 0.000000e+00 : f32
      %neg3A_2301 = vector.broadcast %neg3A_2300 : f32 to vector<16xf32>
      %neg3A_2302 = arith.subf %neg3A_2301, %mul3A_2299 : vector<16xf32>
      %div3A_2303 = arith.constant 2.000000e+00 : f32
      %div3A_2304 = vector.broadcast %div3A_2303 : f32 to vector<16xf32>
      %div3A_2305 = arith.divf %neg3A_2302, %div3A_2304 : vector<16xf32>
      %exp3A_2306 = math.exp %div3A_2305 : vector<16xf32>
      %mul3A_2307 = vector.broadcast %squeeze3A_2290 : f32 to vector<16xf32>
      %mul3A_2308 = arith.mulf %mul3A_2307, %exp3A_2306 : vector<16xf32>
      %add3A_2309 = arith.addf %broadcast_in_dim3A_2286, %mul3A_2308 : vector<16xf32>
      %mul3A_2310 = arith.mulf %div3A_2284, %add3A_2309 : vector<16xf32>
      %add3A_2311 = arith.addf %add3A_2269, %mul3A_2310 : vector<16xf32>
      %get3A_2312 = arith.constant 864 : index
      %get3A_2313 = tpu.vector_load %arg4[%get3A_2312] {strides = array<i32>} : memref<1040xf32, #tpu.memory_space<vmem>>, vector<16xf32>,
      %sub3A_2314 = arith.constant 1.000000e+00 : f32
      %sub3A_2315 = vector.broadcast %sub3A_2314 : f32 to vector<16xf32>
      %sub3A_2316 = arith.subf %get3A_2313, %sub3A_2315 : vector<16xf32>
      %mul3A_2317 = arith.constant 1.000000e+01 : f32
      %mul3A_2318 = vector.broadcast %mul3A_2317 : f32 to vector<16xf32>
      %mul3A_2319 = arith.mulf %sub3A_2316, %mul3A_2318 : vector<16xf32>
      %exp3A_2320 = math.exp %mul3A_2319 : vector<16xf32>
      %add3A_2321 = arith.constant 1.000000e+00 : f32
      %add3A_2322 = vector.broadcast %add3A_2321 : f32 to vector<16xf32>
      %add3A_2323 = arith.addf %add3A_2322, %exp3A_2320 : vector<16xf32>
      %div3A_2324 = arith.constant 1.000000e+00 : f32
      %div3A_2325 = vector.broadcast %div3A_2324 : f32 to vector<16xf32>
      %div3A_2326 = arith.divf %div3A_2325, %add3A_2323 : vector<16xf32>
      %broadcast_in_dim3A_2327 = arith.constant 0.000000e+00 : f32
      %broadcast_in_dim3A_2328 = vector.broadcast %broadcast_in_dim3A_2327 : f32 to vector<16xf32>
      %slice3A_2329 = vector.extract_strided_slice %get3A_7 {offsets = [0], sizes = [1], strides = [1]} : vector<16xf32> to vector<1xf32>
      %squeeze3A_2330 = vector.extract %slice3A_2329[0] : f32 from vector<1xf32>
      %slice3A_2331 = vector.extract_strided_slice %get3A_7 {offsets = [1], sizes = [1], strides = [1]} : vector<16xf32> to vector<1xf32>
      %squeeze3A_2332 = vector.extract %slice3A_2331[0] : f32 from vector<1xf32>
      %slice3A_2333 = vector.extract_strided_slice %get3A_7 {offsets = [2], sizes = [1], strides = [1]} : vector<16xf32> to vector<1xf32>
      %squeeze3A_2334 = vector.extract %slice3A_2333[0] : f32 from vector<1xf32>
      %div3A_2335 = vector.broadcast %squeeze3A : f32 to vector<16xf32>
      %div3A_2336 = arith.divf %get3A_2313, %div3A_2335 : vector<16xf32>
      %sub3A_2337 = vector.broadcast %squeeze3A_2330 : f32 to vector<16xf32>
      %sub3A_2338 = arith.subf %div3A_2336, %sub3A_2337 : vector<16xf32>
      %div3A_2339 = vector.broadcast %squeeze3A_2334 : f32 to vector<16xf32>
      %div3A_2340 = arith.divf %sub3A_2338, %div3A_2339 : vector<16xf32>
      %mul3A_2341 = arith.mulf %div3A_2340, %div3A_2340 : vector<16xf32>
      %neg3A_2342 = arith.constant 0.000000e+00 : f32
      %neg3A_2343 = vector.broadcast %neg3A_2342 : f32 to vector<16xf32>
      %neg3A_2344 = arith.subf %neg3A_2343, %mul3A_2341 : vector<16xf32>
      %div3A_2345 = arith.constant 2.000000e+00 : f32
      %div3A_2346 = vector.broadcast %div3A_2345 : f32 to vector<16xf32>
      %div3A_2347 = arith.divf %neg3A_2344, %div3A_2346 : vector<16xf32>
      %exp3A_2348 = math.exp %div3A_2347 : vector<16xf32>
      %mul3A_2349 = vector.broadcast %squeeze3A_2332 : f32 to vector<16xf32>
      %mul3A_2350 = arith.mulf %mul3A_2349, %exp3A_2348 : vector<16xf32>
      %add3A_2351 = arith.addf %broadcast_in_dim3A_2328, %mul3A_2350 : vector<16xf32>
      %mul3A_2352 = arith.mulf %div3A_2326, %add3A_2351 : vector<16xf32>
      %add3A_2353 = arith.addf %add3A_2311, %mul3A_2352 : vector<16xf32>
      %get3A_2354 = arith.constant 880 : index
      %get3A_2355 = tpu.vector_load %arg4[%get3A_2354] {strides = array<i32>} : memref<1040xf32, #tpu.memory_space<vmem>>, vector<16xf32>,
      %sub3A_2356 = arith.constant 1.000000e+00 : f32
      %sub3A_2357 = vector.broadcast %sub3A_2356 : f32 to vector<16xf32>
      %sub3A_2358 = arith.subf %get3A_2355, %sub3A_2357 : vector<16xf32>
      %mul3A_2359 = arith.constant 1.000000e+01 : f32
      %mul3A_2360 = vector.broadcast %mul3A_2359 : f32 to vector<16xf32>
      %mul3A_2361 = arith.mulf %sub3A_2358, %mul3A_2360 : vector<16xf32>
      %exp3A_2362 = math.exp %mul3A_2361 : vector<16xf32>
      %add3A_2363 = arith.constant 1.000000e+00 : f32
      %add3A_2364 = vector.broadcast %add3A_2363 : f32 to vector<16xf32>
      %add3A_2365 = arith.addf %add3A_2364, %exp3A_2362 : vector<16xf32>
      %div3A_2366 = arith.constant 1.000000e+00 : f32
      %div3A_2367 = vector.broadcast %div3A_2366 : f32 to vector<16xf32>
      %div3A_2368 = arith.divf %div3A_2367, %add3A_2365 : vector<16xf32>
      %broadcast_in_dim3A_2369 = arith.constant 0.000000e+00 : f32
      %broadcast_in_dim3A_2370 = vector.broadcast %broadcast_in_dim3A_2369 : f32 to vector<16xf32>
      %slice3A_2371 = vector.extract_strided_slice %get3A_7 {offsets = [0], sizes = [1], strides = [1]} : vector<16xf32> to vector<1xf32>
      %squeeze3A_2372 = vector.extract %slice3A_2371[0] : f32 from vector<1xf32>
      %slice3A_2373 = vector.extract_strided_slice %get3A_7 {offsets = [1], sizes = [1], strides = [1]} : vector<16xf32> to vector<1xf32>
      %squeeze3A_2374 = vector.extract %slice3A_2373[0] : f32 from vector<1xf32>
      %slice3A_2375 = vector.extract_strided_slice %get3A_7 {offsets = [2], sizes = [1], strides = [1]} : vector<16xf32> to vector<1xf32>
      %squeeze3A_2376 = vector.extract %slice3A_2375[0] : f32 from vector<1xf32>
      %div3A_2377 = vector.broadcast %squeeze3A : f32 to vector<16xf32>
      %div3A_2378 = arith.divf %get3A_2355, %div3A_2377 : vector<16xf32>
      %sub3A_2379 = vector.broadcast %squeeze3A_2372 : f32 to vector<16xf32>
      %sub3A_2380 = arith.subf %div3A_2378, %sub3A_2379 : vector<16xf32>
      %div3A_2381 = vector.broadcast %squeeze3A_2376 : f32 to vector<16xf32>
      %div3A_2382 = arith.divf %sub3A_2380, %div3A_2381 : vector<16xf32>
      %mul3A_2383 = arith.mulf %div3A_2382, %div3A_2382 : vector<16xf32>
      %neg3A_2384 = arith.constant 0.000000e+00 : f32
      %neg3A_2385 = vector.broadcast %neg3A_2384 : f32 to vector<16xf32>
      %neg3A_2386 = arith.subf %neg3A_2385, %mul3A_2383 : vector<16xf32>
      %div3A_2387 = arith.constant 2.000000e+00 : f32
      %div3A_2388 = vector.broadcast %div3A_2387 : f32 to vector<16xf32>
      %div3A_2389 = arith.divf %neg3A_2386, %div3A_2388 : vector<16xf32>
      %exp3A_2390 = math.exp %div3A_2389 : vector<16xf32>
      %mul3A_2391 = vector.broadcast %squeeze3A_2374 : f32 to vector<16xf32>
      %mul3A_2392 = arith.mulf %mul3A_2391, %exp3A_2390 : vector<16xf32>
      %add3A_2393 = arith.addf %broadcast_in_dim3A_2370, %mul3A_2392 : vector<16xf32>
      %mul3A_2394 = arith.mulf %div3A_2368, %add3A_2393 : vector<16xf32>
      %add3A_2395 = arith.addf %add3A_2353, %mul3A_2394 : vector<16xf32>
      %get3A_2396 = arith.constant 896 : index
      %get3A_2397 = tpu.vector_load %arg4[%get3A_2396] {strides = array<i32>} : memref<1040xf32, #tpu.memory_space<vmem>>, vector<16xf32>,
      %sub3A_2398 = arith.constant 1.000000e+00 : f32
      %sub3A_2399 = vector.broadcast %sub3A_2398 : f32 to vector<16xf32>
      %sub3A_2400 = arith.subf %get3A_2397, %sub3A_2399 : vector<16xf32>
      %mul3A_2401 = arith.constant 1.000000e+01 : f32
      %mul3A_2402 = vector.broadcast %mul3A_2401 : f32 to vector<16xf32>
      %mul3A_2403 = arith.mulf %sub3A_2400, %mul3A_2402 : vector<16xf32>
      %exp3A_2404 = math.exp %mul3A_2403 : vector<16xf32>
      %add3A_2405 = arith.constant 1.000000e+00 : f32
      %add3A_2406 = vector.broadcast %add3A_2405 : f32 to vector<16xf32>
      %add3A_2407 = arith.addf %add3A_2406, %exp3A_2404 : vector<16xf32>
      %div3A_2408 = arith.constant 1.000000e+00 : f32
      %div3A_2409 = vector.broadcast %div3A_2408 : f32 to vector<16xf32>
      %div3A_2410 = arith.divf %div3A_2409, %add3A_2407 : vector<16xf32>
      %broadcast_in_dim3A_2411 = arith.constant 0.000000e+00 : f32
      %broadcast_in_dim3A_2412 = vector.broadcast %broadcast_in_dim3A_2411 : f32 to vector<16xf32>
      %slice3A_2413 = vector.extract_strided_slice %get3A_7 {offsets = [0], sizes = [1], strides = [1]} : vector<16xf32> to vector<1xf32>
      %squeeze3A_2414 = vector.extract %slice3A_2413[0] : f32 from vector<1xf32>
      %slice3A_2415 = vector.extract_strided_slice %get3A_7 {offsets = [1], sizes = [1], strides = [1]} : vector<16xf32> to vector<1xf32>
      %squeeze3A_2416 = vector.extract %slice3A_2415[0] : f32 from vector<1xf32>
      %slice3A_2417 = vector.extract_strided_slice %get3A_7 {offsets = [2], sizes = [1], strides = [1]} : vector<16xf32> to vector<1xf32>
      %squeeze3A_2418 = vector.extract %slice3A_2417[0] : f32 from vector<1xf32>
      %div3A_2419 = vector.broadcast %squeeze3A : f32 to vector<16xf32>
      %div3A_2420 = arith.divf %get3A_2397, %div3A_2419 : vector<16xf32>
      %sub3A_2421 = vector.broadcast %squeeze3A_2414 : f32 to vector<16xf32>
      %sub3A_2422 = arith.subf %div3A_2420, %sub3A_2421 : vector<16xf32>
      %div3A_2423 = vector.broadcast %squeeze3A_2418 : f32 to vector<16xf32>
      %div3A_2424 = arith.divf %sub3A_2422, %div3A_2423 : vector<16xf32>
      %mul3A_2425 = arith.mulf %div3A_2424, %div3A_2424 : vector<16xf32>
      %neg3A_2426 = arith.constant 0.000000e+00 : f32
      %neg3A_2427 = vector.broadcast %neg3A_2426 : f32 to vector<16xf32>
      %neg3A_2428 = arith.subf %neg3A_2427, %mul3A_2425 : vector<16xf32>
      %div3A_2429 = arith.constant 2.000000e+00 : f32
      %div3A_2430 = vector.broadcast %div3A_2429 : f32 to vector<16xf32>
      %div3A_2431 = arith.divf %neg3A_2428, %div3A_2430 : vector<16xf32>
      %exp3A_2432 = math.exp %div3A_2431 : vector<16xf32>
      %mul3A_2433 = vector.broadcast %squeeze3A_2416 : f32 to vector<16xf32>
      %mul3A_2434 = arith.mulf %mul3A_2433, %exp3A_2432 : vector<16xf32>
      %add3A_2435 = arith.addf %broadcast_in_dim3A_2412, %mul3A_2434 : vector<16xf32>
      %mul3A_2436 = arith.mulf %div3A_2410, %add3A_2435 : vector<16xf32>
      %add3A_2437 = arith.addf %add3A_2395, %mul3A_2436 : vector<16xf32>
      %get3A_2438 = arith.constant 912 : index
      %get3A_2439 = tpu.vector_load %arg4[%get3A_2438] {strides = array<i32>} : memref<1040xf32, #tpu.memory_space<vmem>>, vector<16xf32>,
      %sub3A_2440 = arith.constant 1.000000e+00 : f32
      %sub3A_2441 = vector.broadcast %sub3A_2440 : f32 to vector<16xf32>
      %sub3A_2442 = arith.subf %get3A_2439, %sub3A_2441 : vector<16xf32>
      %mul3A_2443 = arith.constant 1.000000e+01 : f32
      %mul3A_2444 = vector.broadcast %mul3A_2443 : f32 to vector<16xf32>
      %mul3A_2445 = arith.mulf %sub3A_2442, %mul3A_2444 : vector<16xf32>
      %exp3A_2446 = math.exp %mul3A_2445 : vector<16xf32>
      %add3A_2447 = arith.constant 1.000000e+00 : f32
      %add3A_2448 = vector.broadcast %add3A_2447 : f32 to vector<16xf32>
      %add3A_2449 = arith.addf %add3A_2448, %exp3A_2446 : vector<16xf32>
      %div3A_2450 = arith.constant 1.000000e+00 : f32
      %div3A_2451 = vector.broadcast %div3A_2450 : f32 to vector<16xf32>
      %div3A_2452 = arith.divf %div3A_2451, %add3A_2449 : vector<16xf32>
      %broadcast_in_dim3A_2453 = arith.constant 0.000000e+00 : f32
      %broadcast_in_dim3A_2454 = vector.broadcast %broadcast_in_dim3A_2453 : f32 to vector<16xf32>
      %slice3A_2455 = vector.extract_strided_slice %get3A_7 {offsets = [0], sizes = [1], strides = [1]} : vector<16xf32> to vector<1xf32>
      %squeeze3A_2456 = vector.extract %slice3A_2455[0] : f32 from vector<1xf32>
      %slice3A_2457 = vector.extract_strided_slice %get3A_7 {offsets = [1], sizes = [1], strides = [1]} : vector<16xf32> to vector<1xf32>
      %squeeze3A_2458 = vector.extract %slice3A_2457[0] : f32 from vector<1xf32>
      %slice3A_2459 = vector.extract_strided_slice %get3A_7 {offsets = [2], sizes = [1], strides = [1]} : vector<16xf32> to vector<1xf32>
      %squeeze3A_2460 = vector.extract %slice3A_2459[0] : f32 from vector<1xf32>
      %div3A_2461 = vector.broadcast %squeeze3A : f32 to vector<16xf32>
      %div3A_2462 = arith.divf %get3A_2439, %div3A_2461 : vector<16xf32>
      %sub3A_2463 = vector.broadcast %squeeze3A_2456 : f32 to vector<16xf32>
      %sub3A_2464 = arith.subf %div3A_2462, %sub3A_2463 : vector<16xf32>
      %div3A_2465 = vector.broadcast %squeeze3A_2460 : f32 to vector<16xf32>
      %div3A_2466 = arith.divf %sub3A_2464, %div3A_2465 : vector<16xf32>
      %mul3A_2467 = arith.mulf %div3A_2466, %div3A_2466 : vector<16xf32>
      %neg3A_2468 = arith.constant 0.000000e+00 : f32
      %neg3A_2469 = vector.broadcast %neg3A_2468 : f32 to vector<16xf32>
      %neg3A_2470 = arith.subf %neg3A_2469, %mul3A_2467 : vector<16xf32>
      %div3A_2471 = arith.constant 2.000000e+00 : f32
      %div3A_2472 = vector.broadcast %div3A_2471 : f32 to vector<16xf32>
      %div3A_2473 = arith.divf %neg3A_2470, %div3A_2472 : vector<16xf32>
      %exp3A_2474 = math.exp %div3A_2473 : vector<16xf32>
      %mul3A_2475 = vector.broadcast %squeeze3A_2458 : f32 to vector<16xf32>
      %mul3A_2476 = arith.mulf %mul3A_2475, %exp3A_2474 : vector<16xf32>
      %add3A_2477 = arith.addf %broadcast_in_dim3A_2454, %mul3A_2476 : vector<16xf32>
      %mul3A_2478 = arith.mulf %div3A_2452, %add3A_2477 : vector<16xf32>
      %add3A_2479 = arith.addf %add3A_2437, %mul3A_2478 : vector<16xf32>
      %get3A_2480 = arith.constant 928 : index
      %get3A_2481 = tpu.vector_load %arg4[%get3A_2480] {strides = array<i32>} : memref<1040xf32, #tpu.memory_space<vmem>>, vector<16xf32>,
      %sub3A_2482 = arith.constant 1.000000e+00 : f32
      %sub3A_2483 = vector.broadcast %sub3A_2482 : f32 to vector<16xf32>
      %sub3A_2484 = arith.subf %get3A_2481, %sub3A_2483 : vector<16xf32>
      %mul3A_2485 = arith.constant 1.000000e+01 : f32
      %mul3A_2486 = vector.broadcast %mul3A_2485 : f32 to vector<16xf32>
      %mul3A_2487 = arith.mulf %sub3A_2484, %mul3A_2486 : vector<16xf32>
      %exp3A_2488 = math.exp %mul3A_2487 : vector<16xf32>
      %add3A_2489 = arith.constant 1.000000e+00 : f32
      %add3A_2490 = vector.broadcast %add3A_2489 : f32 to vector<16xf32>
      %add3A_2491 = arith.addf %add3A_2490, %exp3A_2488 : vector<16xf32>
      %div3A_2492 = arith.constant 1.000000e+00 : f32
      %div3A_2493 = vector.broadcast %div3A_2492 : f32 to vector<16xf32>
      %div3A_2494 = arith.divf %div3A_2493, %add3A_2491 : vector<16xf32>
      %broadcast_in_dim3A_2495 = arith.constant 0.000000e+00 : f32
      %broadcast_in_dim3A_2496 = vector.broadcast %broadcast_in_dim3A_2495 : f32 to vector<16xf32>
      %slice3A_2497 = vector.extract_strided_slice %get3A_7 {offsets = [0], sizes = [1], strides = [1]} : vector<16xf32> to vector<1xf32>
      %squeeze3A_2498 = vector.extract %slice3A_2497[0] : f32 from vector<1xf32>
      %slice3A_2499 = vector.extract_strided_slice %get3A_7 {offsets = [1], sizes = [1], strides = [1]} : vector<16xf32> to vector<1xf32>
      %squeeze3A_2500 = vector.extract %slice3A_2499[0] : f32 from vector<1xf32>
      %slice3A_2501 = vector.extract_strided_slice %get3A_7 {offsets = [2], sizes = [1], strides = [1]} : vector<16xf32> to vector<1xf32>
      %squeeze3A_2502 = vector.extract %slice3A_2501[0] : f32 from vector<1xf32>
      %div3A_2503 = vector.broadcast %squeeze3A : f32 to vector<16xf32>
      %div3A_2504 = arith.divf %get3A_2481, %div3A_2503 : vector<16xf32>
      %sub3A_2505 = vector.broadcast %squeeze3A_2498 : f32 to vector<16xf32>
      %sub3A_2506 = arith.subf %div3A_2504, %sub3A_2505 : vector<16xf32>
      %div3A_2507 = vector.broadcast %squeeze3A_2502 : f32 to vector<16xf32>
      %div3A_2508 = arith.divf %sub3A_2506, %div3A_2507 : vector<16xf32>
      %mul3A_2509 = arith.mulf %div3A_2508, %div3A_2508 : vector<16xf32>
      %neg3A_2510 = arith.constant 0.000000e+00 : f32
      %neg3A_2511 = vector.broadcast %neg3A_2510 : f32 to vector<16xf32>
      %neg3A_2512 = arith.subf %neg3A_2511, %mul3A_2509 : vector<16xf32>
      %div3A_2513 = arith.constant 2.000000e+00 : f32
      %div3A_2514 = vector.broadcast %div3A_2513 : f32 to vector<16xf32>
      %div3A_2515 = arith.divf %neg3A_2512, %div3A_2514 : vector<16xf32>
      %exp3A_2516 = math.exp %div3A_2515 : vector<16xf32>
      %mul3A_2517 = vector.broadcast %squeeze3A_2500 : f32 to vector<16xf32>
      %mul3A_2518 = arith.mulf %mul3A_2517, %exp3A_2516 : vector<16xf32>
      %add3A_2519 = arith.addf %broadcast_in_dim3A_2496, %mul3A_2518 : vector<16xf32>
      %mul3A_2520 = arith.mulf %div3A_2494, %add3A_2519 : vector<16xf32>
      %add3A_2521 = arith.addf %add3A_2479, %mul3A_2520 : vector<16xf32>
      %get3A_2522 = arith.constant 944 : index
      %get3A_2523 = tpu.vector_load %arg4[%get3A_2522] {strides = array<i32>} : memref<1040xf32, #tpu.memory_space<vmem>>, vector<16xf32>,
      %sub3A_2524 = arith.constant 1.000000e+00 : f32
      %sub3A_2525 = vector.broadcast %sub3A_2524 : f32 to vector<16xf32>
      %sub3A_2526 = arith.subf %get3A_2523, %sub3A_2525 : vector<16xf32>
      %mul3A_2527 = arith.constant 1.000000e+01 : f32
      %mul3A_2528 = vector.broadcast %mul3A_2527 : f32 to vector<16xf32>
      %mul3A_2529 = arith.mulf %sub3A_2526, %mul3A_2528 : vector<16xf32>
      %exp3A_2530 = math.exp %mul3A_2529 : vector<16xf32>
      %add3A_2531 = arith.constant 1.000000e+00 : f32
      %add3A_2532 = vector.broadcast %add3A_2531 : f32 to vector<16xf32>
      %add3A_2533 = arith.addf %add3A_2532, %exp3A_2530 : vector<16xf32>
      %div3A_2534 = arith.constant 1.000000e+00 : f32
      %div3A_2535 = vector.broadcast %div3A_2534 : f32 to vector<16xf32>
      %div3A_2536 = arith.divf %div3A_2535, %add3A_2533 : vector<16xf32>
      %broadcast_in_dim3A_2537 = arith.constant 0.000000e+00 : f32
      %broadcast_in_dim3A_2538 = vector.broadcast %broadcast_in_dim3A_2537 : f32 to vector<16xf32>
      %slice3A_2539 = vector.extract_strided_slice %get3A_7 {offsets = [0], sizes = [1], strides = [1]} : vector<16xf32> to vector<1xf32>
      %squeeze3A_2540 = vector.extract %slice3A_2539[0] : f32 from vector<1xf32>
      %slice3A_2541 = vector.extract_strided_slice %get3A_7 {offsets = [1], sizes = [1], strides = [1]} : vector<16xf32> to vector<1xf32>
      %squeeze3A_2542 = vector.extract %slice3A_2541[0] : f32 from vector<1xf32>
      %slice3A_2543 = vector.extract_strided_slice %get3A_7 {offsets = [2], sizes = [1], strides = [1]} : vector<16xf32> to vector<1xf32>
      %squeeze3A_2544 = vector.extract %slice3A_2543[0] : f32 from vector<1xf32>
      %div3A_2545 = vector.broadcast %squeeze3A : f32 to vector<16xf32>
      %div3A_2546 = arith.divf %get3A_2523, %div3A_2545 : vector<16xf32>
      %sub3A_2547 = vector.broadcast %squeeze3A_2540 : f32 to vector<16xf32>
      %sub3A_2548 = arith.subf %div3A_2546, %sub3A_2547 : vector<16xf32>
      %div3A_2549 = vector.broadcast %squeeze3A_2544 : f32 to vector<16xf32>
      %div3A_2550 = arith.divf %sub3A_2548, %div3A_2549 : vector<16xf32>
      %mul3A_2551 = arith.mulf %div3A_2550, %div3A_2550 : vector<16xf32>
      %neg3A_2552 = arith.constant 0.000000e+00 : f32
      %neg3A_2553 = vector.broadcast %neg3A_2552 : f32 to vector<16xf32>
      %neg3A_2554 = arith.subf %neg3A_2553, %mul3A_2551 : vector<16xf32>
      %div3A_2555 = arith.constant 2.000000e+00 : f32
      %div3A_2556 = vector.broadcast %div3A_2555 : f32 to vector<16xf32>
      %div3A_2557 = arith.divf %neg3A_2554, %div3A_2556 : vector<16xf32>
      %exp3A_2558 = math.exp %div3A_2557 : vector<16xf32>
      %mul3A_2559 = vector.broadcast %squeeze3A_2542 : f32 to vector<16xf32>
      %mul3A_2560 = arith.mulf %mul3A_2559, %exp3A_2558 : vector<16xf32>
      %add3A_2561 = arith.addf %broadcast_in_dim3A_2538, %mul3A_2560 : vector<16xf32>
      %mul3A_2562 = arith.mulf %div3A_2536, %add3A_2561 : vector<16xf32>
      %add3A_2563 = arith.addf %add3A_2521, %mul3A_2562 : vector<16xf32>
      %get3A_2564 = arith.constant 960 : index
      %get3A_2565 = tpu.vector_load %arg4[%get3A_2564] {strides = array<i32>} : memref<1040xf32, #tpu.memory_space<vmem>>, vector<16xf32>,
      %sub3A_2566 = arith.constant 1.000000e+00 : f32
      %sub3A_2567 = vector.broadcast %sub3A_2566 : f32 to vector<16xf32>
      %sub3A_2568 = arith.subf %get3A_2565, %sub3A_2567 : vector<16xf32>
      %mul3A_2569 = arith.constant 1.000000e+01 : f32
      %mul3A_2570 = vector.broadcast %mul3A_2569 : f32 to vector<16xf32>
      %mul3A_2571 = arith.mulf %sub3A_2568, %mul3A_2570 : vector<16xf32>
      %exp3A_2572 = math.exp %mul3A_2571 : vector<16xf32>
      %add3A_2573 = arith.constant 1.000000e+00 : f32
      %add3A_2574 = vector.broadcast %add3A_2573 : f32 to vector<16xf32>
      %add3A_2575 = arith.addf %add3A_2574, %exp3A_2572 : vector<16xf32>
      %div3A_2576 = arith.constant 1.000000e+00 : f32
      %div3A_2577 = vector.broadcast %div3A_2576 : f32 to vector<16xf32>
      %div3A_2578 = arith.divf %div3A_2577, %add3A_2575 : vector<16xf32>
      %broadcast_in_dim3A_2579 = arith.constant 0.000000e+00 : f32
      %broadcast_in_dim3A_2580 = vector.broadcast %broadcast_in_dim3A_2579 : f32 to vector<16xf32>
      %slice3A_2581 = vector.extract_strided_slice %get3A_7 {offsets = [0], sizes = [1], strides = [1]} : vector<16xf32> to vector<1xf32>
      %squeeze3A_2582 = vector.extract %slice3A_2581[0] : f32 from vector<1xf32>
      %slice3A_2583 = vector.extract_strided_slice %get3A_7 {offsets = [1], sizes = [1], strides = [1]} : vector<16xf32> to vector<1xf32>
      %squeeze3A_2584 = vector.extract %slice3A_2583[0] : f32 from vector<1xf32>
      %slice3A_2585 = vector.extract_strided_slice %get3A_7 {offsets = [2], sizes = [1], strides = [1]} : vector<16xf32> to vector<1xf32>
      %squeeze3A_2586 = vector.extract %slice3A_2585[0] : f32 from vector<1xf32>
      %div3A_2587 = vector.broadcast %squeeze3A : f32 to vector<16xf32>
      %div3A_2588 = arith.divf %get3A_2565, %div3A_2587 : vector<16xf32>
      %sub3A_2589 = vector.broadcast %squeeze3A_2582 : f32 to vector<16xf32>
      %sub3A_2590 = arith.subf %div3A_2588, %sub3A_2589 : vector<16xf32>
      %div3A_2591 = vector.broadcast %squeeze3A_2586 : f32 to vector<16xf32>
      %div3A_2592 = arith.divf %sub3A_2590, %div3A_2591 : vector<16xf32>
      %mul3A_2593 = arith.mulf %div3A_2592, %div3A_2592 : vector<16xf32>
      %neg3A_2594 = arith.constant 0.000000e+00 : f32
      %neg3A_2595 = vector.broadcast %neg3A_2594 : f32 to vector<16xf32>
      %neg3A_2596 = arith.subf %neg3A_2595, %mul3A_2593 : vector<16xf32>
      %div3A_2597 = arith.constant 2.000000e+00 : f32
      %div3A_2598 = vector.broadcast %div3A_2597 : f32 to vector<16xf32>
      %div3A_2599 = arith.divf %neg3A_2596, %div3A_2598 : vector<16xf32>
      %exp3A_2600 = math.exp %div3A_2599 : vector<16xf32>
      %mul3A_2601 = vector.broadcast %squeeze3A_2584 : f32 to vector<16xf32>
      %mul3A_2602 = arith.mulf %mul3A_2601, %exp3A_2600 : vector<16xf32>
      %add3A_2603 = arith.addf %broadcast_in_dim3A_2580, %mul3A_2602 : vector<16xf32>
      %mul3A_2604 = arith.mulf %div3A_2578, %add3A_2603 : vector<16xf32>
      %add3A_2605 = arith.addf %add3A_2563, %mul3A_2604 : vector<16xf32>
      %get3A_2606 = arith.constant 976 : index
      %get3A_2607 = tpu.vector_load %arg4[%get3A_2606] {strides = array<i32>} : memref<1040xf32, #tpu.memory_space<vmem>>, vector<16xf32>,
      %sub3A_2608 = arith.constant 1.000000e+00 : f32
      %sub3A_2609 = vector.broadcast %sub3A_2608 : f32 to vector<16xf32>
      %sub3A_2610 = arith.subf %get3A_2607, %sub3A_2609 : vector<16xf32>
      %mul3A_2611 = arith.constant 1.000000e+01 : f32
      %mul3A_2612 = vector.broadcast %mul3A_2611 : f32 to vector<16xf32>
      %mul3A_2613 = arith.mulf %sub3A_2610, %mul3A_2612 : vector<16xf32>
      %exp3A_2614 = math.exp %mul3A_2613 : vector<16xf32>
      %add3A_2615 = arith.constant 1.000000e+00 : f32
      %add3A_2616 = vector.broadcast %add3A_2615 : f32 to vector<16xf32>
      %add3A_2617 = arith.addf %add3A_2616, %exp3A_2614 : vector<16xf32>
      %div3A_2618 = arith.constant 1.000000e+00 : f32
      %div3A_2619 = vector.broadcast %div3A_2618 : f32 to vector<16xf32>
      %div3A_2620 = arith.divf %div3A_2619, %add3A_2617 : vector<16xf32>
      %broadcast_in_dim3A_2621 = arith.constant 0.000000e+00 : f32
      %broadcast_in_dim3A_2622 = vector.broadcast %broadcast_in_dim3A_2621 : f32 to vector<16xf32>
      %slice3A_2623 = vector.extract_strided_slice %get3A_7 {offsets = [0], sizes = [1], strides = [1]} : vector<16xf32> to vector<1xf32>
      %squeeze3A_2624 = vector.extract %slice3A_2623[0] : f32 from vector<1xf32>
      %slice3A_2625 = vector.extract_strided_slice %get3A_7 {offsets = [1], sizes = [1], strides = [1]} : vector<16xf32> to vector<1xf32>
      %squeeze3A_2626 = vector.extract %slice3A_2625[0] : f32 from vector<1xf32>
      %slice3A_2627 = vector.extract_strided_slice %get3A_7 {offsets = [2], sizes = [1], strides = [1]} : vector<16xf32> to vector<1xf32>
      %squeeze3A_2628 = vector.extract %slice3A_2627[0] : f32 from vector<1xf32>
      %div3A_2629 = vector.broadcast %squeeze3A : f32 to vector<16xf32>
      %div3A_2630 = arith.divf %get3A_2607, %div3A_2629 : vector<16xf32>
      %sub3A_2631 = vector.broadcast %squeeze3A_2624 : f32 to vector<16xf32>
      %sub3A_2632 = arith.subf %div3A_2630, %sub3A_2631 : vector<16xf32>
      %div3A_2633 = vector.broadcast %squeeze3A_2628 : f32 to vector<16xf32>
      %div3A_2634 = arith.divf %sub3A_2632, %div3A_2633 : vector<16xf32>
      %mul3A_2635 = arith.mulf %div3A_2634, %div3A_2634 : vector<16xf32>
      %neg3A_2636 = arith.constant 0.000000e+00 : f32
      %neg3A_2637 = vector.broadcast %neg3A_2636 : f32 to vector<16xf32>
      %neg3A_2638 = arith.subf %neg3A_2637, %mul3A_2635 : vector<16xf32>
      %div3A_2639 = arith.constant 2.000000e+00 : f32
      %div3A_2640 = vector.broadcast %div3A_2639 : f32 to vector<16xf32>
      %div3A_2641 = arith.divf %neg3A_2638, %div3A_2640 : vector<16xf32>
      %exp3A_2642 = math.exp %div3A_2641 : vector<16xf32>
      %mul3A_2643 = vector.broadcast %squeeze3A_2626 : f32 to vector<16xf32>
      %mul3A_2644 = arith.mulf %mul3A_2643, %exp3A_2642 : vector<16xf32>
      %add3A_2645 = arith.addf %broadcast_in_dim3A_2622, %mul3A_2644 : vector<16xf32>
      %mul3A_2646 = arith.mulf %div3A_2620, %add3A_2645 : vector<16xf32>
      %add3A_2647 = arith.addf %add3A_2605, %mul3A_2646 : vector<16xf32>
      %slice3A_2648 = vector.extract_strided_slice %mul3A_41 {offsets = [0], sizes = [1], strides = [1]} : vector<16xf32> to vector<1xf32>
      %squeeze3A_2649 = vector.extract %slice3A_2648[0] : f32 from vector<1xf32>
      %slice3A_2650 = vector.extract_strided_slice %mul3A_41 {offsets = [1], sizes = [1], strides = [1]} : vector<16xf32> to vector<1xf32>
      %squeeze3A_2651 = vector.extract %slice3A_2650[0] : f32 from vector<1xf32>
      %mul3A_2652 = arith.constant 1.280000e+02 : f32
      %mul3A_2653 = arith.mulf %mul3A_2652, %squeeze3A_2651 : f32
      %add3A_2654 = arith.addf %squeeze3A_2649, %mul3A_2653 : f32
      %slice3A_2655 = vector.extract_strided_slice %add3A_2647 {offsets = [0], sizes = [1], strides = [1]} : vector<16xf32> to vector<1xf32>
      %squeeze3A_2656 = vector.extract %slice3A_2655[0] : f32 from vector<1xf32>
      %add3A_2657 = arith.addf %add3A_2654, %squeeze3A_2656 : f32
      %slice3A_2658 = vector.extract_strided_slice %add3A_2647 {offsets = [1], sizes = [1], strides = [1]} : vector<16xf32> to vector<1xf32>
      %squeeze3A_2659 = vector.extract %slice3A_2658[0] : f32 from vector<1xf32>
      %add3A_2660 = arith.addf %add3A_2657, %squeeze3A_2659 : f32
      %slice3A_2661 = vector.extract_strided_slice %add3A_2647 {offsets = [2], sizes = [1], strides = [1]} : vector<16xf32> to vector<1xf32>
      %squeeze3A_2662 = vector.extract %slice3A_2661[0] : f32 from vector<1xf32>
      %add3A_2663 = arith.addf %add3A_2660, %squeeze3A_2662 : f32
      %slice3A_2664 = vector.extract_strided_slice %add3A_2647 {offsets = [3], sizes = [1], strides = [1]} : vector<16xf32> to vector<1xf32>
      %squeeze3A_2665 = vector.extract %slice3A_2664[0] : f32 from vector<1xf32>
      %add3A_2666 = arith.addf %add3A_2663, %squeeze3A_2665 : f32
      %slice3A_2667 = vector.extract_strided_slice %add3A_2647 {offsets = [4], sizes = [1], strides = [1]} : vector<16xf32> to vector<1xf32>
      %squeeze3A_2668 = vector.extract %slice3A_2667[0] : f32 from vector<1xf32>
      %add3A_2669 = arith.addf %add3A_2666, %squeeze3A_2668 : f32
      %slice3A_2670 = vector.extract_strided_slice %add3A_2647 {offsets = [5], sizes = [1], strides = [1]} : vector<16xf32> to vector<1xf32>
      %squeeze3A_2671 = vector.extract %slice3A_2670[0] : f32 from vector<1xf32>
      %add3A_2672 = arith.addf %add3A_2669, %squeeze3A_2671 : f32
      %slice3A_2673 = vector.extract_strided_slice %add3A_2647 {offsets = [6], sizes = [1], strides = [1]} : vector<16xf32> to vector<1xf32>
      %squeeze3A_2674 = vector.extract %slice3A_2673[0] : f32 from vector<1xf32>
      %add3A_2675 = arith.addf %add3A_2672, %squeeze3A_2674 : f32
      %slice3A_2676 = vector.extract_strided_slice %add3A_2647 {offsets = [7], sizes = [1], strides = [1]} : vector<16xf32> to vector<1xf32>
      %squeeze3A_2677 = vector.extract %slice3A_2676[0] : f32 from vector<1xf32>
      %add3A_2678 = arith.addf %add3A_2675, %squeeze3A_2677 : f32
      %slice3A_2679 = vector.extract_strided_slice %add3A_2647 {offsets = [8], sizes = [1], strides = [1]} : vector<16xf32> to vector<1xf32>
      %squeeze3A_2680 = vector.extract %slice3A_2679[0] : f32 from vector<1xf32>
      %add3A_2681 = arith.addf %add3A_2678, %squeeze3A_2680 : f32
      %slice3A_2682 = vector.extract_strided_slice %add3A_2647 {offsets = [9], sizes = [1], strides = [1]} : vector<16xf32> to vector<1xf32>
      %squeeze3A_2683 = vector.extract %slice3A_2682[0] : f32 from vector<1xf32>
      %add3A_2684 = arith.addf %add3A_2681, %squeeze3A_2683 : f32
      %slice3A_2685 = vector.extract_strided_slice %add3A_2647 {offsets = [10], sizes = [1], strides = [1]} : vector<16xf32> to vector<1xf32>
      %squeeze3A_2686 = vector.extract %slice3A_2685[0] : f32 from vector<1xf32>
      %add3A_2687 = arith.addf %add3A_2684, %squeeze3A_2686 : f32
      %slice3A_2688 = vector.extract_strided_slice %add3A_2647 {offsets = [11], sizes = [1], strides = [1]} : vector<16xf32> to vector<1xf32>
      %squeeze3A_2689 = vector.extract %slice3A_2688[0] : f32 from vector<1xf32>
      %add3A_2690 = arith.addf %add3A_2687, %squeeze3A_2689 : f32
      %slice3A_2691 = vector.extract_strided_slice %add3A_2647 {offsets = [12], sizes = [1], strides = [1]} : vector<16xf32> to vector<1xf32>
      %squeeze3A_2692 = vector.extract %slice3A_2691[0] : f32 from vector<1xf32>
      %add3A_2693 = arith.addf %add3A_2690, %squeeze3A_2692 : f32
      %slice3A_2694 = vector.extract_strided_slice %add3A_2647 {offsets = [13], sizes = [1], strides = [1]} : vector<16xf32> to vector<1xf32>
      %squeeze3A_2695 = vector.extract %slice3A_2694[0] : f32 from vector<1xf32>
      %add3A_2696 = arith.addf %add3A_2693, %squeeze3A_2695 : f32
      %slice3A_2697 = vector.extract_strided_slice %add3A_2647 {offsets = [14], sizes = [1], strides = [1]} : vector<16xf32> to vector<1xf32>
      %squeeze3A_2698 = vector.extract %slice3A_2697[0] : f32 from vector<1xf32>
      %add3A_2699 = arith.addf %add3A_2696, %squeeze3A_2698 : f32
      %slice3A_2700 = vector.extract_strided_slice %add3A_2647 {offsets = [15], sizes = [1], strides = [1]} : vector<16xf32> to vector<1xf32>
      %squeeze3A_2701 = vector.extract %slice3A_2700[0] : f32 from vector<1xf32>
      %add3A_2702 = arith.addf %add3A_2699, %squeeze3A_2701 : f32
      %broadcast_in_dim3A_2703 = vector.broadcast %add3A_2702 : f32 to vector<16xf32>
      %mul3A_2704 = arith.constant 1.090000e+03 : f32
      %mul3A_2705 = vector.broadcast %mul3A_2704 : f32 to vector<16xf32>
      %mul3A_2706 = arith.mulf %broadcast_in_dim3A_2703, %mul3A_2705 : vector<16xf32>
      %div3A_2707 = arith.constant 1.000000e+00 : f32
      %div3A_2708 = vector.broadcast %div3A_2707 : f32 to vector<16xf32>
      %div3A_2709 = arith.divf %div3A_2708, %mul3A_2706 : vector<16xf32>
      %mul3A_2710 = arith.mulf %mul3A_84, %div3A_2709 : vector<16xf32>
      %swap3A = arith.constant 0 : index
      %swap3A_2711 = tpu.vector_load %arg5[%swap3A] {strides = array<i32>} : memref<1008xf32, #tpu.memory_space<vmem>>, vector<16xf32>,
      tpu.vector_store %arg5[%swap3A], %mul3A_2710 {strides = array<i32>} : memref<1008xf32, #tpu.memory_space<vmem>>, vector<16xf32>,
      %mul3A_2712 = arith.mulf %mul3A_126, %div3A_2709 : vector<16xf32>
      %swap3A_2713 = arith.constant 16 : index
      %swap3A_2714 = tpu.vector_load %arg5[%swap3A_2713] {strides = array<i32>} : memref<1008xf32, #tpu.memory_space<vmem>>, vector<16xf32>,
      tpu.vector_store %arg5[%swap3A_2713], %mul3A_2712 {strides = array<i32>} : memref<1008xf32, #tpu.memory_space<vmem>>, vector<16xf32>,
      %mul3A_2715 = arith.mulf %mul3A_168, %div3A_2709 : vector<16xf32>
      %swap3A_2716 = arith.constant 32 : index
      %swap3A_2717 = tpu.vector_load %arg5[%swap3A_2716] {strides = array<i32>} : memref<1008xf32, #tpu.memory_space<vmem>>, vector<16xf32>,
      tpu.vector_store %arg5[%swap3A_2716], %mul3A_2715 {strides = array<i32>} : memref<1008xf32, #tpu.memory_space<vmem>>, vector<16xf32>,
      %mul3A_2718 = arith.mulf %mul3A_210, %div3A_2709 : vector<16xf32>
      %swap3A_2719 = arith.constant 48 : index
      %swap3A_2720 = tpu.vector_load %arg5[%swap3A_2719] {strides = array<i32>} : memref<1008xf32, #tpu.memory_space<vmem>>, vector<16xf32>,
      tpu.vector_store %arg5[%swap3A_2719], %mul3A_2718 {strides = array<i32>} : memref<1008xf32, #tpu.memory_space<vmem>>, vector<16xf32>,
      %mul3A_2721 = arith.mulf %mul3A_252, %div3A_2709 : vector<16xf32>
      %swap3A_2722 = arith.constant 64 : index
      %swap3A_2723 = tpu.vector_load %arg5[%swap3A_2722] {strides = array<i32>} : memref<1008xf32, #tpu.memory_space<vmem>>, vector<16xf32>,
      tpu.vector_store %arg5[%swap3A_2722], %mul3A_2721 {strides = array<i32>} : memref<1008xf32, #tpu.memory_space<vmem>>, vector<16xf32>,
      %mul3A_2724 = arith.mulf %mul3A_294, %div3A_2709 : vector<16xf32>
      %swap3A_2725 = arith.constant 80 : index
      %swap3A_2726 = tpu.vector_load %arg5[%swap3A_2725] {strides = array<i32>} : memref<1008xf32, #tpu.memory_space<vmem>>, vector<16xf32>,
      tpu.vector_store %arg5[%swap3A_2725], %mul3A_2724 {strides = array<i32>} : memref<1008xf32, #tpu.memory_space<vmem>>, vector<16xf32>,
      %mul3A_2727 = arith.mulf %mul3A_336, %div3A_2709 : vector<16xf32>
      %swap3A_2728 = arith.constant 96 : index
      %swap3A_2729 = tpu.vector_load %arg5[%swap3A_2728] {strides = array<i32>} : memref<1008xf32, #tpu.memory_space<vmem>>, vector<16xf32>,
      tpu.vector_store %arg5[%swap3A_2728], %mul3A_2727 {strides = array<i32>} : memref<1008xf32, #tpu.memory_space<vmem>>, vector<16xf32>,
      %mul3A_2730 = arith.mulf %mul3A_378, %div3A_2709 : vector<16xf32>
      %swap3A_2731 = arith.constant 112 : index
      %swap3A_2732 = tpu.vector_load %arg5[%swap3A_2731] {strides = array<i32>} : memref<1008xf32, #tpu.memory_space<vmem>>, vector<16xf32>,
      tpu.vector_store %arg5[%swap3A_2731], %mul3A_2730 {strides = array<i32>} : memref<1008xf32, #tpu.memory_space<vmem>>, vector<16xf32>,
      %mul3A_2733 = arith.mulf %mul3A_420, %div3A_2709 : vector<16xf32>
      %swap3A_2734 = arith.constant 128 : index
      %swap3A_2735 = tpu.vector_load %arg5[%swap3A_2734] {strides = array<i32>} : memref<1008xf32, #tpu.memory_space<vmem>>, vector<16xf32>,
      tpu.vector_store %arg5[%swap3A_2734], %mul3A_2733 {strides = array<i32>} : memref<1008xf32, #tpu.memory_space<vmem>>, vector<16xf32>,
      %mul3A_2736 = arith.mulf %mul3A_462, %div3A_2709 : vector<16xf32>
      %swap3A_2737 = arith.constant 144 : index
      %swap3A_2738 = tpu.vector_load %arg5[%swap3A_2737] {strides = array<i32>} : memref<1008xf32, #tpu.memory_space<vmem>>, vector<16xf32>,
      tpu.vector_store %arg5[%swap3A_2737], %mul3A_2736 {strides = array<i32>} : memref<1008xf32, #tpu.memory_space<vmem>>, vector<16xf32>,
      %mul3A_2739 = arith.mulf %mul3A_504, %div3A_2709 : vector<16xf32>
      %swap3A_2740 = arith.constant 160 : index
      %swap3A_2741 = tpu.vector_load %arg5[%swap3A_2740] {strides = array<i32>} : memref<1008xf32, #tpu.memory_space<vmem>>, vector<16xf32>,
      tpu.vector_store %arg5[%swap3A_2740], %mul3A_2739 {strides = array<i32>} : memref<1008xf32, #tpu.memory_space<vmem>>, vector<16xf32>,
      %mul3A_2742 = arith.mulf %mul3A_546, %div3A_2709 : vector<16xf32>
      %swap3A_2743 = arith.constant 176 : index
      %swap3A_2744 = tpu.vector_load %arg5[%swap3A_2743] {strides = array<i32>} : memref<1008xf32, #tpu.memory_space<vmem>>, vector<16xf32>,
      tpu.vector_store %arg5[%swap3A_2743], %mul3A_2742 {strides = array<i32>} : memref<1008xf32, #tpu.memory_space<vmem>>, vector<16xf32>,
      %mul3A_2745 = arith.mulf %mul3A_588, %div3A_2709 : vector<16xf32>
      %swap3A_2746 = arith.constant 192 : index
      %swap3A_2747 = tpu.vector_load %arg5[%swap3A_2746] {strides = array<i32>} : memref<1008xf32, #tpu.memory_space<vmem>>, vector<16xf32>,
      tpu.vector_store %arg5[%swap3A_2746], %mul3A_2745 {strides = array<i32>} : memref<1008xf32, #tpu.memory_space<vmem>>, vector<16xf32>,
      %mul3A_2748 = arith.mulf %mul3A_630, %div3A_2709 : vector<16xf32>
      %swap3A_2749 = arith.constant 208 : index
      %swap3A_2750 = tpu.vector_load %arg5[%swap3A_2749] {strides = array<i32>} : memref<1008xf32, #tpu.memory_space<vmem>>, vector<16xf32>,
      tpu.vector_store %arg5[%swap3A_2749], %mul3A_2748 {strides = array<i32>} : memref<1008xf32, #tpu.memory_space<vmem>>, vector<16xf32>,
      %mul3A_2751 = arith.mulf %mul3A_672, %div3A_2709 : vector<16xf32>
      %swap3A_2752 = arith.constant 224 : index
      %swap3A_2753 = tpu.vector_load %arg5[%swap3A_2752] {strides = array<i32>} : memref<1008xf32, #tpu.memory_space<vmem>>, vector<16xf32>,
      tpu.vector_store %arg5[%swap3A_2752], %mul3A_2751 {strides = array<i32>} : memref<1008xf32, #tpu.memory_space<vmem>>, vector<16xf32>,
      %mul3A_2754 = arith.mulf %mul3A_714, %div3A_2709 : vector<16xf32>
      %swap3A_2755 = arith.constant 240 : index
      %swap3A_2756 = tpu.vector_load %arg5[%swap3A_2755] {strides = array<i32>} : memref<1008xf32, #tpu.memory_space<vmem>>, vector<16xf32>,
      tpu.vector_store %arg5[%swap3A_2755], %mul3A_2754 {strides = array<i32>} : memref<1008xf32, #tpu.memory_space<vmem>>, vector<16xf32>,
      %mul3A_2757 = arith.mulf %mul3A_756, %div3A_2709 : vector<16xf32>
      %swap3A_2758 = arith.constant 256 : index
      %swap3A_2759 = tpu.vector_load %arg5[%swap3A_2758] {strides = array<i32>} : memref<1008xf32, #tpu.memory_space<vmem>>, vector<16xf32>,
      tpu.vector_store %arg5[%swap3A_2758], %mul3A_2757 {strides = array<i32>} : memref<1008xf32, #tpu.memory_space<vmem>>, vector<16xf32>,
      %mul3A_2760 = arith.mulf %mul3A_798, %div3A_2709 : vector<16xf32>
      %swap3A_2761 = arith.constant 272 : index
      %swap3A_2762 = tpu.vector_load %arg5[%swap3A_2761] {strides = array<i32>} : memref<1008xf32, #tpu.memory_space<vmem>>, vector<16xf32>,
      tpu.vector_store %arg5[%swap3A_2761], %mul3A_2760 {strides = array<i32>} : memref<1008xf32, #tpu.memory_space<vmem>>, vector<16xf32>,
      %mul3A_2763 = arith.mulf %mul3A_840, %div3A_2709 : vector<16xf32>
      %swap3A_2764 = arith.constant 288 : index
      %swap3A_2765 = tpu.vector_load %arg5[%swap3A_2764] {strides = array<i32>} : memref<1008xf32, #tpu.memory_space<vmem>>, vector<16xf32>,
      tpu.vector_store %arg5[%swap3A_2764], %mul3A_2763 {strides = array<i32>} : memref<1008xf32, #tpu.memory_space<vmem>>, vector<16xf32>,
      %mul3A_2766 = arith.mulf %mul3A_882, %div3A_2709 : vector<16xf32>
      %swap3A_2767 = arith.constant 304 : index
      %swap3A_2768 = tpu.vector_load %arg5[%swap3A_2767] {strides = array<i32>} : memref<1008xf32, #tpu.memory_space<vmem>>, vector<16xf32>,
      tpu.vector_store %arg5[%swap3A_2767], %mul3A_2766 {strides = array<i32>} : memref<1008xf32, #tpu.memory_space<vmem>>, vector<16xf32>,
      %mul3A_2769 = arith.mulf %mul3A_924, %div3A_2709 : vector<16xf32>
      %swap3A_2770 = arith.constant 320 : index
      %swap3A_2771 = tpu.vector_load %arg5[%swap3A_2770] {strides = array<i32>} : memref<1008xf32, #tpu.memory_space<vmem>>, vector<16xf32>,
      tpu.vector_store %arg5[%swap3A_2770], %mul3A_2769 {strides = array<i32>} : memref<1008xf32, #tpu.memory_space<vmem>>, vector<16xf32>,
      %mul3A_2772 = arith.mulf %mul3A_966, %div3A_2709 : vector<16xf32>
      %swap3A_2773 = arith.constant 336 : index
      %swap3A_2774 = tpu.vector_load %arg5[%swap3A_2773] {strides = array<i32>} : memref<1008xf32, #tpu.memory_space<vmem>>, vector<16xf32>,
      tpu.vector_store %arg5[%swap3A_2773], %mul3A_2772 {strides = array<i32>} : memref<1008xf32, #tpu.memory_space<vmem>>, vector<16xf32>,
      %mul3A_2775 = arith.mulf %mul3A_1008, %div3A_2709 : vector<16xf32>
      %swap3A_2776 = arith.constant 352 : index
      %swap3A_2777 = tpu.vector_load %arg5[%swap3A_2776] {strides = array<i32>} : memref<1008xf32, #tpu.memory_space<vmem>>, vector<16xf32>,
      tpu.vector_store %arg5[%swap3A_2776], %mul3A_2775 {strides = array<i32>} : memref<1008xf32, #tpu.memory_space<vmem>>, vector<16xf32>,
      %mul3A_2778 = arith.mulf %mul3A_1050, %div3A_2709 : vector<16xf32>
      %swap3A_2779 = arith.constant 368 : index
      %swap3A_2780 = tpu.vector_load %arg5[%swap3A_2779] {strides = array<i32>} : memref<1008xf32, #tpu.memory_space<vmem>>, vector<16xf32>,
      tpu.vector_store %arg5[%swap3A_2779], %mul3A_2778 {strides = array<i32>} : memref<1008xf32, #tpu.memory_space<vmem>>, vector<16xf32>,
      %mul3A_2781 = arith.mulf %mul3A_1092, %div3A_2709 : vector<16xf32>
      %swap3A_2782 = arith.constant 384 : index
      %swap3A_2783 = tpu.vector_load %arg5[%swap3A_2782] {strides = array<i32>} : memref<1008xf32, #tpu.memory_space<vmem>>, vector<16xf32>,
      tpu.vector_store %arg5[%swap3A_2782], %mul3A_2781 {strides = array<i32>} : memref<1008xf32, #tpu.memory_space<vmem>>, vector<16xf32>,
      %mul3A_2784 = arith.mulf %mul3A_1134, %div3A_2709 : vector<16xf32>
      %swap3A_2785 = arith.constant 400 : index
      %swap3A_2786 = tpu.vector_load %arg5[%swap3A_2785] {strides = array<i32>} : memref<1008xf32, #tpu.memory_space<vmem>>, vector<16xf32>,
      tpu.vector_store %arg5[%swap3A_2785], %mul3A_2784 {strides = array<i32>} : memref<1008xf32, #tpu.memory_space<vmem>>, vector<16xf32>,
      %mul3A_2787 = arith.mulf %mul3A_1176, %div3A_2709 : vector<16xf32>
      %swap3A_2788 = arith.constant 416 : index
      %swap3A_2789 = tpu.vector_load %arg5[%swap3A_2788] {strides = array<i32>} : memref<1008xf32, #tpu.memory_space<vmem>>, vector<16xf32>,
      tpu.vector_store %arg5[%swap3A_2788], %mul3A_2787 {strides = array<i32>} : memref<1008xf32, #tpu.memory_space<vmem>>, vector<16xf32>,
      %mul3A_2790 = arith.mulf %mul3A_1218, %div3A_2709 : vector<16xf32>
      %swap3A_2791 = arith.constant 432 : index
      %swap3A_2792 = tpu.vector_load %arg5[%swap3A_2791] {strides = array<i32>} : memref<1008xf32, #tpu.memory_space<vmem>>, vector<16xf32>,
      tpu.vector_store %arg5[%swap3A_2791], %mul3A_2790 {strides = array<i32>} : memref<1008xf32, #tpu.memory_space<vmem>>, vector<16xf32>,
      %mul3A_2793 = arith.mulf %mul3A_1260, %div3A_2709 : vector<16xf32>
      %swap3A_2794 = arith.constant 448 : index
      %swap3A_2795 = tpu.vector_load %arg5[%swap3A_2794] {strides = array<i32>} : memref<1008xf32, #tpu.memory_space<vmem>>, vector<16xf32>,
      tpu.vector_store %arg5[%swap3A_2794], %mul3A_2793 {strides = array<i32>} : memref<1008xf32, #tpu.memory_space<vmem>>, vector<16xf32>,
      %mul3A_2796 = arith.mulf %mul3A_1302, %div3A_2709 : vector<16xf32>
      %swap3A_2797 = arith.constant 464 : index
      %swap3A_2798 = tpu.vector_load %arg5[%swap3A_2797] {strides = array<i32>} : memref<1008xf32, #tpu.memory_space<vmem>>, vector<16xf32>,
      tpu.vector_store %arg5[%swap3A_2797], %mul3A_2796 {strides = array<i32>} : memref<1008xf32, #tpu.memory_space<vmem>>, vector<16xf32>,
      %mul3A_2799 = arith.mulf %mul3A_1344, %div3A_2709 : vector<16xf32>
      %swap3A_2800 = arith.constant 480 : index
      %swap3A_2801 = tpu.vector_load %arg5[%swap3A_2800] {strides = array<i32>} : memref<1008xf32, #tpu.memory_space<vmem>>, vector<16xf32>,
      tpu.vector_store %arg5[%swap3A_2800], %mul3A_2799 {strides = array<i32>} : memref<1008xf32, #tpu.memory_space<vmem>>, vector<16xf32>,
      %mul3A_2802 = arith.mulf %mul3A_1386, %div3A_2709 : vector<16xf32>
      %swap3A_2803 = arith.constant 496 : index
      %swap3A_2804 = tpu.vector_load %arg5[%swap3A_2803] {strides = array<i32>} : memref<1008xf32, #tpu.memory_space<vmem>>, vector<16xf32>,
      tpu.vector_store %arg5[%swap3A_2803], %mul3A_2802 {strides = array<i32>} : memref<1008xf32, #tpu.memory_space<vmem>>, vector<16xf32>,
      %mul3A_2805 = arith.mulf %mul3A_1428, %div3A_2709 : vector<16xf32>
      %swap3A_2806 = arith.constant 512 : index
      %swap3A_2807 = tpu.vector_load %arg5[%swap3A_2806] {strides = array<i32>} : memref<1008xf32, #tpu.memory_space<vmem>>, vector<16xf32>,
      tpu.vector_store %arg5[%swap3A_2806], %mul3A_2805 {strides = array<i32>} : memref<1008xf32, #tpu.memory_space<vmem>>, vector<16xf32>,
      %mul3A_2808 = arith.mulf %mul3A_1470, %div3A_2709 : vector<16xf32>
      %swap3A_2809 = arith.constant 528 : index
      %swap3A_2810 = tpu.vector_load %arg5[%swap3A_2809] {strides = array<i32>} : memref<1008xf32, #tpu.memory_space<vmem>>, vector<16xf32>,
      tpu.vector_store %arg5[%swap3A_2809], %mul3A_2808 {strides = array<i32>} : memref<1008xf32, #tpu.memory_space<vmem>>, vector<16xf32>,
      %mul3A_2811 = arith.mulf %mul3A_1512, %div3A_2709 : vector<16xf32>
      %swap3A_2812 = arith.constant 544 : index
      %swap3A_2813 = tpu.vector_load %arg5[%swap3A_2812] {strides = array<i32>} : memref<1008xf32, #tpu.memory_space<vmem>>, vector<16xf32>,
      tpu.vector_store %arg5[%swap3A_2812], %mul3A_2811 {strides = array<i32>} : memref<1008xf32, #tpu.memory_space<vmem>>, vector<16xf32>,
      %mul3A_2814 = arith.mulf %mul3A_1554, %div3A_2709 : vector<16xf32>
      %swap3A_2815 = arith.constant 560 : index
      %swap3A_2816 = tpu.vector_load %arg5[%swap3A_2815] {strides = array<i32>} : memref<1008xf32, #tpu.memory_space<vmem>>, vector<16xf32>,
      tpu.vector_store %arg5[%swap3A_2815], %mul3A_2814 {strides = array<i32>} : memref<1008xf32, #tpu.memory_space<vmem>>, vector<16xf32>,
      %mul3A_2817 = arith.mulf %mul3A_1596, %div3A_2709 : vector<16xf32>
      %swap3A_2818 = arith.constant 576 : index
      %swap3A_2819 = tpu.vector_load %arg5[%swap3A_2818] {strides = array<i32>} : memref<1008xf32, #tpu.memory_space<vmem>>, vector<16xf32>,
      tpu.vector_store %arg5[%swap3A_2818], %mul3A_2817 {strides = array<i32>} : memref<1008xf32, #tpu.memory_space<vmem>>, vector<16xf32>,
      %mul3A_2820 = arith.mulf %mul3A_1638, %div3A_2709 : vector<16xf32>
      %swap3A_2821 = arith.constant 592 : index
      %swap3A_2822 = tpu.vector_load %arg5[%swap3A_2821] {strides = array<i32>} : memref<1008xf32, #tpu.memory_space<vmem>>, vector<16xf32>,
      tpu.vector_store %arg5[%swap3A_2821], %mul3A_2820 {strides = array<i32>} : memref<1008xf32, #tpu.memory_space<vmem>>, vector<16xf32>,
      %mul3A_2823 = arith.mulf %mul3A_1680, %div3A_2709 : vector<16xf32>
      %swap3A_2824 = arith.constant 608 : index
      %swap3A_2825 = tpu.vector_load %arg5[%swap3A_2824] {strides = array<i32>} : memref<1008xf32, #tpu.memory_space<vmem>>, vector<16xf32>,
      tpu.vector_store %arg5[%swap3A_2824], %mul3A_2823 {strides = array<i32>} : memref<1008xf32, #tpu.memory_space<vmem>>, vector<16xf32>,
      %mul3A_2826 = arith.mulf %mul3A_1722, %div3A_2709 : vector<16xf32>
      %swap3A_2827 = arith.constant 624 : index
      %swap3A_2828 = tpu.vector_load %arg5[%swap3A_2827] {strides = array<i32>} : memref<1008xf32, #tpu.memory_space<vmem>>, vector<16xf32>,
      tpu.vector_store %arg5[%swap3A_2827], %mul3A_2826 {strides = array<i32>} : memref<1008xf32, #tpu.memory_space<vmem>>, vector<16xf32>,
      %mul3A_2829 = arith.mulf %mul3A_1764, %div3A_2709 : vector<16xf32>
      %swap3A_2830 = arith.constant 640 : index
      %swap3A_2831 = tpu.vector_load %arg5[%swap3A_2830] {strides = array<i32>} : memref<1008xf32, #tpu.memory_space<vmem>>, vector<16xf32>,
      tpu.vector_store %arg5[%swap3A_2830], %mul3A_2829 {strides = array<i32>} : memref<1008xf32, #tpu.memory_space<vmem>>, vector<16xf32>,
      %mul3A_2832 = arith.mulf %mul3A_1806, %div3A_2709 : vector<16xf32>
      %swap3A_2833 = arith.constant 656 : index
      %swap3A_2834 = tpu.vector_load %arg5[%swap3A_2833] {strides = array<i32>} : memref<1008xf32, #tpu.memory_space<vmem>>, vector<16xf32>,
      tpu.vector_store %arg5[%swap3A_2833], %mul3A_2832 {strides = array<i32>} : memref<1008xf32, #tpu.memory_space<vmem>>, vector<16xf32>,
      %mul3A_2835 = arith.mulf %mul3A_1848, %div3A_2709 : vector<16xf32>
      %swap3A_2836 = arith.constant 672 : index
      %swap3A_2837 = tpu.vector_load %arg5[%swap3A_2836] {strides = array<i32>} : memref<1008xf32, #tpu.memory_space<vmem>>, vector<16xf32>,
      tpu.vector_store %arg5[%swap3A_2836], %mul3A_2835 {strides = array<i32>} : memref<1008xf32, #tpu.memory_space<vmem>>, vector<16xf32>,
      %mul3A_2838 = arith.mulf %mul3A_1890, %div3A_2709 : vector<16xf32>
      %swap3A_2839 = arith.constant 688 : index
      %swap3A_2840 = tpu.vector_load %arg5[%swap3A_2839] {strides = array<i32>} : memref<1008xf32, #tpu.memory_space<vmem>>, vector<16xf32>,
      tpu.vector_store %arg5[%swap3A_2839], %mul3A_2838 {strides = array<i32>} : memref<1008xf32, #tpu.memory_space<vmem>>, vector<16xf32>,
      %mul3A_2841 = arith.mulf %mul3A_1932, %div3A_2709 : vector<16xf32>
      %swap3A_2842 = arith.constant 704 : index
      %swap3A_2843 = tpu.vector_load %arg5[%swap3A_2842] {strides = array<i32>} : memref<1008xf32, #tpu.memory_space<vmem>>, vector<16xf32>,
      tpu.vector_store %arg5[%swap3A_2842], %mul3A_2841 {strides = array<i32>} : memref<1008xf32, #tpu.memory_space<vmem>>, vector<16xf32>,
      %mul3A_2844 = arith.mulf %mul3A_1974, %div3A_2709 : vector<16xf32>
      %swap3A_2845 = arith.constant 720 : index
      %swap3A_2846 = tpu.vector_load %arg5[%swap3A_2845] {strides = array<i32>} : memref<1008xf32, #tpu.memory_space<vmem>>, vector<16xf32>,
      tpu.vector_store %arg5[%swap3A_2845], %mul3A_2844 {strides = array<i32>} : memref<1008xf32, #tpu.memory_space<vmem>>, vector<16xf32>,
      %mul3A_2847 = arith.mulf %mul3A_2016, %div3A_2709 : vector<16xf32>
      %swap3A_2848 = arith.constant 736 : index
      %swap3A_2849 = tpu.vector_load %arg5[%swap3A_2848] {strides = array<i32>} : memref<1008xf32, #tpu.memory_space<vmem>>, vector<16xf32>,
      tpu.vector_store %arg5[%swap3A_2848], %mul3A_2847 {strides = array<i32>} : memref<1008xf32, #tpu.memory_space<vmem>>, vector<16xf32>,
      %mul3A_2850 = arith.mulf %mul3A_2058, %div3A_2709 : vector<16xf32>
      %swap3A_2851 = arith.constant 752 : index
      %swap3A_2852 = tpu.vector_load %arg5[%swap3A_2851] {strides = array<i32>} : memref<1008xf32, #tpu.memory_space<vmem>>, vector<16xf32>,
      tpu.vector_store %arg5[%swap3A_2851], %mul3A_2850 {strides = array<i32>} : memref<1008xf32, #tpu.memory_space<vmem>>, vector<16xf32>,
      %mul3A_2853 = arith.mulf %mul3A_2100, %div3A_2709 : vector<16xf32>
      %swap3A_2854 = arith.constant 768 : index
      %swap3A_2855 = tpu.vector_load %arg5[%swap3A_2854] {strides = array<i32>} : memref<1008xf32, #tpu.memory_space<vmem>>, vector<16xf32>,
      tpu.vector_store %arg5[%swap3A_2854], %mul3A_2853 {strides = array<i32>} : memref<1008xf32, #tpu.memory_space<vmem>>, vector<16xf32>,
      %mul3A_2856 = arith.mulf %mul3A_2142, %div3A_2709 : vector<16xf32>
      %swap3A_2857 = arith.constant 784 : index
      %swap3A_2858 = tpu.vector_load %arg5[%swap3A_2857] {strides = array<i32>} : memref<1008xf32, #tpu.memory_space<vmem>>, vector<16xf32>,
      tpu.vector_store %arg5[%swap3A_2857], %mul3A_2856 {strides = array<i32>} : memref<1008xf32, #tpu.memory_space<vmem>>, vector<16xf32>,
      %mul3A_2859 = arith.mulf %mul3A_2184, %div3A_2709 : vector<16xf32>
      %swap3A_2860 = arith.constant 800 : index
      %swap3A_2861 = tpu.vector_load %arg5[%swap3A_2860] {strides = array<i32>} : memref<1008xf32, #tpu.memory_space<vmem>>, vector<16xf32>,
      tpu.vector_store %arg5[%swap3A_2860], %mul3A_2859 {strides = array<i32>} : memref<1008xf32, #tpu.memory_space<vmem>>, vector<16xf32>,
      %mul3A_2862 = arith.mulf %mul3A_2226, %div3A_2709 : vector<16xf32>
      %swap3A_2863 = arith.constant 816 : index
      %swap3A_2864 = tpu.vector_load %arg5[%swap3A_2863] {strides = array<i32>} : memref<1008xf32, #tpu.memory_space<vmem>>, vector<16xf32>,
      tpu.vector_store %arg5[%swap3A_2863], %mul3A_2862 {strides = array<i32>} : memref<1008xf32, #tpu.memory_space<vmem>>, vector<16xf32>,
      %mul3A_2865 = arith.mulf %mul3A_2268, %div3A_2709 : vector<16xf32>
      %swap3A_2866 = arith.constant 832 : index
      %swap3A_2867 = tpu.vector_load %arg5[%swap3A_2866] {strides = array<i32>} : memref<1008xf32, #tpu.memory_space<vmem>>, vector<16xf32>,
      tpu.vector_store %arg5[%swap3A_2866], %mul3A_2865 {strides = array<i32>} : memref<1008xf32, #tpu.memory_space<vmem>>, vector<16xf32>,
      %mul3A_2868 = arith.mulf %mul3A_2310, %div3A_2709 : vector<16xf32>
      %swap3A_2869 = arith.constant 848 : index
      %swap3A_2870 = tpu.vector_load %arg5[%swap3A_2869] {strides = array<i32>} : memref<1008xf32, #tpu.memory_space<vmem>>, vector<16xf32>,
      tpu.vector_store %arg5[%swap3A_2869], %mul3A_2868 {strides = array<i32>} : memref<1008xf32, #tpu.memory_space<vmem>>, vector<16xf32>,
      %mul3A_2871 = arith.mulf %mul3A_2352, %div3A_2709 : vector<16xf32>
      %swap3A_2872 = arith.constant 864 : index
      %swap3A_2873 = tpu.vector_load %arg5[%swap3A_2872] {strides = array<i32>} : memref<1008xf32, #tpu.memory_space<vmem>>, vector<16xf32>,
      tpu.vector_store %arg5[%swap3A_2872], %mul3A_2871 {strides = array<i32>} : memref<1008xf32, #tpu.memory_space<vmem>>, vector<16xf32>,
      %mul3A_2874 = arith.mulf %mul3A_2394, %div3A_2709 : vector<16xf32>
      %swap3A_2875 = arith.constant 880 : index
      %swap3A_2876 = tpu.vector_load %arg5[%swap3A_2875] {strides = array<i32>} : memref<1008xf32, #tpu.memory_space<vmem>>, vector<16xf32>,
      tpu.vector_store %arg5[%swap3A_2875], %mul3A_2874 {strides = array<i32>} : memref<1008xf32, #tpu.memory_space<vmem>>, vector<16xf32>,
      %mul3A_2877 = arith.mulf %mul3A_2436, %div3A_2709 : vector<16xf32>
      %swap3A_2878 = arith.constant 896 : index
      %swap3A_2879 = tpu.vector_load %arg5[%swap3A_2878] {strides = array<i32>} : memref<1008xf32, #tpu.memory_space<vmem>>, vector<16xf32>,
      tpu.vector_store %arg5[%swap3A_2878], %mul3A_2877 {strides = array<i32>} : memref<1008xf32, #tpu.memory_space<vmem>>, vector<16xf32>,
      %mul3A_2880 = arith.mulf %mul3A_2478, %div3A_2709 : vector<16xf32>
      %swap3A_2881 = arith.constant 912 : index
      %swap3A_2882 = tpu.vector_load %arg5[%swap3A_2881] {strides = array<i32>} : memref<1008xf32, #tpu.memory_space<vmem>>, vector<16xf32>,
      tpu.vector_store %arg5[%swap3A_2881], %mul3A_2880 {strides = array<i32>} : memref<1008xf32, #tpu.memory_space<vmem>>, vector<16xf32>,
      %mul3A_2883 = arith.mulf %mul3A_2520, %div3A_2709 : vector<16xf32>
      %swap3A_2884 = arith.constant 928 : index
      %swap3A_2885 = tpu.vector_load %arg5[%swap3A_2884] {strides = array<i32>} : memref<1008xf32, #tpu.memory_space<vmem>>, vector<16xf32>,
      tpu.vector_store %arg5[%swap3A_2884], %mul3A_2883 {strides = array<i32>} : memref<1008xf32, #tpu.memory_space<vmem>>, vector<16xf32>,
      %mul3A_2886 = arith.mulf %mul3A_2562, %div3A_2709 : vector<16xf32>
      %swap3A_2887 = arith.constant 944 : index
      %swap3A_2888 = tpu.vector_load %arg5[%swap3A_2887] {strides = array<i32>} : memref<1008xf32, #tpu.memory_space<vmem>>, vector<16xf32>,
      tpu.vector_store %arg5[%swap3A_2887], %mul3A_2886 {strides = array<i32>} : memref<1008xf32, #tpu.memory_space<vmem>>, vector<16xf32>,
      %mul3A_2889 = arith.mulf %mul3A_2604, %div3A_2709 : vector<16xf32>
      %swap3A_2890 = arith.constant 960 : index
      %swap3A_2891 = tpu.vector_load %arg5[%swap3A_2890] {strides = array<i32>} : memref<1008xf32, #tpu.memory_space<vmem>>, vector<16xf32>,
      tpu.vector_store %arg5[%swap3A_2890], %mul3A_2889 {strides = array<i32>} : memref<1008xf32, #tpu.memory_space<vmem>>, vector<16xf32>,
      %mul3A_2892 = arith.mulf %mul3A_2646, %div3A_2709 : vector<16xf32>
      %swap3A_2893 = arith.constant 976 : index
      %swap3A_2894 = tpu.vector_load %arg5[%swap3A_2893] {strides = array<i32>} : memref<1008xf32, #tpu.memory_space<vmem>>, vector<16xf32>,
      tpu.vector_store %arg5[%swap3A_2893], %mul3A_2892 {strides = array<i32>} : memref<1008xf32, #tpu.memory_space<vmem>>, vector<16xf32>,
      %slice3A_2895 = vector.extract_strided_slice %div3A_2709 {offsets = [0], sizes = [1], strides = [1]} : vector<16xf32> to vector<1xf32>
      %squeeze3A_2896 = vector.extract %slice3A_2895[0] : f32 from vector<1xf32>
      %iota3A = tpu.iota {dimensions = array<i32: 0>} : vector<16xi32>
      %eq3A_2897 = arith.constant 0 : i32
      %eq3A_2898 = vector.broadcast %eq3A_2897 : i32 to vector<16xi32>
      %eq3A_2899 = arith.cmpi eq, %iota3A, %eq3A_2898 : vector<16xi32>
      %mul3A_2900 = arith.mulf %squeeze3A_2896, %squeeze3A_2649 : f32
      %eq3A_2901 = arith.constant 1 : i32
      %eq3A_2902 = vector.broadcast %eq3A_2901 : i32 to vector<16xi32>
      %eq3A_2903 = arith.cmpi eq, %iota3A, %eq3A_2902 : vector<16xi32>
      %mul3A_2904 = arith.constant 1.280000e+02 : f32
      %mul3A_2905 = arith.mulf %mul3A_2904, %squeeze3A_2651 : f32
      %mul3A_2906 = arith.mulf %squeeze3A_2896, %mul3A_2905 : f32
      %jit3A = arith.constant 0.000000e+00 : f32
      %broadcast_in_dim3A_2907 = vector.broadcast %mul3A_2906 : f32 to vector<16xf32>
      %broadcast_in_dim3A_2908 = vector.broadcast %jit3A : f32 to vector<16xf32>
      %select_n3A = arith.select %eq3A_2903, %broadcast_in_dim3A_2907, %broadcast_in_dim3A_2908 : vector<16xi1>, vector<16xf32>
      %broadcast_in_dim3A_2909 = vector.broadcast %mul3A_2900 : f32 to vector<16xf32>
      %select_n3A_2910 = arith.select %eq3A_2899, %broadcast_in_dim3A_2909, %select_n3A : vector<16xi1>, vector<16xf32>
      %swap3A_2911 = arith.constant 992 : index
      %swap3A_2912 = tpu.vector_load %arg5[%swap3A_2911] {strides = array<i32>} : memref<1008xf32, #tpu.memory_space<vmem>>, vector<16xf32>,
      tpu.vector_store %arg5[%swap3A_2911], %select_n3A_2910 {strides = array<i32>} : memref<1008xf32, #tpu.memory_space<vmem>>, vector<16xf32>,
      "tpu.region"() ({
        %run_scoped3A = tpu.sem_alloc : memref<!tpu.dma_semaphore, #tpu.memory_space<semaphore_mem>>
        tpu.enqueue_dma source(%arg5 : memref<1008xf32, #tpu.memory_space<vmem>>) target(%arg3 : memref<1008xf32, #tpu.memory_space<hbm>>) target_semaphore(%run_scoped3A : memref<!tpu.dma_semaphore, #tpu.memory_space<semaphore_mem>>)
        tpu.wait_dma2 semaphore(%run_scoped3A : memref<!tpu.dma_semaphore, #tpu.memory_space<semaphore_mem>>) src(%arg5 : memref<1008xf32, #tpu.memory_space<vmem>>) dst(%arg3 : memref<1008xf32, #tpu.memory_space<hbm>>)
        tpu.yield
      }) : () -> ()
    } else {
    }
    return
  }
}

module attributes {stable_mosaic.version = 14 : i64} {
  func.func @_tc_body(%arg0: memref<128x128xf32, #tpu.memory_space<vmem>>, %arg1: memref<31x32xf32, #tpu.memory_space<vmem>>, %arg2: memref<1x16xf32, #tpu.memory_space<vmem>>, %arg3: memref<1x1xf32, #tpu.memory_space<vmem>>, %arg4: memref<1x1xf32, #tpu.memory_space<vmem>>, %arg5: memref<1x1xf32, #tpu.memory_space<vmem>>, %arg6: memref<128x128xf32, #tpu.memory_space<vmem>>) attributes {dimension_semantics = [], scalar_prefetch = 0 : i64, scratch_operands = 0 : i64, tpu.core_type = #tpu.core_type<tc>} {
    %get3A = arith.constant 0 : index
    %get3A_0 = arith.constant 0 : index
    %get3A_1 = vector.load %arg0[%get3A, %get3A_0] : memref<128x128xf32, #tpu.memory_space<vmem>>, vector<128x128xf32>
    %slice3A = vector.extract_strided_slice %get3A_1 {offsets = [113, 0], sizes = [15, 128], strides = [1, 1]} : vector<128x128xf32> to vector<15x128xf32>
    %slice3A_2 = vector.extract_strided_slice %get3A_1 {offsets = [0, 0], sizes = [15, 128], strides = [1, 1]} : vector<128x128xf32> to vector<15x128xf32>
    %concatenate3A = tpu.concatenate %slice3A, %get3A_1, %slice3A_2 in 0 : vector<15x128xf32>, vector<128x128xf32>, vector<15x128xf32> -> vector<158x128xf32>
    %slice3A_3 = vector.extract_strided_slice %concatenate3A {offsets = [0, 113], sizes = [158, 15], strides = [1, 1]} : vector<158x128xf32> to vector<158x15xf32>
    %slice3A_4 = vector.extract_strided_slice %concatenate3A {offsets = [0, 0], sizes = [158, 15], strides = [1, 1]} : vector<158x128xf32> to vector<158x15xf32>
    %concatenate3A_5 = tpu.concatenate %slice3A_3, %concatenate3A, %slice3A_4 in 1 : vector<158x15xf32>, vector<158x128xf32>, vector<158x15xf32> -> vector<158x158xf32>
    %slice3A_6 = vector.extract_strided_slice %concatenate3A_5 {offsets = [0, 0], sizes = [128, 158], strides = [1, 1]} : vector<158x158xf32> to vector<128x158xf32>
    %slice3A_7 = vector.extract_strided_slice %concatenate3A_5 {offsets = [1, 0], sizes = [128, 158], strides = [1, 1]} : vector<158x158xf32> to vector<128x158xf32>
    %slice3A_8 = vector.extract_strided_slice %concatenate3A_5 {offsets = [2, 0], sizes = [128, 158], strides = [1, 1]} : vector<158x158xf32> to vector<128x158xf32>
    %slice3A_9 = vector.extract_strided_slice %concatenate3A_5 {offsets = [3, 0], sizes = [128, 158], strides = [1, 1]} : vector<158x158xf32> to vector<128x158xf32>
    %slice3A_10 = vector.extract_strided_slice %concatenate3A_5 {offsets = [4, 0], sizes = [128, 158], strides = [1, 1]} : vector<158x158xf32> to vector<128x158xf32>
    %slice3A_11 = vector.extract_strided_slice %concatenate3A_5 {offsets = [5, 0], sizes = [128, 158], strides = [1, 1]} : vector<158x158xf32> to vector<128x158xf32>
    %slice3A_12 = vector.extract_strided_slice %concatenate3A_5 {offsets = [6, 0], sizes = [128, 158], strides = [1, 1]} : vector<158x158xf32> to vector<128x158xf32>
    %slice3A_13 = vector.extract_strided_slice %concatenate3A_5 {offsets = [7, 0], sizes = [128, 158], strides = [1, 1]} : vector<158x158xf32> to vector<128x158xf32>
    %slice3A_14 = vector.extract_strided_slice %concatenate3A_5 {offsets = [8, 0], sizes = [128, 158], strides = [1, 1]} : vector<158x158xf32> to vector<128x158xf32>
    %slice3A_15 = vector.extract_strided_slice %concatenate3A_5 {offsets = [9, 0], sizes = [128, 158], strides = [1, 1]} : vector<158x158xf32> to vector<128x158xf32>
    %slice3A_16 = vector.extract_strided_slice %concatenate3A_5 {offsets = [10, 0], sizes = [128, 158], strides = [1, 1]} : vector<158x158xf32> to vector<128x158xf32>
    %slice3A_17 = vector.extract_strided_slice %concatenate3A_5 {offsets = [11, 0], sizes = [128, 158], strides = [1, 1]} : vector<158x158xf32> to vector<128x158xf32>
    %slice3A_18 = vector.extract_strided_slice %concatenate3A_5 {offsets = [12, 0], sizes = [128, 158], strides = [1, 1]} : vector<158x158xf32> to vector<128x158xf32>
    %slice3A_19 = vector.extract_strided_slice %concatenate3A_5 {offsets = [13, 0], sizes = [128, 158], strides = [1, 1]} : vector<158x158xf32> to vector<128x158xf32>
    %slice3A_20 = vector.extract_strided_slice %concatenate3A_5 {offsets = [14, 0], sizes = [128, 158], strides = [1, 1]} : vector<158x158xf32> to vector<128x158xf32>
    %slice3A_21 = vector.extract_strided_slice %concatenate3A_5 {offsets = [15, 0], sizes = [128, 158], strides = [1, 1]} : vector<158x158xf32> to vector<128x158xf32>
    %slice3A_22 = vector.extract_strided_slice %concatenate3A_5 {offsets = [16, 0], sizes = [128, 158], strides = [1, 1]} : vector<158x158xf32> to vector<128x158xf32>
    %slice3A_23 = vector.extract_strided_slice %concatenate3A_5 {offsets = [17, 0], sizes = [128, 158], strides = [1, 1]} : vector<158x158xf32> to vector<128x158xf32>
    %slice3A_24 = vector.extract_strided_slice %concatenate3A_5 {offsets = [18, 0], sizes = [128, 158], strides = [1, 1]} : vector<158x158xf32> to vector<128x158xf32>
    %slice3A_25 = vector.extract_strided_slice %concatenate3A_5 {offsets = [19, 0], sizes = [128, 158], strides = [1, 1]} : vector<158x158xf32> to vector<128x158xf32>
    %slice3A_26 = vector.extract_strided_slice %concatenate3A_5 {offsets = [20, 0], sizes = [128, 158], strides = [1, 1]} : vector<158x158xf32> to vector<128x158xf32>
    %slice3A_27 = vector.extract_strided_slice %concatenate3A_5 {offsets = [21, 0], sizes = [128, 158], strides = [1, 1]} : vector<158x158xf32> to vector<128x158xf32>
    %slice3A_28 = vector.extract_strided_slice %concatenate3A_5 {offsets = [22, 0], sizes = [128, 158], strides = [1, 1]} : vector<158x158xf32> to vector<128x158xf32>
    %slice3A_29 = vector.extract_strided_slice %concatenate3A_5 {offsets = [23, 0], sizes = [128, 158], strides = [1, 1]} : vector<158x158xf32> to vector<128x158xf32>
    %slice3A_30 = vector.extract_strided_slice %concatenate3A_5 {offsets = [24, 0], sizes = [128, 158], strides = [1, 1]} : vector<158x158xf32> to vector<128x158xf32>
    %slice3A_31 = vector.extract_strided_slice %concatenate3A_5 {offsets = [25, 0], sizes = [128, 158], strides = [1, 1]} : vector<158x158xf32> to vector<128x158xf32>
    %slice3A_32 = vector.extract_strided_slice %concatenate3A_5 {offsets = [26, 0], sizes = [128, 158], strides = [1, 1]} : vector<158x158xf32> to vector<128x158xf32>
    %slice3A_33 = vector.extract_strided_slice %concatenate3A_5 {offsets = [27, 0], sizes = [128, 158], strides = [1, 1]} : vector<158x158xf32> to vector<128x158xf32>
    %slice3A_34 = vector.extract_strided_slice %concatenate3A_5 {offsets = [28, 0], sizes = [128, 158], strides = [1, 1]} : vector<158x158xf32> to vector<128x158xf32>
    %slice3A_35 = vector.extract_strided_slice %concatenate3A_5 {offsets = [29, 0], sizes = [128, 158], strides = [1, 1]} : vector<158x158xf32> to vector<128x158xf32>
    %slice3A_36 = vector.extract_strided_slice %concatenate3A_5 {offsets = [30, 0], sizes = [128, 158], strides = [1, 1]} : vector<158x158xf32> to vector<128x158xf32>
    %concatenate3A_37 = tpu.concatenate %slice3A_6, %slice3A_7, %slice3A_8, %slice3A_9, %slice3A_10, %slice3A_11, %slice3A_12, %slice3A_13, %slice3A_14, %slice3A_15, %slice3A_16, %slice3A_17, %slice3A_18, %slice3A_19, %slice3A_20, %slice3A_21, %slice3A_22, %slice3A_23, %slice3A_24, %slice3A_25, %slice3A_26, %slice3A_27, %slice3A_28, %slice3A_29, %slice3A_30, %slice3A_31, %slice3A_32, %slice3A_33, %slice3A_34, %slice3A_35, %slice3A_36 in 1 : vector<128x158xf32>, vector<128x158xf32>, vector<128x158xf32>, vector<128x158xf32>, vector<128x158xf32>, vector<128x158xf32>, vector<128x158xf32>, vector<128x158xf32>, vector<128x158xf32>, vector<128x158xf32>, vector<128x158xf32>, vector<128x158xf32>, vector<128x158xf32>, vector<128x158xf32>, vector<128x158xf32>, vector<128x158xf32>, vector<128x158xf32>, vector<128x158xf32>, vector<128x158xf32>, vector<128x158xf32>, vector<128x158xf32>, vector<128x158xf32>, vector<128x158xf32>, vector<128x158xf32>, vector<128x158xf32>, vector<128x158xf32>, vector<128x158xf32>, vector<128x158xf32>, vector<128x158xf32>, vector<128x158xf32>, vector<128x158xf32> -> vector<128x4898xf32>
    %iota3A = tpu.iota {dimensions = array<i32: 0>} : vector<31x20224xi32>
    %iota3A_38 = tpu.iota {dimensions = array<i32: 1>} : vector<31x20224xi32>
    %shift_right_arithmetic3A = arith.constant 7 : i32
    %shift_right_arithmetic3A_39 = vector.broadcast %shift_right_arithmetic3A : i32 to vector<31x20224xi32>
    %shift_right_arithmetic3A_40 = arith.shrsi %iota3A_38, %shift_right_arithmetic3A_39 : vector<31x20224xi32>
    %and3A = arith.constant 127 : i32
    %and3A_41 = vector.broadcast %and3A : i32 to vector<31x20224xi32>
    %and3A_42 = arith.andi %iota3A_38, %and3A_41 : vector<31x20224xi32>
    %sub3A = arith.subi %shift_right_arithmetic3A_40, %and3A_42 : vector<31x20224xi32>
    %eq3A = arith.cmpi eq, %sub3A, %iota3A : vector<31x20224xi32>
    %convert_element_type3A = arith.extui %eq3A : vector<31x20224xi1> to vector<31x20224xi32>
    %convert_element_type3A_43 = arith.sitofp %convert_element_type3A : vector<31x20224xi32> to vector<31x20224xf32>
    %broadcast_in_dim3A = arith.constant 0.000000e+00 : f32
    %broadcast_in_dim3A_44 = vector.broadcast %broadcast_in_dim3A : f32 to vector<128x128xf32>
    %get3A_45 = arith.constant 0 : index
    %get3A_46 = arith.constant 0 : index
    %get3A_47 = vector.load %arg1[%get3A_45, %get3A_46] : memref<31x32xf32, #tpu.memory_space<vmem>>, vector<31x31xf32>
    %get3A_48 = arith.constant 0 : index
    %get3A_49 = arith.constant 0 : index
    %get3A_50 = vector.load %arg2[%get3A_48, %get3A_49] : memref<1x16xf32, #tpu.memory_space<vmem>>, vector<1x1xf32>
    %get3A_51 = arith.constant 0 : index
    %get3A_52 = arith.constant 1 : index
    %get3A_53 = vector.load %arg2[%get3A_51, %get3A_52] : memref<1x16xf32, #tpu.memory_space<vmem>>, vector<1x1xf32>
    %dot_general3A = arith.constant dense<0.000000e+00> : vector<31x20224xf32>
    %dot_general3A_54 = tpu.matmul %get3A_47, %convert_element_type3A_43, %dot_general3A {dimension_numbers = #tpu.dot_dimension_numbers<[1], [0], [0], [1], [0, 0, 1, 1], [], []>, transpose_lhs_hint = false} : vector<31x31xf32>, vector<31x20224xf32>, vector<31x20224xf32> -> vector<31x20224xf32>
    %reshape3A = vector.shape_cast %dot_general3A_54 : vector<31x20224xf32> to vector<4898x128xf32>
    %dot_general3A_55 = arith.constant dense<0.000000e+00> : vector<128x128xf32>
    %dot_general3A_56 = tpu.matmul %concatenate3A_37, %reshape3A, %dot_general3A_55 {dimension_numbers = #tpu.dot_dimension_numbers<[1], [0], [0], [1], [0, 0, 1, 1], [], []>, transpose_lhs_hint = false} : vector<128x4898xf32>, vector<4898x128xf32>, vector<128x128xf32> -> vector<128x128xf32>
    %mul3A = vector.broadcast %get3A_50 : vector<1x1xf32> to vector<128x128xf32>
    %mul3A_57 = arith.mulf %mul3A, %get3A_1 : vector<128x128xf32>
    %add3A = arith.addf %dot_general3A_56, %mul3A_57 : vector<128x128xf32>
    %slice3A_58 = vector.extract_strided_slice %get3A_1 {offsets = [0, 0], sizes = [1, 1], strides = [1, 1]} : vector<128x128xf32> to vector<1x1xf32>
    %mul3A_59 = arith.mulf %get3A_53, %slice3A_58 : vector<1x1xf32>
    %add3A_60 = vector.broadcast %mul3A_59 : vector<1x1xf32> to vector<128x128xf32>
    %add3A_61 = arith.addf %add3A, %add3A_60 : vector<128x128xf32>
    %get3A_62 = arith.constant 0 : index
    %get3A_63 = arith.constant 0 : index
    %get3A_64 = vector.load %arg4[%get3A_62, %get3A_63] : memref<1x1xf32, #tpu.memory_space<vmem>>, vector<1x1xf32>
    %get3A_65 = arith.constant 0 : index
    %get3A_66 = arith.constant 0 : index
    %get3A_67 = vector.load %arg5[%get3A_65, %get3A_66] : memref<1x1xf32, #tpu.memory_space<vmem>>, vector<1x1xf32>
    %sub3A_68 = vector.broadcast %get3A_64 : vector<1x1xf32> to vector<128x128xf32>
    %sub3A_69 = arith.subf %add3A_61, %sub3A_68 : vector<128x128xf32>
    %integer_pow3A = arith.mulf %sub3A_69, %sub3A_69 : vector<128x128xf32>
    %neg3A = arith.constant 0.000000e+00 : f32
    %neg3A_70 = vector.broadcast %neg3A : f32 to vector<128x128xf32>
    %neg3A_71 = arith.subf %neg3A_70, %integer_pow3A : vector<128x128xf32>
    %mul3A_72 = arith.constant 2.000000e+00 : f32
    %mul3A_73 = vector.broadcast %mul3A_72 : f32 to vector<1x1xf32>
    %mul3A_74 = arith.mulf %mul3A_73, %get3A_67 : vector<1x1xf32>
    %mul3A_75 = arith.mulf %mul3A_74, %get3A_67 : vector<1x1xf32>
    %div3A = vector.broadcast %mul3A_75 : vector<1x1xf32> to vector<128x128xf32>
    %div3A_76 = arith.divf %neg3A_71, %div3A : vector<128x128xf32>
    %sub3A_77 = arith.constant 1.000000e-03 : f32
    %sub3A_78 = vector.broadcast %sub3A_77 : f32 to vector<128x128xf32>
    %sub3A_79 = arith.subf %div3A_76, %sub3A_78 : vector<128x128xf32>
    %exp3A = math.exp %sub3A_79 : vector<128x128xf32>
    %mul3A_80 = arith.constant 2.000000e+00 : f32
    %mul3A_81 = vector.broadcast %mul3A_80 : f32 to vector<128x128xf32>
    %mul3A_82 = arith.mulf %exp3A, %mul3A_81 : vector<128x128xf32>
    %sub3A_83 = arith.constant 1.000000e+00 : f32
    %sub3A_84 = vector.broadcast %sub3A_83 : f32 to vector<128x128xf32>
    %sub3A_85 = arith.subf %mul3A_82, %sub3A_84 : vector<128x128xf32>
    %get3A_86 = arith.constant 0 : index
    %get3A_87 = arith.constant 0 : index
    %get3A_88 = vector.load %arg3[%get3A_86, %get3A_87] : memref<1x1xf32, #tpu.memory_space<vmem>>, vector<1x1xf32>
    %mul3A_89 = vector.broadcast %get3A_88 : vector<1x1xf32> to vector<128x128xf32>
    %mul3A_90 = arith.mulf %mul3A_89, %sub3A_85 : vector<128x128xf32>
    %add3A_91 = arith.addf %broadcast_in_dim3A_44, %mul3A_90 : vector<128x128xf32>
    %mul3A_92 = arith.constant 1.000000e-01 : f32
    %mul3A_93 = vector.broadcast %mul3A_92 : f32 to vector<128x128xf32>
    %mul3A_94 = arith.mulf %add3A_91, %mul3A_93 : vector<128x128xf32>
    %add3A_95 = arith.addf %get3A_1, %mul3A_94 : vector<128x128xf32>
    %jit3A = arith.constant 0.000000e+00 : f32
    %jit3A_96 = arith.constant 1.000000e+00 : f32
    %max3A = vector.broadcast %jit3A : f32 to vector<128x128xf32>
    %max3A_97 = arith.maximumf %max3A, %add3A_95 : vector<128x128xf32>
    %min3A = vector.broadcast %jit3A_96 : f32 to vector<128x128xf32>
    %min3A_98 = arith.minimumf %min3A, %max3A_97 : vector<128x128xf32>
    %swap3A = arith.constant 0 : index
    %swap3A_99 = arith.constant 0 : index
    %swap3A_100 = vector.load %arg6[%swap3A, %swap3A_99] : memref<128x128xf32, #tpu.memory_space<vmem>>, vector<128x128xf32>
    tpu.vector_store %arg6[%swap3A, %swap3A_99], %min3A_98 {strides = array<i32>} : memref<128x128xf32, #tpu.memory_space<vmem>>, vector<128x128xf32>,
    return
  }
}

</mosaic_0001>

<sc_bundles>
// kernel: _run.4.cloned.1.call-start
scs
__scs_entry_jumppad:
0x0: {  	(pc) =	sbr.rel $0x88, $3  }
0x1: {  	(tag) =	ssettag $0x0;
	lr =	simm.s32 $0x1  }
0x2: {  	[smem:$0x3F9C] =	sst lr;
	_ =	strace $0xD0000000  }
0x3: {  	_ = 	snop  }
0x4: {  	_ = 	snop  }
0x5: {  	_ = 	snop  }
0x6: {  	_ = 	snop  }
0x7: {  	_ = 	snop  }
__scs_overlays_trampoline_lowered:
0x8: {  	[smem:$0x3FAB] =	sst s0  }
0x9: {  	[smem:$0x3FAC] =	sst s1  }
0xa: {  	[smem:$0x3FAD] =	sst s2  }
0xb: {  	[smem:$0x3FAE] =	sst s3  }
0xc: {  	[smem:$0x3FAF] =	sst s4  }
0xd: {  	[smem:$0x3FB0] =	sst s5  }
0xe: {  	[smem:$0x3FB1] =	sst s6  }
0xf: {  	[smem:$0x3FB2] =	sst s7  }
0x10: {  	[smem:$0x3FB3] =	sst s8  }
0x11: {  	[smem:$0x3FB4] =	sst s9;
	s0 =	simm.s32 @!p0 $0x0  }
0x12: {  	s1 =	sld [smem:$0x3F9A];
	s0 =	simm.s32 @p0 $0x1  }
0x13: {  	[smem:$0x3FB5] =	sst s0;
	s0 =	simm.s32 @!p1 $0x0  }
0x14: {  	s2 =	sld [smem:$0x3F99];
	s0 =	simm.s32 @p1 $0x1  }
0x15: {  	[smem:$0x3FB6] =	sst s0;
	s0 =	simm.s32 @!p2 $0x0  }
0x16: {  	s3 =	sld [smem:$0x3FDB];
	s0 =	simm.s32 @p2 $0x1  }
0x17: {  	s4 =	simm.s32 $0x1BF5;
	[smem:$0x3FB8] =	sst s0  }
0x18: {  	s0 =	sld [smem:$0x3F9B];
	_ =	swait.ge [sflag:s4], $0x0  }
0x19: {  	s7 =	sld [smem:$0x3F9C]  }
0x1a: {  	s8 =	sadd.s32 $0xFFFFE003, lr  }
0x1b: {  	s9 =	sadd.s32 $0xFFFFFEF7, lr;
	s5 =	simm.s32 $0xFFFFFFFF;
	p2 =	slt.u32 s8, $0xFFFFF086  }
0x1c: {  	p1 =	slt.u32 s9, $0xF7A;
	s5 =	simm.s32 @!p2 $0x0  }
0x1d: {  	s5 =	simm.s32 @p1 $0x1;
	p0 =	seq.s32 s7, s2  }
0x1e: {  	s7 =	smul.u32 @!p0 $0xF7A, s2;
	p2 =	seq.s32 @!p0 s5, $0x0  }
0x1f: {  	s9 =	smul.u32 $0xF7A, s1;
	s8 =	simm.s32 @!p0 $0x1BF5;
	p2 =	por !p2, p0  }
0x20: {  	[sflag:s8] =	ssyncset.s32 @!p0 $0xFFFFF086;
	s6 =	sadd.s32 @!p0 s3, s7;
	s7 =	simm.s32 @!p0 $0x108  }
0x21: {  	s3 =	sadd.s32 s3, s9;
	s6 =	sadd.s32 @!p0 $0x88, s6;
	s7 =	simm.s32 @p2 $0x1082  }
0x22: {  	[simem:s7], [sflag:s8] =	dma.local @!p0 [hbm:s6], $0xF7A  }
0x23: {  	s9 =	sor.u32 $0xD0000000, s2;
	s6 =	simm.s32 $0x108;
	_ =	swait.ge @!p0 [sflag:s8], $0x0  }
0x24: {  	s3 =	sadd.s32 $0x88, s3;
	s6 =	simm.s32 @!p1 $0x1082;
	[sflag:s4] =	ssyncset.s32 $0xFFFFF086  }
0x25: {  	[simem:s6], [sflag:s4] =	dma.local [hbm:s3], $0xF7A  }
0x26: {  	[smem:$0x3F9C] =	sst s1;
	(tag) =	ssettag s2;
	_ =	strace s9  }
0x27: {  	s1 =	sld [smem:$0x3FAC]  }
0x28: {  	s2 =	sld [smem:$0x3FAD]  }
0x29: {  	s4 =	sld [smem:$0x3FAF]  }
0x2a: {  	p0 =	seq.s32 s5, $0x0;
	s5 =	sld [smem:$0x3FB0]  }
0x2b: {  	s6 =	sld [smem:$0x3FB1]  }
0x2c: {  	s7 =	sld [smem:$0x3FB2]  }
0x2d: {  	s3 =	simm.s32 $0x108;
	s8 =	sld [smem:$0x3FB3]  }
0x2e: {  	s3 =	simm.s32 @!p0 $0x1082;
	s9 =	sld [smem:$0x3FB4]  }
0x2f: {  	lr =	sadd.s32 s0, s3;
	s0 =	sld [smem:$0x3FAB]  }
0x30: {  	s3 =	sld [smem:$0x3FAE]  }
0x31: {  	[smem:$0x3FB7] =	sst s10  }
0x32: {  	s10 =	sld [smem:$0x3FB5];
	_ =	sdelay $0x3  }
0x33: {  	p0 =	seq.s32 s10, $0x1;
	s10 =	sld [smem:$0x3FB7];
	_ =	sdelay $0x3  }
0x34: {  	[smem:$0x3FB7] =	sst s10  }
0x35: {  	s10 =	sld [smem:$0x3FB6];
	_ =	sdelay $0x3  }
0x36: {  	p1 =	seq.s32 s10, $0x1;
	s10 =	sld [smem:$0x3FB7];
	_ =	sdelay $0x3  }
0x37: {  	[smem:$0x3FB7] =	sst s10  }
0x38: {  	s10 =	sld [smem:$0x3FB8]  }
0x39: {  	_ = 	snop;
	(pc) =	sbr.ind lr, $3  }
0x3a: {  	_ = 	snop  }
0x3b: {  	_ = 	snop  }
0x3c: {  	p2 =	seq.s32 s10, $0x1;
	s10 =	sld [smem:$0x3FB7]  }
0x3d: {  	_ =	shalt  }
0x3e: {  	_ =	shalt  }
0x3f: {  	_ =	shalt  }
0x40: {  	_ =	shalt  }
0x41: {  	_ =	shalt  }
0x42: {  	_ =	shalt  }
0x43: {  	_ =	shalt  }
0x44: {  	_ =	shalt  }
0x45: {  	_ =	shalt  }
0x46: {  	_ =	shalt  }
0x47: {  	_ =	shalt  }
0x48: {  	_ =	shalt  }
0x49: {  	_ =	shalt  }
0x4a: {  	_ =	shalt  }
0x4b: {  	_ =	shalt  }
0x4c: {  	_ =	shalt  }
0x4d: {  	_ =	shalt  }
0x4e: {  	_ =	shalt  }
0x4f: {  	_ =	shalt  }
0x50: {  	_ =	shalt  }
0x51: {  	_ =	shalt  }
0x52: {  	_ =	shalt  }
0x53: {  	_ =	shalt  }
0x54: {  	_ =	shalt  }
0x55: {  	_ =	shalt  }
0x56: {  	_ =	shalt  }
0x57: {  	_ =	shalt  }
0x58: {  	_ =	shalt  }
0x59: {  	_ =	shalt  }
0x5a: {  	_ =	shalt  }
0x5b: {  	_ =	shalt  }
0x5c: {  	_ =	shalt  }
0x5d: {  	_ =	shalt  }
0x5e: {  	_ =	shalt  }
0x5f: {  	_ =	shalt  }
0x60: {  	_ =	shalt  }
0x61: {  	_ =	shalt  }
0x62: {  	_ =	shalt  }
0x63: {  	_ =	shalt  }
0x64: {  	_ =	shalt  }
0x65: {  	_ =	shalt  }
0x66: {  	_ =	shalt  }
0x67: {  	_ =	shalt  }
0x68: {  	_ =	shalt  }
0x69: {  	_ =	shalt  }
0x6a: {  	_ =	shalt  }
0x6b: {  	_ =	shalt  }
0x6c: {  	_ =	shalt  }
0x6d: {  	_ =	shalt  }
0x6e: {  	_ =	shalt  }
0x6f: {  	_ =	shalt  }
0x70: {  	_ =	shalt  }
0x71: {  	_ =	shalt  }
0x72: {  	_ =	shalt  }
0x73: {  	_ =	shalt  }
0x74: {  	_ =	shalt  }
0x75: {  	_ =	shalt  }
0x76: {  	_ =	shalt  }
0x77: {  	_ =	shalt  }
0x78: {  	_ =	shalt  }
0x79: {  	_ =	shalt  }
0x7a: {  	_ =	shalt  }
0x7b: {  	_ =	shalt  }
0x7c: {  	_ =	shalt  }
0x7d: {  	_ =	shalt  }
0x7e: {  	_ =	shalt  }
0x7f: {  	_ =	shalt  }
0x80: {  	_ =	shalt  }
0x81: {  	_ =	shalt  }
0x82: {  	_ =	shalt  }
0x83: {  	_ =	shalt  }
0x84: {  	_ =	shalt  }
0x85: {  	_ =	shalt  }
0x86: {  	_ =	shalt  }
0x87: {  	_ =	shalt  }
.Lfunc_end0:
.L_simem_size_0:
called_computation_lowered:
.L_overlay_start_0:
0x88: {  	s0 =	sld [smem:$0x3FD9]  }
0x89: {  	s1 =	sld [smem:$0x3FFE];
	_ =	sdelay $0x3  }
0x8a: {  	s0 =	sadd.s32 s1, s0  }
0x8b: {  	[smem:$0x3FC3] =	sst s0  }
0x8c: {  	_ = 	snop  }
0x8d: {  	s0 =	sld [smem:$0x3FC8]  }
0x8e: {  	s17 =	sld [smem:$0x3FD0];
	(tm) =	ssettm $0x1  }
0x8f: {  	s2 =	sld [smem:$0x3FFB];
	_ =	sdelay $0x3  }
0x90: {  	_ =	strace s2  }
0x91: {  	s2 =	sld [smem:$0x3FFC];
	_ =	sdelay $0x3  }
0x92: {  	_ =	strace s2  }
0x93: {  	s2 =	sld [smem:$0x3FFD];
	_ =	sdelay $0x3  }
0x94: {  	_ =	strace s2  }
0x95: {  	_ =	strace $0x8FFFFFFF  }
0x96: {  	s18 =	sld [smem:$0x3FDB];
	_ =	sdelay $0x1  }
0x97: {  	s3 =	simm.s32 $_scs_section_size  }
0x98: {  	s4 =	simm.s32 $_size__tile_overlayer_lowered;
	s5 =	simm.s32 $_tile_overlayer_lowered  }
0x99: {  	s21 =	simm.s32 $0x1BFF;
	s20 =	sshll.u32 s5, $0x1;
	s2 =	sadd.s32 s3, s18  }
0x9a: {  	s6 =	simm.s32 $0x0;
	s19 =	sshll.u32 s4, $0x1;
	s4 =	sadd.s32 s20, s2  }
0x9b: {  	[timem:s6], [sflag:s21] =	dma.local [hbm:s4], s19  }
0x9c: {  	_ =	swait.ge [sflag:s21], s19  }
0x9d: {  	s3 =	ssub.s32 $0x0, s19;
	[sflag:s21] =	ssyncset.done $0x0  }
0x9e: {  	[sflag:s21] =	ssyncadd.s32 s3;
	_ =	sdelay $0x1  }
0x9f: {  	s22 =	simm.s32 $0x1B8B  }
0xa0: {  	_ =	swait.ge [sflag:s22], $0x1  }
0xa1: {  	[sflag:s22] =	ssyncset.done $0x0  }
0xa2: {  	s23 =	simm.s32 $0x1B8E;
	[sflag:s22] =	ssyncadd.s32 $0xFFFFFFFF  }
0xa3: {  	s24 =	simm.s32 $execute0_lowered;
	[smem:$0x3FD2] =	sst s23  }
0xa4: {  	s3 =	sshll.u32 s24, $0x1;
	_ =	strace $0x80000046;
	[dreg:$0x1] =	wrdreg $0xFFFFFFFF  }
0xa5: {  	s25 =	simm.s32 $_size_execute0_lowered;
	s2 =	sadd.s32 s2, s3;
	[dreg:$0x0] =	wrdreg $0x0  }
0xa6: {  	s3 =	sshll.u32 s25, $0x1;
	[dreg:$0x2] =	wrdreg s2  }
0xa7: {  	[dreg:$0x3] =	wrdreg s3  }
0xa8: {  	[dreg:$0x4] =	wrdreg $0xC0  }
0xa9: {  	_ =	task [dreg:s6], $0x5FFFF  }
0xaa: {  	[dreg:$0x1] =	wrdreg $0xFFFFFFFF  }
0xab: {  	[dreg:$0x0] =	wrdreg $0x60  }
0xac: {  	[dreg:$0x2] =	wrdreg s0  }
0xad: {  	[dreg:$0x3] =	wrdreg s17  }
0xae: {  	[dreg:$0x4] =	wrdreg $0x9  }
0xaf: {  	_ =	task.clear_ibuf [dreg:s6], $0x5FFFF;
	_ =	strace $0x90000046  }
0xb0: {  	s26 =	simm.s32 $0x9;
	_ =	strace $0x80000048  }
0xb1: {  	_ =	swait.ge [sflag:s26], $0x1  }
0xb2: {  	[sflag:s26] =	ssyncadd.s32 $0xFFFFFFFF  }
0xb3: {  	_ =	strace $0x90000048  }
0xb4: {  	_ =	sfence  }
0xb5: {  	s28 =	sld [smem:$0x0];
	_ =	sdelay $0x1  }
0xb6: {  	s29 =	srdreg.scid  }
0xb7: {  	s30 =	sshll.u32 s29, $0xD;
	s31 =	sshrl.u32 s29, $0x2  }
0xb8: {  	s1 =	sand.u32 $0x1, s29;
	s2 =	sand.u32 $0x4000, s30;
	s0 =	sadd.s32 s31, s28  }
0xb9: {  	s1 =	sor.u32 s2, s1;
	s0 =	sshll.u32 s0, $0x11  }
0xba: {  	s0 =	sor.u32 s0, s1  }
0xbb: {  	s0 =	sadd.s32 $0x8F2B, s0  }
0xbc: {  	[sflag:s0] =	ssyncadd.remote.s32 $0x1  }
0xbd: {  	_ =	sfence.sel $0xFFFF  }
0xbe: {  	[dreg:$0x0] =	wrdreg $0xFFFFFFFF;
	(pc) =	sbr.abs _section_cstart, $3  }
0xbf: {  	[dreg:$0x1] =	wrdreg $0xFFFFFFFF  }
0xc0: {  	_ =	task.clear_ibuf [dreg:s6], $0x2FFFF;
	_ =	strace $0x9FFFFFFF  }
0xc1: {  	(tm) =	ssettm $0x7FFFFFFF  }
tec
execute0_lowered:
.L_overlay_start_1:
0x0: {  	(tag) =	ssettag $0x1  }
0x1: {  	s2 =	stileid.u32  }
0x2: {  	p0 =	sne.s32 s2, $0x0  }
.Ltmp0:
0x3: {  	_ = 	snop;
	(pc) =	sbr.rel @p0 .LBB2_2-.Ltmp0, $4  }
0x4: {  	_ = 	snop  }
0x5: {  	s3 =	rddreg [dreg:$0x0]  }
0x6: {  	s1 =	rddreg [dreg:$0x1]  }
0x7: {  	s0 =	rddreg [dreg:$0x2];
	_ =	strace $0x80000047  }
0x8: {  	v0 =	vimm.f32 $2.000000000e+00  }
0x9: {  	(erf) = vrcp.f32 v0;
	_ =	sdelay $0x7  }
0xa: {  	s2 =	simm.s32 $0x0;
	s13 =	simm.s32 $0x1  }
0xb: {  	[tilespmem:s2], [sflag:$0x1] =	stream.linear.gather [hbm4b:s3+s2], $0x480, $0x38;
	v16 =	vpop (erf);
	[tilespmem:$0x880] =	vst v63  }
0xc: {  	_ =	swait.ge [sflag:s13], $0x480  }
0xd: {  	[sflag:s13] =	ssyncset.done $0x0  }
0xe: {  	[sflag:s13] =	ssyncadd.s32 $0xFFFFFB80  }
0xf: {  	v28 =	vld [tilespmem:$0x3E0];
	_ =	sdelay $0x4  }
0x10: {  	v2 =	vadd.f32 $-1.000000000e+00, v28;
	_ =	sdelay $0x1  }
0x11: {  	v2 =	vmul.f32 $1.000000000e+01, v2;
	_ =	sdelay $0x1  }
0x12: {  	v2 =	vmul.f32 $1.442695020e+00, v2;
	_ =	sdelay $0x1  }
0x13: {  	(erf) = vpow2.f32 v2;
	_ =	sdelay $0x7  }
0x14: {  	v29 =	vld.msk [tilespmem:$0x3F0 ss:$0x0], $0xffff  }
0x15: {  	v3 =	vpop (erf)  }
0x16: {  	v1 =	vld [tilespmem:$0x400];
	v3 =	vadd.f32 $1.000000000e+00, v3;
	_ =	sdelay $0x1  }
0x17: {  	(erf) = vrcp.f32 v3  }
0x18: {  	(erf) = vrcp.f32 v29;
	_ =	sdelay $0x1  }
0x19: {  	v30 =	vbroadcast v1, $0x2;
	_ =	sdelay $0x1  }
0x1a: {  	(erf) = vrcp.f32 v30;
	_ =	sdelay $0x3  }
0x1b: {  	v31 =	vpop (erf)  }
0x1c: {  	v12 =	vpop (erf)  }
0x1d: {  	v14 =	vbroadcast v1, $0x0;
	v0 =	vmul.f32 v12, v28;
	_ =	sdelay $0x1  }
0x1e: {  	v0 =	vsub.f32 v0, v14  }
0x1f: {  	v15 =	vpop (erf)  }
0x20: {  	v32 =	vld [tilespmem:$0x0];
	v0 =	vmul.f32 v0, v15;
	_ =	sdelay $0x1  }
0x21: {  	v0 =	vmul.f32 v0, v0;
	_ =	sdelay $0x1  }
0x22: {  	v0 =	vsub.f32 $0.0e+00, v0  }
0x23: {  	v6 =	vadd.f32 $-1.000000000e+00, v32  }
0x24: {  	v0 =	vmul.f32 v0, v16  }
0x25: {  	v6 =	vmul.f32 $1.000000000e+01, v6  }
0x26: {  	v0 =	vmul.f32 $1.442695020e+00, v0  }
0x27: {  	v6 =	vmul.f32 $1.442695020e+00, v6  }
0x28: {  	v33 =	vmul.f32 v12, v32;
	(erf) = vpow2.f32 v0  }
0x29: {  	(erf) = vpow2.f32 v6  }
0x2a: {  	v0 =	vsub.f32 v33, v14;
	_ =	sdelay $0x1  }
0x2b: {  	v34 =	vld [tilespmem:$0x10];
	v0 =	vmul.f32 v0, v15;
	_ =	sdelay $0x1  }
0x2c: {  	v0 =	vmul.f32 v0, v0;
	_ =	sdelay $0x1  }
0x2d: {  	v0 =	vsub.f32 $0.0e+00, v0  }
0x2e: {  	v36 =	vadd.f32 $-1.000000000e+00, v34;
	v35 =	vpop (erf)  }
0x2f: {  	v0 =	vmul.f32 v0, v16;
	v7 =	vpop (erf)  }
0x30: {  	v6 =	vmul.f32 $1.000000000e+01, v36;
	v7 =	vadd.f32 $1.000000000e+00, v7  }
0x31: {  	v0 =	vmul.f32 $1.442695020e+00, v0  }
0x32: {  	v6 =	vmul.f32 $1.442695020e+00, v6;
	(erf) = vrcp.f32 v7  }
0x33: {  	v37 =	vmul.f32 v34, v12;
	(erf) = vpow2.f32 v0  }
0x34: {  	(erf) = vpow2.f32 v6  }
0x35: {  	v0 =	vsub.f32 v37, v14;
	_ =	sdelay $0x1  }
0x36: {  	v38 =	vld [tilespmem:$0x20];
	v0 =	vmul.f32 v0, v15;
	_ =	sdelay $0x1  }
0x37: {  	v0 =	vmul.f32 v0, v0;
	_ =	sdelay $0x1  }
0x38: {  	v0 =	vsub.f32 $0.0e+00, v0;
	v3 =	vpop (erf)  }
0x39: {  	v39 =	vadd.f32 $-1.000000000e+00, v38;
	v4 =	vpop (erf)  }
0x3a: {  	v0 =	vmul.f32 v0, v16;
	v40 =	vpop (erf)  }
0x3b: {  	v6 =	vmul.f32 $1.000000000e+01, v39;
	v7 =	vadd.f32 $1.000000000e+00, v40  }
0x3c: {  	v0 =	vmul.f32 $1.442695020e+00, v0  }
0x3d: {  	v6 =	vmul.f32 $1.442695020e+00, v6;
	(erf) = vrcp.f32 v7  }
0x3e: {  	v41 =	vmul.f32 v38, v12;
	(erf) = vpow2.f32 v0  }
0x3f: {  	(erf) = vpow2.f32 v6  }
0x40: {  	v0 =	vsub.f32 v41, v14;
	_ =	sdelay $0x1  }
0x41: {  	v42 =	vld [tilespmem:$0x30];
	v0 =	vmul.f32 v0, v15;
	_ =	sdelay $0x1  }
0x42: {  	v0 =	vmul.f32 v0, v0;
	_ =	sdelay $0x1  }
0x43: {  	v0 =	vsub.f32 $0.0e+00, v0;
	v5 =	vpop (erf)  }
0x44: {  	v43 =	vadd.f32 $-1.000000000e+00, v42;
	v8 =	vpop (erf)  }
0x45: {  	v0 =	vmul.f32 v0, v16;
	v44 =	vpop (erf)  }
0x46: {  	v6 =	vmul.f32 $1.000000000e+01, v43;
	v7 =	vadd.f32 $1.000000000e+00, v44  }
0x47: {  	v0 =	vmul.f32 $1.442695020e+00, v0  }
0x48: {  	v6 =	vmul.f32 $1.442695020e+00, v6;
	(erf) = vrcp.f32 v7  }
0x49: {  	v45 =	vmul.f32 v42, v12;
	(erf) = vpow2.f32 v0  }
0x4a: {  	(erf) = vpow2.f32 v6  }
0x4b: {  	v0 =	vsub.f32 v45, v14;
	_ =	sdelay $0x1  }
0x4c: {  	v46 =	vld [tilespmem:$0x40];
	v0 =	vmul.f32 v0, v15;
	_ =	sdelay $0x1  }
0x4d: {  	v0 =	vmul.f32 v0, v0;
	_ =	sdelay $0x1  }
0x4e: {  	v0 =	vsub.f32 $0.0e+00, v0;
	v11 =	vpop (erf)  }
0x4f: {  	v47 =	vadd.f32 $-1.000000000e+00, v46;
	v13 =	vpop (erf)  }
0x50: {  	v0 =	vmul.f32 v0, v16;
	v48 =	vpop (erf)  }
0x51: {  	v6 =	vmul.f32 $1.000000000e+01, v47;
	v7 =	vadd.f32 $1.000000000e+00, v48  }
0x52: {  	v0 =	vmul.f32 $1.442695020e+00, v0  }
0x53: {  	v6 =	vmul.f32 $1.442695020e+00, v6;
	(erf) = vrcp.f32 v7  }
0x54: {  	v49 =	vmul.f32 v46, v12;
	(erf) = vpow2.f32 v0  }
0x55: {  	(erf) = vpow2.f32 v6  }
0x56: {  	v0 =	vsub.f32 v49, v14;
	_ =	sdelay $0x1  }
0x57: {  	v50 =	vld [tilespmem:$0x50];
	v0 =	vmul.f32 v0, v15;
	_ =	sdelay $0x1  }
0x58: {  	v0 =	vmul.f32 v0, v0;
	_ =	sdelay $0x1  }
0x59: {  	v0 =	vsub.f32 $0.0e+00, v0;
	v17 =	vpop (erf)  }
0x5a: {  	v51 =	vadd.f32 $-1.000000000e+00, v50;
	v19 =	vpop (erf)  }
0x5b: {  	v0 =	vmul.f32 v0, v16;
	v52 =	vpop (erf)  }
0x5c: {  	v6 =	vmul.f32 $1.000000000e+01, v51;
	v7 =	vadd.f32 $1.000000000e+00, v52  }
0x5d: {  	v0 =	vmul.f32 $1.442695020e+00, v0  }
0x5e: {  	v6 =	vmul.f32 $1.442695020e+00, v6;
	(erf) = vrcp.f32 v7  }
0x5f: {  	(erf) = vpow2.f32 v0  }
0x60: {  	(erf) = vpow2.f32 v6;
	_ =	sdelay $0x5  }
0x61: {  	v53 =	vmul.f32 v50, v12  }
0x62: {  	v18 =	vpop (erf)  }
0x63: {  	v0 =	vsub.f32 v53, v14;
	v21 =	vpop (erf)  }
0x64: {  	v54 =	vpop (erf)  }
0x65: {  	v55 =	vld [tilespmem:$0x60];
	v0 =	vmul.f32 v0, v15;
	v2 =	vadd.f32 $1.000000000e+00, v54;
	_ =	sdelay $0x1  }
0x66: {  	v0 =	vmul.f32 v0, v0;
	(erf) = vrcp.f32 v2;
	_ =	sdelay $0x1  }
0x67: {  	v0 =	vsub.f32 $0.0e+00, v0  }
0x68: {  	v56 =	vadd.f32 $-1.000000000e+00, v55  }
0x69: {  	v0 =	vmul.f32 v0, v16  }
0x6a: {  	v2 =	vmul.f32 $1.000000000e+01, v56  }
0x6b: {  	v0 =	vmul.f32 $1.442695020e+00, v0  }
0x6c: {  	v2 =	vmul.f32 $1.442695020e+00, v2  }
0x6d: {  	(erf) = vpow2.f32 v0;
	v0 =	vmul.f32 v55, v12  }
0x6e: {  	v20 =	vpop (erf);
	(erf) = vpow2.f32 v2  }
0x6f: {  	v0 =	vsub.f32 v0, v14;
	_ =	sdelay $0x1  }
0x70: {  	v57 =	vld [tilespmem:$0x70];
	v0 =	vmul.f32 v0, v15;
	_ =	sdelay $0x1  }
0x71: {  	v0 =	vmul.f32 v0, v0;
	_ =	sdelay $0x1  }
0x72: {  	v0 =	vsub.f32 $0.0e+00, v0  }
0x73: {  	v58 =	vadd.f32 $-1.000000000e+00, v57;
	v23 =	vpop (erf)  }
0x74: {  	v0 =	vmul.f32 v0, v16;
	v59 =	vpop (erf)  }
0x75: {  	v6 =	vmul.f32 $1.000000000e+01, v58;
	v7 =	vadd.f32 $1.000000000e+00, v59  }
0x76: {  	v0 =	vmul.f32 $1.442695020e+00, v0  }
0x77: {  	v6 =	vmul.f32 $1.442695020e+00, v6;
	(erf) = vrcp.f32 v7  }
0x78: {  	v60 =	vmul.f32 v57, v12;
	(erf) = vpow2.f32 v0  }
0x79: {  	(erf) = vpow2.f32 v6  }
0x7a: {  	v0 =	vsub.f32 v60, v14;
	_ =	sdelay $0x1  }
0x7b: {  	v61 =	vld [tilespmem:$0x80];
	v0 =	vmul.f32 v0, v15;
	_ =	sdelay $0x1  }
0x7c: {  	v0 =	vmul.f32 v0, v0;
	_ =	sdelay $0x1  }
0x7d: {  	v0 =	vsub.f32 $0.0e+00, v0;
	v22 =	vpop (erf)  }
0x7e: {  	v62 =	vadd.f32 $-1.000000000e+00, v61;
	v24 =	vpop (erf)  }
0x7f: {  	v0 =	vmul.f32 v0, v16;
	v63 =	vpop (erf)  }
0x80: {  	v6 =	vmul.f32 $1.000000000e+01, v62;
	v7 =	vadd.f32 $1.000000000e+00, v63  }
0x81: {  	v0 =	vmul.f32 $1.442695020e+00, v0  }
0x82: {  	v6 =	vmul.f32 $1.442695020e+00, v6;
	(erf) = vrcp.f32 v7  }
0x83: {  	v9 =	vmul.f32 v61, v12;
	(erf) = vpow2.f32 v0  }
0x84: {  	(erf) = vpow2.f32 v6  }
0x85: {  	v0 =	vsub.f32 v9, v14;
	_ =	sdelay $0x1  }
0x86: {  	v10 =	vld [tilespmem:$0x90];
	v0 =	vmul.f32 v0, v15;
	_ =	sdelay $0x1  }
0x87: {  	v0 =	vmul.f32 v0, v0;
	_ =	sdelay $0x1  }
0x88: {  	v0 =	vsub.f32 $0.0e+00, v0;
	v25 =	vpop (erf)  }
0x89: {  	v30 =	vadd.f32 $-1.000000000e+00, v10;
	v27 =	vpop (erf)  }
0x8a: {  	[tilespmem:$0x1FF40] =	vst v31;
	v0 =	vmul.f32 v0, v16;
	v31 =	vpop (erf)  }
0x8b: {  	v6 =	vmul.f32 $1.000000000e+01, v30;
	v7 =	vadd.f32 $1.000000000e+00, v31  }
0x8c: {  	v0 =	vmul.f32 $1.442695020e+00, v0  }
0x8d: {  	v6 =	vmul.f32 $1.442695020e+00, v6;
	(erf) = vrcp.f32 v7  }
0x8e: {  	v32 =	vmul.f32 v10, v12;
	(erf) = vpow2.f32 v0  }
0x8f: {  	(erf) = vpow2.f32 v6  }
0x90: {  	v0 =	vsub.f32 v32, v14;
	_ =	sdelay $0x1  }
0x91: {  	v33 =	vld [tilespmem:$0xA0];
	v0 =	vmul.f32 v0, v15;
	_ =	sdelay $0x1  }
0x92: {  	v0 =	vmul.f32 v0, v0;
	_ =	sdelay $0x1  }
0x93: {  	v0 =	vsub.f32 $0.0e+00, v0;
	v26 =	vpop (erf)  }
0x94: {  	v34 =	vadd.f32 $-1.000000000e+00, v33;
	v30 =	vpop (erf)  }
0x95: {  	[tilespmem:$0x1FF30] =	vst v35;
	v0 =	vmul.f32 v0, v16;
	v35 =	vpop (erf)  }
0x96: {  	v6 =	vmul.f32 $1.000000000e+01, v34;
	v7 =	vadd.f32 $1.000000000e+00, v35  }
0x97: {  	v0 =	vmul.f32 $1.442695020e+00, v0  }
0x98: {  	v6 =	vmul.f32 $1.442695020e+00, v6;
	(erf) = vrcp.f32 v7  }
0x99: {  	v36 =	vmul.f32 v33, v12;
	(erf) = vpow2.f32 v0  }
0x9a: {  	(erf) = vpow2.f32 v6  }
0x9b: {  	v0 =	vsub.f32 v36, v14;
	_ =	sdelay $0x1  }
0x9c: {  	v37 =	vld [tilespmem:$0xB0];
	v0 =	vmul.f32 v0, v15;
	_ =	sdelay $0x1  }
0x9d: {  	v0 =	vmul.f32 v0, v0;
	_ =	sdelay $0x1  }
0x9e: {  	v0 =	vsub.f32 $0.0e+00, v0;
	v28 =	vpop (erf)  }
0x9f: {  	v38 =	vadd.f32 $-1.000000000e+00, v37;
	v31 =	vpop (erf)  }
0xa0: {  	v0 =	vmul.f32 v0, v16;
	v39 =	vpop (erf)  }
0xa1: {  	v6 =	vmul.f32 $1.000000000e+01, v38;
	v7 =	vadd.f32 $1.000000000e+00, v39  }
0xa2: {  	v0 =	vmul.f32 $1.442695020e+00, v0  }
0xa3: {  	v6 =	vmul.f32 $1.442695020e+00, v6;
	(erf) = vrcp.f32 v7  }
0xa4: {  	v40 =	vmul.f32 v37, v12;
	(erf) = vpow2.f32 v0  }
0xa5: {  	(erf) = vpow2.f32 v6  }
0xa6: {  	v0 =	vsub.f32 v40, v14;
	_ =	sdelay $0x1  }
0xa7: {  	v41 =	vld [tilespmem:$0xC0];
	v0 =	vmul.f32 v0, v15;
	_ =	sdelay $0x1  }
0xa8: {  	v0 =	vmul.f32 v0, v0;
	_ =	sdelay $0x1  }
0xa9: {  	v0 =	vsub.f32 $0.0e+00, v0;
	v29 =	vpop (erf)  }
0xaa: {  	v42 =	vadd.f32 $-1.000000000e+00, v41;
	v32 =	vpop (erf)  }
0xab: {  	v0 =	vmul.f32 v0, v16;
	v43 =	vpop (erf)  }
0xac: {  	v6 =	vmul.f32 $1.000000000e+01, v42;
	v7 =	vadd.f32 $1.000000000e+00, v43  }
0xad: {  	v0 =	vmul.f32 $1.442695020e+00, v0  }
0xae: {  	v6 =	vmul.f32 $1.442695020e+00, v6;
	(erf) = vrcp.f32 v7  }
0xaf: {  	v44 =	vmul.f32 v41, v12;
	(erf) = vpow2.f32 v0  }
0xb0: {  	(erf) = vpow2.f32 v6  }
0xb1: {  	v0 =	vsub.f32 v44, v14;
	_ =	sdelay $0x1  }
0xb2: {  	v45 =	vld [tilespmem:$0xD0];
	v0 =	vmul.f32 v0, v15;
	_ =	sdelay $0x1  }
0xb3: {  	v0 =	vmul.f32 v0, v0;
	_ =	sdelay $0x1  }
0xb4: {  	v0 =	vsub.f32 $0.0e+00, v0;
	v33 =	vpop (erf)  }
0xb5: {  	v46 =	vadd.f32 $-1.000000000e+00, v45;
	v34 =	vpop (erf)  }
0xb6: {  	v0 =	vmul.f32 v0, v16;
	v47 =	vpop (erf)  }
0xb7: {  	v6 =	vmul.f32 $1.000000000e+01, v46;
	v7 =	vadd.f32 $1.000000000e+00, v47  }
0xb8: {  	v0 =	vmul.f32 $1.442695020e+00, v0  }
0xb9: {  	v6 =	vmul.f32 $1.442695020e+00, v6;
	(erf) = vrcp.f32 v7  }
0xba: {  	v48 =	vmul.f32 v45, v12;
	(erf) = vpow2.f32 v0  }
0xbb: {  	(erf) = vpow2.f32 v6  }
0xbc: {  	v0 =	vsub.f32 v48, v14;
	_ =	sdelay $0x1  }
0xbd: {  	v49 =	vld [tilespmem:$0xE0];
	v0 =	vmul.f32 v0, v15;
	_ =	sdelay $0x1  }
0xbe: {  	v0 =	vmul.f32 v0, v0;
	_ =	sdelay $0x1  }
0xbf: {  	v0 =	vsub.f32 $0.0e+00, v0;
	v35 =	vpop (erf)  }
0xc0: {  	v50 =	vadd.f32 $-1.000000000e+00, v49;
	v37 =	vpop (erf)  }
0xc1: {  	v0 =	vmul.f32 v0, v16;
	v51 =	vpop (erf)  }
0xc2: {  	v6 =	vmul.f32 $1.000000000e+01, v50;
	v7 =	vadd.f32 $1.000000000e+00, v51  }
0xc3: {  	v0 =	vmul.f32 $1.442695020e+00, v0  }
0xc4: {  	v6 =	vmul.f32 $1.442695020e+00, v6;
	(erf) = vrcp.f32 v7  }
0xc5: {  	v52 =	vmul.f32 v49, v12;
	(erf) = vpow2.f32 v0  }
0xc6: {  	(erf) = vpow2.f32 v6  }
0xc7: {  	v0 =	vsub.f32 v52, v14;
	_ =	sdelay $0x1  }
0xc8: {  	v53 =	vld [tilespmem:$0xF0];
	v0 =	vmul.f32 v0, v15;
	_ =	sdelay $0x1  }
0xc9: {  	v0 =	vmul.f32 v0, v0;
	_ =	sdelay $0x1  }
0xca: {  	v0 =	vsub.f32 $0.0e+00, v0;
	v36 =	vpop (erf)  }
0xcb: {  	v54 =	vadd.f32 $-1.000000000e+00, v53;
	v39 =	vpop (erf)  }
0xcc: {  	v0 =	vmul.f32 v0, v16;
	v55 =	vpop (erf)  }
0xcd: {  	v6 =	vmul.f32 $1.000000000e+01, v54;
	v7 =	vadd.f32 $1.000000000e+00, v55  }
0xce: {  	v0 =	vmul.f32 $1.442695020e+00, v0  }
0xcf: {  	v6 =	vmul.f32 $1.442695020e+00, v6;
	(erf) = vrcp.f32 v7  }
0xd0: {  	v56 =	vmul.f32 v53, v12;
	(erf) = vpow2.f32 v0  }
0xd1: {  	(erf) = vpow2.f32 v6  }
0xd2: {  	v0 =	vsub.f32 v56, v14;
	_ =	sdelay $0x1  }
0xd3: {  	v57 =	vld [tilespmem:$0x100];
	v0 =	vmul.f32 v0, v15;
	_ =	sdelay $0x1  }
0xd4: {  	v0 =	vmul.f32 v0, v0;
	_ =	sdelay $0x1  }
0xd5: {  	v0 =	vsub.f32 $0.0e+00, v0;
	v38 =	vpop (erf)  }
0xd6: {  	v58 =	vadd.f32 $-1.000000000e+00, v57;
	v40 =	vpop (erf)  }
0xd7: {  	v0 =	vmul.f32 v0, v16;
	v59 =	vpop (erf)  }
0xd8: {  	v6 =	vmul.f32 $1.000000000e+01, v58;
	v7 =	vadd.f32 $1.000000000e+00, v59  }
0xd9: {  	v0 =	vmul.f32 $1.442695020e+00, v0  }
0xda: {  	v6 =	vmul.f32 $1.442695020e+00, v6;
	(erf) = vrcp.f32 v7  }
0xdb: {  	v60 =	vmul.f32 v57, v12;
	(erf) = vpow2.f32 v0  }
0xdc: {  	(erf) = vpow2.f32 v6  }
0xdd: {  	v0 =	vsub.f32 v60, v14;
	_ =	sdelay $0x1  }
0xde: {  	v61 =	vld [tilespmem:$0x110];
	v0 =	vmul.f32 v0, v15;
	_ =	sdelay $0x1  }
0xdf: {  	v0 =	vmul.f32 v0, v0;
	_ =	sdelay $0x1  }
0xe0: {  	v0 =	vsub.f32 $0.0e+00, v0;
	v41 =	vpop (erf)  }
0xe1: {  	v62 =	vadd.f32 $-1.000000000e+00, v61;
	v42 =	vpop (erf)  }
0xe2: {  	v0 =	vmul.f32 v0, v16;
	v63 =	vpop (erf)  }
0xe3: {  	v6 =	vmul.f32 $1.000000000e+01, v62;
	v7 =	vadd.f32 $1.000000000e+00, v63  }
0xe4: {  	v0 =	vmul.f32 $1.442695020e+00, v0  }
0xe5: {  	v6 =	vmul.f32 $1.442695020e+00, v6;
	(erf) = vrcp.f32 v7  }
0xe6: {  	v9 =	vmul.f32 v61, v12;
	(erf) = vpow2.f32 v0  }
0xe7: {  	(erf) = vpow2.f32 v6  }
0xe8: {  	v0 =	vsub.f32 v9, v14;
	_ =	sdelay $0x1  }
0xe9: {  	v10 =	vld [tilespmem:$0x120];
	v0 =	vmul.f32 v0, v15;
	_ =	sdelay $0x1  }
0xea: {  	v0 =	vmul.f32 v0, v0;
	_ =	sdelay $0x1  }
0xeb: {  	v0 =	vsub.f32 $0.0e+00, v0;
	v43 =	vpop (erf)  }
0xec: {  	v44 =	vadd.f32 $-1.000000000e+00, v10;
	v46 =	vpop (erf)  }
0xed: {  	v0 =	vmul.f32 v0, v16;
	v45 =	vpop (erf)  }
0xee: {  	v6 =	vmul.f32 $1.000000000e+01, v44;
	v7 =	vadd.f32 $1.000000000e+00, v45  }
0xef: {  	v0 =	vmul.f32 $1.442695020e+00, v0  }
0xf0: {  	v6 =	vmul.f32 $1.442695020e+00, v6;
	(erf) = vrcp.f32 v7  }
0xf1: {  	v47 =	vmul.f32 v10, v12;
	(erf) = vpow2.f32 v0  }
0xf2: {  	(erf) = vpow2.f32 v6  }
0xf3: {  	v0 =	vsub.f32 v47, v14;
	_ =	sdelay $0x1  }
0xf4: {  	v48 =	vld [tilespmem:$0x130];
	v0 =	vmul.f32 v0, v15;
	_ =	sdelay $0x1  }
0xf5: {  	v0 =	vmul.f32 v0, v0;
	_ =	sdelay $0x1  }
0xf6: {  	v0 =	vsub.f32 $0.0e+00, v0;
	v44 =	vpop (erf)  }
0xf7: {  	v49 =	vadd.f32 $-1.000000000e+00, v48;
	v47 =	vpop (erf)  }
0xf8: {  	v0 =	vmul.f32 v0, v16;
	v50 =	vpop (erf)  }
0xf9: {  	v6 =	vmul.f32 $1.000000000e+01, v49;
	v7 =	vadd.f32 $1.000000000e+00, v50  }
0xfa: {  	v0 =	vmul.f32 $1.442695020e+00, v0  }
0xfb: {  	v6 =	vmul.f32 $1.442695020e+00, v6;
	(erf) = vrcp.f32 v7  }
0xfc: {  	v51 =	vmul.f32 v48, v12;
	(erf) = vpow2.f32 v0  }
0xfd: {  	(erf) = vpow2.f32 v6  }
0xfe: {  	v0 =	vsub.f32 v51, v14;
	_ =	sdelay $0x1  }
0xff: {  	v52 =	vld [tilespmem:$0x140];
	v0 =	vmul.f32 v0, v15;
	_ =	sdelay $0x1  }
0x100: {  	v0 =	vmul.f32 v0, v0;
	_ =	sdelay $0x1  }
0x101: {  	v0 =	vsub.f32 $0.0e+00, v0;
	v45 =	vpop (erf)  }
0x102: {  	v53 =	vadd.f32 $-1.000000000e+00, v52;
	v48 =	vpop (erf)  }
0x103: {  	v0 =	vmul.f32 v0, v16;
	v54 =	vpop (erf)  }
0x104: {  	v6 =	vmul.f32 $1.000000000e+01, v53;
	v7 =	vadd.f32 $1.000000000e+00, v54  }
0x105: {  	v0 =	vmul.f32 $1.442695020e+00, v0  }
0x106: {  	v6 =	vmul.f32 $1.442695020e+00, v6;
	(erf) = vrcp.f32 v7  }
0x107: {  	v55 =	vmul.f32 v52, v12;
	(erf) = vpow2.f32 v0  }
0x108: {  	(erf) = vpow2.f32 v6  }
0x109: {  	v0 =	vsub.f32 v55, v14;
	_ =	sdelay $0x1  }
0x10a: {  	v56 =	vld [tilespmem:$0x150];
	v0 =	vmul.f32 v0, v15;
	_ =	sdelay $0x1  }
0x10b: {  	v0 =	vmul.f32 v0, v0;
	_ =	sdelay $0x1  }
0x10c: {  	v0 =	vsub.f32 $0.0e+00, v0;
	v49 =	vpop (erf)  }
0x10d: {  	v57 =	vadd.f32 $-1.000000000e+00, v56;
	v50 =	vpop (erf)  }
0x10e: {  	v0 =	vmul.f32 v0, v16;
	v58 =	vpop (erf)  }
0x10f: {  	v6 =	vmul.f32 $1.000000000e+01, v57;
	v7 =	vadd.f32 $1.000000000e+00, v58  }
0x110: {  	v0 =	vmul.f32 $1.442695020e+00, v0  }
0x111: {  	v6 =	vmul.f32 $1.442695020e+00, v6;
	(erf) = vrcp.f32 v7  }
0x112: {  	v59 =	vmul.f32 v56, v12;
	(erf) = vpow2.f32 v0  }
0x113: {  	(erf) = vpow2.f32 v6  }
0x114: {  	v0 =	vsub.f32 v59, v14;
	_ =	sdelay $0x1  }
0x115: {  	v60 =	vld [tilespmem:$0x160];
	v0 =	vmul.f32 v0, v15;
	_ =	sdelay $0x1  }
0x116: {  	v0 =	vmul.f32 v0, v0;
	_ =	sdelay $0x1  }
0x117: {  	v0 =	vsub.f32 $0.0e+00, v0;
	v61 =	vpop (erf)  }
0x118: {  	v62 =	vadd.f32 $-1.000000000e+00, v60;
	v51 =	vpop (erf)  }
0x119: {  	v0 =	vmul.f32 v0, v16;
	v63 =	vpop (erf)  }
0x11a: {  	v6 =	vmul.f32 $1.000000000e+01, v62;
	v7 =	vadd.f32 $1.000000000e+00, v63  }
0x11b: {  	v0 =	vmul.f32 $1.442695020e+00, v0  }
0x11c: {  	v6 =	vmul.f32 $1.442695020e+00, v6;
	(erf) = vrcp.f32 v7  }
0x11d: {  	v7 =	vmul.f32 v60, v12;
	(erf) = vpow2.f32 v0  }
0x11e: {  	(erf) = vpow2.f32 v6  }
0x11f: {  	v0 =	vsub.f32 v7, v14;
	_ =	sdelay $0x1  }
0x120: {  	v9 =	vld [tilespmem:$0x170];
	v0 =	vmul.f32 v0, v15;
	_ =	sdelay $0x1  }
0x121: {  	v0 =	vmul.f32 v0, v0;
	_ =	sdelay $0x1  }
0x122: {  	v0 =	vsub.f32 $0.0e+00, v0;
	v10 =	vpop (erf)  }
0x123: {  	v53 =	vadd.f32 $-1.000000000e+00, v9;
	v52 =	vpop (erf)  }
0x124: {  	v0 =	vmul.f32 v0, v16;
	v54 =	vpop (erf)  }
0x125: {  	v6 =	vmul.f32 $1.000000000e+01, v53;
	v7 =	vadd.f32 $1.000000000e+00, v54  }
0x126: {  	v0 =	vmul.f32 $1.442695020e+00, v0  }
0x127: {  	v6 =	vmul.f32 $1.442695020e+00, v6;
	(erf) = vrcp.f32 v7  }
0x128: {  	v55 =	vmul.f32 v9, v12;
	(erf) = vpow2.f32 v0  }
0x129: {  	(erf) = vpow2.f32 v6  }
0x12a: {  	v0 =	vsub.f32 v55, v14;
	_ =	sdelay $0x1  }
0x12b: {  	v56 =	vld [tilespmem:$0x180];
	v0 =	vmul.f32 v0, v15;
	_ =	sdelay $0x1  }
0x12c: {  	v0 =	vmul.f32 v0, v0;
	_ =	sdelay $0x1  }
0x12d: {  	v0 =	vsub.f32 $0.0e+00, v0;
	v57 =	vpop (erf)  }
0x12e: {  	v59 =	vadd.f32 $-1.000000000e+00, v56;
	v58 =	vpop (erf)  }
0x12f: {  	v0 =	vmul.f32 v0, v16;
	v60 =	vpop (erf)  }
0x130: {  	v6 =	vmul.f32 $1.000000000e+01, v59;
	v7 =	vadd.f32 $1.000000000e+00, v60  }
0x131: {  	v0 =	vmul.f32 $1.442695020e+00, v0  }
0x132: {  	v6 =	vmul.f32 $1.442695020e+00, v6;
	(erf) = vrcp.f32 v7  }
0x133: {  	[tilespmem:$0x1FB40] =	vst v61;
	v61 =	vmul.f32 v56, v12;
	(erf) = vpow2.f32 v0  }
0x134: {  	(erf) = vpow2.f32 v6  }
0x135: {  	v0 =	vsub.f32 v61, v14;
	_ =	sdelay $0x1  }
0x136: {  	v62 =	vld [tilespmem:$0x190];
	v0 =	vmul.f32 v0, v15;
	_ =	sdelay $0x1  }
0x137: {  	v0 =	vmul.f32 v0, v0;
	_ =	sdelay $0x1  }
0x138: {  	v0 =	vsub.f32 $0.0e+00, v0;
	v63 =	vpop (erf)  }
0x139: {  	[tilespmem:$0x1FB70] =	vst v10;
	v10 =	vadd.f32 $-1.000000000e+00, v62;
	v9 =	vpop (erf)  }
0x13a: {  	[tilespmem:$0x1FB30] =	vst v52;
	v0 =	vmul.f32 v0, v16;
	v52 =	vpop (erf)  }
0x13b: {  	v6 =	vmul.f32 $1.000000000e+01, v10;
	v7 =	vadd.f32 $1.000000000e+00, v52  }
0x13c: {  	v0 =	vmul.f32 $1.442695020e+00, v0  }
0x13d: {  	v6 =	vmul.f32 $1.442695020e+00, v6;
	(erf) = vrcp.f32 v7  }
0x13e: {  	v53 =	vmul.f32 v62, v12;
	(erf) = vpow2.f32 v0  }
0x13f: {  	(erf) = vpow2.f32 v6  }
0x140: {  	v0 =	vsub.f32 v53, v14;
	_ =	sdelay $0x1  }
0x141: {  	v54 =	vld [tilespmem:$0x1A0];
	v0 =	vmul.f32 v0, v15;
	_ =	sdelay $0x1  }
0x142: {  	v0 =	vmul.f32 v0, v0;
	_ =	sdelay $0x1  }
0x143: {  	v0 =	vsub.f32 $0.0e+00, v0;
	v55 =	vpop (erf)  }
0x144: {  	[tilespmem:$0x1FB90] =	vst v57;
	v57 =	vadd.f32 $-1.000000000e+00, v54;
	v56 =	vpop (erf)  }
0x145: {  	[tilespmem:$0x1FB50] =	vst v58;
	v0 =	vmul.f32 v0, v16;
	v58 =	vpop (erf)  }
0x146: {  	v6 =	vmul.f32 $1.000000000e+01, v57;
	v7 =	vadd.f32 $1.000000000e+00, v58  }
0x147: {  	v0 =	vmul.f32 $1.442695020e+00, v0  }
0x148: {  	v6 =	vmul.f32 $1.442695020e+00, v6;
	(erf) = vrcp.f32 v7  }
0x149: {  	v59 =	vmul.f32 v54, v12;
	(erf) = vpow2.f32 v0  }
0x14a: {  	(erf) = vpow2.f32 v6  }
0x14b: {  	v0 =	vsub.f32 v59, v14;
	_ =	sdelay $0x1  }
0x14c: {  	v60 =	vld [tilespmem:$0x1B0];
	[tilespmem:$0x1FBB0] =	vst v63;
	v0 =	vmul.f32 v0, v15  }
0x14d: {  	[tilespmem:$0x1FB60] =	vst v9  }
0x14e: {  	[tilespmem:$0x1FBC0] =	vst v55;
	v0 =	vmul.f32 v0, v0  }
0x14f: {  	[tilespmem:$0x1FB80] =	vst v56  }
0x150: {  	v0 =	vsub.f32 $0.0e+00, v0;
	v6 =	vpop (erf)  }
0x151: {  	v62 =	vadd.f32 $-1.000000000e+00, v60;
	v61 =	vpop (erf)  }
0x152: {  	v0 =	vmul.f32 v0, v16;
	v63 =	vpop (erf)  }
0x153: {  	[tilespmem:$0x1FBD0] =	vst v6;
	v6 =	vmul.f32 $1.000000000e+01, v62;
	v7 =	vadd.f32 $1.000000000e+00, v63  }
0x154: {  	v0 =	vmul.f32 $1.442695020e+00, v0  }
0x155: {  	v6 =	vmul.f32 $1.442695020e+00, v6;
	(erf) = vrcp.f32 v7  }
0x156: {  	v9 =	vmul.f32 v60, v12;
	(erf) = vpow2.f32 v0  }
0x157: {  	(erf) = vpow2.f32 v6  }
0x158: {  	v0 =	vsub.f32 v9, v14;
	_ =	sdelay $0x1  }
0x159: {  	v10 =	vld [tilespmem:$0x1C0];
	v0 =	vmul.f32 v0, v15;
	_ =	sdelay $0x1  }
0x15a: {  	v0 =	vmul.f32 v0, v0;
	_ =	sdelay $0x1  }
0x15b: {  	v0 =	vsub.f32 $0.0e+00, v0;
	v52 =	vpop (erf)  }
0x15c: {  	v54 =	vadd.f32 $-1.000000000e+00, v10;
	v53 =	vpop (erf)  }
0x15d: {  	v0 =	vmul.f32 v0, v16;
	v55 =	vpop (erf)  }
0x15e: {  	v6 =	vmul.f32 $1.000000000e+01, v54;
	v7 =	vadd.f32 $1.000000000e+00, v55  }
0x15f: {  	v0 =	vmul.f32 $1.442695020e+00, v0  }
0x160: {  	v6 =	vmul.f32 $1.442695020e+00, v6;
	(erf) = vrcp.f32 v7  }
0x161: {  	v56 =	vmul.f32 v10, v12;
	(erf) = vpow2.f32 v0  }
0x162: {  	(erf) = vpow2.f32 v6  }
0x163: {  	v0 =	vsub.f32 v56, v14;
	_ =	sdelay $0x1  }
0x164: {  	v57 =	vld [tilespmem:$0x1D0];
	v0 =	vmul.f32 v0, v15;
	_ =	sdelay $0x1  }
0x165: {  	v0 =	vmul.f32 v0, v0;
	_ =	sdelay $0x1  }
0x166: {  	v0 =	vsub.f32 $0.0e+00, v0;
	v58 =	vpop (erf)  }
0x167: {  	v60 =	vadd.f32 $-1.000000000e+00, v57;
	v59 =	vpop (erf)  }
0x168: {  	[tilespmem:$0x1FBA0] =	vst v61;
	v0 =	vmul.f32 v0, v16;
	v61 =	vpop (erf)  }
0x169: {  	v6 =	vmul.f32 $1.000000000e+01, v60;
	v7 =	vadd.f32 $1.000000000e+00, v61  }
0x16a: {  	v0 =	vmul.f32 $1.442695020e+00, v0  }
0x16b: {  	v6 =	vmul.f32 $1.442695020e+00, v6;
	(erf) = vrcp.f32 v7  }
0x16c: {  	v62 =	vmul.f32 v57, v12;
	(erf) = vpow2.f32 v0  }
0x16d: {  	(erf) = vpow2.f32 v6  }
0x16e: {  	v0 =	vsub.f32 v62, v14;
	_ =	sdelay $0x1  }
0x16f: {  	v63 =	vld [tilespmem:$0x1E0];
	v0 =	vmul.f32 v0, v15;
	_ =	sdelay $0x1  }
0x170: {  	v0 =	vmul.f32 v0, v0;
	_ =	sdelay $0x1  }
0x171: {  	v0 =	vsub.f32 $0.0e+00, v0;
	v9 =	vpop (erf)  }
0x172: {  	[tilespmem:$0x1FC10] =	vst v52;
	v52 =	vadd.f32 $-1.000000000e+00, v63;
	v10 =	vpop (erf)  }
0x173: {  	[tilespmem:$0x1FBE0] =	vst v53;
	v0 =	vmul.f32 v0, v16;
	v53 =	vpop (erf)  }
0x174: {  	v6 =	vmul.f32 $1.000000000e+01, v52;
	v7 =	vadd.f32 $1.000000000e+00, v53  }
0x175: {  	v0 =	vmul.f32 $1.442695020e+00, v0  }
0x176: {  	v6 =	vmul.f32 $1.442695020e+00, v6;
	(erf) = vrcp.f32 v7  }
0x177: {  	v54 =	vmul.f32 v63, v12;
	(erf) = vpow2.f32 v0  }
0x178: {  	(erf) = vpow2.f32 v6  }
0x179: {  	v0 =	vsub.f32 v54, v14;
	_ =	sdelay $0x1  }
0x17a: {  	v55 =	vld [tilespmem:$0x1F0];
	v0 =	vmul.f32 v0, v15;
	_ =	sdelay $0x1  }
0x17b: {  	v0 =	vmul.f32 v0, v0;
	_ =	sdelay $0x1  }
0x17c: {  	v0 =	vsub.f32 $0.0e+00, v0;
	v56 =	vpop (erf)  }
0x17d: {  	[tilespmem:$0x1FC30] =	vst v58;
	v58 =	vadd.f32 $-1.000000000e+00, v55;
	v57 =	vpop (erf)  }
0x17e: {  	[tilespmem:$0x1FBF0] =	vst v59;
	v0 =	vmul.f32 v0, v16;
	v59 =	vpop (erf)  }
0x17f: {  	v6 =	vmul.f32 $1.000000000e+01, v58;
	v7 =	vadd.f32 $1.000000000e+00, v59  }
0x180: {  	v0 =	vmul.f32 $1.442695020e+00, v0  }
0x181: {  	v6 =	vmul.f32 $1.442695020e+00, v6;
	(erf) = vrcp.f32 v7  }
0x182: {  	v60 =	vmul.f32 v55, v12;
	(erf) = vpow2.f32 v0  }
0x183: {  	(erf) = vpow2.f32 v6  }
0x184: {  	v0 =	vsub.f32 v60, v14;
	_ =	sdelay $0x1  }
0x185: {  	v61 =	vld [tilespmem:$0x200];
	v0 =	vmul.f32 v0, v15;
	_ =	sdelay $0x1  }
0x186: {  	v0 =	vmul.f32 v0, v0;
	_ =	sdelay $0x1  }
0x187: {  	v0 =	vsub.f32 $0.0e+00, v0;
	v62 =	vpop (erf)  }
0x188: {  	[tilespmem:$0x1FC40] =	vst v9;
	v9 =	vadd.f32 $-1.000000000e+00, v61;
	v63 =	vpop (erf)  }
0x189: {  	[tilespmem:$0x1FC00] =	vst v10;
	v0 =	vmul.f32 v0, v16;
	v10 =	vpop (erf)  }
0x18a: {  	v6 =	vmul.f32 $1.000000000e+01, v9;
	v7 =	vadd.f32 $1.000000000e+00, v10  }
0x18b: {  	v0 =	vmul.f32 $1.442695020e+00, v0  }
0x18c: {  	v6 =	vmul.f32 $1.442695020e+00, v6;
	(erf) = vrcp.f32 v7  }
0x18d: {  	v52 =	vmul.f32 v61, v12;
	(erf) = vpow2.f32 v0  }
0x18e: {  	(erf) = vpow2.f32 v6  }
0x18f: {  	v0 =	vsub.f32 v52, v14;
	_ =	sdelay $0x1  }
0x190: {  	v53 =	vld [tilespmem:$0x210];
	v0 =	vmul.f32 v0, v15;
	_ =	sdelay $0x1  }
0x191: {  	v0 =	vmul.f32 v0, v0;
	_ =	sdelay $0x1  }
0x192: {  	v0 =	vsub.f32 $0.0e+00, v0;
	v54 =	vpop (erf)  }
0x193: {  	[tilespmem:$0x1FC70] =	vst v56;
	v56 =	vadd.f32 $-1.000000000e+00, v53;
	v55 =	vpop (erf)  }
0x194: {  	[tilespmem:$0x1FC20] =	vst v57;
	v0 =	vmul.f32 v0, v16;
	v57 =	vpop (erf)  }
0x195: {  	v6 =	vmul.f32 $1.000000000e+01, v56;
	v7 =	vadd.f32 $1.000000000e+00, v57  }
0x196: {  	v0 =	vmul.f32 $1.442695020e+00, v0  }
0x197: {  	v6 =	vmul.f32 $1.442695020e+00, v6;
	(erf) = vrcp.f32 v7  }
0x198: {  	v58 =	vmul.f32 v53, v12;
	(erf) = vpow2.f32 v0  }
0x199: {  	(erf) = vpow2.f32 v6  }
0x19a: {  	v0 =	vsub.f32 v58, v14;
	_ =	sdelay $0x1  }
0x19b: {  	v59 =	vld [tilespmem:$0x220];
	v0 =	vmul.f32 v0, v15;
	_ =	sdelay $0x1  }
0x19c: {  	v0 =	vmul.f32 v0, v0;
	_ =	sdelay $0x1  }
0x19d: {  	v0 =	vsub.f32 $0.0e+00, v0;
	v60 =	vpop (erf)  }
0x19e: {  	[tilespmem:$0x1FC90] =	vst v62;
	v62 =	vadd.f32 $-1.000000000e+00, v59;
	v61 =	vpop (erf)  }
0x19f: {  	[tilespmem:$0x1FC50] =	vst v63;
	v0 =	vmul.f32 v0, v16;
	v63 =	vpop (erf)  }
0x1a0: {  	v6 =	vmul.f32 $1.000000000e+01, v62;
	v7 =	vadd.f32 $1.000000000e+00, v63  }
0x1a1: {  	v0 =	vmul.f32 $1.442695020e+00, v0  }
0x1a2: {  	v6 =	vmul.f32 $1.442695020e+00, v6;
	(erf) = vrcp.f32 v7  }
0x1a3: {  	v9 =	vmul.f32 v59, v12;
	(erf) = vpow2.f32 v0  }
0x1a4: {  	(erf) = vpow2.f32 v6  }
0x1a5: {  	v0 =	vsub.f32 v9, v14;
	_ =	sdelay $0x1  }
0x1a6: {  	v10 =	vld [tilespmem:$0x230];
	v0 =	vmul.f32 v0, v15;
	_ =	sdelay $0x1  }
0x1a7: {  	v0 =	vmul.f32 v0, v0;
	_ =	sdelay $0x1  }
0x1a8: {  	v0 =	vsub.f32 $0.0e+00, v0;
	v52 =	vpop (erf)  }
0x1a9: {  	[tilespmem:$0x1FCB0] =	vst v54;
	v54 =	vadd.f32 $-1.000000000e+00, v10;
	v53 =	vpop (erf)  }
0x1aa: {  	[tilespmem:$0x1FC60] =	vst v55;
	v0 =	vmul.f32 v0, v16;
	v55 =	vpop (erf)  }
0x1ab: {  	v6 =	vmul.f32 $1.000000000e+01, v54;
	v7 =	vadd.f32 $1.000000000e+00, v55  }
0x1ac: {  	v0 =	vmul.f32 $1.442695020e+00, v0  }
0x1ad: {  	v6 =	vmul.f32 $1.442695020e+00, v6;
	(erf) = vrcp.f32 v7  }
0x1ae: {  	v56 =	vmul.f32 v10, v12;
	(erf) = vpow2.f32 v0  }
0x1af: {  	(erf) = vpow2.f32 v6  }
0x1b0: {  	v0 =	vsub.f32 v56, v14;
	_ =	sdelay $0x1  }
0x1b1: {  	v57 =	vld [tilespmem:$0x240];
	v0 =	vmul.f32 v0, v15;
	_ =	sdelay $0x1  }
0x1b2: {  	v0 =	vmul.f32 v0, v0;
	_ =	sdelay $0x1  }
0x1b3: {  	v0 =	vsub.f32 $0.0e+00, v0;
	v58 =	vpop (erf)  }
0x1b4: {  	[tilespmem:$0x1FCC0] =	vst v60;
	v60 =	vadd.f32 $-1.000000000e+00, v57;
	v59 =	vpop (erf)  }
0x1b5: {  	[tilespmem:$0x1FC80] =	vst v61;
	v0 =	vmul.f32 v0, v16;
	v61 =	vpop (erf)  }
0x1b6: {  	v6 =	vmul.f32 $1.000000000e+01, v60;
	v7 =	vadd.f32 $1.000000000e+00, v61  }
0x1b7: {  	v0 =	vmul.f32 $1.442695020e+00, v0  }
0x1b8: {  	v6 =	vmul.f32 $1.442695020e+00, v6;
	(erf) = vrcp.f32 v7  }
0x1b9: {  	v62 =	vmul.f32 v57, v12;
	(erf) = vpow2.f32 v0  }
0x1ba: {  	(erf) = vpow2.f32 v6  }
0x1bb: {  	v0 =	vsub.f32 v62, v14;
	_ =	sdelay $0x1  }
0x1bc: {  	v63 =	vld [tilespmem:$0x250];
	v0 =	vmul.f32 v0, v15;
	_ =	sdelay $0x1  }
0x1bd: {  	v0 =	vmul.f32 v0, v0;
	_ =	sdelay $0x1  }
0x1be: {  	v0 =	vsub.f32 $0.0e+00, v0;
	v9 =	vpop (erf)  }
0x1bf: {  	[tilespmem:$0x1FCD0] =	vst v52;
	v52 =	vadd.f32 $-1.000000000e+00, v63;
	v10 =	vpop (erf)  }
0x1c0: {  	[tilespmem:$0x1FCA0] =	vst v53;
	v0 =	vmul.f32 v0, v16;
	v53 =	vpop (erf)  }
0x1c1: {  	v6 =	vmul.f32 $1.000000000e+01, v52;
	v7 =	vadd.f32 $1.000000000e+00, v53  }
0x1c2: {  	v0 =	vmul.f32 $1.442695020e+00, v0  }
0x1c3: {  	v6 =	vmul.f32 $1.442695020e+00, v6;
	(erf) = vrcp.f32 v7  }
0x1c4: {  	v54 =	vmul.f32 v63, v12;
	(erf) = vpow2.f32 v0  }
0x1c5: {  	(erf) = vpow2.f32 v6  }
0x1c6: {  	v0 =	vsub.f32 v54, v14;
	_ =	sdelay $0x1  }
0x1c7: {  	v55 =	vld [tilespmem:$0x260];
	v0 =	vmul.f32 v0, v15;
	_ =	sdelay $0x1  }
0x1c8: {  	v0 =	vmul.f32 v0, v0;
	_ =	sdelay $0x1  }
0x1c9: {  	v0 =	vsub.f32 $0.0e+00, v0;
	v56 =	vpop (erf)  }
0x1ca: {  	[tilespmem:$0x1FD10] =	vst v58;
	v58 =	vadd.f32 $-1.000000000e+00, v55;
	v57 =	vpop (erf)  }
0x1cb: {  	[tilespmem:$0x1FCE0] =	vst v59;
	v0 =	vmul.f32 v0, v16;
	v59 =	vpop (erf)  }
0x1cc: {  	v6 =	vmul.f32 $1.000000000e+01, v58;
	v7 =	vadd.f32 $1.000000000e+00, v59  }
0x1cd: {  	v0 =	vmul.f32 $1.442695020e+00, v0  }
0x1ce: {  	v6 =	vmul.f32 $1.442695020e+00, v6;
	(erf) = vrcp.f32 v7  }
0x1cf: {  	v60 =	vmul.f32 v55, v12;
	(erf) = vpow2.f32 v0  }
0x1d0: {  	(erf) = vpow2.f32 v6  }
0x1d1: {  	v0 =	vsub.f32 v60, v14;
	_ =	sdelay $0x1  }
0x1d2: {  	v61 =	vld [tilespmem:$0x270];
	v0 =	vmul.f32 v0, v15;
	_ =	sdelay $0x1  }
0x1d3: {  	v0 =	vmul.f32 v0, v0;
	_ =	sdelay $0x1  }
0x1d4: {  	v0 =	vsub.f32 $0.0e+00, v0;
	v62 =	vpop (erf)  }
0x1d5: {  	[tilespmem:$0x1FD30] =	vst v9;
	v9 =	vadd.f32 $-1.000000000e+00, v61;
	v63 =	vpop (erf)  }
0x1d6: {  	[tilespmem:$0x1FCF0] =	vst v10;
	v0 =	vmul.f32 v0, v16;
	v10 =	vpop (erf)  }
0x1d7: {  	v6 =	vmul.f32 $1.000000000e+01, v9;
	v7 =	vadd.f32 $1.000000000e+00, v10  }
0x1d8: {  	v0 =	vmul.f32 $1.442695020e+00, v0  }
0x1d9: {  	v6 =	vmul.f32 $1.442695020e+00, v6;
	(erf) = vrcp.f32 v7  }
0x1da: {  	v52 =	vmul.f32 v61, v12;
	(erf) = vpow2.f32 v0  }
0x1db: {  	(erf) = vpow2.f32 v6  }
0x1dc: {  	v0 =	vsub.f32 v52, v14;
	_ =	sdelay $0x1  }
0x1dd: {  	v53 =	vld [tilespmem:$0x280];
	v0 =	vmul.f32 v0, v15;
	_ =	sdelay $0x1  }
0x1de: {  	v0 =	vmul.f32 v0, v0;
	_ =	sdelay $0x1  }
0x1df: {  	v0 =	vsub.f32 $0.0e+00, v0;
	v54 =	vpop (erf)  }
0x1e0: {  	[tilespmem:$0x1FD40] =	vst v56;
	v56 =	vadd.f32 $-1.000000000e+00, v53;
	v55 =	vpop (erf)  }
0x1e1: {  	[tilespmem:$0x1FD00] =	vst v57;
	v0 =	vmul.f32 v0, v16;
	v57 =	vpop (erf)  }
0x1e2: {  	v6 =	vmul.f32 $1.000000000e+01, v56;
	v7 =	vadd.f32 $1.000000000e+00, v57  }
0x1e3: {  	v0 =	vmul.f32 $1.442695020e+00, v0  }
0x1e4: {  	v6 =	vmul.f32 $1.442695020e+00, v6;
	(erf) = vrcp.f32 v7  }
0x1e5: {  	v58 =	vmul.f32 v53, v12;
	(erf) = vpow2.f32 v0  }
0x1e6: {  	(erf) = vpow2.f32 v6  }
0x1e7: {  	v0 =	vsub.f32 v58, v14;
	_ =	sdelay $0x1  }
0x1e8: {  	v59 =	vld [tilespmem:$0x290];
	v0 =	vmul.f32 v0, v15;
	_ =	sdelay $0x1  }
0x1e9: {  	v0 =	vmul.f32 v0, v0;
	_ =	sdelay $0x1  }
0x1ea: {  	v0 =	vsub.f32 $0.0e+00, v0;
	v60 =	vpop (erf)  }
0x1eb: {  	[tilespmem:$0x1FD70] =	vst v62;
	v62 =	vadd.f32 $-1.000000000e+00, v59;
	v61 =	vpop (erf)  }
0x1ec: {  	[tilespmem:$0x1FD20] =	vst v63;
	v0 =	vmul.f32 v0, v16;
	v63 =	vpop (erf)  }
0x1ed: {  	v6 =	vmul.f32 $1.000000000e+01, v62;
	v7 =	vadd.f32 $1.000000000e+00, v63  }
0x1ee: {  	v0 =	vmul.f32 $1.442695020e+00, v0  }
0x1ef: {  	v6 =	vmul.f32 $1.442695020e+00, v6;
	(erf) = vrcp.f32 v7  }
0x1f0: {  	v9 =	vmul.f32 v59, v12;
	(erf) = vpow2.f32 v0  }
0x1f1: {  	(erf) = vpow2.f32 v6  }
0x1f2: {  	v0 =	vsub.f32 v9, v14;
	_ =	sdelay $0x1  }
0x1f3: {  	v10 =	vld [tilespmem:$0x2A0];
	v0 =	vmul.f32 v0, v15;
	_ =	sdelay $0x1  }
0x1f4: {  	v0 =	vmul.f32 v0, v0;
	_ =	sdelay $0x1  }
0x1f5: {  	v0 =	vsub.f32 $0.0e+00, v0;
	v52 =	vpop (erf)  }
0x1f6: {  	[tilespmem:$0x1FD90] =	vst v54;
	v54 =	vadd.f32 $-1.000000000e+00, v10;
	v53 =	vpop (erf)  }
0x1f7: {  	[tilespmem:$0x1FD50] =	vst v55;
	v0 =	vmul.f32 v0, v16;
	v55 =	vpop (erf)  }
0x1f8: {  	v6 =	vmul.f32 $1.000000000e+01, v54;
	v7 =	vadd.f32 $1.000000000e+00, v55  }
0x1f9: {  	v0 =	vmul.f32 $1.442695020e+00, v0  }
0x1fa: {  	v6 =	vmul.f32 $1.442695020e+00, v6;
	(erf) = vrcp.f32 v7  }
0x1fb: {  	v56 =	vmul.f32 v10, v12;
	(erf) = vpow2.f32 v0  }
0x1fc: {  	(erf) = vpow2.f32 v6  }
0x1fd: {  	v0 =	vsub.f32 v56, v14;
	_ =	sdelay $0x1  }
0x1fe: {  	v57 =	vld [tilespmem:$0x2B0];
	v0 =	vmul.f32 v0, v15;
	_ =	sdelay $0x1  }
0x1ff: {  	v0 =	vmul.f32 v0, v0;
	_ =	sdelay $0x1  }
0x200: {  	v0 =	vsub.f32 $0.0e+00, v0;
	v58 =	vpop (erf)  }
0x201: {  	[tilespmem:$0x1FDB0] =	vst v60;
	v60 =	vadd.f32 $-1.000000000e+00, v57;
	v59 =	vpop (erf)  }
0x202: {  	[tilespmem:$0x1FD60] =	vst v61;
	v0 =	vmul.f32 v0, v16;
	v61 =	vpop (erf)  }
0x203: {  	v6 =	vmul.f32 $1.000000000e+01, v60;
	v7 =	vadd.f32 $1.000000000e+00, v61  }
0x204: {  	v0 =	vmul.f32 $1.442695020e+00, v0  }
0x205: {  	v6 =	vmul.f32 $1.442695020e+00, v6;
	(erf) = vrcp.f32 v7  }
0x206: {  	v62 =	vmul.f32 v57, v12;
	(erf) = vpow2.f32 v0  }
0x207: {  	(erf) = vpow2.f32 v6  }
0x208: {  	v0 =	vsub.f32 v62, v14;
	_ =	sdelay $0x1  }
0x209: {  	v63 =	vld [tilespmem:$0x2C0];
	v0 =	vmul.f32 v0, v15;
	_ =	sdelay $0x1  }
0x20a: {  	v0 =	vmul.f32 v0, v0;
	_ =	sdelay $0x1  }
0x20b: {  	v0 =	vsub.f32 $0.0e+00, v0;
	v9 =	vpop (erf)  }
0x20c: {  	[tilespmem:$0x1FDC0] =	vst v52;
	v52 =	vadd.f32 $-1.000000000e+00, v63;
	v10 =	vpop (erf)  }
0x20d: {  	[tilespmem:$0x1FD80] =	vst v53;
	v0 =	vmul.f32 v0, v16;
	v53 =	vpop (erf)  }
0x20e: {  	v6 =	vmul.f32 $1.000000000e+01, v52;
	v7 =	vadd.f32 $1.000000000e+00, v53  }
0x20f: {  	v0 =	vmul.f32 $1.442695020e+00, v0  }
0x210: {  	v6 =	vmul.f32 $1.442695020e+00, v6;
	(erf) = vrcp.f32 v7  }
0x211: {  	v54 =	vmul.f32 v63, v12;
	(erf) = vpow2.f32 v0  }
0x212: {  	(erf) = vpow2.f32 v6  }
0x213: {  	v0 =	vsub.f32 v54, v14;
	_ =	sdelay $0x1  }
0x214: {  	v55 =	vld [tilespmem:$0x2D0];
	v0 =	vmul.f32 v0, v15;
	_ =	sdelay $0x1  }
0x215: {  	v0 =	vmul.f32 v0, v0;
	_ =	sdelay $0x1  }
0x216: {  	v0 =	vsub.f32 $0.0e+00, v0;
	v56 =	vpop (erf)  }
0x217: {  	[tilespmem:$0x1FDD0] =	vst v58;
	v58 =	vadd.f32 $-1.000000000e+00, v55;
	v57 =	vpop (erf)  }
0x218: {  	[tilespmem:$0x1FDA0] =	vst v59;
	v0 =	vmul.f32 v0, v16;
	v59 =	vpop (erf)  }
0x219: {  	v6 =	vmul.f32 $1.000000000e+01, v58;
	v7 =	vadd.f32 $1.000000000e+00, v59  }
0x21a: {  	v0 =	vmul.f32 $1.442695020e+00, v0  }
0x21b: {  	v6 =	vmul.f32 $1.442695020e+00, v6;
	(erf) = vrcp.f32 v7  }
0x21c: {  	v60 =	vmul.f32 v55, v12;
	(erf) = vpow2.f32 v0  }
0x21d: {  	(erf) = vpow2.f32 v6  }
0x21e: {  	v0 =	vsub.f32 v60, v14;
	_ =	sdelay $0x1  }
0x21f: {  	v61 =	vld [tilespmem:$0x2E0];
	v0 =	vmul.f32 v0, v15;
	_ =	sdelay $0x1  }
0x220: {  	v0 =	vmul.f32 v0, v0;
	_ =	sdelay $0x1  }
0x221: {  	v0 =	vsub.f32 $0.0e+00, v0;
	v62 =	vpop (erf)  }
0x222: {  	[tilespmem:$0x1FE10] =	vst v9;
	v9 =	vadd.f32 $-1.000000000e+00, v61;
	v63 =	vpop (erf)  }
0x223: {  	[tilespmem:$0x1FDE0] =	vst v10;
	v0 =	vmul.f32 v0, v16;
	v10 =	vpop (erf)  }
0x224: {  	v6 =	vmul.f32 $1.000000000e+01, v9;
	v7 =	vadd.f32 $1.000000000e+00, v10  }
0x225: {  	v0 =	vmul.f32 $1.442695020e+00, v0  }
0x226: {  	v6 =	vmul.f32 $1.442695020e+00, v6;
	(erf) = vrcp.f32 v7  }
0x227: {  	v52 =	vmul.f32 v61, v12;
	(erf) = vpow2.f32 v0  }
0x228: {  	(erf) = vpow2.f32 v6  }
0x229: {  	v0 =	vsub.f32 v52, v14;
	_ =	sdelay $0x1  }
0x22a: {  	v53 =	vld [tilespmem:$0x2F0];
	v0 =	vmul.f32 v0, v15;
	_ =	sdelay $0x1  }
0x22b: {  	v0 =	vmul.f32 v0, v0;
	_ =	sdelay $0x1  }
0x22c: {  	v0 =	vsub.f32 $0.0e+00, v0;
	v54 =	vpop (erf)  }
0x22d: {  	[tilespmem:$0x1FE30] =	vst v56;
	v56 =	vadd.f32 $-1.000000000e+00, v53;
	v55 =	vpop (erf)  }
0x22e: {  	[tilespmem:$0x1FDF0] =	vst v57;
	v0 =	vmul.f32 v0, v16;
	v57 =	vpop (erf)  }
0x22f: {  	v6 =	vmul.f32 $1.000000000e+01, v56;
	v7 =	vadd.f32 $1.000000000e+00, v57  }
0x230: {  	v0 =	vmul.f32 $1.442695020e+00, v0  }
0x231: {  	v6 =	vmul.f32 $1.442695020e+00, v6;
	(erf) = vrcp.f32 v7  }
0x232: {  	v58 =	vmul.f32 v53, v12;
	(erf) = vpow2.f32 v0  }
0x233: {  	(erf) = vpow2.f32 v6  }
0x234: {  	v0 =	vsub.f32 v58, v14;
	_ =	sdelay $0x1  }
0x235: {  	v59 =	vld [tilespmem:$0x300];
	v0 =	vmul.f32 v0, v15;
	_ =	sdelay $0x1  }
0x236: {  	v0 =	vmul.f32 v0, v0;
	_ =	sdelay $0x1  }
0x237: {  	v0 =	vsub.f32 $0.0e+00, v0;
	v60 =	vpop (erf)  }
0x238: {  	[tilespmem:$0x1FE50] =	vst v62;
	v62 =	vadd.f32 $-1.000000000e+00, v59;
	v61 =	vpop (erf)  }
0x239: {  	[tilespmem:$0x1FE00] =	vst v63;
	v0 =	vmul.f32 v0, v16;
	v63 =	vpop (erf)  }
0x23a: {  	v6 =	vmul.f32 $1.000000000e+01, v62;
	v7 =	vadd.f32 $1.000000000e+00, v63  }
0x23b: {  	v0 =	vmul.f32 $1.442695020e+00, v0  }
0x23c: {  	v6 =	vmul.f32 $1.442695020e+00, v6;
	(erf) = vrcp.f32 v7  }
0x23d: {  	v7 =	vmul.f32 v59, v12;
	(erf) = vpow2.f32 v0  }
0x23e: {  	(erf) = vpow2.f32 v6  }
0x23f: {  	v0 =	vsub.f32 v7, v14;
	_ =	sdelay $0x1  }
0x240: {  	v9 =	vld [tilespmem:$0x310];
	v0 =	vmul.f32 v0, v15;
	_ =	sdelay $0x1  }
0x241: {  	v0 =	vmul.f32 v0, v0;
	_ =	sdelay $0x1  }
0x242: {  	v0 =	vsub.f32 $0.0e+00, v0;
	v10 =	vpop (erf)  }
0x243: {  	v53 =	vadd.f32 $-1.000000000e+00, v9;
	v52 =	vpop (erf)  }
0x244: {  	[tilespmem:$0x1FE60] =	vst v54;
	v0 =	vmul.f32 v0, v16;
	v54 =	vpop (erf)  }
0x245: {  	v6 =	vmul.f32 $1.000000000e+01, v53;
	v7 =	vadd.f32 $1.000000000e+00, v54  }
0x246: {  	v0 =	vmul.f32 $1.442695020e+00, v0  }
0x247: {  	v6 =	vmul.f32 $1.442695020e+00, v6;
	(erf) = vrcp.f32 v7  }
0x248: {  	[tilespmem:$0x1FE20] =	vst v55;
	v55 =	vmul.f32 v9, v12;
	(erf) = vpow2.f32 v0  }
0x249: {  	(erf) = vpow2.f32 v6  }
0x24a: {  	v0 =	vsub.f32 v55, v14;
	_ =	sdelay $0x1  }
0x24b: {  	v56 =	vld [tilespmem:$0x320];
	v0 =	vmul.f32 v0, v15;
	_ =	sdelay $0x1  }
0x24c: {  	v0 =	vmul.f32 v0, v0;
	_ =	sdelay $0x1  }
0x24d: {  	v0 =	vsub.f32 $0.0e+00, v0;
	v57 =	vpop (erf)  }
0x24e: {  	v58 =	vadd.f32 $-1.000000000e+00, v56;
	v63 =	vpop (erf)  }
0x24f: {  	v0 =	vmul.f32 v0, v16;
	v59 =	vpop (erf)  }
0x250: {  	v6 =	vmul.f32 $1.000000000e+01, v58;
	v7 =	vadd.f32 $1.000000000e+00, v59  }
0x251: {  	v0 =	vmul.f32 $1.442695020e+00, v0  }
0x252: {  	v6 =	vmul.f32 $1.442695020e+00, v6;
	(erf) = vrcp.f32 v7  }
0x253: {  	[tilespmem:$0x1FE80] =	vst v60;
	v60 =	vmul.f32 v56, v12;
	(erf) = vpow2.f32 v0  }
0x254: {  	(erf) = vpow2.f32 v6  }
0x255: {  	v0 =	vsub.f32 v60, v14;
	_ =	sdelay $0x1  }
0x256: {  	[tilespmem:$0x1FE40] =	vst v61;
	v61 =	vld [tilespmem:$0x330];
	v0 =	vmul.f32 v0, v15;
	_ =	sdelay $0x1  }
0x257: {  	v0 =	vmul.f32 v0, v0;
	_ =	sdelay $0x1  }
0x258: {  	v0 =	vsub.f32 $0.0e+00, v0;
	v62 =	vpop (erf)  }
0x259: {  	[tilespmem:$0x1FE90] =	vst v10;
	v10 =	vadd.f32 $-1.000000000e+00, v61;
	v9 =	vpop (erf)  }
0x25a: {  	[tilespmem:$0x1FE70] =	vst v52;
	v0 =	vmul.f32 v0, v16;
	v52 =	vpop (erf)  }
0x25b: {  	v6 =	vmul.f32 $1.000000000e+01, v10;
	v7 =	vadd.f32 $1.000000000e+00, v52  }
0x25c: {  	v0 =	vmul.f32 $1.442695020e+00, v0  }
0x25d: {  	v6 =	vmul.f32 $1.442695020e+00, v6;
	(erf) = vrcp.f32 v7  }
0x25e: {  	v53 =	vmul.f32 v61, v12;
	(erf) = vpow2.f32 v0  }
0x25f: {  	(erf) = vpow2.f32 v6  }
0x260: {  	v0 =	vsub.f32 v53, v14;
	_ =	sdelay $0x1  }
0x261: {  	v54 =	vld [tilespmem:$0x340];
	v0 =	vmul.f32 v0, v15;
	_ =	sdelay $0x1  }
0x262: {  	v0 =	vmul.f32 v0, v0;
	_ =	sdelay $0x1  }
0x263: {  	v0 =	vsub.f32 $0.0e+00, v0;
	v55 =	vpop (erf)  }
0x264: {  	[tilespmem:$0x1FEA0] =	vst v57;
	v57 =	vadd.f32 $-1.000000000e+00, v54;
	v56 =	vpop (erf)  }
0x265: {  	v0 =	vmul.f32 v0, v16;
	v58 =	vpop (erf)  }
0x266: {  	v6 =	vmul.f32 $1.000000000e+01, v57;
	v7 =	vadd.f32 $1.000000000e+00, v58  }
0x267: {  	v0 =	vmul.f32 $1.442695020e+00, v0  }
0x268: {  	v6 =	vmul.f32 $1.442695020e+00, v6;
	(erf) = vrcp.f32 v7  }
0x269: {  	v59 =	vmul.f32 v54, v12;
	(erf) = vpow2.f32 v0  }
0x26a: {  	(erf) = vpow2.f32 v6  }
0x26b: {  	v0 =	vsub.f32 v59, v14;
	_ =	sdelay $0x1  }
0x26c: {  	v60 =	vld [tilespmem:$0x350];
	v0 =	vmul.f32 v0, v15;
	_ =	sdelay $0x1  }
0x26d: {  	v0 =	vmul.f32 v0, v0;
	_ =	sdelay $0x1  }
0x26e: {  	[tilespmem:$0x1FED0] =	vst v62;
	v0 =	vsub.f32 $0.0e+00, v0;
	v61 =	vpop (erf)  }
0x26f: {  	[tilespmem:$0x1FEB0] =	vst v9;
	v9 =	vadd.f32 $-1.000000000e+00, v60;
	v62 =	vpop (erf)  }
0x270: {  	v0 =	vmul.f32 v0, v16;
	v10 =	vpop (erf)  }
0x271: {  	v6 =	vmul.f32 $1.000000000e+01, v9;
	v7 =	vadd.f32 $1.000000000e+00, v10  }
0x272: {  	v0 =	vmul.f32 $1.442695020e+00, v0  }
0x273: {  	v6 =	vmul.f32 $1.442695020e+00, v6;
	(erf) = vrcp.f32 v7  }
0x274: {  	v52 =	vmul.f32 v60, v12;
	(erf) = vpow2.f32 v0  }
0x275: {  	(erf) = vpow2.f32 v6  }
0x276: {  	v0 =	vsub.f32 v52, v14  }
0x277: {  	v53 =	vld [tilespmem:$0x360]  }
0x278: {  	v0 =	vmul.f32 v0, v15;
	_ =	sdelay $0x1  }
0x279: {  	v0 =	vmul.f32 v0, v0;
	_ =	sdelay $0x1  }
0x27a: {  	[tilespmem:$0x1FEF0] =	vst v55;
	v58 =	vmul.f32 v53, v12;
	v0 =	vsub.f32 $0.0e+00, v0;
	v54 =	vpop (erf)  }
0x27b: {  	[tilespmem:$0x1FEC0] =	vst v56;
	v56 =	vadd.f32 $-1.000000000e+00, v53;
	v55 =	vpop (erf)  }
0x27c: {  	v2 =	vsub.f32 v58, v14;
	v0 =	vmul.f32 v0, v16;
	v57 =	vpop (erf)  }
0x27d: {  	v6 =	vmul.f32 $1.000000000e+01, v56;
	v7 =	vadd.f32 $1.000000000e+00, v57  }
0x27e: {  	v2 =	vmul.f32 v2, v15;
	v0 =	vmul.f32 $1.442695020e+00, v0  }
0x27f: {  	v6 =	vmul.f32 $1.442695020e+00, v6;
	(erf) = vrcp.f32 v7  }
0x280: {  	(erf) = vpow2.f32 v0  }
0x281: {  	v2 =	vmul.f32 v2, v2;
	(erf) = vpow2.f32 v6;
	_ =	sdelay $0x1  }
0x282: {  	v2 =	vsub.f32 $0.0e+00, v2  }
0x283: {  	v0 =	vbroadcast v1, $0x1;
	v6 =	vld [tilespmem:$0x370]  }
0x284: {  	v2 =	vmul.f32 v2, v16  }
0x285: {  	v59 =	vmul.f32 v4, v0  }
0x286: {  	v2 =	vmul.f32 $1.442695020e+00, v2;
	[tilespmem:$0x1FF20] =	vst v54;
	v8 =	vmul.f32 v8, v0  }
0x287: {  	[tilespmem:$0x1FF00] =	vst v55;
	v54 =	vmul.f32 v13, v0;
	v55 =	vmul.f32 v19, v0;
	v7 =	vadd.f32 $0.0e+00, v59;
	v60 =	vpop (erf)  }
0x288: {  	v8 =	vadd.f32 $0.0e+00, v8;
	v10 =	vadd.f32 $-1.000000000e+00, v6;
	v6 =	vmul.f32 v6, v12;
	v58 =	vpop (erf)  }
0x289: {  	[tilespmem:$0x1FF10] =	vst v61;
	v56 =	vmul.f32 v21, v0;
	v61 =	vmul.f32 v7, v3;
	v7 =	vadd.f32 $0.0e+00, v54;
	v9 =	vpop (erf)  }
0x28a: {  	[tilespmem:$0x1FEE0] =	vst v62;
	v52 =	vmul.f32 v8, v5;
	v6 =	vsub.f32 v6, v14;
	v62 =	vadd.f32 $1.000000000e+00, v9  }
0x28b: {  	v53 =	vmul.f32 $1.000000000e+01, v10;
	v57 =	vadd.f32 $0.0e+00, v61;
	v59 =	vmul.f32 v7, v11  }
0x28c: {  	[tilespmem:$0x1FF50] =	vst v61;
	v61 =	vadd.f32 $0.0e+00, v56;
	v6 =	vmul.f32 v6, v15;
	(erf) = vrcp.f32 v62  }
0x28d: {  	v8 =	vmul.f32 $1.442695020e+00, v53;
	(erf) = vpow2.f32 v2;
	v2 =	vadd.f32 $0.0e+00, v55  }
0x28e: {  	v19 =	vmul.f32 v61, v18;
	v6 =	vmul.f32 v6, v6  }
0x28f: {  	v62 =	vmul.f32 v23, v0;
	v13 =	vmul.f32 v2, v17;
	v17 =	vadd.f32 v52, v57  }
0x290: {  	v23 =	vmul.f32 v24, v0;
	v24 =	vmul.f32 v27, v0  }
0x291: {  	v10 =	vld [tilespmem:$0x380];
	v6 =	vsub.f32 $0.0e+00, v6;
	(erf) = vpow2.f32 v8;
	v2 =	vadd.f32 v59, v17  }
0x292: {  	v21 =	vadd.f32 $0.0e+00, v62;
	v9 =	vadd.f32 $0.0e+00, v24;
	v24 =	vmul.f32 v32, v0  }
0x293: {  	v32 =	vmul.f32 v39, v0;
	v57 =	vadd.f32 $0.0e+00, v23;
	v2 =	vadd.f32 v13, v2  }
0x294: {  	[tilespmem:$0x1FF70] =	vst v59;
	v39 =	vld [tilespmem:$0x390];
	v6 =	vmul.f32 v6, v16;
	v59 =	vmul.f32 v30, v0  }
0x295: {  	v27 =	vmul.f32 v21, v20;
	v61 =	vmul.f32 v57, v22;
	v2 =	vadd.f32 v19, v2  }
0x296: {  	v21 =	vadd.f32 $-1.000000000e+00, v10;
	v17 =	vmul.f32 v9, v25;
	v6 =	vmul.f32 $1.442695020e+00, v6  }
0x297: {  	v25 =	vmul.f32 v34, v0;
	v34 =	vadd.f32 $0.0e+00, v32;
	v2 =	vadd.f32 v27, v2  }
0x298: {  	[tilespmem:$0x1FF80] =	vst v13;
	v23 =	vmul.f32 $1.000000000e+01, v21;
	v62 =	vadd.f32 $0.0e+00, v59;
	v13 =	vmul.f32 v31, v0;
	v59 =	vpop (erf)  }
0x299: {  	v57 =	vmul.f32 v34, v36;
	v21 =	vadd.f32 $-1.000000000e+00, v39;
	v54 =	vpop (erf);
	v2 =	vadd.f32 v61, v2  }
0x29a: {  	[tilespmem:$0x1FF90] =	vst v19;
	v7 =	vmul.f32 $1.442695020e+00, v23;
	v23 =	vmul.f32 v48, v0;
	v19 =	vadd.f32 $0.0e+00, v13;
	v20 =	vpop (erf)  }
0x29b: {  	v18 =	vmul.f32 v62, v26;
	v8 =	vadd.f32 $1.000000000e+00, v20;
	v2 =	vadd.f32 v17, v2  }
0x29c: {  	v26 =	vadd.f32 $0.0e+00, v24;
	v13 =	vmul.f32 v46, v0;
	v22 =	vmul.f32 v19, v28  }
0x29d: {  	[tilespmem:$0x1FFA0] =	vst v27;
	v27 =	vmul.f32 v37, v0;
	(erf) = vrcp.f32 v8;
	v2 =	vadd.f32 v18, v2  }
0x29e: {  	v28 =	vmul.f32 v10, v12;
	(erf) = vpow2.f32 v6;
	v6 =	vadd.f32 $0.0e+00, v25  }
0x29f: {  	v30 =	vmul.f32 v26, v29;
	(erf) = vpow2.f32 v7;
	v2 =	vadd.f32 v22, v2  }
0x2a0: {  	v36 =	vld [tilespmem:$0x1FB60];
	v37 =	vmul.f32 v42, v0;
	v62 =	vmul.f32 v6, v33;
	v33 =	vsub.f32 v28, v14  }
0x2a1: {  	v24 =	vmul.f32 v50, v0;
	v31 =	vadd.f32 $0.0e+00, v27;
	v2 =	vadd.f32 v30, v2  }
0x2a2: {  	v26 =	vmul.f32 v51, v0;
	v9 =	vadd.f32 $0.0e+00, v37;
	v6 =	vmul.f32 v33, v15  }
0x2a3: {  	[tilespmem:$0x1FFB0] =	vst v61;
	v61 =	vmul.f32 v31, v35;
	v35 =	vmul.f32 v40, v0;
	v2 =	vadd.f32 v62, v2  }
0x2a4: {  	[tilespmem:$0x1FFC0] =	vst v17;
	v27 =	vmul.f32 v39, v12;
	v17 =	vadd.f32 $0.0e+00, v13;
	v6 =	vmul.f32 v6, v6  }
0x2a5: {  	v11 =	vld [tilespmem:$0x3B0];
	v37 =	vmul.f32 v36, v0;
	v56 =	vadd.f32 $0.0e+00, v35;
	v2 =	vadd.f32 v61, v2  }
0x2a6: {  	v34 =	vld [tilespmem:$0x1FB50];
	v55 =	vmul.f32 v9, v41;
	v25 =	vadd.f32 $0.0e+00, v23;
	v46 =	vpop (erf);
	v6 =	vsub.f32 $0.0e+00, v6  }
0x2a7: {  	[tilespmem:$0x1FFD0] =	vst v18;
	v29 =	vld [tilespmem:$0x1FB30];
	v18 =	vmul.f32 v47, v0;
	v56 =	vmul.f32 v56, v38;
	v42 =	vpop (erf);
	v2 =	vadd.f32 v57, v2  }
0x2a8: {  	v36 =	vld [tilespmem:$0x1FC00];
	v31 =	vsub.f32 v27, v14;
	v53 =	vmul.f32 v17, v43;
	v20 =	vpop (erf);
	v6 =	vmul.f32 v6, v16  }
0x2a9: {  	[tilespmem:$0x1FFE0] =	vst v22;
	v41 =	vld [tilespmem:$0x1FB80];
	v22 =	vmul.f32 $1.000000000e+01, v21;
	v8 =	vadd.f32 $1.000000000e+00, v20;
	v2 =	vadd.f32 v56, v2  }
0x2aa: {  	v23 =	vld [tilespmem:$0x1FBB0];
	v51 =	vmul.f32 v25, v45;
	v19 =	vadd.f32 $0.0e+00, v18;
	v6 =	vmul.f32 $1.442695020e+00, v6  }
0x2ab: {  	v13 =	vld [tilespmem:$0x1FB90];
	v7 =	vmul.f32 $1.442695020e+00, v22;
	(erf) = vrcp.f32 v8;
	v2 =	vadd.f32 v55, v2  }
0x2ac: {  	v9 =	vadd.f32 $0.0e+00, v37;
	v35 =	vmul.f32 v34, v0;
	v38 =	vld [tilespmem:$0x3A0];
	(erf) = vpow2.f32 v6  }
0x2ad: {  	[tilespmem:$0x1FF60] =	vst v52;
	v18 =	vld [tilespmem:$0x1FBA0];
	v52 =	vmul.f32 v19, v44;
	(erf) = vpow2.f32 v7;
	v2 =	vadd.f32 v53, v2  }
0x2ae: {  	v32 =	vld [tilespmem:$0x1FB40];
	v37 =	vmul.f32 v36, v0;
	v40 =	vadd.f32 $0.0e+00, v35;
	v6 =	vadd.f32 $0.0e+00, v24  }
0x2af: {  	v10 =	vld [tilespmem:$0x1FCA0];
	v43 =	vmul.f32 v41, v0;
	v45 =	vmul.f32 v9, v23;
	v2 =	vadd.f32 v52, v2  }
0x2b0: {  	v39 =	vld [tilespmem:$0x1FB70];
	v28 =	vadd.f32 $0.0e+00, v26;
	v50 =	vmul.f32 v6, v49;
	v6 =	vmul.f32 v31, v15  }
0x2b1: {  	[tilespmem:$0x1FFF0] =	vst v30;
	v30 =	vmul.f32 v29, v0;
	v47 =	vmul.f32 v40, v13;
	v29 =	vld [tilespmem:$0x1FBD0];
	v2 =	vadd.f32 v51, v2  }
0x2b2: {  	v19 =	vmul.f32 v18, v0;
	v27 =	vadd.f32 $-1.000000000e+00, v38;
	v18 =	vld [tilespmem:$0x1FC20];
	v6 =	vmul.f32 v6, v6  }
0x2b3: {  	v13 =	vld [tilespmem:$0x1FC10];
	v33 =	vadd.f32 $0.0e+00, v30;
	v49 =	vmul.f32 v28, v32;
	v2 =	vadd.f32 v50, v2  }
0x2b4: {  	v25 =	vadd.f32 $0.0e+00, v19;
	v30 =	vmul.f32 $1.000000000e+01, v27;
	v27 =	vld [tilespmem:$0x1FC60];
	v6 =	vsub.f32 $0.0e+00, v6;
	v28 =	vpop (erf)  }
0x2b5: {  	v38 =	vmul.f32 v38, v12;
	v48 =	vmul.f32 v33, v39;
	v31 =	vld [tilespmem:$0x1FBE0];
	v23 =	vpop (erf);
	v2 =	vadd.f32 v49, v2  }
0x2b6: {  	v17 =	vadd.f32 $0.0e+00, v43;
	v43 =	vmul.f32 v25, v29;
	v24 =	vld [tilespmem:$0x1FBC0];
	v6 =	vmul.f32 v6, v16;
	v26 =	vpop (erf)  }
0x2b7: {  	v33 =	vld [tilespmem:$0x1FBF0];
	v19 =	vmul.f32 v18, v0;
	v8 =	vadd.f32 $1.000000000e+00, v26;
	v2 =	vadd.f32 v48, v2  }
0x2b8: {  	v22 =	vld [tilespmem:$0x1FC40];
	v7 =	vmul.f32 $1.442695020e+00, v30;
	v6 =	vmul.f32 $1.442695020e+00, v6  }
0x2b9: {  	v20 =	vld [tilespmem:$0x1FC30];
	v29 =	vmul.f32 v27, v0;
	(erf) = vrcp.f32 v8;
	v2 =	vadd.f32 v47, v2  }
0x2ba: {  	v21 =	vsub.f32 v38, v14;
	v25 =	vld [tilespmem:$0x1FC50];
	v32 =	vmul.f32 v31, v0;
	(erf) = vpow2.f32 v6  }
0x2bb: {  	v30 =	vld [tilespmem:$0x1FC70];
	v44 =	vmul.f32 v17, v24;
	(erf) = vpow2.f32 v7;
	v2 =	vadd.f32 v45, v2  }
0x2bc: {  	v34 =	vmul.f32 v33, v0;
	v9 =	vadd.f32 $0.0e+00, v29;
	v29 =	vld [tilespmem:$0x1FCE0];
	v35 =	vadd.f32 $0.0e+00, v32  }
0x2bd: {  	v18 =	vmul.f32 v11, v12;
	v24 =	vadd.f32 $0.0e+00, v19;
	v32 =	vld [tilespmem:$0x1FC80];
	v2 =	vadd.f32 v44, v2  }
0x2be: {  	v19 =	vld [tilespmem:$0x1FCB0];
	v41 =	vmul.f32 v35, v13;
	v13 =	vmul.f32 v10, v0;
	v6 =	vadd.f32 $0.0e+00, v34  }
0x2bf: {  	v17 =	vadd.f32 $0.0e+00, v37;
	v26 =	vmul.f32 v25, v0;
	v34 =	vld [tilespmem:$0x1FC90];
	v2 =	vadd.f32 v43, v2  }
0x2c0: {  	v40 =	vmul.f32 v6, v20;
	v6 =	vmul.f32 v21, v15;
	v21 =	vadd.f32 $0.0e+00, v13;
	v13 =	vld [tilespmem:$0x1FD00]  }
0x2c1: {  	v39 =	vmul.f32 v17, v22;
	v38 =	vmul.f32 v24, v30;
	v20 =	vld [tilespmem:$0x1FCC0];
	v2 =	vadd.f32 v41, v2  }
0x2c2: {  	v30 =	vmul.f32 v29, v0;
	v31 =	vadd.f32 $0.0e+00, v26;
	v26 =	vld [tilespmem:$0x1FCD0];
	v33 =	vmul.f32 v32, v0;
	v24 =	vpop (erf)  }
0x2c3: {  	v29 =	vld [tilespmem:$0x1FD40];
	v36 =	vmul.f32 v9, v19;
	v25 =	vadd.f32 $-1.000000000e+00, v11;
	v19 =	vpop (erf);
	v2 =	vadd.f32 v40, v2  }
0x2c4: {  	v35 =	vadd.f32 $0.0e+00, v33;
	v6 =	vmul.f32 v6, v6;
	v37 =	vmul.f32 v31, v34;
	v31 =	vld [tilespmem:$0x1FCF0];
	v22 =	vpop (erf)  }
0x2c5: {  	v17 =	vmul.f32 v13, v0;
	v8 =	vadd.f32 $1.000000000e+00, v22;
	v22 =	vld [tilespmem:$0x1FD20];
	v2 =	vadd.f32 v39, v2  }
0x2c6: {  	v27 =	vmul.f32 $1.000000000e+01, v25;
	v6 =	vsub.f32 $0.0e+00, v6;
	v35 =	vmul.f32 v35, v20;
	v20 =	vld [tilespmem:$0x1FD10]  }
0x2c7: {  	v34 =	vmul.f32 v21, v26;
	v13 =	vld [tilespmem:$0x1FD50];
	v21 =	vadd.f32 $0.0e+00, v17;
	v2 =	vadd.f32 v38, v2  }
0x2c8: {  	v7 =	vmul.f32 $1.442695020e+00, v27;
	v27 =	vsub.f32 v18, v14;
	v18 =	vld [tilespmem:$0x1FD60];
	v6 =	vmul.f32 v6, v16  }
0x2c9: {  	v32 =	vmul.f32 v31, v0;
	v31 =	vmul.f32 v21, v29;
	v21 =	vld [tilespmem:$0x1FD70];
	v2 =	vadd.f32 v37, v2  }
0x2ca: {  	v5 =	vld [tilespmem:$0x1FD90];
	v33 =	vadd.f32 $0.0e+00, v30;
	v25 =	vmul.f32 v22, v0  }
0x2cb: {  	v10 =	vld [tilespmem:$0x1FDA0];
	v6 =	vmul.f32 $1.442695020e+00, v6;
	v2 =	vadd.f32 v36, v2  }
0x2cc: {  	v26 =	vld [tilespmem:$0x1FD30];
	v33 =	vmul.f32 v33, v20;
	v17 =	vmul.f32 v13, v0;
	v30 =	vadd.f32 $0.0e+00, v25  }
0x2cd: {  	v20 =	vmul.f32 v18, v0;
	(erf) = vrcp.f32 v8;
	v25 =	vld [tilespmem:$0x1FD80];
	v2 =	vadd.f32 v35, v2  }
0x2ce: {  	(erf) = vpow2.f32 v6;
	v6 =	vadd.f32 $0.0e+00, v32;
	v30 =	vmul.f32 v30, v21;
	v21 =	vld [tilespmem:$0x1FDB0]  }
0x2cf: {  	v22 =	vadd.f32 $0.0e+00, v17;
	v2 =	vadd.f32 v34, v2  }
0x2d0: {  	v11 =	vld [tilespmem:$0x3C0];
	v13 =	vmul.f32 v10, v0;
	v9 =	vadd.f32 $0.0e+00, v20;
	(erf) = vpow2.f32 v7  }
0x2d1: {  	v32 =	vmul.f32 v6, v26;
	v29 =	vmul.f32 v22, v5;
	v22 =	vld [tilespmem:$0x1FDC0];
	v2 =	vadd.f32 v33, v2  }
0x2d2: {  	v26 =	vmul.f32 v25, v0;
	v25 =	vadd.f32 $0.0e+00, v13;
	v13 =	vld [tilespmem:$0x1FDE0]  }
0x2d3: {  	v6 =	vmul.f32 v27, v15;
	v27 =	vmul.f32 v9, v21;
	v21 =	vld [tilespmem:$0x1FDD0];
	v2 =	vadd.f32 v32, v2  }
0x2d4: {  	v7 =	vadd.f32 $0.0e+00, v26  }
0x2d5: {  	v20 =	vadd.f32 $-1.000000000e+00, v11;
	v2 =	vadd.f32 v31, v2  }
0x2d6: {  	v26 =	vmul.f32 v7, v22  }
0x2d7: {  	v18 =	vpop (erf);
	v22 =	vmul.f32 $1.000000000e+01, v20;
	v20 =	vmul.f32 v13, v0;
	v13 =	vld [tilespmem:$0x1FE00];
	v2 =	vadd.f32 v30, v2  }
0x2d8: {  	v17 =	vpop (erf);
	v25 =	vmul.f32 v25, v21;
	v21 =	vmul.f32 v11, v12;
	v11 =	vld [tilespmem:$0x1FDF0]  }
0x2d9: {  	v5 =	vpop (erf);
	v2 =	vadd.f32 v29, v2  }
0x2da: {  	v6 =	vmul.f32 v6, v6;
	v8 =	vadd.f32 $1.000000000e+00, v5  }
0x2db: {  	v2 =	vadd.f32 v27, v2  }
0x2dc: {  	v6 =	vsub.f32 $0.0e+00, v6;
	(erf) = vrcp.f32 v8  }
0x2dd: {  	v8 =	vmul.f32 v11, v0;
	v11 =	vmul.f32 v13, v0;
	v2 =	vadd.f32 v26, v2  }
0x2de: {  	v6 =	vmul.f32 v6, v16;
	v7 =	vmul.f32 $1.442695020e+00, v22;
	v22 =	vadd.f32 $0.0e+00, v20;
	v20 =	vld [tilespmem:$0x1FE10]  }
0x2df: {  	v3 =	vadd.f32 v25, v2;
	v2 =	vadd.f32 $0.0e+00, v11;
	v11 =	vld [tilespmem:$0x1FE30]  }
0x2e0: {  	v6 =	vmul.f32 $1.442695020e+00, v6;
	_ =	sdelay $0x1  }
0x2e1: {  	(erf) = vpow2.f32 v6;
	v6 =	vsub.f32 v21, v14;
	v21 =	vadd.f32 $0.0e+00, v8;
	v8 =	vld [tilespmem:$0x1FE50];
	_ =	sdelay $0x1  }
0x2e2: {  	v22 =	vmul.f32 v22, v20;
	v20 =	vmul.f32 v21, v11;
	v11 =	vld [tilespmem:$0x1FE70]  }
0x2e3: {  	v10 =	vld [tilespmem:$0x1FE20]  }
0x2e4: {  	v5 =	vld [tilespmem:$0x1FE40]  }
0x2e5: {  	v6 =	vmul.f32 v6, v15;
	v21 =	vmul.f32 v2, v8;
	v2 =	vadd.f32 v22, v3  }
0x2e6: {  	v9 =	vld [tilespmem:$0x3D0];
	(erf) = vpow2.f32 v7  }
0x2e7: {  	v7 =	vld [tilespmem:$0x1FE80];
	v3 =	vmul.f32 v6, v6;
	v8 =	vadd.f32 v20, v2;
	v6 =	vmul.f32 v11, v0  }
0x2e8: {  	v13 =	vmul.f32 v10, v0;
	v10 =	vld [tilespmem:$0x1FE60]  }
0x2e9: {  	v1 =	vmul.f32 v5, v0;
	v5 =	vadd.f32 $0.0e+00, v6;
	v6 =	vadd.f32 v21, v8;
	v8 =	vld [tilespmem:$0x1FE90];
	_ =	sdelay $0x1  }
0x2ea: {  	v1 =	vadd.f32 $0.0e+00, v1;
	v13 =	vadd.f32 $0.0e+00, v13;
	_ =	sdelay $0x1  }
0x2eb: {  	v4 =	vmul.f32 v63, v0;
	v13 =	vmul.f32 v13, v10;
	v10 =	vpop (erf);
	v3 =	vsub.f32 $0.0e+00, v3  }
0x2ec: {  	v63 =	vmul.f32 v1, v7;
	v7 =	vpop (erf);
	v2 =	vadd.f32 $-1.000000000e+00, v9;
	v11 =	vmul.f32 v5, v8;
	v8 =	vld [tilespmem:$0x1FEA0]  }
0x2ed: {  	v1 =	vpop (erf);
	v3 =	vmul.f32 v3, v16  }
0x2ee: {  	v1 =	vadd.f32 $1.000000000e+00, v1;
	v5 =	vmul.f32 $1.000000000e+01, v2  }
0x2ef: {  	v4 =	vadd.f32 $0.0e+00, v4;
	v3 =	vmul.f32 $1.442695020e+00, v3  }
0x2f0: {  	(erf) = vrcp.f32 v1;
	v1 =	vmul.f32 $1.442695020e+00, v5  }
0x2f1: {  	(erf) = vpow2.f32 v3;
	v8 =	vmul.f32 v4, v8;
	v4 =	vadd.f32 v13, v6;
	v6 =	vld [tilespmem:$0x1FEB0]  }
0x2f2: {  	(erf) = vpow2.f32 v1;
	v1 =	vmul.f32 v9, v12;
	v9 =	vld [tilespmem:$0x1FEC0];
	_ =	sdelay $0x3  }
0x2f3: {  	v3 =	vadd.f32 v63, v4;
	v4 =	vmul.f32 v6, v0;
	v6 =	vld [tilespmem:$0x1FED0]  }
0x2f4: {  	v12 =	vmul.f32 v9, v0;
	v9 =	vld [tilespmem:$0x1FEE0];
	_ =	sdelay $0x1  }
0x2f5: {  	v1 =	vsub.f32 v1, v14;
	v4 =	vadd.f32 $0.0e+00, v4  }
0x2f6: {  	v3 =	vadd.f32 v11, v3  }
0x2f7: {  	v14 =	vld [tilespmem:$0x1FEF0];
	v1 =	vmul.f32 v1, v15;
	v4 =	vmul.f32 v4, v6  }
0x2f8: {  	v15 =	vld [tilespmem:$0x1FF00];
	v6 =	vadd.f32 v8, v3;
	v3 =	vadd.f32 $0.0e+00, v12;
	v12 =	vmul.f32 v9, v0;
	_ =	sdelay $0x1  }
0x2f9: {  	v5 =	vadd.f32 $0.0e+00, v12;
	v12 =	vmul.f32 v58, v0;
	v58 =	vmul.f32 v54, v0;
	v54 =	vld [tilespmem:$0x1FF10];
	_ =	sdelay $0x1  }
0x2fa: {  	v1 =	vmul.f32 v1, v1;
	v3 =	vmul.f32 v3, v14;
	v14 =	vadd.f32 $0.0e+00, v58;
	v58 =	vld [tilespmem:$0x1FF20]  }
0x2fb: {  	v9 =	vmul.f32 v15, v0;
	v6 =	vadd.f32 v4, v6  }
0x2fc: {  	v1 =	vsub.f32 $0.0e+00, v1  }
0x2fd: {  	v15 =	vpop (erf);
	v9 =	vadd.f32 $0.0e+00, v9;
	v6 =	vadd.f32 v3, v6;
	v5 =	vmul.f32 v5, v54  }
0x2fe: {  	v2 =	vpop (erf);
	v12 =	vadd.f32 $0.0e+00, v12  }
0x2ff: {  	v54 =	vmul.f32 v9, v58;
	v9 =	vmul.f32 v1, v16;
	v6 =	vadd.f32 v5, v6;
	v16 =	vpop (erf)  }
0x300: {  	v58 =	vmul.f32 v12, v60;
	v1 =	vmul.f32 v14, v59;
	v59 =	vadd.f32 $1.000000000e+00, v16  }
0x301: {  	v60 =	vmul.f32 v42, v0;
	v6 =	vadd.f32 v54, v6;
	v9 =	vmul.f32 $1.442695020e+00, v9  }
0x302: {  	v16 =	vmul.f32 v23, v0;
	(erf) = vrcp.f32 v59  }
0x303: {  	v23 =	vadd.f32 $0.0e+00, v60;
	(erf) = vpow2.f32 v9;
	v6 =	vadd.f32 v58, v6  }
0x304: {  	v42 =	vmul.f32 v19, v0  }
0x305: {  	v60 =	vld [tilespmem:$0x1FF30];
	v12 =	vadd.f32 $0.0e+00, v16;
	v23 =	vmul.f32 v23, v46;
	v6 =	vadd.f32 v1, v6  }
0x306: {  	v9 =	vadd.f32 $0.0e+00, v42  }
0x307: {  	v46 =	vmul.f32 v17, v0;
	v28 =	vmul.f32 v12, v28;
	v6 =	vadd.f32 v23, v6  }
0x308: {  	v7 =	vmul.f32 v7, v0  }
0x309: {  	v42 =	vmul.f32 v9, v24;
	v59 =	vadd.f32 $0.0e+00, v46;
	v24 =	vld [tilespmem:$0x1FF40];
	v6 =	vadd.f32 v28, v6  }
0x30a: {  	v2 =	vmul.f32 v2, v0;
	v12 =	vmul.f32 v60, v0  }
0x30b: {  	v7 =	vadd.f32 $0.0e+00, v7;
	v46 =	vmul.f32 v59, v18;
	v6 =	vadd.f32 v42, v6;
	v16 =	vpop (erf)  }
0x30c: {  	v19 =	vadd.f32 $0.0e+00, v2;
	v17 =	vadd.f32 $0.0e+00, v12;
	v18 =	vpop (erf)  }
0x30d: {  	v59 =	vmul.f32 v7, v10;
	v10 =	vmul.f32 v18, v0;
	v6 =	vadd.f32 v46, v6  }
0x30e: {  	v2 =	vmul.f32 v17, v24  }
0x30f: {  	v0 =	vmul.f32 v19, v15;
	v6 =	vadd.f32 v59, v6;
	v60 =	vadd.f32 $0.0e+00, v10  }
0x310: {  	(v2sf) =	vpush v2, $0x0  }
0x311: {  	(v2sf) =	vpush v2, $0x1;
	v60 =	vmul.f32 v60, v16;
	v10 =	vadd.f32 v0, v6;
	_ =	sdelay $0x1  }
0x312: {  	v2 =	vadd.f32 v60, v10;
	_ =	sdelay $0x1  }
0x313: {  	(v2sf) =	vpush v2, $0x0;
	_ =	sdelay $0x1  }
0x314: {  	(v2sf) =	vpush v2, $0x1;
	_ =	sdelay $0x1  }
0x315: {  	(v2sf) =	vpush v2, $0x2;
	_ =	sdelay $0x1  }
0x316: {  	(v2sf) =	vpush v2, $0x3;
	_ =	sdelay $0x1  }
0x317: {  	(v2sf) =	vpush v2, $0x4;
	_ =	sdelay $0x1  }
0x318: {  	s5 =	spop (v2sf);
	(v2sf) =	vpush v2, $0x5  }
0x319: {  	s4 =	spop (v2sf)  }
0x31a: {  	(v2sf) =	vpush v2, $0x6;
	s4 =	smul.f32 $1.280000000e+02, s4;
	_ =	sdelay $0x1  }
0x31b: {  	(v2sf) =	vpush v2, $0x7;
	s6 =	sadd.f32 s4, s5  }
0x31c: {  	s7 =	spop (v2sf)  }
0x31d: {  	(v2sf) =	vpush v2, $0x8;
	s6 =	sadd.f32 s7, s6  }
0x31e: {  	s14 =	spop (v2sf)  }
0x31f: {  	(v2sf) =	vpush v2, $0x9;
	s6 =	sadd.f32 s6, s14  }
0x320: {  	s15 =	spop (v2sf)  }
0x321: {  	(v2sf) =	vpush v2, $0xA;
	s6 =	sadd.f32 s6, s15  }
0x322: {  	s16 =	spop (v2sf)  }
0x323: {  	(v2sf) =	vpush v2, $0xB;
	s6 =	sadd.f32 s6, s16  }
0x324: {  	s17 =	spop (v2sf)  }
0x325: {  	(v2sf) =	vpush v2, $0xC;
	s6 =	sadd.f32 s6, s17  }
0x326: {  	s18 =	spop (v2sf)  }
0x327: {  	(v2sf) =	vpush v2, $0xD;
	s6 =	sadd.f32 s6, s18  }
0x328: {  	s19 =	spop (v2sf)  }
0x329: {  	(v2sf) =	vpush v2, $0xE;
	s6 =	sadd.f32 s6, s19  }
0x32a: {  	s20 =	spop (v2sf)  }
0x32b: {  	(v2sf) =	vpush v2, $0xF;
	s6 =	sadd.f32 s6, s20  }
0x32c: {  	s21 =	spop (v2sf)  }
0x32d: {  	s6 =	sadd.f32 s6, s21  }
0x32e: {  	s22 =	spop (v2sf)  }
0x32f: {  	s6 =	sadd.f32 s6, s22  }
0x330: {  	s23 =	spop (v2sf)  }
0x331: {  	s6 =	sadd.f32 s6, s23  }
0x332: {  	s24 =	spop (v2sf)  }
0x333: {  	s6 =	sadd.f32 s6, s24  }
0x334: {  	s25 =	spop (v2sf)  }
0x335: {  	s6 =	sadd.f32 s6, s25  }
0x336: {  	s26 =	spop (v2sf)  }
0x337: {  	s6 =	sadd.f32 s6, s26  }
0x338: {  	s28 =	spop (v2sf)  }
0x339: {  	s6 =	sadd.f32 s6, s28  }
0x33a: {  	s29 =	spop (v2sf)  }
0x33b: {  	s6 =	sadd.f32 s6, s29;
	_ =	sdelay $0x1  }
0x33c: {  	v12 =	vmov s6  }
0x33d: {  	v2 =	vmul.f32 $1.090000000e+03, v12;
	_ =	sdelay $0x1  }
0x33e: {  	v2 =	vbroadcast v2, $0x0;
	_ =	sdelay $0x1  }
0x33f: {  	(erf) = vrcp.f32 v2;
	_ =	sdelay $0x4  }
0x340: {  	v14 =	vld [tilespmem:$0x1FF50]  }
0x341: {  	v15 =	vld [tilespmem:$0x1FF60];
	_ =	sdelay $0x2  }
0x342: {  	v2 =	vpop (erf)  }
0x343: {  	v6 =	vmul.f32 v2, v14  }
0x344: {  	v7 =	vmul.f32 v2, v15  }
0x345: {  	v15 =	vmul.f32 v2, v62;
	[tilespmem:$0x480] =	vst v6  }
0x346: {  	v62 =	vmul.f32 v2, v47;
	[tilespmem:$0x490] =	vst v7  }
0x347: {  	v34 =	vmul.f32 v2, v34;
	[tilespmem:$0x530] =	vst v15  }
0x348: {  	v47 =	vmul.f32 v2, v21;
	[tilespmem:$0x5E0] =	vst v62  }
0x349: {  	v16 =	vld [tilespmem:$0x1FF70];
	v4 =	vmul.f32 v2, v4;
	[tilespmem:$0x690] =	vst v34  }
0x34a: {  	v17 =	vld [tilespmem:$0x1FF80];
	v3 =	vmul.f32 v2, v3;
	[tilespmem:$0x740] =	vst v47  }
0x34b: {  	v1 =	vmul.f32 v2, v1;
	[tilespmem:$0x790] =	vst v4  }
0x34c: {  	v59 =	vmul.f32 v2, v59;
	[tilespmem:$0x7A0] =	vst v3  }
0x34d: {  	v0 =	vmul.f32 v2, v0;
	[tilespmem:$0x7E0] =	vst v1  }
0x34e: {  	v6 =	vmul.f32 v2, v16;
	[tilespmem:$0x830] =	vst v59  }
0x34f: {  	v7 =	vmul.f32 v2, v17;
	[tilespmem:$0x840] =	vst v0  }
0x350: {  	v16 =	vmul.f32 v2, v61;
	[tilespmem:$0x4A0] =	vst v6  }
0x351: {  	v17 =	vmul.f32 v2, v57;
	[tilespmem:$0x4B0] =	vst v7  }
0x352: {  	v57 =	vmul.f32 v2, v49;
	[tilespmem:$0x540] =	vst v16  }
0x353: {  	v18 =	vld [tilespmem:$0x1FF90];
	v61 =	vmul.f32 v2, v48;
	[tilespmem:$0x550] =	vst v17  }
0x354: {  	v19 =	vld [tilespmem:$0x1FFA0];
	v15 =	vmul.f32 v2, v40;
	[tilespmem:$0x5C0] =	vst v57  }
0x355: {  	v40 =	vmul.f32 v2, v27;
	[tilespmem:$0x5D0] =	vst v61  }
0x356: {  	v48 =	vmul.f32 v2, v13;
	[tilespmem:$0x630] =	vst v15  }
0x357: {  	v49 =	vmul.f32 v2, v63;
	[tilespmem:$0x6F0] =	vst v40  }
0x358: {  	v6 =	vmul.f32 v2, v18;
	[tilespmem:$0x750] =	vst v48  }
0x359: {  	v7 =	vmul.f32 v2, v19;
	[tilespmem:$0x760] =	vst v49  }
0x35a: {  	v18 =	vmul.f32 v2, v56;
	[tilespmem:$0x4C0] =	vst v6  }
0x35b: {  	v19 =	vmul.f32 v2, v55;
	[tilespmem:$0x4D0] =	vst v7  }
0x35c: {  	v55 =	vmul.f32 v2, v51;
	[tilespmem:$0x560] =	vst v18  }
0x35d: {  	v56 =	vmul.f32 v2, v50;
	[tilespmem:$0x570] =	vst v19  }
0x35e: {  	v16 =	vmul.f32 v2, v39;
	[tilespmem:$0x5A0] =	vst v55  }
0x35f: {  	v17 =	vmul.f32 v2, v38;
	[tilespmem:$0x5B0] =	vst v56  }
0x360: {  	v38 =	vmul.f32 v2, v30;
	[tilespmem:$0x640] =	vst v16  }
0x361: {  	v24 =	vld [tilespmem:$0x1FFB0];
	v39 =	vmul.f32 v2, v29;
	[tilespmem:$0x650] =	vst v17  }
0x362: {  	v9 =	vld [tilespmem:$0x1FFC0];
	v50 =	vmul.f32 v2, v11;
	[tilespmem:$0x6D0] =	vst v38  }
0x363: {  	v51 =	vmul.f32 v2, v8;
	[tilespmem:$0x6E0] =	vst v39  }
0x364: {  	v57 =	vmul.f32 v2, v42;
	[tilespmem:$0x770] =	vst v50  }
0x365: {  	v61 =	vmul.f32 v2, v60;
	[tilespmem:$0x780] =	vst v51  }
0x366: {  	v6 =	vmul.f32 v2, v24;
	[tilespmem:$0x810] =	vst v57  }
0x367: {  	v7 =	vmul.f32 v2, v9;
	[tilespmem:$0x850] =	vst v61  }
0x368: {  	v24 =	vmul.f32 v2, v53;
	[tilespmem:$0x4E0] =	vst v6  }
0x369: {  	v53 =	vmul.f32 v2, v52;
	[tilespmem:$0x4F0] =	vst v7  }
0x36a: {  	v9 =	vmul.f32 v2, v45;
	[tilespmem:$0x580] =	vst v24  }
0x36b: {  	v18 =	vmul.f32 v2, v37;
	[tilespmem:$0x590] =	vst v53  }
0x36c: {  	v19 =	vmul.f32 v2, v36;
	[tilespmem:$0x5F0] =	vst v9  }
0x36d: {  	v36 =	vmul.f32 v2, v32;
	[tilespmem:$0x660] =	vst v18  }
0x36e: {  	v10 =	vld [tilespmem:$0x1FFD0];
	(v2sf) =	vpush v2, $0x0;
	v37 =	vmul.f32 v2, v31;
	[tilespmem:$0x670] =	vst v19  }
0x36f: {  	v12 =	vld [tilespmem:$0x1FFE0];
	v45 =	vmul.f32 v2, v20;
	[tilespmem:$0x6B0] =	vst v36  }
0x370: {  	v52 =	vmul.f32 v2, v5;
	[tilespmem:$0x6C0] =	vst v37  }
0x371: {  	v55 =	vmul.f32 v2, v23;
	[tilespmem:$0x730] =	vst v45  }
0x372: {  	v56 =	vmul.f32 v2, v28;
	[tilespmem:$0x7B0] =	vst v52  }
0x373: {  	v6 =	vmul.f32 v2, v10;
	[tilespmem:$0x7F0] =	vst v55  }
0x374: {  	v7 =	vmul.f32 v2, v12;
	[tilespmem:$0x800] =	vst v56  }
0x375: {  	v10 =	vmul.f32 v2, v44;
	[tilespmem:$0x500] =	vst v6  }
0x376: {  	v12 =	vmul.f32 v2, v43;
	[tilespmem:$0x510] =	vst v7  }
0x377: {  	v24 =	vmul.f32 v2, v35;
	[tilespmem:$0x600] =	vst v10  }
0x378: {  	v35 =	vmul.f32 v2, v33;
	[tilespmem:$0x610] =	vst v12  }
0x379: {  	v14 =	vld [tilespmem:$0x1FFF0];
	v43 =	vmul.f32 v2, v25;
	[tilespmem:$0x680] =	vst v24  }
0x37a: {  	v44 =	vmul.f32 v2, v22;
	[tilespmem:$0x6A0] =	vst v35  }
0x37b: {  	v53 =	vmul.f32 v2, v54;
	[tilespmem:$0x710] =	vst v43  }
0x37c: {  	v54 =	vmul.f32 v2, v58;
	[tilespmem:$0x720] =	vst v44  }
0x37d: {  	v58 =	vmul.f32 v2, v46;
	[tilespmem:$0x7C0] =	vst v53;
	s30 =	spop (v2sf)  }
0x37e: {  	v6 =	vmul.f32 v2, v14;
	[tilespmem:$0x7D0] =	vst v54;
	s5 =	smul.f32 s30, s5  }
0x37f: {  	v14 =	vmul.f32 v2, v41;
	[tilespmem:$0x820] =	vst v58  }
0x380: {  	vm0 =	vcmask $0x300;
	v41 =	vmul.f32 v2, v26;
	[tilespmem:$0x520] =	vst v6;
	s4 =	smul.f32 s30, s4;
	v62 =	vmov s5  }
0x381: {  	vm15 =	vcmask $0x704;
	[tilespmem:$0x620] =	vst v14;
	v63 =	vnsel vm0, $0x0, v62  }
0x382: {  	[tilespmem:$0x700] =	vst v41;
	v0 =	vsel vm15, s4, v63  }
0x383: {  	s31 =	simm.s32 $0x480;
	[tilespmem:$0x860] =	vst v0  }
0x384: {  	[hbm4b:s1+s2] =	stream.linear.scatter [tilespmem:s31], [sflag:$0x1], $0x400, $0x38;
	[tilespmem:$0x880] =	vst v63  }
0x385: {  	_ =	swait.ge [sflag:s13], $0x400  }
0x386: {  	[sflag:s13] =	ssyncset.done $0x0  }
0x387: {  	[sflag:s13] =	ssyncadd.s32 $0xFFFFFC00  }
.LBB2_2:
0x388: {  	_ =	sfence.sel $0x180000  }
0x389: {  	[bflag:$0x0] =	sbarrier.arrive $0xFFFF  }
0x38a: {  	_ =	strace $0x90000047  }
0x38b: {  	s0 =	sadd.s32 @!p0 $0x100000, s0;
	[bflag:$0x2] =	sbarrier.arrive $0xFFFF  }
0x38c: {  	[sflag:s0] =	ssyncadd.tile.s32 @!p0 $0x1;
	_ =	shalt  }
.Lfunc_end2:
_tile_overlayer_lowered:
.L_overlay_start_2:
0x38d: {  	(tag) =	ssettag $0x2  }
0x38e: {  	s0 =	rddreg [dreg:$0x0];
	s2 =	stileid.u32  }
0x38f: {  	s1 =	rddreg [dreg:$0x1];
	p0 =	sne.s32 s2, $0x0  }
0x390: {  	s3 =	rddreg [dreg:$0x2];
	[bflag:$0x3] =	sbarrier.arrive $0xFFFF;
	s2 =	simm.s32 @!p0 $0x1C01  }
0x391: {  	[timem:s3], [sflag:s2] =	dma.local @!p0 [hbm:s0], s1  }
0x392: {  	s0 =	simm.s32 @!p0 $0x1  }
0x393: {  	_ =	swait.ge @!p0 [sflag:s0], s1  }
0x394: {  	s1 =	ssub.s32 @!p0 $0x0, s1;
	[sflag:s0] =	ssyncset.done @!p0 $0x0  }
0x395: {  	[sflag:s0] =	ssyncadd.s32 @!p0 s1  }
0x396: {  	[bflag:$0x3] =	sbarrier.arrive $0xFFFF  }
0x397: {  	_ =	shalt  }

</sc_bundles>
